<compile_context>
chip_gen: v7x
topology: tpu7x:2x2x1
jax: 0.10.2.dev20260603
libtpu: 0.0.44.dev20260713+nightly
codegen_flags: <defaults>
</compile_context>

<pallas_src>
import functools

import jax
import jax.numpy as jnp
from jax import lax
from jax.experimental import pallas as pl
from jax.experimental.pallas import tpu as pltpu
from jax.experimental.pallas import tpu_sc as plsc

N = 10000
E = 160000
B = 64

NC = 2
NS = 16
K = 128
EP = 163840
G = EP // K
GPT = G // NS
NPT = 624
NA = N + 8
RS = 40

_MESH = dict(core_axis_name="c", subcore_axis_name="s", num_cores=NC,
             num_subcores=NS)


def _agg_body(C, with_deg, *refs):
    if with_deg:
        (h_hbm, src_hbm, dst_hbm, z128_hbm, zn_hbm,
         out_hbm, deg_hbm, src_st, dst_st, rows, ones_v, deg_tmp, acc,
         deg_acc, gs0, gs1, ss0, ss1) = refs
    else:
        (h_hbm, src_hbm, dst_hbm, z128_hbm,
         out_hbm, src_st, dst_st, rows, acc, gs0, gs1, ss0, ss1) = refs
    gsem = (gs0, gs1)
    ssem = (ss0, ss1)
    ci = lax.axis_index("c")
    si = lax.axis_index("s")
    CL = C // NC
    row0 = si * GPT

    if with_deg:
        for k in range(K // 16):
            ones_v[pl.ds(16 * k, 16)] = jnp.ones((16,), jnp.float32)

    for cl in range(CL):
        c = ci * CL + cl
        pltpu.sync_copy(z128_hbm.at[pl.ds(si * NPT, NPT)],
                        acc.at[pl.ds(si * NPT, NPT)])

        @pl.when(si == NS - 1)
        def _():
            pltpu.sync_copy(z128_hbm.at[pl.ds(NS * NPT, N - NS * NPT)],
                            acc.at[pl.ds(NS * NPT, N - NS * NPT)])
        if with_deg and cl == 0:
            @pl.when(jnp.logical_and(ci == 0, si < 5))
            def _():
                pltpu.sync_copy(zn_hbm.at[pl.ds(si * 2000, 2000)], deg_tmp)
                pltpu.sync_copy(deg_tmp, deg_acc.at[pl.ds(si * 2000, 2000)])
        plsc.subcore_barrier()

        do_deg = with_deg and cl == 0

        def _gather(r, b):
            pltpu.async_copy(h_hbm.at[c].at[src_st.at[r]], rows.at[b],
                             gsem[b])

        def _wait_gather(b):
            pltpu.make_async_copy(h_hbm.at[c].at[src_st.at[0]], rows.at[b],
                                  gsem[b]).wait()

        def _scatter(r, b):
            pltpu.async_copy(rows.at[b], acc.at[dst_st.at[r]], ssem[b],
                             add=True)

        def _wait_scatter(b):
            pltpu.make_async_copy(rows.at[b], acc.at[dst_st.at[0]],
                                  ssem[b]).wait()

        def _do_deg(r):
            if do_deg:
                @pl.when(ci == 0)
                def _():
                    pltpu.sync_copy(ones_v, deg_acc.at[dst_st.at[r]],
                                    add=True)

        @pl.loop(0, GPT, step=2)
        def _(g0):
            r0 = lax.rem(g0, RS)

            @pl.when(r0 == 0)
            def _():
                @pl.when(g0 > 0)
                def _():
                    _wait_scatter(0)
                    _wait_scatter(1)
                base = pl.multiple_of(row0 + g0, 8)
                pltpu.sync_copy(src_hbm.at[pl.ds(base, RS)], src_st)
                pltpu.sync_copy(dst_hbm.at[pl.ds(base, RS)], dst_st)
                _gather(0, 0)
                _gather(1, 1)

            _wait_gather(0)
            _scatter(r0, 0)
            _do_deg(r0)
            _wait_gather(1)
            _scatter(r0 + 1, 1)
            _do_deg(r0 + 1)

            @pl.when(r0 + 2 < RS)
            def _():
                _wait_scatter(0)
                _gather(r0 + 2, 0)

            @pl.when(r0 + 3 < RS)
            def _():
                _wait_scatter(1)
                _gather(r0 + 3, 1)

        _wait_scatter(0)
        _wait_scatter(1)

        plsc.subcore_barrier()
        pltpu.sync_copy(acc.at[pl.ds(si * NPT, NPT)],
                        out_hbm.at[c].at[pl.ds(si * NPT, NPT)])

        @pl.when(si == NS - 1)
        def _():
            pltpu.sync_copy(acc.at[pl.ds(NS * NPT, N - NS * NPT)],
                            out_hbm.at[c].at[pl.ds(NS * NPT, N - NS * NPT)])
        if do_deg:
            @pl.when(jnp.logical_and(ci == 0, si < 5))
            def _():
                pltpu.sync_copy(deg_acc.at[pl.ds(si * 2000, 2000)], deg_tmp)
                pltpu.sync_copy(deg_tmp, deg_hbm.at[pl.ds(si * 2000, 2000)])
        if cl + 1 < CL:
            plsc.subcore_barrier()


def _make_agg(C, with_deg):
    out_type = [jax.ShapeDtypeStruct((C, N, 128), jnp.float32)]
    scratch = [
        pltpu.VMEM((RS, K), jnp.int32),
        pltpu.VMEM((RS, K), jnp.int32),
        pltpu.VMEM((2, K, 128), jnp.float32),
    ]
    if with_deg:
        out_type.append(jax.ShapeDtypeStruct((N,), jnp.float32))
        scratch.append(pltpu.VMEM((K,), jnp.float32))
        scratch.append(pltpu.VMEM((2000,), jnp.float32))
    scratch.append(pltpu.VMEM_SHARED((NA, 128), jnp.float32))
    if with_deg:
        scratch.append(pltpu.VMEM_SHARED((NA,), jnp.float32))
    scratch.extend([pltpu.SemaphoreType.DMA] * 4)
    return pl.kernel(
        functools.partial(_agg_body, C, with_deg),
        out_type=out_type,
        mesh=plsc.VectorSubcoreMesh(**_MESH),
        scratch_types=scratch,
    )


def _mm_body(h_ref, w_ref, o_ref):
    if h_ref.ndim == 3:
        h = jnp.concatenate([h_ref[i] for i in range(h_ref.shape[0])],
                            axis=1)
    else:
        h = h_ref[...]
    o_ref[...] = jnp.dot(h, w_ref[...], preferred_element_type=jnp.float32)


def _mm(h, Wm):
    if h.ndim == 3:
        hspec = pl.BlockSpec((h.shape[0], _MB, 128), lambda i: (0, i, 0))
        din = h.shape[0] * 128
    else:
        hspec = pl.BlockSpec((_MB, h.shape[1]), lambda i: (i, 0))
        din = h.shape[1]
    return pl.pallas_call(
        _mm_body,
        grid=(_GN,),
        in_specs=[hspec, pl.BlockSpec((din, Wm.shape[1]), lambda i: (0, 0))],
        out_specs=pl.BlockSpec((_MB, Wm.shape[1]), lambda i: (i, 0)),
        out_shape=jax.ShapeDtypeStruct((N, Wm.shape[1]), jnp.float32),
    )(h, Wm)


def _tc1_body(a_ref, d_ref, r_ref, wl_ref, b_ref, o_ref):
    a = jnp.concatenate([a_ref[0], a_ref[1]], axis=1)
    rdeg = (1.0 / jnp.maximum(d_ref[0, 0, :], 1.0))[:, None]
    z = jnp.dot(a * rdeg, wl_ref[...], preferred_element_type=jnp.float32)
    z = z + b_ref[...] + r_ref[...]
    z = jnp.maximum(z, 0.0)
    for cc in range(4):
        o_ref[cc] = z[:, 128 * cc:128 * (cc + 1)]


def _tc2_body(a_ref, d_ref, r_ref, wl_ref, b_ref, wl2_ref,
              h2_ref, p2_ref):
    a = jnp.concatenate([a_ref[i] for i in range(4)], axis=1)
    rdeg = (1.0 / jnp.maximum(d_ref[0, 0, :], 1.0))[:, None]
    z = jnp.dot(a * rdeg, wl_ref[...], preferred_element_type=jnp.float32)
    z = z + b_ref[...] + r_ref[...]
    z = jnp.maximum(z, 0.0)
    h2_ref[...] = z
    p2 = jnp.dot(z, wl2_ref[...], preferred_element_type=jnp.float32)
    for cc in range(2):
        p2_ref[cc] = p2[:, 128 * cc:128 * (cc + 1)]


def _tc3_body(a_ref, d_ref, r_ref, b_ref, bi_ref, o_ref,
              pool_acc, cnt_acc):
    i = pl.program_id(0)
    ni = pl.num_programs(0)

    @pl.when(i == 0)
    def _():
        pool_acc[...] = jnp.zeros_like(pool_acc)
        cnt_acc[...] = jnp.zeros_like(cnt_acc)

    a = jnp.concatenate([a_ref[0], a_ref[1]], axis=1)
    rdeg = (1.0 / jnp.maximum(d_ref[0, 0, :], 1.0))[:, None]
    h3 = a * rdeg + b_ref[...] + r_ref[...]
    bi = bi_ref[0, 0, :]
    mb = h3.shape[0]
    onehot = (bi[None, :] == lax.broadcasted_iota(jnp.int32, (B, mb), 0)
              ).astype(jnp.float32)
    pool_acc[...] += jnp.dot(onehot, h3, preferred_element_type=jnp.float32)
    cnt_acc[...] += jnp.dot(onehot, jnp.ones((mb, 128), jnp.float32),
                            preferred_element_type=jnp.float32)

    @pl.when(i == ni - 1)
    def _():
        o_ref[...] = pool_acc[...] / jnp.maximum(cnt_acc[:, :1], 1.0)


_MB = 1000
_GN = N // _MB


def _tc1(agg0, deg3, r0, Wl, b):
    return pl.pallas_call(
        _tc1_body,
        grid=(_GN,),
        in_specs=[
            pl.BlockSpec((2, _MB, 128), lambda i: (0, i, 0)),
            pl.BlockSpec((1, 1, _MB), lambda i: (i, 0, 0)),
            pl.BlockSpec((_MB, 512), lambda i: (i, 0)),
            pl.BlockSpec((256, 512), lambda i: (0, 0)),
            pl.BlockSpec((1, 512), lambda i: (0, 0)),
        ],
        out_specs=pl.BlockSpec((4, _MB, 128), lambda i: (0, i, 0)),
        out_shape=jax.ShapeDtypeStruct((4, N, 128), jnp.float32),
    )(agg0, deg3, r0, Wl, b)


def _tc2(agg1, deg3, r1, Wl, b, Wl2):
    return pl.pallas_call(
        _tc2_body,
        grid=(_GN,),
        in_specs=[
            pl.BlockSpec((4, _MB, 128), lambda i: (0, i, 0)),
            pl.BlockSpec((1, 1, _MB), lambda i: (i, 0, 0)),
            pl.BlockSpec((_MB, 512), lambda i: (i, 0)),
            pl.BlockSpec((512, 512), lambda i: (0, 0)),
            pl.BlockSpec((1, 512), lambda i: (0, 0)),
            pl.BlockSpec((512, 256), lambda i: (0, 0)),
        ],
        out_specs=(
            pl.BlockSpec((_MB, 512), lambda i: (i, 0)),
            pl.BlockSpec((2, _MB, 128), lambda i: (0, i, 0)),
        ),
        out_shape=(
            jax.ShapeDtypeStruct((N, 512), jnp.float32),
            jax.ShapeDtypeStruct((2, N, 128), jnp.float32),
        ),
    )(agg1, deg3, r1, Wl, b, Wl2)


def _tc3(agg2, deg3, r2, b, bi3):
    return pl.pallas_call(
        _tc3_body,
        grid=(_GN,),
        in_specs=[
            pl.BlockSpec((2, _MB, 128), lambda i: (0, i, 0)),
            pl.BlockSpec((1, 1, _MB), lambda i: (i, 0, 0)),
            pl.BlockSpec((_MB, 256), lambda i: (i, 0)),
            pl.BlockSpec((1, 256), lambda i: (0, 0)),
            pl.BlockSpec((1, 1, _MB), lambda i: (i, 0, 0)),
        ],
        out_specs=pl.BlockSpec((B, 256), lambda i: (0, 0)),
        out_shape=jax.ShapeDtypeStruct((B, 256), jnp.float32),
        scratch_shapes=[
            pltpu.VMEM((B, 256), jnp.float32),
            pltpu.VMEM((B, 128), jnp.float32),
        ],
    )(agg2, deg3, r2, b, bi3)


def kernel(x, edge_index, batch_index, W_l0, b_l0, W_r0, W_l1, b_l1, W_r1,
           W_l2, b_l2, W_r2):
    pad = EP - E
    src2d = jnp.concatenate(
        [edge_index[0], jnp.zeros((pad,), jnp.int32)]).reshape(G, K)
    dst2d = jnp.concatenate(
        [edge_index[1], jnp.full((pad,), N, jnp.int32)]).reshape(G, K)
    x_ch = x.reshape(N, 2, 128).transpose(1, 0, 2)
    z128 = jnp.zeros((N, 128), jnp.float32)
    zn = jnp.zeros((N,), jnp.float32)

    r0 = _mm(x, W_r0)
    agg0, deg = _make_agg(2, True)(x_ch, src2d, dst2d, z128, zn)
    deg3 = deg.reshape(_GN, 1, _MB)
    h1c = _tc1(agg0, deg3, r0, W_l0, b_l0.reshape(1, -1))
    r1 = _mm(h1c, W_r1)
    agg1, = _make_agg(4, False)(h1c, src2d, dst2d, z128)
    h2, p2c = _tc2(agg1, deg3, r1, W_l1, b_l1.reshape(1, -1), W_l2)
    r2 = _mm(h2, W_r2)
    agg2, = _make_agg(2, False)(p2c, src2d, dst2d, z128)
    return _tc3(agg2, deg3, r2, b_l2.reshape(1, -1),
                batch_index.reshape(_GN, 1, _MB))

# --- scband reference (transcript-rebuilt; emitter-appended) ---
"""Pipeline reference for scband-geometric-13151189860383 (READ-ONLY COPY).

The authoritative reference and input builder live on the scoring server;
editing this copy changes nothing except your own understanding.
"""

import jax, jax.numpy as jnp
import numpy as np

N = 10000
E = 160000
B = 64
DIMS = [256, 512, 512, 256]


def setup_inputs(seed: int = 0):
    key = jax.random.key(seed)
    ks = jax.random.split(key, 16)
    x = jax.random.normal(ks[0], (N, DIMS[0]), dtype=jnp.float32)
    edge_index = jax.random.randint(ks[1], (2, E), 0, N, dtype=jnp.int32)
    batch_index = jnp.sort(jax.random.randint(ks[2], (N,), 0, B, dtype=jnp.int32))
    params = {}
    for i in range(3):
        fan_in = DIMS[i]
        params[f"W_l{i}"] = jax.random.normal(ks[3 + 3 * i], (DIMS[i], DIMS[i + 1]), dtype=jnp.float32) / np.sqrt(fan_in)
        params[f"b_l{i}"] = jnp.zeros((DIMS[i + 1],), dtype=jnp.float32)
        params[f"W_r{i}"] = jax.random.normal(ks[4 + 3 * i], (DIMS[i], DIMS[i + 1]), dtype=jnp.float32) / np.sqrt(fan_in)
    return {"x": x, "edge_index": edge_index, "batch_index": batch_index, **params}


def _sage_conv(h, edge_index, W_l, b_l, W_r):
    # PyG SAGEConv (mean aggregation): out = lin_l(mean_{j in N(i)} x_j) + lin_r(x_i)
    src = edge_index[0]
    dst = edge_index[1]
    msgs = jnp.take(h, src, axis=0)
    agg = jax.ops.segment_sum(msgs, dst, num_segments=N)
    deg = jax.ops.segment_sum(jnp.ones((E,), dtype=h.dtype), dst, num_segments=N)
    agg = agg / jnp.clip(deg, 1.0, None)[:, None]
    return agg @ W_l + b_l + h @ W_r


def reference(x, edge_index, batch_index, W_l0, b_l0, W_r0, W_l1, b_l1, W_r1, W_l2, b_l2, W_r2):
    # GraphSAGE: ReLU between layers, none after the last (dropout off in eval)
    h = jax.nn.relu(_sage_conv(x, edge_index, W_l0, b_l0, W_r0))
    h = jax.nn.relu(_sage_conv(h, edge_index, W_l1, b_l1, W_r1))
    h = _sage_conv(h, edge_index, W_l2, b_l2, W_r2)
    # global_mean_pool over batch_index
    sums = jax.ops.segment_sum(h, batch_index, num_segments=B)
    counts = jax.ops.segment_sum(jnp.ones((N,), dtype=h.dtype), batch_index, num_segments=B)
    return sums / jnp.clip(counts, 1.0, None)[:, None]

if __name__ == "__main__":
    import jax
    _d = setup_inputs()
    print(jax.jit(kernel)(*tuple(_d.values())))

</pallas_src>

<mosaic_0001>
#map = affine_map<(d0, d1) -> (0, 0, 0)>
#map1 = affine_map<(d0, d1) -> (0, 0)>
#map2 = affine_map<(d0, d1) -> (0)>
module attributes {stable_mosaic.version = 14 : i64} {
  func.func @_agg_body(%arg0: i32, %arg1: i32, %arg2: memref<2x10000x128xf32, #tpu.memory_space<hbm>>, %arg3: memref<1280x128xi32, #tpu.memory_space<hbm>>, %arg4: memref<1280x128xi32, #tpu.memory_space<hbm>>, %arg5: memref<10000x128xf32, #tpu.memory_space<hbm>>, %arg6: memref<10000xf32, #tpu.memory_space<hbm>>, %arg7: memref<2x10000x128xf32, #tpu.memory_space<hbm>>, %arg8: memref<10000xf32, #tpu.memory_space<hbm>>, %arg9: memref<40x128xi32, #tpu.memory_space<vmem>>, %arg10: memref<40x128xi32, #tpu.memory_space<vmem>>, %arg11: memref<2x128x128xf32, #tpu.memory_space<vmem>>, %arg12: memref<128xf32, #tpu.memory_space<vmem>>, %arg13: memref<2000xf32, #tpu.memory_space<vmem>>, %arg14: memref<10008x128xf32, #tpu.memory_space<vmem_shared>>, %arg15: memref<10008xf32, #tpu.memory_space<vmem_shared>>, %arg16: memref<!tpu.dma_semaphore, #tpu.memory_space<semaphore_mem>>, %arg17: memref<!tpu.dma_semaphore, #tpu.memory_space<semaphore_mem>>, %arg18: memref<!tpu.dma_semaphore, #tpu.memory_space<semaphore_mem>>, %arg19: memref<!tpu.dma_semaphore, #tpu.memory_space<semaphore_mem>>) attributes {dimension_semantics = [#tpu.dimension_semantics<core_parallel>, #tpu.dimension_semantics<subcore_parallel>], iteration_bounds = array<i64: 2, 16>, scalar_prefetch = 0 : i64, scratch_operands = 11 : i64, tpu.core_type = #tpu.core_type<sc_vector_subcore>, window_params = [{transform_indices = #map}, {transform_indices = #map1}, {transform_indices = #map1}, {transform_indices = #map1}, {transform_indices = #map2}, {transform_indices = #map}, {transform_indices = #map2}]} {
    %mul3A = arith.constant 80 : i32
    %mul3A_0 = arith.muli %arg1, %mul3A : i32
    %broadcast_in_dim3A = arith.constant 1.000000e+00 : f32
    %broadcast_in_dim3A_1 = vector.broadcast %broadcast_in_dim3A : f32 to vector<16xf32>
    %swap3A = arith.constant 0 : index
    %swap3A_2 = tpu.vector_load %arg12[%swap3A] {strides = array<i32>} : memref<128xf32, #tpu.memory_space<vmem>>, vector<16xf32>,
    %swap3A_3 = vector.shape_cast %swap3A_2 : vector<16xf32> to vector<16xf32>
    %swap3A_4 = vector.shape_cast %broadcast_in_dim3A_1 : vector<16xf32> to vector<16xf32>
    tpu.vector_store %arg12[%swap3A], %swap3A_4 {strides = array<i32>} : memref<128xf32, #tpu.memory_space<vmem>>, vector<16xf32>,
    %broadcast_in_dim3A_5 = arith.constant 1.000000e+00 : f32
    %broadcast_in_dim3A_6 = vector.broadcast %broadcast_in_dim3A_5 : f32 to vector<16xf32>
    %swap3A_7 = arith.constant 16 : index
    %swap3A_8 = tpu.vector_load %arg12[%swap3A_7] {strides = array<i32>} : memref<128xf32, #tpu.memory_space<vmem>>, vector<16xf32>,
    %swap3A_9 = vector.shape_cast %swap3A_8 : vector<16xf32> to vector<16xf32>
    %swap3A_10 = vector.shape_cast %broadcast_in_dim3A_6 : vector<16xf32> to vector<16xf32>
    tpu.vector_store %arg12[%swap3A_7], %swap3A_10 {strides = array<i32>} : memref<128xf32, #tpu.memory_space<vmem>>, vector<16xf32>,
    %broadcast_in_dim3A_11 = arith.constant 1.000000e+00 : f32
    %broadcast_in_dim3A_12 = vector.broadcast %broadcast_in_dim3A_11 : f32 to vector<16xf32>
    %swap3A_13 = arith.constant 32 : index
    %swap3A_14 = tpu.vector_load %arg12[%swap3A_13] {strides = array<i32>} : memref<128xf32, #tpu.memory_space<vmem>>, vector<16xf32>,
    %swap3A_15 = vector.shape_cast %swap3A_14 : vector<16xf32> to vector<16xf32>
    %swap3A_16 = vector.shape_cast %broadcast_in_dim3A_12 : vector<16xf32> to vector<16xf32>
    tpu.vector_store %arg12[%swap3A_13], %swap3A_16 {strides = array<i32>} : memref<128xf32, #tpu.memory_space<vmem>>, vector<16xf32>,
    %broadcast_in_dim3A_17 = arith.constant 1.000000e+00 : f32
    %broadcast_in_dim3A_18 = vector.broadcast %broadcast_in_dim3A_17 : f32 to vector<16xf32>
    %swap3A_19 = arith.constant 48 : index
    %swap3A_20 = tpu.vector_load %arg12[%swap3A_19] {strides = array<i32>} : memref<128xf32, #tpu.memory_space<vmem>>, vector<16xf32>,
    %swap3A_21 = vector.shape_cast %swap3A_20 : vector<16xf32> to vector<16xf32>
    %swap3A_22 = vector.shape_cast %broadcast_in_dim3A_18 : vector<16xf32> to vector<16xf32>
    tpu.vector_store %arg12[%swap3A_19], %swap3A_22 {strides = array<i32>} : memref<128xf32, #tpu.memory_space<vmem>>, vector<16xf32>,
    %broadcast_in_dim3A_23 = arith.constant 1.000000e+00 : f32
    %broadcast_in_dim3A_24 = vector.broadcast %broadcast_in_dim3A_23 : f32 to vector<16xf32>
    %swap3A_25 = arith.constant 64 : index
    %swap3A_26 = tpu.vector_load %arg12[%swap3A_25] {strides = array<i32>} : memref<128xf32, #tpu.memory_space<vmem>>, vector<16xf32>,
    %swap3A_27 = vector.shape_cast %swap3A_26 : vector<16xf32> to vector<16xf32>
    %swap3A_28 = vector.shape_cast %broadcast_in_dim3A_24 : vector<16xf32> to vector<16xf32>
    tpu.vector_store %arg12[%swap3A_25], %swap3A_28 {strides = array<i32>} : memref<128xf32, #tpu.memory_space<vmem>>, vector<16xf32>,
    %broadcast_in_dim3A_29 = arith.constant 1.000000e+00 : f32
    %broadcast_in_dim3A_30 = vector.broadcast %broadcast_in_dim3A_29 : f32 to vector<16xf32>
    %swap3A_31 = arith.constant 80 : index
    %swap3A_32 = tpu.vector_load %arg12[%swap3A_31] {strides = array<i32>} : memref<128xf32, #tpu.memory_space<vmem>>, vector<16xf32>,
    %swap3A_33 = vector.shape_cast %swap3A_32 : vector<16xf32> to vector<16xf32>
    %swap3A_34 = vector.shape_cast %broadcast_in_dim3A_30 : vector<16xf32> to vector<16xf32>
    tpu.vector_store %arg12[%swap3A_31], %swap3A_34 {strides = array<i32>} : memref<128xf32, #tpu.memory_space<vmem>>, vector<16xf32>,
    %broadcast_in_dim3A_35 = arith.constant 1.000000e+00 : f32
    %broadcast_in_dim3A_36 = vector.broadcast %broadcast_in_dim3A_35 : f32 to vector<16xf32>
    %swap3A_37 = arith.constant 96 : index
    %swap3A_38 = tpu.vector_load %arg12[%swap3A_37] {strides = array<i32>} : memref<128xf32, #tpu.memory_space<vmem>>, vector<16xf32>,
    %swap3A_39 = vector.shape_cast %swap3A_38 : vector<16xf32> to vector<16xf32>
    %swap3A_40 = vector.shape_cast %broadcast_in_dim3A_36 : vector<16xf32> to vector<16xf32>
    tpu.vector_store %arg12[%swap3A_37], %swap3A_40 {strides = array<i32>} : memref<128xf32, #tpu.memory_space<vmem>>, vector<16xf32>,
    %broadcast_in_dim3A_41 = arith.constant 1.000000e+00 : f32
    %broadcast_in_dim3A_42 = vector.broadcast %broadcast_in_dim3A_41 : f32 to vector<16xf32>
    %swap3A_43 = arith.constant 112 : index
    %swap3A_44 = tpu.vector_load %arg12[%swap3A_43] {strides = array<i32>} : memref<128xf32, #tpu.memory_space<vmem>>, vector<16xf32>,
    %swap3A_45 = vector.shape_cast %swap3A_44 : vector<16xf32> to vector<16xf32>
    %swap3A_46 = vector.shape_cast %broadcast_in_dim3A_42 : vector<16xf32> to vector<16xf32>
    tpu.vector_store %arg12[%swap3A_43], %swap3A_46 {strides = array<i32>} : memref<128xf32, #tpu.memory_space<vmem>>, vector<16xf32>,
    %mul3A_47 = arith.constant 1 : i32
    %mul3A_48 = arith.muli %arg0, %mul3A_47 : i32
    %add3A = arith.constant 0 : i32
    %add3A_49 = arith.addi %mul3A_48, %add3A : i32
    %mul3A_50 = arith.constant 624 : i32
    %mul3A_51 = arith.muli %arg1, %mul3A_50 : i32
    %mul3A_52 = arith.constant 624 : i32
    %mul3A_53 = arith.muli %arg1, %mul3A_52 : i32
    "tpu.region"() ({
      %run_scoped3A = tpu.sem_alloc : memref<!tpu.dma_semaphore, #tpu.memory_space<semaphore_mem>>
      %dma_start3A = arith.constant 0 : i32
      %dma_start3A_107 = tpu.memref_slice %arg14[%mul3A_53, %dma_start3A] : memref<10008x128xf32, #tpu.memory_space<vmem_shared>> -> memref<624x128xf32, #tpu.memory_space<vmem_shared>>
      %dma_start3A_108 = arith.constant 0 : i32
      %dma_start3A_109 = tpu.memref_slice %arg5[%mul3A_51, %dma_start3A_108] : memref<10000x128xf32, #tpu.memory_space<hbm>> -> memref<624x128xf32, #tpu.memory_space<hbm>>
      tpu.enqueue_dma source(%dma_start3A_109 : memref<624x128xf32, #tpu.memory_space<hbm>>) target(%dma_start3A_107 : memref<624x128xf32, #tpu.memory_space<vmem_shared>>) target_semaphore(%run_scoped3A : memref<!tpu.dma_semaphore, #tpu.memory_space<semaphore_mem>>)
      %dma_wait3A_110 = arith.constant 0 : i32
      %dma_wait3A_111 = tpu.memref_slice %arg14[%mul3A_53, %dma_wait3A_110] : memref<10008x128xf32, #tpu.memory_space<vmem_shared>> -> memref<624x128xf32, #tpu.memory_space<vmem_shared>>
      %dma_wait3A_112 = arith.constant 0 : i32
      %dma_wait3A_113 = tpu.memref_slice %arg5[%mul3A_51, %dma_wait3A_112] : memref<10000x128xf32, #tpu.memory_space<hbm>> -> memref<624x128xf32, #tpu.memory_space<hbm>>
      tpu.wait_dma2 semaphore(%run_scoped3A : memref<!tpu.dma_semaphore, #tpu.memory_space<semaphore_mem>>) src(%dma_wait3A_113 : memref<624x128xf32, #tpu.memory_space<hbm>>) dst(%dma_wait3A_111 : memref<624x128xf32, #tpu.memory_space<vmem_shared>>)
      tpu.yield
    }) : () -> ()
    %eq3A = arith.constant 15 : i32
    %eq3A_54 = arith.cmpi eq, %arg1, %eq3A : i32
    %convert_element_type3A = arith.extui %eq3A_54 : i1 to i32
    %cond3A = arith.constant 0 : i32
    %cond3A_55 = arith.cmpi ne, %convert_element_type3A, %cond3A : i32
    scf.if %cond3A_55 {
      "tpu.region"() ({
        %run_scoped3A = tpu.sem_alloc : memref<!tpu.dma_semaphore, #tpu.memory_space<semaphore_mem>>
        %dma_start3A = arith.constant 9984 : i32
        %dma_start3A_107 = arith.constant 0 : i32
        %dma_start3A_108 = tpu.memref_slice %arg14[%dma_start3A, %dma_start3A_107] : memref<10008x128xf32, #tpu.memory_space<vmem_shared>> -> memref<16x128xf32, #tpu.memory_space<vmem_shared>>
        %dma_start3A_109 = arith.constant 9984 : i32
        %dma_start3A_110 = arith.constant 0 : i32
        %dma_start3A_111 = tpu.memref_slice %arg5[%dma_start3A_109, %dma_start3A_110] : memref<10000x128xf32, #tpu.memory_space<hbm>> -> memref<16x128xf32, #tpu.memory_space<hbm>>
        tpu.enqueue_dma source(%dma_start3A_111 : memref<16x128xf32, #tpu.memory_space<hbm>>) target(%dma_start3A_108 : memref<16x128xf32, #tpu.memory_space<vmem_shared>>) target_semaphore(%run_scoped3A : memref<!tpu.dma_semaphore, #tpu.memory_space<semaphore_mem>>)
        %dma_wait3A_112 = arith.constant 9984 : i32
        %dma_wait3A_113 = arith.constant 0 : i32
        %dma_wait3A_114 = tpu.memref_slice %arg14[%dma_wait3A_112, %dma_wait3A_113] : memref<10008x128xf32, #tpu.memory_space<vmem_shared>> -> memref<16x128xf32, #tpu.memory_space<vmem_shared>>
        %dma_wait3A_115 = arith.constant 9984 : i32
        %dma_wait3A_116 = arith.constant 0 : i32
        %dma_wait3A_117 = tpu.memref_slice %arg5[%dma_wait3A_115, %dma_wait3A_116] : memref<10000x128xf32, #tpu.memory_space<hbm>> -> memref<16x128xf32, #tpu.memory_space<hbm>>
        tpu.wait_dma2 semaphore(%run_scoped3A : memref<!tpu.dma_semaphore, #tpu.memory_space<semaphore_mem>>) src(%dma_wait3A_117 : memref<16x128xf32, #tpu.memory_space<hbm>>) dst(%dma_wait3A_114 : memref<16x128xf32, #tpu.memory_space<vmem_shared>>)
        tpu.yield
      }) : () -> ()
    } else {
    }
    %eq3A_56 = arith.constant 0 : i32
    %eq3A_57 = arith.cmpi eq, %arg0, %eq3A_56 : i32
    %lt3A = arith.constant 5 : i32
    %lt3A_58 = arith.cmpi slt, %arg1, %lt3A : i32
    %and3A = arith.andi %eq3A_57, %lt3A_58 : i1
    %convert_element_type3A_59 = arith.extui %and3A : i1 to i32
    %cond3A_60 = arith.constant 0 : i32
    %cond3A_61 = arith.cmpi ne, %convert_element_type3A_59, %cond3A_60 : i32
    scf.if %cond3A_61 {
      %mul3A_107 = arith.constant 2000 : i32
      %mul3A_108 = arith.muli %arg1, %mul3A_107 : i32
      "tpu.region"() ({
        %run_scoped3A = tpu.sem_alloc : memref<!tpu.dma_semaphore, #tpu.memory_space<semaphore_mem>>
        %dma_start3A = tpu.memref_slice %arg6[%mul3A_108] : memref<10000xf32, #tpu.memory_space<hbm>> -> memref<2000xf32, #tpu.memory_space<hbm>>
        %dma_start3A_111 = tpu.memref_slice %arg6[%mul3A_108] : memref<10000xf32, #tpu.memory_space<hbm>> -> memref<2000xf32, #tpu.memory_space<hbm>>
        tpu.enqueue_dma source(%dma_start3A_111 : memref<2000xf32, #tpu.memory_space<hbm>>) target(%arg13 : memref<2000xf32, #tpu.memory_space<vmem>>) target_semaphore(%run_scoped3A : memref<!tpu.dma_semaphore, #tpu.memory_space<semaphore_mem>>)
        %dma_wait3A_112 = tpu.memref_slice %arg6[%mul3A_108] : memref<10000xf32, #tpu.memory_space<hbm>> -> memref<2000xf32, #tpu.memory_space<hbm>>
        %dma_wait3A_113 = tpu.memref_slice %arg6[%mul3A_108] : memref<10000xf32, #tpu.memory_space<hbm>> -> memref<2000xf32, #tpu.memory_space<hbm>>
        tpu.wait_dma2 semaphore(%run_scoped3A : memref<!tpu.dma_semaphore, #tpu.memory_space<semaphore_mem>>) src(%dma_wait3A_113 : memref<2000xf32, #tpu.memory_space<hbm>>) dst(%arg13 : memref<2000xf32, #tpu.memory_space<vmem>>)
        tpu.yield
      }) : () -> ()
      %mul3A_109 = arith.constant 2000 : i32
      %mul3A_110 = arith.muli %arg1, %mul3A_109 : i32
      "tpu.region"() ({
        %run_scoped3A = tpu.sem_alloc : memref<!tpu.dma_semaphore, #tpu.memory_space<semaphore_mem>>
        %dma_start3A = tpu.memref_slice %arg15[%mul3A_110] : memref<10008xf32, #tpu.memory_space<vmem_shared>> -> memref<2000xf32, #tpu.memory_space<vmem_shared>>
        %dma_start3A_111 = tpu.memref_slice %arg15[%mul3A_110] : memref<10008xf32, #tpu.memory_space<vmem_shared>> -> memref<2000xf32, #tpu.memory_space<vmem_shared>>
        tpu.enqueue_dma source(%arg13 : memref<2000xf32, #tpu.memory_space<vmem>>) target(%dma_start3A_111 : memref<2000xf32, #tpu.memory_space<vmem_shared>>) target_semaphore(%run_scoped3A : memref<!tpu.dma_semaphore, #tpu.memory_space<semaphore_mem>>)
        %dma_wait3A_112 = tpu.memref_slice %arg15[%mul3A_110] : memref<10008xf32, #tpu.memory_space<vmem_shared>> -> memref<2000xf32, #tpu.memory_space<vmem_shared>>
        %dma_wait3A_113 = tpu.memref_slice %arg15[%mul3A_110] : memref<10008xf32, #tpu.memory_space<vmem_shared>> -> memref<2000xf32, #tpu.memory_space<vmem_shared>>
        tpu.wait_dma2 semaphore(%run_scoped3A : memref<!tpu.dma_semaphore, #tpu.memory_space<semaphore_mem>>) src(%arg13 : memref<2000xf32, #tpu.memory_space<vmem>>) dst(%dma_wait3A_113 : memref<2000xf32, #tpu.memory_space<vmem_shared>>)
        tpu.yield
      }) : () -> ()
    } else {
    }
    %barrier3A = arith.constant 0 : index
    tpu.barrier barrier_id(%barrier3A)
    %scan3A = arith.constant 0 : i32
    %scan3A_62 = arith.constant 40 : i32
    %scan3A_63 = arith.addi %scan3A, %scan3A_62 : i32
    %scan3A_64 = arith.constant 1 : i32
    scf.for %scan3A_107 = %scan3A to %scan3A_63 step %scan3A_64  : i32 {
      %mul3A_108 = arith.constant 2 : i32
      %mul3A_109 = arith.muli %scan3A_107, %mul3A_108 : i32
      %add3A_110 = arith.constant 0 : i32
      %add3A_111 = arith.addi %add3A_110, %mul3A_109 : i32
      %rem3A = arith.constant 40 : i32
      %rem3A_112 = arith.remsi %add3A_111, %rem3A : i32
      %eq3A_113 = arith.constant 0 : i32
      %eq3A_114 = arith.cmpi eq, %rem3A_112, %eq3A_113 : i32
      %convert_element_type3A_115 = arith.extui %eq3A_114 : i1 to i32
      %cond3A_116 = arith.constant 0 : i32
      %cond3A_117 = arith.cmpi ne, %convert_element_type3A_115, %cond3A_116 : i32
      scf.if %cond3A_117 {
        %gt3A = arith.constant 0 : i32
        %gt3A_199 = arith.cmpi sgt, %add3A_111, %gt3A : i32
        %convert_element_type3A_200 = arith.extui %gt3A_199 : i1 to i32
        %cond3A_201 = arith.constant 0 : i32
        %cond3A_202 = arith.cmpi ne, %convert_element_type3A_200, %cond3A_201 : i32
        scf.if %cond3A_202 {
          %dma_wait3A_236 = arith.constant 0 : i32
          %dma_wait3A_237 = arith.constant 0 : i32
          %dma_wait3A_238 = arith.constant 0 : i32
          %dma_wait3A_239 = arith.constant 0 : i32
          %dma_wait3A_240 = tpu.memref_slice %arg11[%dma_wait3A_236, %dma_wait3A_238, %dma_wait3A_239] : memref<2x128x128xf32, #tpu.memory_space<vmem>> -> memref<1x128x128xf32, #tpu.memory_space<vmem>>
          %dma_wait3A_241 = tpu.memref_squeeze %dma_wait3A_240 : memref<1x128x128xf32, #tpu.memory_space<vmem>> -> memref<128x128xf32, #tpu.memory_space<vmem>>
          %dma_wait3A_242 = arith.constant 0 : i32
          %dma_wait3A_243 = tpu.memref_slice %arg10[%dma_wait3A_237, %dma_wait3A_242] : memref<40x128xi32, #tpu.memory_space<vmem>> -> memref<1x128xi32, #tpu.memory_space<vmem>>
          %dma_wait3A_244 = tpu.memref_squeeze %dma_wait3A_243 : memref<1x128xi32, #tpu.memory_space<vmem>> -> memref<128xi32, #tpu.memory_space<vmem>>
          %dma_wait3A_245 = arith.constant 0 : i32
          %dma_wait3A_246 = arith.constant 0 : i32
          %dma_wait3A_247 = tpu.memref_slice %arg14[%dma_wait3A_245, %dma_wait3A_246] : memref<10008x128xf32, #tpu.memory_space<vmem_shared>> -> memref<10008x128xf32, #tpu.memory_space<vmem_shared>>
          tpu.wait_indirect_dma semaphore(%arg18 : memref<!tpu.dma_semaphore, #tpu.memory_space<semaphore_mem>>) src(%dma_wait3A_241 : memref<128x128xf32, #tpu.memory_space<vmem>>) dst(%dma_wait3A_247 : memref<10008x128xf32, #tpu.memory_space<vmem_shared>>)
          %dma_wait3A_248 = arith.constant 1 : i32
          %dma_wait3A_249 = arith.constant 0 : i32
          %dma_wait3A_250 = arith.constant 0 : i32
          %dma_wait3A_251 = arith.constant 0 : i32
          %dma_wait3A_252 = tpu.memref_slice %arg11[%dma_wait3A_248, %dma_wait3A_250, %dma_wait3A_251] : memref<2x128x128xf32, #tpu.memory_space<vmem>> -> memref<1x128x128xf32, #tpu.memory_space<vmem>>
          %dma_wait3A_253 = tpu.memref_squeeze %dma_wait3A_252 : memref<1x128x128xf32, #tpu.memory_space<vmem>> -> memref<128x128xf32, #tpu.memory_space<vmem>>
          %dma_wait3A_254 = arith.constant 0 : i32
          %dma_wait3A_255 = tpu.memref_slice %arg10[%dma_wait3A_249, %dma_wait3A_254] : memref<40x128xi32, #tpu.memory_space<vmem>> -> memref<1x128xi32, #tpu.memory_space<vmem>>
          %dma_wait3A_256 = tpu.memref_squeeze %dma_wait3A_255 : memref<1x128xi32, #tpu.memory_space<vmem>> -> memref<128xi32, #tpu.memory_space<vmem>>
          %dma_wait3A_257 = arith.constant 0 : i32
          %dma_wait3A_258 = arith.constant 0 : i32
          %dma_wait3A_259 = tpu.memref_slice %arg14[%dma_wait3A_257, %dma_wait3A_258] : memref<10008x128xf32, #tpu.memory_space<vmem_shared>> -> memref<10008x128xf32, #tpu.memory_space<vmem_shared>>
          tpu.wait_indirect_dma semaphore(%arg19 : memref<!tpu.dma_semaphore, #tpu.memory_space<semaphore_mem>>) src(%dma_wait3A_253 : memref<128x128xf32, #tpu.memory_space<vmem>>) dst(%dma_wait3A_259 : memref<10008x128xf32, #tpu.memory_space<vmem_shared>>)
        } else {
        }
        %add3A_203 = arith.addi %mul3A_0, %add3A_111 : i32
        %multiple_of3A = tpu.assume_multiple %add3A_203, 8 : i32
        "tpu.region"() ({
          %run_scoped3A = tpu.sem_alloc : memref<!tpu.dma_semaphore, #tpu.memory_space<semaphore_mem>>
          %dma_start3A_236 = arith.constant 0 : i32
          %dma_start3A_237 = tpu.memref_slice %arg3[%multiple_of3A, %dma_start3A_236] : memref<1280x128xi32, #tpu.memory_space<hbm>> -> memref<40x128xi32, #tpu.memory_space<hbm>>
          %dma_start3A_238 = arith.constant 0 : i32
          %dma_start3A_239 = tpu.memref_slice %arg3[%multiple_of3A, %dma_start3A_238] : memref<1280x128xi32, #tpu.memory_space<hbm>> -> memref<40x128xi32, #tpu.memory_space<hbm>>
          tpu.enqueue_dma source(%dma_start3A_239 : memref<40x128xi32, #tpu.memory_space<hbm>>) target(%arg9 : memref<40x128xi32, #tpu.memory_space<vmem>>) target_semaphore(%run_scoped3A : memref<!tpu.dma_semaphore, #tpu.memory_space<semaphore_mem>>)
          %dma_wait3A_240 = arith.constant 0 : i32
          %dma_wait3A_241 = tpu.memref_slice %arg3[%multiple_of3A, %dma_wait3A_240] : memref<1280x128xi32, #tpu.memory_space<hbm>> -> memref<40x128xi32, #tpu.memory_space<hbm>>
          %dma_wait3A_242 = arith.constant 0 : i32
          %dma_wait3A_243 = tpu.memref_slice %arg3[%multiple_of3A, %dma_wait3A_242] : memref<1280x128xi32, #tpu.memory_space<hbm>> -> memref<40x128xi32, #tpu.memory_space<hbm>>
          tpu.wait_dma2 semaphore(%run_scoped3A : memref<!tpu.dma_semaphore, #tpu.memory_space<semaphore_mem>>) src(%dma_wait3A_243 : memref<40x128xi32, #tpu.memory_space<hbm>>) dst(%arg9 : memref<40x128xi32, #tpu.memory_space<vmem>>)
          tpu.yield
        }) : () -> ()
        "tpu.region"() ({
          %run_scoped3A = tpu.sem_alloc : memref<!tpu.dma_semaphore, #tpu.memory_space<semaphore_mem>>
          %dma_start3A_236 = arith.constant 0 : i32
          %dma_start3A_237 = tpu.memref_slice %arg4[%multiple_of3A, %dma_start3A_236] : memref<1280x128xi32, #tpu.memory_space<hbm>> -> memref<40x128xi32, #tpu.memory_space<hbm>>
          %dma_start3A_238 = arith.constant 0 : i32
          %dma_start3A_239 = tpu.memref_slice %arg4[%multiple_of3A, %dma_start3A_238] : memref<1280x128xi32, #tpu.memory_space<hbm>> -> memref<40x128xi32, #tpu.memory_space<hbm>>
          tpu.enqueue_dma source(%dma_start3A_239 : memref<40x128xi32, #tpu.memory_space<hbm>>) target(%arg10 : memref<40x128xi32, #tpu.memory_space<vmem>>) target_semaphore(%run_scoped3A : memref<!tpu.dma_semaphore, #tpu.memory_space<semaphore_mem>>)
          %dma_wait3A_240 = arith.constant 0 : i32
          %dma_wait3A_241 = tpu.memref_slice %arg4[%multiple_of3A, %dma_wait3A_240] : memref<1280x128xi32, #tpu.memory_space<hbm>> -> memref<40x128xi32, #tpu.memory_space<hbm>>
          %dma_wait3A_242 = arith.constant 0 : i32
          %dma_wait3A_243 = tpu.memref_slice %arg4[%multiple_of3A, %dma_wait3A_242] : memref<1280x128xi32, #tpu.memory_space<hbm>> -> memref<40x128xi32, #tpu.memory_space<hbm>>
          tpu.wait_dma2 semaphore(%run_scoped3A : memref<!tpu.dma_semaphore, #tpu.memory_space<semaphore_mem>>) src(%dma_wait3A_243 : memref<40x128xi32, #tpu.memory_space<hbm>>) dst(%arg10 : memref<40x128xi32, #tpu.memory_space<vmem>>)
          tpu.yield
        }) : () -> ()
        %dma_start3A_204 = arith.constant 0 : i32
        %dma_start3A_205 = arith.constant 0 : i32
        %dma_start3A_206 = arith.constant 0 : i32
        %dma_start3A_207 = arith.constant 0 : i32
        %dma_start3A_208 = tpu.memref_slice %arg11[%dma_start3A_205, %dma_start3A_206, %dma_start3A_207] : memref<2x128x128xf32, #tpu.memory_space<vmem>> -> memref<1x128x128xf32, #tpu.memory_space<vmem>>
        %dma_start3A_209 = tpu.memref_squeeze %dma_start3A_208 : memref<1x128x128xf32, #tpu.memory_space<vmem>> -> memref<128x128xf32, #tpu.memory_space<vmem>>
        %dma_start3A_210 = arith.constant 0 : i32
        %dma_start3A_211 = tpu.memref_slice %arg9[%dma_start3A_204, %dma_start3A_210] : memref<40x128xi32, #tpu.memory_space<vmem>> -> memref<1x128xi32, #tpu.memory_space<vmem>>
        %dma_start3A_212 = tpu.memref_squeeze %dma_start3A_211 : memref<1x128xi32, #tpu.memory_space<vmem>> -> memref<128xi32, #tpu.memory_space<vmem>>
        %dma_start3A_213 = arith.constant 0 : i32
        %dma_start3A_214 = arith.constant 0 : i32
        %dma_start3A_215 = tpu.memref_slice %arg2[%add3A_49, %dma_start3A_213, %dma_start3A_214] : memref<2x10000x128xf32, #tpu.memory_space<hbm>> -> memref<1x10000x128xf32, #tpu.memory_space<hbm>>
        %dma_start3A_216 = tpu.memref_squeeze %dma_start3A_215 : memref<1x10000x128xf32, #tpu.memory_space<hbm>> -> memref<10000x128xf32, #tpu.memory_space<hbm>>
        %dma_start3A_217 = arith.constant 0 : i32
        %dma_start3A_218 = arith.constant 0 : i32
        %dma_start3A_219 = tpu.memref_slice %dma_start3A_216[%dma_start3A_217, %dma_start3A_218] : memref<10000x128xf32, #tpu.memory_space<hbm>> -> memref<10000x128xf32, #tpu.memory_space<hbm>>
        tpu.enqueue_indirect_dma source(%dma_start3A_219 : memref<10000x128xf32, #tpu.memory_space<hbm>>) target(%dma_start3A_209 : memref<128x128xf32, #tpu.memory_space<vmem>>) offsets(%dma_start3A_212 : memref<128xi32, #tpu.memory_space<vmem>>) semaphore(%arg16 : memref<!tpu.dma_semaphore, #tpu.memory_space<semaphore_mem>>)
        %dma_start3A_220 = arith.constant 1 : i32
        %dma_start3A_221 = arith.constant 1 : i32
        %dma_start3A_222 = arith.constant 0 : i32
        %dma_start3A_223 = arith.constant 0 : i32
        %dma_start3A_224 = tpu.memref_slice %arg11[%dma_start3A_221, %dma_start3A_222, %dma_start3A_223] : memref<2x128x128xf32, #tpu.memory_space<vmem>> -> memref<1x128x128xf32, #tpu.memory_space<vmem>>
        %dma_start3A_225 = tpu.memref_squeeze %dma_start3A_224 : memref<1x128x128xf32, #tpu.memory_space<vmem>> -> memref<128x128xf32, #tpu.memory_space<vmem>>
        %dma_start3A_226 = arith.constant 0 : i32
        %dma_start3A_227 = tpu.memref_slice %arg9[%dma_start3A_220, %dma_start3A_226] : memref<40x128xi32, #tpu.memory_space<vmem>> -> memref<1x128xi32, #tpu.memory_space<vmem>>
        %dma_start3A_228 = tpu.memref_squeeze %dma_start3A_227 : memref<1x128xi32, #tpu.memory_space<vmem>> -> memref<128xi32, #tpu.memory_space<vmem>>
        %dma_start3A_229 = arith.constant 0 : i32
        %dma_start3A_230 = arith.constant 0 : i32
        %dma_start3A_231 = tpu.memref_slice %arg2[%add3A_49, %dma_start3A_229, %dma_start3A_230] : memref<2x10000x128xf32, #tpu.memory_space<hbm>> -> memref<1x10000x128xf32, #tpu.memory_space<hbm>>
        %dma_start3A_232 = tpu.memref_squeeze %dma_start3A_231 : memref<1x10000x128xf32, #tpu.memory_space<hbm>> -> memref<10000x128xf32, #tpu.memory_space<hbm>>
        %dma_start3A_233 = arith.constant 0 : i32
        %dma_start3A_234 = arith.constant 0 : i32
        %dma_start3A_235 = tpu.memref_slice %dma_start3A_232[%dma_start3A_233, %dma_start3A_234] : memref<10000x128xf32, #tpu.memory_space<hbm>> -> memref<10000x128xf32, #tpu.memory_space<hbm>>
        tpu.enqueue_indirect_dma source(%dma_start3A_235 : memref<10000x128xf32, #tpu.memory_space<hbm>>) target(%dma_start3A_225 : memref<128x128xf32, #tpu.memory_space<vmem>>) offsets(%dma_start3A_228 : memref<128xi32, #tpu.memory_space<vmem>>) semaphore(%arg17 : memref<!tpu.dma_semaphore, #tpu.memory_space<semaphore_mem>>)
      } else {
      }
      %dma_wait3A_118 = arith.constant 0 : i32
      %dma_wait3A_119 = arith.constant 0 : i32
      %dma_wait3A_120 = arith.constant 0 : i32
      %dma_wait3A_121 = arith.constant 0 : i32
      %dma_wait3A_122 = tpu.memref_slice %arg11[%dma_wait3A_119, %dma_wait3A_120, %dma_wait3A_121] : memref<2x128x128xf32, #tpu.memory_space<vmem>> -> memref<1x128x128xf32, #tpu.memory_space<vmem>>
      %dma_wait3A_123 = tpu.memref_squeeze %dma_wait3A_122 : memref<1x128x128xf32, #tpu.memory_space<vmem>> -> memref<128x128xf32, #tpu.memory_space<vmem>>
      %dma_wait3A_124 = arith.constant 0 : i32
      %dma_wait3A_125 = tpu.memref_slice %arg9[%dma_wait3A_118, %dma_wait3A_124] : memref<40x128xi32, #tpu.memory_space<vmem>> -> memref<1x128xi32, #tpu.memory_space<vmem>>
      %dma_wait3A_126 = tpu.memref_squeeze %dma_wait3A_125 : memref<1x128xi32, #tpu.memory_space<vmem>> -> memref<128xi32, #tpu.memory_space<vmem>>
      %dma_wait3A_127 = arith.constant 0 : i32
      %dma_wait3A_128 = arith.constant 0 : i32
      %dma_wait3A_129 = tpu.memref_slice %arg2[%add3A_49, %dma_wait3A_127, %dma_wait3A_128] : memref<2x10000x128xf32, #tpu.memory_space<hbm>> -> memref<1x10000x128xf32, #tpu.memory_space<hbm>>
      %dma_wait3A_130 = tpu.memref_squeeze %dma_wait3A_129 : memref<1x10000x128xf32, #tpu.memory_space<hbm>> -> memref<10000x128xf32, #tpu.memory_space<hbm>>
      %dma_wait3A_131 = arith.constant 0 : i32
      %dma_wait3A_132 = arith.constant 0 : i32
      %dma_wait3A_133 = tpu.memref_slice %dma_wait3A_130[%dma_wait3A_131, %dma_wait3A_132] : memref<10000x128xf32, #tpu.memory_space<hbm>> -> memref<10000x128xf32, #tpu.memory_space<hbm>>
      tpu.wait_indirect_dma semaphore(%arg16 : memref<!tpu.dma_semaphore, #tpu.memory_space<semaphore_mem>>) src(%dma_wait3A_133 : memref<10000x128xf32, #tpu.memory_space<hbm>>) dst(%dma_wait3A_123 : memref<128x128xf32, #tpu.memory_space<vmem>>)
      %dma_start3A = arith.constant 0 : i32
      %dma_start3A_134 = arith.constant 0 : i32
      %dma_start3A_135 = arith.constant 0 : i32
      %dma_start3A_136 = tpu.memref_slice %arg11[%dma_start3A, %dma_start3A_134, %dma_start3A_135] : memref<2x128x128xf32, #tpu.memory_space<vmem>> -> memref<1x128x128xf32, #tpu.memory_space<vmem>>
      %dma_start3A_137 = tpu.memref_squeeze %dma_start3A_136 : memref<1x128x128xf32, #tpu.memory_space<vmem>> -> memref<128x128xf32, #tpu.memory_space<vmem>>
      %dma_start3A_138 = arith.constant 0 : i32
      %dma_start3A_139 = tpu.memref_slice %arg10[%rem3A_112, %dma_start3A_138] : memref<40x128xi32, #tpu.memory_space<vmem>> -> memref<1x128xi32, #tpu.memory_space<vmem>>
      %dma_start3A_140 = tpu.memref_squeeze %dma_start3A_139 : memref<1x128xi32, #tpu.memory_space<vmem>> -> memref<128xi32, #tpu.memory_space<vmem>>
      %dma_start3A_141 = arith.constant 0 : i32
      %dma_start3A_142 = arith.constant 0 : i32
      %dma_start3A_143 = tpu.memref_slice %arg14[%dma_start3A_141, %dma_start3A_142] : memref<10008x128xf32, #tpu.memory_space<vmem_shared>> -> memref<10008x128xf32, #tpu.memory_space<vmem_shared>>
      tpu.enqueue_indirect_dma source(%dma_start3A_137 : memref<128x128xf32, #tpu.memory_space<vmem>>) target(%dma_start3A_143 : memref<10008x128xf32, #tpu.memory_space<vmem_shared>>) offsets(%dma_start3A_140 : memref<128xi32, #tpu.memory_space<vmem>>) semaphore(%arg18 : memref<!tpu.dma_semaphore, #tpu.memory_space<semaphore_mem>>) {add = true}
      %eq3A_144 = arith.constant 0 : i32
      %eq3A_145 = arith.cmpi eq, %arg0, %eq3A_144 : i32
      %convert_element_type3A_146 = arith.extui %eq3A_145 : i1 to i32
      %cond3A_147 = arith.constant 0 : i32
      %cond3A_148 = arith.cmpi ne, %convert_element_type3A_146, %cond3A_147 : i32
      scf.if %cond3A_148 {
        "tpu.region"() ({
          %run_scoped3A = tpu.sem_alloc : memref<!tpu.dma_semaphore, #tpu.memory_space<semaphore_mem>>
          %dma_start3A_199 = arith.constant 0 : i32
          %dma_start3A_200 = tpu.memref_slice %arg10[%rem3A_112, %dma_start3A_199] : memref<40x128xi32, #tpu.memory_space<vmem>> -> memref<1x128xi32, #tpu.memory_space<vmem>>
          %dma_start3A_201 = tpu.memref_squeeze %dma_start3A_200 : memref<1x128xi32, #tpu.memory_space<vmem>> -> memref<128xi32, #tpu.memory_space<vmem>>
          %dma_start3A_202 = arith.constant 0 : i32
          %dma_start3A_203 = tpu.memref_slice %arg15[%dma_start3A_202] : memref<10008xf32, #tpu.memory_space<vmem_shared>> -> memref<10008xf32, #tpu.memory_space<vmem_shared>>
          tpu.enqueue_indirect_dma source(%arg12 : memref<128xf32, #tpu.memory_space<vmem>>) target(%dma_start3A_203 : memref<10008xf32, #tpu.memory_space<vmem_shared>>) offsets(%dma_start3A_201 : memref<128xi32, #tpu.memory_space<vmem>>) semaphore(%run_scoped3A : memref<!tpu.dma_semaphore, #tpu.memory_space<semaphore_mem>>) {add = true}
          %dma_wait3A_204 = arith.constant 0 : i32
          %dma_wait3A_205 = tpu.memref_slice %arg10[%rem3A_112, %dma_wait3A_204] : memref<40x128xi32, #tpu.memory_space<vmem>> -> memref<1x128xi32, #tpu.memory_space<vmem>>
          %dma_wait3A_206 = tpu.memref_squeeze %dma_wait3A_205 : memref<1x128xi32, #tpu.memory_space<vmem>> -> memref<128xi32, #tpu.memory_space<vmem>>
          %dma_wait3A_207 = arith.constant 0 : i32
          %dma_wait3A_208 = tpu.memref_slice %arg15[%dma_wait3A_207] : memref<10008xf32, #tpu.memory_space<vmem_shared>> -> memref<10008xf32, #tpu.memory_space<vmem_shared>>
          tpu.wait_indirect_dma semaphore(%run_scoped3A : memref<!tpu.dma_semaphore, #tpu.memory_space<semaphore_mem>>) src(%arg12 : memref<128xf32, #tpu.memory_space<vmem>>) dst(%dma_wait3A_208 : memref<10008xf32, #tpu.memory_space<vmem_shared>>)
          tpu.yield
        }) : () -> ()
      } else {
      }
      %dma_wait3A_149 = arith.constant 0 : i32
      %dma_wait3A_150 = arith.constant 1 : i32
      %dma_wait3A_151 = arith.constant 0 : i32
      %dma_wait3A_152 = arith.constant 0 : i32
      %dma_wait3A_153 = tpu.memref_slice %arg11[%dma_wait3A_150, %dma_wait3A_151, %dma_wait3A_152] : memref<2x128x128xf32, #tpu.memory_space<vmem>> -> memref<1x128x128xf32, #tpu.memory_space<vmem>>
      %dma_wait3A_154 = tpu.memref_squeeze %dma_wait3A_153 : memref<1x128x128xf32, #tpu.memory_space<vmem>> -> memref<128x128xf32, #tpu.memory_space<vmem>>
      %dma_wait3A_155 = arith.constant 0 : i32
      %dma_wait3A_156 = tpu.memref_slice %arg9[%dma_wait3A_149, %dma_wait3A_155] : memref<40x128xi32, #tpu.memory_space<vmem>> -> memref<1x128xi32, #tpu.memory_space<vmem>>
      %dma_wait3A_157 = tpu.memref_squeeze %dma_wait3A_156 : memref<1x128xi32, #tpu.memory_space<vmem>> -> memref<128xi32, #tpu.memory_space<vmem>>
      %dma_wait3A_158 = arith.constant 0 : i32
      %dma_wait3A_159 = arith.constant 0 : i32
      %dma_wait3A_160 = tpu.memref_slice %arg2[%add3A_49, %dma_wait3A_158, %dma_wait3A_159] : memref<2x10000x128xf32, #tpu.memory_space<hbm>> -> memref<1x10000x128xf32, #tpu.memory_space<hbm>>
      %dma_wait3A_161 = tpu.memref_squeeze %dma_wait3A_160 : memref<1x10000x128xf32, #tpu.memory_space<hbm>> -> memref<10000x128xf32, #tpu.memory_space<hbm>>
      %dma_wait3A_162 = arith.constant 0 : i32
      %dma_wait3A_163 = arith.constant 0 : i32
      %dma_wait3A_164 = tpu.memref_slice %dma_wait3A_161[%dma_wait3A_162, %dma_wait3A_163] : memref<10000x128xf32, #tpu.memory_space<hbm>> -> memref<10000x128xf32, #tpu.memory_space<hbm>>
      tpu.wait_indirect_dma semaphore(%arg17 : memref<!tpu.dma_semaphore, #tpu.memory_space<semaphore_mem>>) src(%dma_wait3A_164 : memref<10000x128xf32, #tpu.memory_space<hbm>>) dst(%dma_wait3A_154 : memref<128x128xf32, #tpu.memory_space<vmem>>)
      %add3A_165 = arith.constant 1 : i32
      %add3A_166 = arith.addi %rem3A_112, %add3A_165 : i32
      %dma_start3A_167 = arith.constant 1 : i32
      %dma_start3A_168 = arith.constant 0 : i32
      %dma_start3A_169 = arith.constant 0 : i32
      %dma_start3A_170 = tpu.memref_slice %arg11[%dma_start3A_167, %dma_start3A_168, %dma_start3A_169] : memref<2x128x128xf32, #tpu.memory_space<vmem>> -> memref<1x128x128xf32, #tpu.memory_space<vmem>>
      %dma_start3A_171 = tpu.memref_squeeze %dma_start3A_170 : memref<1x128x128xf32, #tpu.memory_space<vmem>> -> memref<128x128xf32, #tpu.memory_space<vmem>>
      %dma_start3A_172 = arith.constant 0 : i32
      %dma_start3A_173 = tpu.memref_slice %arg10[%add3A_166, %dma_start3A_172] : memref<40x128xi32, #tpu.memory_space<vmem>> -> memref<1x128xi32, #tpu.memory_space<vmem>>
      %dma_start3A_174 = tpu.memref_squeeze %dma_start3A_173 : memref<1x128xi32, #tpu.memory_space<vmem>> -> memref<128xi32, #tpu.memory_space<vmem>>
      %dma_start3A_175 = arith.constant 0 : i32
      %dma_start3A_176 = arith.constant 0 : i32
      %dma_start3A_177 = tpu.memref_slice %arg14[%dma_start3A_175, %dma_start3A_176] : memref<10008x128xf32, #tpu.memory_space<vmem_shared>> -> memref<10008x128xf32, #tpu.memory_space<vmem_shared>>
      tpu.enqueue_indirect_dma source(%dma_start3A_171 : memref<128x128xf32, #tpu.memory_space<vmem>>) target(%dma_start3A_177 : memref<10008x128xf32, #tpu.memory_space<vmem_shared>>) offsets(%dma_start3A_174 : memref<128xi32, #tpu.memory_space<vmem>>) semaphore(%arg19 : memref<!tpu.dma_semaphore, #tpu.memory_space<semaphore_mem>>) {add = true}
      %add3A_178 = arith.constant 1 : i32
      %add3A_179 = arith.addi %rem3A_112, %add3A_178 : i32
      %eq3A_180 = arith.constant 0 : i32
      %eq3A_181 = arith.cmpi eq, %arg0, %eq3A_180 : i32
      %convert_element_type3A_182 = arith.extui %eq3A_181 : i1 to i32
      %cond3A_183 = arith.constant 0 : i32
      %cond3A_184 = arith.cmpi ne, %convert_element_type3A_182, %cond3A_183 : i32
      scf.if %cond3A_184 {
        "tpu.region"() ({
          %run_scoped3A = tpu.sem_alloc : memref<!tpu.dma_semaphore, #tpu.memory_space<semaphore_mem>>
          %dma_start3A_199 = arith.constant 0 : i32
          %dma_start3A_200 = tpu.memref_slice %arg10[%add3A_179, %dma_start3A_199] : memref<40x128xi32, #tpu.memory_space<vmem>> -> memref<1x128xi32, #tpu.memory_space<vmem>>
          %dma_start3A_201 = tpu.memref_squeeze %dma_start3A_200 : memref<1x128xi32, #tpu.memory_space<vmem>> -> memref<128xi32, #tpu.memory_space<vmem>>
          %dma_start3A_202 = arith.constant 0 : i32
          %dma_start3A_203 = tpu.memref_slice %arg15[%dma_start3A_202] : memref<10008xf32, #tpu.memory_space<vmem_shared>> -> memref<10008xf32, #tpu.memory_space<vmem_shared>>
          tpu.enqueue_indirect_dma source(%arg12 : memref<128xf32, #tpu.memory_space<vmem>>) target(%dma_start3A_203 : memref<10008xf32, #tpu.memory_space<vmem_shared>>) offsets(%dma_start3A_201 : memref<128xi32, #tpu.memory_space<vmem>>) semaphore(%run_scoped3A : memref<!tpu.dma_semaphore, #tpu.memory_space<semaphore_mem>>) {add = true}
          %dma_wait3A_204 = arith.constant 0 : i32
          %dma_wait3A_205 = tpu.memref_slice %arg10[%add3A_179, %dma_wait3A_204] : memref<40x128xi32, #tpu.memory_space<vmem>> -> memref<1x128xi32, #tpu.memory_space<vmem>>
          %dma_wait3A_206 = tpu.memref_squeeze %dma_wait3A_205 : memref<1x128xi32, #tpu.memory_space<vmem>> -> memref<128xi32, #tpu.memory_space<vmem>>
          %dma_wait3A_207 = arith.constant 0 : i32
          %dma_wait3A_208 = tpu.memref_slice %arg15[%dma_wait3A_207] : memref<10008xf32, #tpu.memory_space<vmem_shared>> -> memref<10008xf32, #tpu.memory_space<vmem_shared>>
          tpu.wait_indirect_dma semaphore(%run_scoped3A : memref<!tpu.dma_semaphore, #tpu.memory_space<semaphore_mem>>) src(%arg12 : memref<128xf32, #tpu.memory_space<vmem>>) dst(%dma_wait3A_208 : memref<10008xf32, #tpu.memory_space<vmem_shared>>)
          tpu.yield
        }) : () -> ()
      } else {
      }
      %add3A_185 = arith.constant 2 : i32
      %add3A_186 = arith.addi %rem3A_112, %add3A_185 : i32
      %lt3A_187 = arith.constant 40 : i32
      %lt3A_188 = arith.cmpi slt, %add3A_186, %lt3A_187 : i32
      %convert_element_type3A_189 = arith.extui %lt3A_188 : i1 to i32
      %cond3A_190 = arith.constant 0 : i32
      %cond3A_191 = arith.cmpi ne, %convert_element_type3A_189, %cond3A_190 : i32
      scf.if %cond3A_191 {
        %dma_wait3A_199 = arith.constant 0 : i32
        %dma_wait3A_200 = arith.constant 0 : i32
        %dma_wait3A_201 = arith.constant 0 : i32
        %dma_wait3A_202 = arith.constant 0 : i32
        %dma_wait3A_203 = tpu.memref_slice %arg11[%dma_wait3A_199, %dma_wait3A_201, %dma_wait3A_202] : memref<2x128x128xf32, #tpu.memory_space<vmem>> -> memref<1x128x128xf32, #tpu.memory_space<vmem>>
        %dma_wait3A_204 = tpu.memref_squeeze %dma_wait3A_203 : memref<1x128x128xf32, #tpu.memory_space<vmem>> -> memref<128x128xf32, #tpu.memory_space<vmem>>
        %dma_wait3A_205 = arith.constant 0 : i32
        %dma_wait3A_206 = tpu.memref_slice %arg10[%dma_wait3A_200, %dma_wait3A_205] : memref<40x128xi32, #tpu.memory_space<vmem>> -> memref<1x128xi32, #tpu.memory_space<vmem>>
        %dma_wait3A_207 = tpu.memref_squeeze %dma_wait3A_206 : memref<1x128xi32, #tpu.memory_space<vmem>> -> memref<128xi32, #tpu.memory_space<vmem>>
        %dma_wait3A_208 = arith.constant 0 : i32
        %dma_wait3A_209 = arith.constant 0 : i32
        %dma_wait3A_210 = tpu.memref_slice %arg14[%dma_wait3A_208, %dma_wait3A_209] : memref<10008x128xf32, #tpu.memory_space<vmem_shared>> -> memref<10008x128xf32, #tpu.memory_space<vmem_shared>>
        tpu.wait_indirect_dma semaphore(%arg18 : memref<!tpu.dma_semaphore, #tpu.memory_space<semaphore_mem>>) src(%dma_wait3A_204 : memref<128x128xf32, #tpu.memory_space<vmem>>) dst(%dma_wait3A_210 : memref<10008x128xf32, #tpu.memory_space<vmem_shared>>)
        %add3A_211 = arith.constant 2 : i32
        %add3A_212 = arith.addi %rem3A_112, %add3A_211 : i32
        %dma_start3A_213 = arith.constant 0 : i32
        %dma_start3A_214 = arith.constant 0 : i32
        %dma_start3A_215 = arith.constant 0 : i32
        %dma_start3A_216 = tpu.memref_slice %arg11[%dma_start3A_213, %dma_start3A_214, %dma_start3A_215] : memref<2x128x128xf32, #tpu.memory_space<vmem>> -> memref<1x128x128xf32, #tpu.memory_space<vmem>>
        %dma_start3A_217 = tpu.memref_squeeze %dma_start3A_216 : memref<1x128x128xf32, #tpu.memory_space<vmem>> -> memref<128x128xf32, #tpu.memory_space<vmem>>
        %dma_start3A_218 = arith.constant 0 : i32
        %dma_start3A_219 = tpu.memref_slice %arg9[%add3A_212, %dma_start3A_218] : memref<40x128xi32, #tpu.memory_space<vmem>> -> memref<1x128xi32, #tpu.memory_space<vmem>>
        %dma_start3A_220 = tpu.memref_squeeze %dma_start3A_219 : memref<1x128xi32, #tpu.memory_space<vmem>> -> memref<128xi32, #tpu.memory_space<vmem>>
        %dma_start3A_221 = arith.constant 0 : i32
        %dma_start3A_222 = arith.constant 0 : i32
        %dma_start3A_223 = tpu.memref_slice %arg2[%add3A_49, %dma_start3A_221, %dma_start3A_222] : memref<2x10000x128xf32, #tpu.memory_space<hbm>> -> memref<1x10000x128xf32, #tpu.memory_space<hbm>>
        %dma_start3A_224 = tpu.memref_squeeze %dma_start3A_223 : memref<1x10000x128xf32, #tpu.memory_space<hbm>> -> memref<10000x128xf32, #tpu.memory_space<hbm>>
        %dma_start3A_225 = arith.constant 0 : i32
        %dma_start3A_226 = arith.constant 0 : i32
        %dma_start3A_227 = tpu.memref_slice %dma_start3A_224[%dma_start3A_225, %dma_start3A_226] : memref<10000x128xf32, #tpu.memory_space<hbm>> -> memref<10000x128xf32, #tpu.memory_space<hbm>>
        tpu.enqueue_indirect_dma source(%dma_start3A_227 : memref<10000x128xf32, #tpu.memory_space<hbm>>) target(%dma_start3A_217 : memref<128x128xf32, #tpu.memory_space<vmem>>) offsets(%dma_start3A_220 : memref<128xi32, #tpu.memory_space<vmem>>) semaphore(%arg16 : memref<!tpu.dma_semaphore, #tpu.memory_space<semaphore_mem>>)
      } else {
      }
      %add3A_192 = arith.constant 3 : i32
      %add3A_193 = arith.addi %rem3A_112, %add3A_192 : i32
      %lt3A_194 = arith.constant 40 : i32
      %lt3A_195 = arith.cmpi slt, %add3A_193, %lt3A_194 : i32
      %convert_element_type3A_196 = arith.extui %lt3A_195 : i1 to i32
      %cond3A_197 = arith.constant 0 : i32
      %cond3A_198 = arith.cmpi ne, %convert_element_type3A_196, %cond3A_197 : i32
      scf.if %cond3A_198 {
        %dma_wait3A_199 = arith.constant 1 : i32
        %dma_wait3A_200 = arith.constant 0 : i32
        %dma_wait3A_201 = arith.constant 0 : i32
        %dma_wait3A_202 = arith.constant 0 : i32
        %dma_wait3A_203 = tpu.memref_slice %arg11[%dma_wait3A_199, %dma_wait3A_201, %dma_wait3A_202] : memref<2x128x128xf32, #tpu.memory_space<vmem>> -> memref<1x128x128xf32, #tpu.memory_space<vmem>>
        %dma_wait3A_204 = tpu.memref_squeeze %dma_wait3A_203 : memref<1x128x128xf32, #tpu.memory_space<vmem>> -> memref<128x128xf32, #tpu.memory_space<vmem>>
        %dma_wait3A_205 = arith.constant 0 : i32
        %dma_wait3A_206 = tpu.memref_slice %arg10[%dma_wait3A_200, %dma_wait3A_205] : memref<40x128xi32, #tpu.memory_space<vmem>> -> memref<1x128xi32, #tpu.memory_space<vmem>>
        %dma_wait3A_207 = tpu.memref_squeeze %dma_wait3A_206 : memref<1x128xi32, #tpu.memory_space<vmem>> -> memref<128xi32, #tpu.memory_space<vmem>>
        %dma_wait3A_208 = arith.constant 0 : i32
        %dma_wait3A_209 = arith.constant 0 : i32
        %dma_wait3A_210 = tpu.memref_slice %arg14[%dma_wait3A_208, %dma_wait3A_209] : memref<10008x128xf32, #tpu.memory_space<vmem_shared>> -> memref<10008x128xf32, #tpu.memory_space<vmem_shared>>
        tpu.wait_indirect_dma semaphore(%arg19 : memref<!tpu.dma_semaphore, #tpu.memory_space<semaphore_mem>>) src(%dma_wait3A_204 : memref<128x128xf32, #tpu.memory_space<vmem>>) dst(%dma_wait3A_210 : memref<10008x128xf32, #tpu.memory_space<vmem_shared>>)
        %add3A_211 = arith.constant 3 : i32
        %add3A_212 = arith.addi %rem3A_112, %add3A_211 : i32
        %dma_start3A_213 = arith.constant 1 : i32
        %dma_start3A_214 = arith.constant 0 : i32
        %dma_start3A_215 = arith.constant 0 : i32
        %dma_start3A_216 = tpu.memref_slice %arg11[%dma_start3A_213, %dma_start3A_214, %dma_start3A_215] : memref<2x128x128xf32, #tpu.memory_space<vmem>> -> memref<1x128x128xf32, #tpu.memory_space<vmem>>
        %dma_start3A_217 = tpu.memref_squeeze %dma_start3A_216 : memref<1x128x128xf32, #tpu.memory_space<vmem>> -> memref<128x128xf32, #tpu.memory_space<vmem>>
        %dma_start3A_218 = arith.constant 0 : i32
        %dma_start3A_219 = tpu.memref_slice %arg9[%add3A_212, %dma_start3A_218] : memref<40x128xi32, #tpu.memory_space<vmem>> -> memref<1x128xi32, #tpu.memory_space<vmem>>
        %dma_start3A_220 = tpu.memref_squeeze %dma_start3A_219 : memref<1x128xi32, #tpu.memory_space<vmem>> -> memref<128xi32, #tpu.memory_space<vmem>>
        %dma_start3A_221 = arith.constant 0 : i32
        %dma_start3A_222 = arith.constant 0 : i32
        %dma_start3A_223 = tpu.memref_slice %arg2[%add3A_49, %dma_start3A_221, %dma_start3A_222] : memref<2x10000x128xf32, #tpu.memory_space<hbm>> -> memref<1x10000x128xf32, #tpu.memory_space<hbm>>
        %dma_start3A_224 = tpu.memref_squeeze %dma_start3A_223 : memref<1x10000x128xf32, #tpu.memory_space<hbm>> -> memref<10000x128xf32, #tpu.memory_space<hbm>>
        %dma_start3A_225 = arith.constant 0 : i32
        %dma_start3A_226 = arith.constant 0 : i32
        %dma_start3A_227 = tpu.memref_slice %dma_start3A_224[%dma_start3A_225, %dma_start3A_226] : memref<10000x128xf32, #tpu.memory_space<hbm>> -> memref<10000x128xf32, #tpu.memory_space<hbm>>
        tpu.enqueue_indirect_dma source(%dma_start3A_227 : memref<10000x128xf32, #tpu.memory_space<hbm>>) target(%dma_start3A_217 : memref<128x128xf32, #tpu.memory_space<vmem>>) offsets(%dma_start3A_220 : memref<128xi32, #tpu.memory_space<vmem>>) semaphore(%arg17 : memref<!tpu.dma_semaphore, #tpu.memory_space<semaphore_mem>>)
      } else {
      }
    }
    %scan3A_65 = arith.constant 40 : i32
    %dma_wait3A = arith.constant 0 : i32
    %dma_wait3A_66 = arith.constant 0 : i32
    %dma_wait3A_67 = arith.constant 0 : i32
    %dma_wait3A_68 = arith.constant 0 : i32
    %dma_wait3A_69 = tpu.memref_slice %arg11[%dma_wait3A, %dma_wait3A_67, %dma_wait3A_68] : memref<2x128x128xf32, #tpu.memory_space<vmem>> -> memref<1x128x128xf32, #tpu.memory_space<vmem>>
    %dma_wait3A_70 = tpu.memref_squeeze %dma_wait3A_69 : memref<1x128x128xf32, #tpu.memory_space<vmem>> -> memref<128x128xf32, #tpu.memory_space<vmem>>
    %dma_wait3A_71 = arith.constant 0 : i32
    %dma_wait3A_72 = tpu.memref_slice %arg10[%dma_wait3A_66, %dma_wait3A_71] : memref<40x128xi32, #tpu.memory_space<vmem>> -> memref<1x128xi32, #tpu.memory_space<vmem>>
    %dma_wait3A_73 = tpu.memref_squeeze %dma_wait3A_72 : memref<1x128xi32, #tpu.memory_space<vmem>> -> memref<128xi32, #tpu.memory_space<vmem>>
    %dma_wait3A_74 = arith.constant 0 : i32
    %dma_wait3A_75 = arith.constant 0 : i32
    %dma_wait3A_76 = tpu.memref_slice %arg14[%dma_wait3A_74, %dma_wait3A_75] : memref<10008x128xf32, #tpu.memory_space<vmem_shared>> -> memref<10008x128xf32, #tpu.memory_space<vmem_shared>>
    tpu.wait_indirect_dma semaphore(%arg18 : memref<!tpu.dma_semaphore, #tpu.memory_space<semaphore_mem>>) src(%dma_wait3A_70 : memref<128x128xf32, #tpu.memory_space<vmem>>) dst(%dma_wait3A_76 : memref<10008x128xf32, #tpu.memory_space<vmem_shared>>)
    %dma_wait3A_77 = arith.constant 1 : i32
    %dma_wait3A_78 = arith.constant 0 : i32
    %dma_wait3A_79 = arith.constant 0 : i32
    %dma_wait3A_80 = arith.constant 0 : i32
    %dma_wait3A_81 = tpu.memref_slice %arg11[%dma_wait3A_77, %dma_wait3A_79, %dma_wait3A_80] : memref<2x128x128xf32, #tpu.memory_space<vmem>> -> memref<1x128x128xf32, #tpu.memory_space<vmem>>
    %dma_wait3A_82 = tpu.memref_squeeze %dma_wait3A_81 : memref<1x128x128xf32, #tpu.memory_space<vmem>> -> memref<128x128xf32, #tpu.memory_space<vmem>>
    %dma_wait3A_83 = arith.constant 0 : i32
    %dma_wait3A_84 = tpu.memref_slice %arg10[%dma_wait3A_78, %dma_wait3A_83] : memref<40x128xi32, #tpu.memory_space<vmem>> -> memref<1x128xi32, #tpu.memory_space<vmem>>
    %dma_wait3A_85 = tpu.memref_squeeze %dma_wait3A_84 : memref<1x128xi32, #tpu.memory_space<vmem>> -> memref<128xi32, #tpu.memory_space<vmem>>
    %dma_wait3A_86 = arith.constant 0 : i32
    %dma_wait3A_87 = arith.constant 0 : i32
    %dma_wait3A_88 = tpu.memref_slice %arg14[%dma_wait3A_86, %dma_wait3A_87] : memref<10008x128xf32, #tpu.memory_space<vmem_shared>> -> memref<10008x128xf32, #tpu.memory_space<vmem_shared>>
    tpu.wait_indirect_dma semaphore(%arg19 : memref<!tpu.dma_semaphore, #tpu.memory_space<semaphore_mem>>) src(%dma_wait3A_82 : memref<128x128xf32, #tpu.memory_space<vmem>>) dst(%dma_wait3A_88 : memref<10008x128xf32, #tpu.memory_space<vmem_shared>>)
    %barrier3A_89 = arith.constant 0 : index
    tpu.barrier barrier_id(%barrier3A_89)
    %mul3A_90 = arith.constant 624 : i32
    %mul3A_91 = arith.muli %arg1, %mul3A_90 : i32
    %mul3A_92 = arith.constant 624 : i32
    %mul3A_93 = arith.muli %arg1, %mul3A_92 : i32
    "tpu.region"() ({
      %run_scoped3A = tpu.sem_alloc : memref<!tpu.dma_semaphore, #tpu.memory_space<semaphore_mem>>
      %dma_start3A = arith.constant 0 : i32
      %dma_start3A_107 = arith.constant 0 : i32
      %dma_start3A_108 = tpu.memref_slice %arg7[%add3A_49, %dma_start3A, %dma_start3A_107] : memref<2x10000x128xf32, #tpu.memory_space<hbm>> -> memref<1x10000x128xf32, #tpu.memory_space<hbm>>
      %dma_start3A_109 = tpu.memref_squeeze %dma_start3A_108 : memref<1x10000x128xf32, #tpu.memory_space<hbm>> -> memref<10000x128xf32, #tpu.memory_space<hbm>>
      %dma_start3A_110 = arith.constant 0 : i32
      %dma_start3A_111 = tpu.memref_slice %dma_start3A_109[%mul3A_93, %dma_start3A_110] : memref<10000x128xf32, #tpu.memory_space<hbm>> -> memref<624x128xf32, #tpu.memory_space<hbm>>
      %dma_start3A_112 = arith.constant 0 : i32
      %dma_start3A_113 = tpu.memref_slice %arg14[%mul3A_91, %dma_start3A_112] : memref<10008x128xf32, #tpu.memory_space<vmem_shared>> -> memref<624x128xf32, #tpu.memory_space<vmem_shared>>
      tpu.enqueue_dma source(%dma_start3A_113 : memref<624x128xf32, #tpu.memory_space<vmem_shared>>) target(%dma_start3A_111 : memref<624x128xf32, #tpu.memory_space<hbm>>) target_semaphore(%run_scoped3A : memref<!tpu.dma_semaphore, #tpu.memory_space<semaphore_mem>>)
      %dma_wait3A_114 = arith.constant 0 : i32
      %dma_wait3A_115 = arith.constant 0 : i32
      %dma_wait3A_116 = tpu.memref_slice %arg7[%add3A_49, %dma_wait3A_114, %dma_wait3A_115] : memref<2x10000x128xf32, #tpu.memory_space<hbm>> -> memref<1x10000x128xf32, #tpu.memory_space<hbm>>
      %dma_wait3A_117 = tpu.memref_squeeze %dma_wait3A_116 : memref<1x10000x128xf32, #tpu.memory_space<hbm>> -> memref<10000x128xf32, #tpu.memory_space<hbm>>
      %dma_wait3A_118 = arith.constant 0 : i32
      %dma_wait3A_119 = tpu.memref_slice %dma_wait3A_117[%mul3A_93, %dma_wait3A_118] : memref<10000x128xf32, #tpu.memory_space<hbm>> -> memref<624x128xf32, #tpu.memory_space<hbm>>
      %dma_wait3A_120 = arith.constant 0 : i32
      %dma_wait3A_121 = tpu.memref_slice %arg14[%mul3A_91, %dma_wait3A_120] : memref<10008x128xf32, #tpu.memory_space<vmem_shared>> -> memref<624x128xf32, #tpu.memory_space<vmem_shared>>
      tpu.wait_dma2 semaphore(%run_scoped3A : memref<!tpu.dma_semaphore, #tpu.memory_space<semaphore_mem>>) src(%dma_wait3A_121 : memref<624x128xf32, #tpu.memory_space<vmem_shared>>) dst(%dma_wait3A_119 : memref<624x128xf32, #tpu.memory_space<hbm>>)
      tpu.yield
    }) : () -> ()
    %eq3A_94 = arith.constant 15 : i32
    %eq3A_95 = arith.cmpi eq, %arg1, %eq3A_94 : i32
    %convert_element_type3A_96 = arith.extui %eq3A_95 : i1 to i32
    %cond3A_97 = arith.constant 0 : i32
    %cond3A_98 = arith.cmpi ne, %convert_element_type3A_96, %cond3A_97 : i32
    scf.if %cond3A_98 {
      "tpu.region"() ({
        %run_scoped3A = tpu.sem_alloc : memref<!tpu.dma_semaphore, #tpu.memory_space<semaphore_mem>>
        %dma_start3A = arith.constant 0 : i32
        %dma_start3A_107 = arith.constant 0 : i32
        %dma_start3A_108 = tpu.memref_slice %arg7[%add3A_49, %dma_start3A, %dma_start3A_107] : memref<2x10000x128xf32, #tpu.memory_space<hbm>> -> memref<1x10000x128xf32, #tpu.memory_space<hbm>>
        %dma_start3A_109 = tpu.memref_squeeze %dma_start3A_108 : memref<1x10000x128xf32, #tpu.memory_space<hbm>> -> memref<10000x128xf32, #tpu.memory_space<hbm>>
        %dma_start3A_110 = arith.constant 9984 : i32
        %dma_start3A_111 = arith.constant 0 : i32
        %dma_start3A_112 = tpu.memref_slice %dma_start3A_109[%dma_start3A_110, %dma_start3A_111] : memref<10000x128xf32, #tpu.memory_space<hbm>> -> memref<16x128xf32, #tpu.memory_space<hbm>>
        %dma_start3A_113 = arith.constant 9984 : i32
        %dma_start3A_114 = arith.constant 0 : i32
        %dma_start3A_115 = tpu.memref_slice %arg14[%dma_start3A_113, %dma_start3A_114] : memref<10008x128xf32, #tpu.memory_space<vmem_shared>> -> memref<16x128xf32, #tpu.memory_space<vmem_shared>>
        tpu.enqueue_dma source(%dma_start3A_115 : memref<16x128xf32, #tpu.memory_space<vmem_shared>>) target(%dma_start3A_112 : memref<16x128xf32, #tpu.memory_space<hbm>>) target_semaphore(%run_scoped3A : memref<!tpu.dma_semaphore, #tpu.memory_space<semaphore_mem>>)
        %dma_wait3A_116 = arith.constant 0 : i32
        %dma_wait3A_117 = arith.constant 0 : i32
        %dma_wait3A_118 = tpu.memref_slice %arg7[%add3A_49, %dma_wait3A_116, %dma_wait3A_117] : memref<2x10000x128xf32, #tpu.memory_space<hbm>> -> memref<1x10000x128xf32, #tpu.memory_space<hbm>>
        %dma_wait3A_119 = tpu.memref_squeeze %dma_wait3A_118 : memref<1x10000x128xf32, #tpu.memory_space<hbm>> -> memref<10000x128xf32, #tpu.memory_space<hbm>>
        %dma_wait3A_120 = arith.constant 9984 : i32
        %dma_wait3A_121 = arith.constant 0 : i32
        %dma_wait3A_122 = tpu.memref_slice %dma_wait3A_119[%dma_wait3A_120, %dma_wait3A_121] : memref<10000x128xf32, #tpu.memory_space<hbm>> -> memref<16x128xf32, #tpu.memory_space<hbm>>
        %dma_wait3A_123 = arith.constant 9984 : i32
        %dma_wait3A_124 = arith.constant 0 : i32
        %dma_wait3A_125 = tpu.memref_slice %arg14[%dma_wait3A_123, %dma_wait3A_124] : memref<10008x128xf32, #tpu.memory_space<vmem_shared>> -> memref<16x128xf32, #tpu.memory_space<vmem_shared>>
        tpu.wait_dma2 semaphore(%run_scoped3A : memref<!tpu.dma_semaphore, #tpu.memory_space<semaphore_mem>>) src(%dma_wait3A_125 : memref<16x128xf32, #tpu.memory_space<vmem_shared>>) dst(%dma_wait3A_122 : memref<16x128xf32, #tpu.memory_space<hbm>>)
        tpu.yield
      }) : () -> ()
    } else {
    }
    %eq3A_99 = arith.constant 0 : i32
    %eq3A_100 = arith.cmpi eq, %arg0, %eq3A_99 : i32
    %lt3A_101 = arith.constant 5 : i32
    %lt3A_102 = arith.cmpi slt, %arg1, %lt3A_101 : i32
    %and3A_103 = arith.andi %eq3A_100, %lt3A_102 : i1
    %convert_element_type3A_104 = arith.extui %and3A_103 : i1 to i32
    %cond3A_105 = arith.constant 0 : i32
    %cond3A_106 = arith.cmpi ne, %convert_element_type3A_104, %cond3A_105 : i32
    scf.if %cond3A_106 {
      %mul3A_107 = arith.constant 2000 : i32
      %mul3A_108 = arith.muli %arg1, %mul3A_107 : i32
      "tpu.region"() ({
        %run_scoped3A = tpu.sem_alloc : memref<!tpu.dma_semaphore, #tpu.memory_space<semaphore_mem>>
        %dma_start3A = tpu.memref_slice %arg15[%mul3A_108] : memref<10008xf32, #tpu.memory_space<vmem_shared>> -> memref<2000xf32, #tpu.memory_space<vmem_shared>>
        %dma_start3A_111 = tpu.memref_slice %arg15[%mul3A_108] : memref<10008xf32, #tpu.memory_space<vmem_shared>> -> memref<2000xf32, #tpu.memory_space<vmem_shared>>
        tpu.enqueue_dma source(%dma_start3A_111 : memref<2000xf32, #tpu.memory_space<vmem_shared>>) target(%arg13 : memref<2000xf32, #tpu.memory_space<vmem>>) target_semaphore(%run_scoped3A : memref<!tpu.dma_semaphore, #tpu.memory_space<semaphore_mem>>)
        %dma_wait3A_112 = tpu.memref_slice %arg15[%mul3A_108] : memref<10008xf32, #tpu.memory_space<vmem_shared>> -> memref<2000xf32, #tpu.memory_space<vmem_shared>>
        %dma_wait3A_113 = tpu.memref_slice %arg15[%mul3A_108] : memref<10008xf32, #tpu.memory_space<vmem_shared>> -> memref<2000xf32, #tpu.memory_space<vmem_shared>>
        tpu.wait_dma2 semaphore(%run_scoped3A : memref<!tpu.dma_semaphore, #tpu.memory_space<semaphore_mem>>) src(%dma_wait3A_113 : memref<2000xf32, #tpu.memory_space<vmem_shared>>) dst(%arg13 : memref<2000xf32, #tpu.memory_space<vmem>>)
        tpu.yield
      }) : () -> ()
      %mul3A_109 = arith.constant 2000 : i32
      %mul3A_110 = arith.muli %arg1, %mul3A_109 : i32
      "tpu.region"() ({
        %run_scoped3A = tpu.sem_alloc : memref<!tpu.dma_semaphore, #tpu.memory_space<semaphore_mem>>
        %dma_start3A = tpu.memref_slice %arg8[%mul3A_110] : memref<10000xf32, #tpu.memory_space<hbm>> -> memref<2000xf32, #tpu.memory_space<hbm>>
        %dma_start3A_111 = tpu.memref_slice %arg8[%mul3A_110] : memref<10000xf32, #tpu.memory_space<hbm>> -> memref<2000xf32, #tpu.memory_space<hbm>>
        tpu.enqueue_dma source(%arg13 : memref<2000xf32, #tpu.memory_space<vmem>>) target(%dma_start3A_111 : memref<2000xf32, #tpu.memory_space<hbm>>) target_semaphore(%run_scoped3A : memref<!tpu.dma_semaphore, #tpu.memory_space<semaphore_mem>>)
        %dma_wait3A_112 = tpu.memref_slice %arg8[%mul3A_110] : memref<10000xf32, #tpu.memory_space<hbm>> -> memref<2000xf32, #tpu.memory_space<hbm>>
        %dma_wait3A_113 = tpu.memref_slice %arg8[%mul3A_110] : memref<10000xf32, #tpu.memory_space<hbm>> -> memref<2000xf32, #tpu.memory_space<hbm>>
        tpu.wait_dma2 semaphore(%run_scoped3A : memref<!tpu.dma_semaphore, #tpu.memory_space<semaphore_mem>>) src(%arg13 : memref<2000xf32, #tpu.memory_space<vmem>>) dst(%dma_wait3A_113 : memref<2000xf32, #tpu.memory_space<hbm>>)
        tpu.yield
      }) : () -> ()
    } else {
    }
    return
  }
}

#map = affine_map<(d0, d1) -> (0, 0, 0)>
#map1 = affine_map<(d0, d1) -> (0, 0)>
module attributes {stable_mosaic.version = 14 : i64} {
  func.func @_agg_body(%arg0: i32, %arg1: i32, %arg2: memref<2x10000x128xf32, #tpu.memory_space<hbm>>, %arg3: memref<1280x128xi32, #tpu.memory_space<hbm>>, %arg4: memref<1280x128xi32, #tpu.memory_space<hbm>>, %arg5: memref<10000x128xf32, #tpu.memory_space<hbm>>, %arg6: memref<2x10000x128xf32, #tpu.memory_space<hbm>>, %arg7: memref<40x128xi32, #tpu.memory_space<vmem>>, %arg8: memref<40x128xi32, #tpu.memory_space<vmem>>, %arg9: memref<2x128x128xf32, #tpu.memory_space<vmem>>, %arg10: memref<10008x128xf32, #tpu.memory_space<vmem_shared>>, %arg11: memref<!tpu.dma_semaphore, #tpu.memory_space<semaphore_mem>>, %arg12: memref<!tpu.dma_semaphore, #tpu.memory_space<semaphore_mem>>, %arg13: memref<!tpu.dma_semaphore, #tpu.memory_space<semaphore_mem>>, %arg14: memref<!tpu.dma_semaphore, #tpu.memory_space<semaphore_mem>>) attributes {dimension_semantics = [#tpu.dimension_semantics<core_parallel>, #tpu.dimension_semantics<subcore_parallel>], iteration_bounds = array<i64: 2, 16>, scalar_prefetch = 0 : i64, scratch_operands = 8 : i64, tpu.core_type = #tpu.core_type<sc_vector_subcore>, window_params = [{transform_indices = #map}, {transform_indices = #map1}, {transform_indices = #map1}, {transform_indices = #map1}, {transform_indices = #map}]} {
    %mul3A = arith.constant 80 : i32
    %mul3A_0 = arith.muli %arg1, %mul3A : i32
    %mul3A_1 = arith.constant 1 : i32
    %mul3A_2 = arith.muli %arg0, %mul3A_1 : i32
    %add3A = arith.constant 0 : i32
    %add3A_3 = arith.addi %mul3A_2, %add3A : i32
    %mul3A_4 = arith.constant 624 : i32
    %mul3A_5 = arith.muli %arg1, %mul3A_4 : i32
    %mul3A_6 = arith.constant 624 : i32
    %mul3A_7 = arith.muli %arg1, %mul3A_6 : i32
    "tpu.region"() ({
      %run_scoped3A = tpu.sem_alloc : memref<!tpu.dma_semaphore, #tpu.memory_space<semaphore_mem>>
      %dma_start3A = arith.constant 0 : i32
      %dma_start3A_47 = tpu.memref_slice %arg10[%mul3A_7, %dma_start3A] : memref<10008x128xf32, #tpu.memory_space<vmem_shared>> -> memref<624x128xf32, #tpu.memory_space<vmem_shared>>
      %dma_start3A_48 = arith.constant 0 : i32
      %dma_start3A_49 = tpu.memref_slice %arg5[%mul3A_5, %dma_start3A_48] : memref<10000x128xf32, #tpu.memory_space<hbm>> -> memref<624x128xf32, #tpu.memory_space<hbm>>
      tpu.enqueue_dma source(%dma_start3A_49 : memref<624x128xf32, #tpu.memory_space<hbm>>) target(%dma_start3A_47 : memref<624x128xf32, #tpu.memory_space<vmem_shared>>) target_semaphore(%run_scoped3A : memref<!tpu.dma_semaphore, #tpu.memory_space<semaphore_mem>>)
      %dma_wait3A_50 = arith.constant 0 : i32
      %dma_wait3A_51 = tpu.memref_slice %arg10[%mul3A_7, %dma_wait3A_50] : memref<10008x128xf32, #tpu.memory_space<vmem_shared>> -> memref<624x128xf32, #tpu.memory_space<vmem_shared>>
      %dma_wait3A_52 = arith.constant 0 : i32
      %dma_wait3A_53 = tpu.memref_slice %arg5[%mul3A_5, %dma_wait3A_52] : memref<10000x128xf32, #tpu.memory_space<hbm>> -> memref<624x128xf32, #tpu.memory_space<hbm>>
      tpu.wait_dma2 semaphore(%run_scoped3A : memref<!tpu.dma_semaphore, #tpu.memory_space<semaphore_mem>>) src(%dma_wait3A_53 : memref<624x128xf32, #tpu.memory_space<hbm>>) dst(%dma_wait3A_51 : memref<624x128xf32, #tpu.memory_space<vmem_shared>>)
      tpu.yield
    }) : () -> ()
    %eq3A = arith.constant 15 : i32
    %eq3A_8 = arith.cmpi eq, %arg1, %eq3A : i32
    %convert_element_type3A = arith.extui %eq3A_8 : i1 to i32
    %cond3A = arith.constant 0 : i32
    %cond3A_9 = arith.cmpi ne, %convert_element_type3A, %cond3A : i32
    scf.if %cond3A_9 {
      "tpu.region"() ({
        %run_scoped3A = tpu.sem_alloc : memref<!tpu.dma_semaphore, #tpu.memory_space<semaphore_mem>>
        %dma_start3A = arith.constant 9984 : i32
        %dma_start3A_47 = arith.constant 0 : i32
        %dma_start3A_48 = tpu.memref_slice %arg10[%dma_start3A, %dma_start3A_47] : memref<10008x128xf32, #tpu.memory_space<vmem_shared>> -> memref<16x128xf32, #tpu.memory_space<vmem_shared>>
        %dma_start3A_49 = arith.constant 9984 : i32
        %dma_start3A_50 = arith.constant 0 : i32
        %dma_start3A_51 = tpu.memref_slice %arg5[%dma_start3A_49, %dma_start3A_50] : memref<10000x128xf32, #tpu.memory_space<hbm>> -> memref<16x128xf32, #tpu.memory_space<hbm>>
        tpu.enqueue_dma source(%dma_start3A_51 : memref<16x128xf32, #tpu.memory_space<hbm>>) target(%dma_start3A_48 : memref<16x128xf32, #tpu.memory_space<vmem_shared>>) target_semaphore(%run_scoped3A : memref<!tpu.dma_semaphore, #tpu.memory_space<semaphore_mem>>)
        %dma_wait3A_52 = arith.constant 9984 : i32
        %dma_wait3A_53 = arith.constant 0 : i32
        %dma_wait3A_54 = tpu.memref_slice %arg10[%dma_wait3A_52, %dma_wait3A_53] : memref<10008x128xf32, #tpu.memory_space<vmem_shared>> -> memref<16x128xf32, #tpu.memory_space<vmem_shared>>
        %dma_wait3A_55 = arith.constant 9984 : i32
        %dma_wait3A_56 = arith.constant 0 : i32
        %dma_wait3A_57 = tpu.memref_slice %arg5[%dma_wait3A_55, %dma_wait3A_56] : memref<10000x128xf32, #tpu.memory_space<hbm>> -> memref<16x128xf32, #tpu.memory_space<hbm>>
        tpu.wait_dma2 semaphore(%run_scoped3A : memref<!tpu.dma_semaphore, #tpu.memory_space<semaphore_mem>>) src(%dma_wait3A_57 : memref<16x128xf32, #tpu.memory_space<hbm>>) dst(%dma_wait3A_54 : memref<16x128xf32, #tpu.memory_space<vmem_shared>>)
        tpu.yield
      }) : () -> ()
    } else {
    }
    %barrier3A = arith.constant 0 : index
    tpu.barrier barrier_id(%barrier3A)
    %scan3A = arith.constant 0 : i32
    %scan3A_10 = arith.constant 40 : i32
    %scan3A_11 = arith.addi %scan3A, %scan3A_10 : i32
    %scan3A_12 = arith.constant 1 : i32
    scf.for %scan3A_47 = %scan3A to %scan3A_11 step %scan3A_12  : i32 {
      %mul3A_48 = arith.constant 2 : i32
      %mul3A_49 = arith.muli %scan3A_47, %mul3A_48 : i32
      %add3A_50 = arith.constant 0 : i32
      %add3A_51 = arith.addi %add3A_50, %mul3A_49 : i32
      %rem3A = arith.constant 40 : i32
      %rem3A_52 = arith.remsi %add3A_51, %rem3A : i32
      %eq3A_53 = arith.constant 0 : i32
      %eq3A_54 = arith.cmpi eq, %rem3A_52, %eq3A_53 : i32
      %convert_element_type3A_55 = arith.extui %eq3A_54 : i1 to i32
      %cond3A_56 = arith.constant 0 : i32
      %cond3A_57 = arith.cmpi ne, %convert_element_type3A_55, %cond3A_56 : i32
      scf.if %cond3A_57 {
        %gt3A = arith.constant 0 : i32
        %gt3A_128 = arith.cmpi sgt, %add3A_51, %gt3A : i32
        %convert_element_type3A_129 = arith.extui %gt3A_128 : i1 to i32
        %cond3A_130 = arith.constant 0 : i32
        %cond3A_131 = arith.cmpi ne, %convert_element_type3A_129, %cond3A_130 : i32
        scf.if %cond3A_131 {
          %dma_wait3A_165 = arith.constant 0 : i32
          %dma_wait3A_166 = arith.constant 0 : i32
          %dma_wait3A_167 = arith.constant 0 : i32
          %dma_wait3A_168 = arith.constant 0 : i32
          %dma_wait3A_169 = tpu.memref_slice %arg9[%dma_wait3A_165, %dma_wait3A_167, %dma_wait3A_168] : memref<2x128x128xf32, #tpu.memory_space<vmem>> -> memref<1x128x128xf32, #tpu.memory_space<vmem>>
          %dma_wait3A_170 = tpu.memref_squeeze %dma_wait3A_169 : memref<1x128x128xf32, #tpu.memory_space<vmem>> -> memref<128x128xf32, #tpu.memory_space<vmem>>
          %dma_wait3A_171 = arith.constant 0 : i32
          %dma_wait3A_172 = tpu.memref_slice %arg8[%dma_wait3A_166, %dma_wait3A_171] : memref<40x128xi32, #tpu.memory_space<vmem>> -> memref<1x128xi32, #tpu.memory_space<vmem>>
          %dma_wait3A_173 = tpu.memref_squeeze %dma_wait3A_172 : memref<1x128xi32, #tpu.memory_space<vmem>> -> memref<128xi32, #tpu.memory_space<vmem>>
          %dma_wait3A_174 = arith.constant 0 : i32
          %dma_wait3A_175 = arith.constant 0 : i32
          %dma_wait3A_176 = tpu.memref_slice %arg10[%dma_wait3A_174, %dma_wait3A_175] : memref<10008x128xf32, #tpu.memory_space<vmem_shared>> -> memref<10008x128xf32, #tpu.memory_space<vmem_shared>>
          tpu.wait_indirect_dma semaphore(%arg13 : memref<!tpu.dma_semaphore, #tpu.memory_space<semaphore_mem>>) src(%dma_wait3A_170 : memref<128x128xf32, #tpu.memory_space<vmem>>) dst(%dma_wait3A_176 : memref<10008x128xf32, #tpu.memory_space<vmem_shared>>)
          %dma_wait3A_177 = arith.constant 1 : i32
          %dma_wait3A_178 = arith.constant 0 : i32
          %dma_wait3A_179 = arith.constant 0 : i32
          %dma_wait3A_180 = arith.constant 0 : i32
          %dma_wait3A_181 = tpu.memref_slice %arg9[%dma_wait3A_177, %dma_wait3A_179, %dma_wait3A_180] : memref<2x128x128xf32, #tpu.memory_space<vmem>> -> memref<1x128x128xf32, #tpu.memory_space<vmem>>
          %dma_wait3A_182 = tpu.memref_squeeze %dma_wait3A_181 : memref<1x128x128xf32, #tpu.memory_space<vmem>> -> memref<128x128xf32, #tpu.memory_space<vmem>>
          %dma_wait3A_183 = arith.constant 0 : i32
          %dma_wait3A_184 = tpu.memref_slice %arg8[%dma_wait3A_178, %dma_wait3A_183] : memref<40x128xi32, #tpu.memory_space<vmem>> -> memref<1x128xi32, #tpu.memory_space<vmem>>
          %dma_wait3A_185 = tpu.memref_squeeze %dma_wait3A_184 : memref<1x128xi32, #tpu.memory_space<vmem>> -> memref<128xi32, #tpu.memory_space<vmem>>
          %dma_wait3A_186 = arith.constant 0 : i32
          %dma_wait3A_187 = arith.constant 0 : i32
          %dma_wait3A_188 = tpu.memref_slice %arg10[%dma_wait3A_186, %dma_wait3A_187] : memref<10008x128xf32, #tpu.memory_space<vmem_shared>> -> memref<10008x128xf32, #tpu.memory_space<vmem_shared>>
          tpu.wait_indirect_dma semaphore(%arg14 : memref<!tpu.dma_semaphore, #tpu.memory_space<semaphore_mem>>) src(%dma_wait3A_182 : memref<128x128xf32, #tpu.memory_space<vmem>>) dst(%dma_wait3A_188 : memref<10008x128xf32, #tpu.memory_space<vmem_shared>>)
        } else {
        }
        %add3A_132 = arith.addi %mul3A_0, %add3A_51 : i32
        %multiple_of3A = tpu.assume_multiple %add3A_132, 8 : i32
        "tpu.region"() ({
          %run_scoped3A = tpu.sem_alloc : memref<!tpu.dma_semaphore, #tpu.memory_space<semaphore_mem>>
          %dma_start3A_165 = arith.constant 0 : i32
          %dma_start3A_166 = tpu.memref_slice %arg3[%multiple_of3A, %dma_start3A_165] : memref<1280x128xi32, #tpu.memory_space<hbm>> -> memref<40x128xi32, #tpu.memory_space<hbm>>
          %dma_start3A_167 = arith.constant 0 : i32
          %dma_start3A_168 = tpu.memref_slice %arg3[%multiple_of3A, %dma_start3A_167] : memref<1280x128xi32, #tpu.memory_space<hbm>> -> memref<40x128xi32, #tpu.memory_space<hbm>>
          tpu.enqueue_dma source(%dma_start3A_168 : memref<40x128xi32, #tpu.memory_space<hbm>>) target(%arg7 : memref<40x128xi32, #tpu.memory_space<vmem>>) target_semaphore(%run_scoped3A : memref<!tpu.dma_semaphore, #tpu.memory_space<semaphore_mem>>)
          %dma_wait3A_169 = arith.constant 0 : i32
          %dma_wait3A_170 = tpu.memref_slice %arg3[%multiple_of3A, %dma_wait3A_169] : memref<1280x128xi32, #tpu.memory_space<hbm>> -> memref<40x128xi32, #tpu.memory_space<hbm>>
          %dma_wait3A_171 = arith.constant 0 : i32
          %dma_wait3A_172 = tpu.memref_slice %arg3[%multiple_of3A, %dma_wait3A_171] : memref<1280x128xi32, #tpu.memory_space<hbm>> -> memref<40x128xi32, #tpu.memory_space<hbm>>
          tpu.wait_dma2 semaphore(%run_scoped3A : memref<!tpu.dma_semaphore, #tpu.memory_space<semaphore_mem>>) src(%dma_wait3A_172 : memref<40x128xi32, #tpu.memory_space<hbm>>) dst(%arg7 : memref<40x128xi32, #tpu.memory_space<vmem>>)
          tpu.yield
        }) : () -> ()
        "tpu.region"() ({
          %run_scoped3A = tpu.sem_alloc : memref<!tpu.dma_semaphore, #tpu.memory_space<semaphore_mem>>
          %dma_start3A_165 = arith.constant 0 : i32
          %dma_start3A_166 = tpu.memref_slice %arg4[%multiple_of3A, %dma_start3A_165] : memref<1280x128xi32, #tpu.memory_space<hbm>> -> memref<40x128xi32, #tpu.memory_space<hbm>>
          %dma_start3A_167 = arith.constant 0 : i32
          %dma_start3A_168 = tpu.memref_slice %arg4[%multiple_of3A, %dma_start3A_167] : memref<1280x128xi32, #tpu.memory_space<hbm>> -> memref<40x128xi32, #tpu.memory_space<hbm>>
          tpu.enqueue_dma source(%dma_start3A_168 : memref<40x128xi32, #tpu.memory_space<hbm>>) target(%arg8 : memref<40x128xi32, #tpu.memory_space<vmem>>) target_semaphore(%run_scoped3A : memref<!tpu.dma_semaphore, #tpu.memory_space<semaphore_mem>>)
          %dma_wait3A_169 = arith.constant 0 : i32
          %dma_wait3A_170 = tpu.memref_slice %arg4[%multiple_of3A, %dma_wait3A_169] : memref<1280x128xi32, #tpu.memory_space<hbm>> -> memref<40x128xi32, #tpu.memory_space<hbm>>
          %dma_wait3A_171 = arith.constant 0 : i32
          %dma_wait3A_172 = tpu.memref_slice %arg4[%multiple_of3A, %dma_wait3A_171] : memref<1280x128xi32, #tpu.memory_space<hbm>> -> memref<40x128xi32, #tpu.memory_space<hbm>>
          tpu.wait_dma2 semaphore(%run_scoped3A : memref<!tpu.dma_semaphore, #tpu.memory_space<semaphore_mem>>) src(%dma_wait3A_172 : memref<40x128xi32, #tpu.memory_space<hbm>>) dst(%arg8 : memref<40x128xi32, #tpu.memory_space<vmem>>)
          tpu.yield
        }) : () -> ()
        %dma_start3A_133 = arith.constant 0 : i32
        %dma_start3A_134 = arith.constant 0 : i32
        %dma_start3A_135 = arith.constant 0 : i32
        %dma_start3A_136 = arith.constant 0 : i32
        %dma_start3A_137 = tpu.memref_slice %arg9[%dma_start3A_134, %dma_start3A_135, %dma_start3A_136] : memref<2x128x128xf32, #tpu.memory_space<vmem>> -> memref<1x128x128xf32, #tpu.memory_space<vmem>>
        %dma_start3A_138 = tpu.memref_squeeze %dma_start3A_137 : memref<1x128x128xf32, #tpu.memory_space<vmem>> -> memref<128x128xf32, #tpu.memory_space<vmem>>
        %dma_start3A_139 = arith.constant 0 : i32
        %dma_start3A_140 = tpu.memref_slice %arg7[%dma_start3A_133, %dma_start3A_139] : memref<40x128xi32, #tpu.memory_space<vmem>> -> memref<1x128xi32, #tpu.memory_space<vmem>>
        %dma_start3A_141 = tpu.memref_squeeze %dma_start3A_140 : memref<1x128xi32, #tpu.memory_space<vmem>> -> memref<128xi32, #tpu.memory_space<vmem>>
        %dma_start3A_142 = arith.constant 0 : i32
        %dma_start3A_143 = arith.constant 0 : i32
        %dma_start3A_144 = tpu.memref_slice %arg2[%add3A_3, %dma_start3A_142, %dma_start3A_143] : memref<2x10000x128xf32, #tpu.memory_space<hbm>> -> memref<1x10000x128xf32, #tpu.memory_space<hbm>>
        %dma_start3A_145 = tpu.memref_squeeze %dma_start3A_144 : memref<1x10000x128xf32, #tpu.memory_space<hbm>> -> memref<10000x128xf32, #tpu.memory_space<hbm>>
        %dma_start3A_146 = arith.constant 0 : i32
        %dma_start3A_147 = arith.constant 0 : i32
        %dma_start3A_148 = tpu.memref_slice %dma_start3A_145[%dma_start3A_146, %dma_start3A_147] : memref<10000x128xf32, #tpu.memory_space<hbm>> -> memref<10000x128xf32, #tpu.memory_space<hbm>>
        tpu.enqueue_indirect_dma source(%dma_start3A_148 : memref<10000x128xf32, #tpu.memory_space<hbm>>) target(%dma_start3A_138 : memref<128x128xf32, #tpu.memory_space<vmem>>) offsets(%dma_start3A_141 : memref<128xi32, #tpu.memory_space<vmem>>) semaphore(%arg11 : memref<!tpu.dma_semaphore, #tpu.memory_space<semaphore_mem>>)
        %dma_start3A_149 = arith.constant 1 : i32
        %dma_start3A_150 = arith.constant 1 : i32
        %dma_start3A_151 = arith.constant 0 : i32
        %dma_start3A_152 = arith.constant 0 : i32
        %dma_start3A_153 = tpu.memref_slice %arg9[%dma_start3A_150, %dma_start3A_151, %dma_start3A_152] : memref<2x128x128xf32, #tpu.memory_space<vmem>> -> memref<1x128x128xf32, #tpu.memory_space<vmem>>
        %dma_start3A_154 = tpu.memref_squeeze %dma_start3A_153 : memref<1x128x128xf32, #tpu.memory_space<vmem>> -> memref<128x128xf32, #tpu.memory_space<vmem>>
        %dma_start3A_155 = arith.constant 0 : i32
        %dma_start3A_156 = tpu.memref_slice %arg7[%dma_start3A_149, %dma_start3A_155] : memref<40x128xi32, #tpu.memory_space<vmem>> -> memref<1x128xi32, #tpu.memory_space<vmem>>
        %dma_start3A_157 = tpu.memref_squeeze %dma_start3A_156 : memref<1x128xi32, #tpu.memory_space<vmem>> -> memref<128xi32, #tpu.memory_space<vmem>>
        %dma_start3A_158 = arith.constant 0 : i32
        %dma_start3A_159 = arith.constant 0 : i32
        %dma_start3A_160 = tpu.memref_slice %arg2[%add3A_3, %dma_start3A_158, %dma_start3A_159] : memref<2x10000x128xf32, #tpu.memory_space<hbm>> -> memref<1x10000x128xf32, #tpu.memory_space<hbm>>
        %dma_start3A_161 = tpu.memref_squeeze %dma_start3A_160 : memref<1x10000x128xf32, #tpu.memory_space<hbm>> -> memref<10000x128xf32, #tpu.memory_space<hbm>>
        %dma_start3A_162 = arith.constant 0 : i32
        %dma_start3A_163 = arith.constant 0 : i32
        %dma_start3A_164 = tpu.memref_slice %dma_start3A_161[%dma_start3A_162, %dma_start3A_163] : memref<10000x128xf32, #tpu.memory_space<hbm>> -> memref<10000x128xf32, #tpu.memory_space<hbm>>
        tpu.enqueue_indirect_dma source(%dma_start3A_164 : memref<10000x128xf32, #tpu.memory_space<hbm>>) target(%dma_start3A_154 : memref<128x128xf32, #tpu.memory_space<vmem>>) offsets(%dma_start3A_157 : memref<128xi32, #tpu.memory_space<vmem>>) semaphore(%arg12 : memref<!tpu.dma_semaphore, #tpu.memory_space<semaphore_mem>>)
      } else {
      }
      %dma_wait3A_58 = arith.constant 0 : i32
      %dma_wait3A_59 = arith.constant 0 : i32
      %dma_wait3A_60 = arith.constant 0 : i32
      %dma_wait3A_61 = arith.constant 0 : i32
      %dma_wait3A_62 = tpu.memref_slice %arg9[%dma_wait3A_59, %dma_wait3A_60, %dma_wait3A_61] : memref<2x128x128xf32, #tpu.memory_space<vmem>> -> memref<1x128x128xf32, #tpu.memory_space<vmem>>
      %dma_wait3A_63 = tpu.memref_squeeze %dma_wait3A_62 : memref<1x128x128xf32, #tpu.memory_space<vmem>> -> memref<128x128xf32, #tpu.memory_space<vmem>>
      %dma_wait3A_64 = arith.constant 0 : i32
      %dma_wait3A_65 = tpu.memref_slice %arg7[%dma_wait3A_58, %dma_wait3A_64] : memref<40x128xi32, #tpu.memory_space<vmem>> -> memref<1x128xi32, #tpu.memory_space<vmem>>
      %dma_wait3A_66 = tpu.memref_squeeze %dma_wait3A_65 : memref<1x128xi32, #tpu.memory_space<vmem>> -> memref<128xi32, #tpu.memory_space<vmem>>
      %dma_wait3A_67 = arith.constant 0 : i32
      %dma_wait3A_68 = arith.constant 0 : i32
      %dma_wait3A_69 = tpu.memref_slice %arg2[%add3A_3, %dma_wait3A_67, %dma_wait3A_68] : memref<2x10000x128xf32, #tpu.memory_space<hbm>> -> memref<1x10000x128xf32, #tpu.memory_space<hbm>>
      %dma_wait3A_70 = tpu.memref_squeeze %dma_wait3A_69 : memref<1x10000x128xf32, #tpu.memory_space<hbm>> -> memref<10000x128xf32, #tpu.memory_space<hbm>>
      %dma_wait3A_71 = arith.constant 0 : i32
      %dma_wait3A_72 = arith.constant 0 : i32
      %dma_wait3A_73 = tpu.memref_slice %dma_wait3A_70[%dma_wait3A_71, %dma_wait3A_72] : memref<10000x128xf32, #tpu.memory_space<hbm>> -> memref<10000x128xf32, #tpu.memory_space<hbm>>
      tpu.wait_indirect_dma semaphore(%arg11 : memref<!tpu.dma_semaphore, #tpu.memory_space<semaphore_mem>>) src(%dma_wait3A_73 : memref<10000x128xf32, #tpu.memory_space<hbm>>) dst(%dma_wait3A_63 : memref<128x128xf32, #tpu.memory_space<vmem>>)
      %dma_start3A = arith.constant 0 : i32
      %dma_start3A_74 = arith.constant 0 : i32
      %dma_start3A_75 = arith.constant 0 : i32
      %dma_start3A_76 = tpu.memref_slice %arg9[%dma_start3A, %dma_start3A_74, %dma_start3A_75] : memref<2x128x128xf32, #tpu.memory_space<vmem>> -> memref<1x128x128xf32, #tpu.memory_space<vmem>>
      %dma_start3A_77 = tpu.memref_squeeze %dma_start3A_76 : memref<1x128x128xf32, #tpu.memory_space<vmem>> -> memref<128x128xf32, #tpu.memory_space<vmem>>
      %dma_start3A_78 = arith.constant 0 : i32
      %dma_start3A_79 = tpu.memref_slice %arg8[%rem3A_52, %dma_start3A_78] : memref<40x128xi32, #tpu.memory_space<vmem>> -> memref<1x128xi32, #tpu.memory_space<vmem>>
      %dma_start3A_80 = tpu.memref_squeeze %dma_start3A_79 : memref<1x128xi32, #tpu.memory_space<vmem>> -> memref<128xi32, #tpu.memory_space<vmem>>
      %dma_start3A_81 = arith.constant 0 : i32
      %dma_start3A_82 = arith.constant 0 : i32
      %dma_start3A_83 = tpu.memref_slice %arg10[%dma_start3A_81, %dma_start3A_82] : memref<10008x128xf32, #tpu.memory_space<vmem_shared>> -> memref<10008x128xf32, #tpu.memory_space<vmem_shared>>
      tpu.enqueue_indirect_dma source(%dma_start3A_77 : memref<128x128xf32, #tpu.memory_space<vmem>>) target(%dma_start3A_83 : memref<10008x128xf32, #tpu.memory_space<vmem_shared>>) offsets(%dma_start3A_80 : memref<128xi32, #tpu.memory_space<vmem>>) semaphore(%arg13 : memref<!tpu.dma_semaphore, #tpu.memory_space<semaphore_mem>>) {add = true}
      %dma_wait3A_84 = arith.constant 0 : i32
      %dma_wait3A_85 = arith.constant 1 : i32
      %dma_wait3A_86 = arith.constant 0 : i32
      %dma_wait3A_87 = arith.constant 0 : i32
      %dma_wait3A_88 = tpu.memref_slice %arg9[%dma_wait3A_85, %dma_wait3A_86, %dma_wait3A_87] : memref<2x128x128xf32, #tpu.memory_space<vmem>> -> memref<1x128x128xf32, #tpu.memory_space<vmem>>
      %dma_wait3A_89 = tpu.memref_squeeze %dma_wait3A_88 : memref<1x128x128xf32, #tpu.memory_space<vmem>> -> memref<128x128xf32, #tpu.memory_space<vmem>>
      %dma_wait3A_90 = arith.constant 0 : i32
      %dma_wait3A_91 = tpu.memref_slice %arg7[%dma_wait3A_84, %dma_wait3A_90] : memref<40x128xi32, #tpu.memory_space<vmem>> -> memref<1x128xi32, #tpu.memory_space<vmem>>
      %dma_wait3A_92 = tpu.memref_squeeze %dma_wait3A_91 : memref<1x128xi32, #tpu.memory_space<vmem>> -> memref<128xi32, #tpu.memory_space<vmem>>
      %dma_wait3A_93 = arith.constant 0 : i32
      %dma_wait3A_94 = arith.constant 0 : i32
      %dma_wait3A_95 = tpu.memref_slice %arg2[%add3A_3, %dma_wait3A_93, %dma_wait3A_94] : memref<2x10000x128xf32, #tpu.memory_space<hbm>> -> memref<1x10000x128xf32, #tpu.memory_space<hbm>>
      %dma_wait3A_96 = tpu.memref_squeeze %dma_wait3A_95 : memref<1x10000x128xf32, #tpu.memory_space<hbm>> -> memref<10000x128xf32, #tpu.memory_space<hbm>>
      %dma_wait3A_97 = arith.constant 0 : i32
      %dma_wait3A_98 = arith.constant 0 : i32
      %dma_wait3A_99 = tpu.memref_slice %dma_wait3A_96[%dma_wait3A_97, %dma_wait3A_98] : memref<10000x128xf32, #tpu.memory_space<hbm>> -> memref<10000x128xf32, #tpu.memory_space<hbm>>
      tpu.wait_indirect_dma semaphore(%arg12 : memref<!tpu.dma_semaphore, #tpu.memory_space<semaphore_mem>>) src(%dma_wait3A_99 : memref<10000x128xf32, #tpu.memory_space<hbm>>) dst(%dma_wait3A_89 : memref<128x128xf32, #tpu.memory_space<vmem>>)
      %add3A_100 = arith.constant 1 : i32
      %add3A_101 = arith.addi %rem3A_52, %add3A_100 : i32
      %dma_start3A_102 = arith.constant 1 : i32
      %dma_start3A_103 = arith.constant 0 : i32
      %dma_start3A_104 = arith.constant 0 : i32
      %dma_start3A_105 = tpu.memref_slice %arg9[%dma_start3A_102, %dma_start3A_103, %dma_start3A_104] : memref<2x128x128xf32, #tpu.memory_space<vmem>> -> memref<1x128x128xf32, #tpu.memory_space<vmem>>
      %dma_start3A_106 = tpu.memref_squeeze %dma_start3A_105 : memref<1x128x128xf32, #tpu.memory_space<vmem>> -> memref<128x128xf32, #tpu.memory_space<vmem>>
      %dma_start3A_107 = arith.constant 0 : i32
      %dma_start3A_108 = tpu.memref_slice %arg8[%add3A_101, %dma_start3A_107] : memref<40x128xi32, #tpu.memory_space<vmem>> -> memref<1x128xi32, #tpu.memory_space<vmem>>
      %dma_start3A_109 = tpu.memref_squeeze %dma_start3A_108 : memref<1x128xi32, #tpu.memory_space<vmem>> -> memref<128xi32, #tpu.memory_space<vmem>>
      %dma_start3A_110 = arith.constant 0 : i32
      %dma_start3A_111 = arith.constant 0 : i32
      %dma_start3A_112 = tpu.memref_slice %arg10[%dma_start3A_110, %dma_start3A_111] : memref<10008x128xf32, #tpu.memory_space<vmem_shared>> -> memref<10008x128xf32, #tpu.memory_space<vmem_shared>>
      tpu.enqueue_indirect_dma source(%dma_start3A_106 : memref<128x128xf32, #tpu.memory_space<vmem>>) target(%dma_start3A_112 : memref<10008x128xf32, #tpu.memory_space<vmem_shared>>) offsets(%dma_start3A_109 : memref<128xi32, #tpu.memory_space<vmem>>) semaphore(%arg14 : memref<!tpu.dma_semaphore, #tpu.memory_space<semaphore_mem>>) {add = true}
      %add3A_113 = arith.constant 1 : i32
      %add3A_114 = arith.addi %rem3A_52, %add3A_113 : i32
      %add3A_115 = arith.constant 2 : i32
      %add3A_116 = arith.addi %rem3A_52, %add3A_115 : i32
      %lt3A = arith.constant 40 : i32
      %lt3A_117 = arith.cmpi slt, %add3A_116, %lt3A : i32
      %convert_element_type3A_118 = arith.extui %lt3A_117 : i1 to i32
      %cond3A_119 = arith.constant 0 : i32
      %cond3A_120 = arith.cmpi ne, %convert_element_type3A_118, %cond3A_119 : i32
      scf.if %cond3A_120 {
        %dma_wait3A_128 = arith.constant 0 : i32
        %dma_wait3A_129 = arith.constant 0 : i32
        %dma_wait3A_130 = arith.constant 0 : i32
        %dma_wait3A_131 = arith.constant 0 : i32
        %dma_wait3A_132 = tpu.memref_slice %arg9[%dma_wait3A_128, %dma_wait3A_130, %dma_wait3A_131] : memref<2x128x128xf32, #tpu.memory_space<vmem>> -> memref<1x128x128xf32, #tpu.memory_space<vmem>>
        %dma_wait3A_133 = tpu.memref_squeeze %dma_wait3A_132 : memref<1x128x128xf32, #tpu.memory_space<vmem>> -> memref<128x128xf32, #tpu.memory_space<vmem>>
        %dma_wait3A_134 = arith.constant 0 : i32
        %dma_wait3A_135 = tpu.memref_slice %arg8[%dma_wait3A_129, %dma_wait3A_134] : memref<40x128xi32, #tpu.memory_space<vmem>> -> memref<1x128xi32, #tpu.memory_space<vmem>>
        %dma_wait3A_136 = tpu.memref_squeeze %dma_wait3A_135 : memref<1x128xi32, #tpu.memory_space<vmem>> -> memref<128xi32, #tpu.memory_space<vmem>>
        %dma_wait3A_137 = arith.constant 0 : i32
        %dma_wait3A_138 = arith.constant 0 : i32
        %dma_wait3A_139 = tpu.memref_slice %arg10[%dma_wait3A_137, %dma_wait3A_138] : memref<10008x128xf32, #tpu.memory_space<vmem_shared>> -> memref<10008x128xf32, #tpu.memory_space<vmem_shared>>
        tpu.wait_indirect_dma semaphore(%arg13 : memref<!tpu.dma_semaphore, #tpu.memory_space<semaphore_mem>>) src(%dma_wait3A_133 : memref<128x128xf32, #tpu.memory_space<vmem>>) dst(%dma_wait3A_139 : memref<10008x128xf32, #tpu.memory_space<vmem_shared>>)
        %add3A_140 = arith.constant 2 : i32
        %add3A_141 = arith.addi %rem3A_52, %add3A_140 : i32
        %dma_start3A_142 = arith.constant 0 : i32
        %dma_start3A_143 = arith.constant 0 : i32
        %dma_start3A_144 = arith.constant 0 : i32
        %dma_start3A_145 = tpu.memref_slice %arg9[%dma_start3A_142, %dma_start3A_143, %dma_start3A_144] : memref<2x128x128xf32, #tpu.memory_space<vmem>> -> memref<1x128x128xf32, #tpu.memory_space<vmem>>
        %dma_start3A_146 = tpu.memref_squeeze %dma_start3A_145 : memref<1x128x128xf32, #tpu.memory_space<vmem>> -> memref<128x128xf32, #tpu.memory_space<vmem>>
        %dma_start3A_147 = arith.constant 0 : i32
        %dma_start3A_148 = tpu.memref_slice %arg7[%add3A_141, %dma_start3A_147] : memref<40x128xi32, #tpu.memory_space<vmem>> -> memref<1x128xi32, #tpu.memory_space<vmem>>
        %dma_start3A_149 = tpu.memref_squeeze %dma_start3A_148 : memref<1x128xi32, #tpu.memory_space<vmem>> -> memref<128xi32, #tpu.memory_space<vmem>>
        %dma_start3A_150 = arith.constant 0 : i32
        %dma_start3A_151 = arith.constant 0 : i32
        %dma_start3A_152 = tpu.memref_slice %arg2[%add3A_3, %dma_start3A_150, %dma_start3A_151] : memref<2x10000x128xf32, #tpu.memory_space<hbm>> -> memref<1x10000x128xf32, #tpu.memory_space<hbm>>
        %dma_start3A_153 = tpu.memref_squeeze %dma_start3A_152 : memref<1x10000x128xf32, #tpu.memory_space<hbm>> -> memref<10000x128xf32, #tpu.memory_space<hbm>>
        %dma_start3A_154 = arith.constant 0 : i32
        %dma_start3A_155 = arith.constant 0 : i32
        %dma_start3A_156 = tpu.memref_slice %dma_start3A_153[%dma_start3A_154, %dma_start3A_155] : memref<10000x128xf32, #tpu.memory_space<hbm>> -> memref<10000x128xf32, #tpu.memory_space<hbm>>
        tpu.enqueue_indirect_dma source(%dma_start3A_156 : memref<10000x128xf32, #tpu.memory_space<hbm>>) target(%dma_start3A_146 : memref<128x128xf32, #tpu.memory_space<vmem>>) offsets(%dma_start3A_149 : memref<128xi32, #tpu.memory_space<vmem>>) semaphore(%arg11 : memref<!tpu.dma_semaphore, #tpu.memory_space<semaphore_mem>>)
      } else {
      }
      %add3A_121 = arith.constant 3 : i32
      %add3A_122 = arith.addi %rem3A_52, %add3A_121 : i32
      %lt3A_123 = arith.constant 40 : i32
      %lt3A_124 = arith.cmpi slt, %add3A_122, %lt3A_123 : i32
      %convert_element_type3A_125 = arith.extui %lt3A_124 : i1 to i32
      %cond3A_126 = arith.constant 0 : i32
      %cond3A_127 = arith.cmpi ne, %convert_element_type3A_125, %cond3A_126 : i32
      scf.if %cond3A_127 {
        %dma_wait3A_128 = arith.constant 1 : i32
        %dma_wait3A_129 = arith.constant 0 : i32
        %dma_wait3A_130 = arith.constant 0 : i32
        %dma_wait3A_131 = arith.constant 0 : i32
        %dma_wait3A_132 = tpu.memref_slice %arg9[%dma_wait3A_128, %dma_wait3A_130, %dma_wait3A_131] : memref<2x128x128xf32, #tpu.memory_space<vmem>> -> memref<1x128x128xf32, #tpu.memory_space<vmem>>
        %dma_wait3A_133 = tpu.memref_squeeze %dma_wait3A_132 : memref<1x128x128xf32, #tpu.memory_space<vmem>> -> memref<128x128xf32, #tpu.memory_space<vmem>>
        %dma_wait3A_134 = arith.constant 0 : i32
        %dma_wait3A_135 = tpu.memref_slice %arg8[%dma_wait3A_129, %dma_wait3A_134] : memref<40x128xi32, #tpu.memory_space<vmem>> -> memref<1x128xi32, #tpu.memory_space<vmem>>
        %dma_wait3A_136 = tpu.memref_squeeze %dma_wait3A_135 : memref<1x128xi32, #tpu.memory_space<vmem>> -> memref<128xi32, #tpu.memory_space<vmem>>
        %dma_wait3A_137 = arith.constant 0 : i32
        %dma_wait3A_138 = arith.constant 0 : i32
        %dma_wait3A_139 = tpu.memref_slice %arg10[%dma_wait3A_137, %dma_wait3A_138] : memref<10008x128xf32, #tpu.memory_space<vmem_shared>> -> memref<10008x128xf32, #tpu.memory_space<vmem_shared>>
        tpu.wait_indirect_dma semaphore(%arg14 : memref<!tpu.dma_semaphore, #tpu.memory_space<semaphore_mem>>) src(%dma_wait3A_133 : memref<128x128xf32, #tpu.memory_space<vmem>>) dst(%dma_wait3A_139 : memref<10008x128xf32, #tpu.memory_space<vmem_shared>>)
        %add3A_140 = arith.constant 3 : i32
        %add3A_141 = arith.addi %rem3A_52, %add3A_140 : i32
        %dma_start3A_142 = arith.constant 1 : i32
        %dma_start3A_143 = arith.constant 0 : i32
        %dma_start3A_144 = arith.constant 0 : i32
        %dma_start3A_145 = tpu.memref_slice %arg9[%dma_start3A_142, %dma_start3A_143, %dma_start3A_144] : memref<2x128x128xf32, #tpu.memory_space<vmem>> -> memref<1x128x128xf32, #tpu.memory_space<vmem>>
        %dma_start3A_146 = tpu.memref_squeeze %dma_start3A_145 : memref<1x128x128xf32, #tpu.memory_space<vmem>> -> memref<128x128xf32, #tpu.memory_space<vmem>>
        %dma_start3A_147 = arith.constant 0 : i32
        %dma_start3A_148 = tpu.memref_slice %arg7[%add3A_141, %dma_start3A_147] : memref<40x128xi32, #tpu.memory_space<vmem>> -> memref<1x128xi32, #tpu.memory_space<vmem>>
        %dma_start3A_149 = tpu.memref_squeeze %dma_start3A_148 : memref<1x128xi32, #tpu.memory_space<vmem>> -> memref<128xi32, #tpu.memory_space<vmem>>
        %dma_start3A_150 = arith.constant 0 : i32
        %dma_start3A_151 = arith.constant 0 : i32
        %dma_start3A_152 = tpu.memref_slice %arg2[%add3A_3, %dma_start3A_150, %dma_start3A_151] : memref<2x10000x128xf32, #tpu.memory_space<hbm>> -> memref<1x10000x128xf32, #tpu.memory_space<hbm>>
        %dma_start3A_153 = tpu.memref_squeeze %dma_start3A_152 : memref<1x10000x128xf32, #tpu.memory_space<hbm>> -> memref<10000x128xf32, #tpu.memory_space<hbm>>
        %dma_start3A_154 = arith.constant 0 : i32
        %dma_start3A_155 = arith.constant 0 : i32
        %dma_start3A_156 = tpu.memref_slice %dma_start3A_153[%dma_start3A_154, %dma_start3A_155] : memref<10000x128xf32, #tpu.memory_space<hbm>> -> memref<10000x128xf32, #tpu.memory_space<hbm>>
        tpu.enqueue_indirect_dma source(%dma_start3A_156 : memref<10000x128xf32, #tpu.memory_space<hbm>>) target(%dma_start3A_146 : memref<128x128xf32, #tpu.memory_space<vmem>>) offsets(%dma_start3A_149 : memref<128xi32, #tpu.memory_space<vmem>>) semaphore(%arg12 : memref<!tpu.dma_semaphore, #tpu.memory_space<semaphore_mem>>)
      } else {
      }
    }
    %scan3A_13 = arith.constant 40 : i32
    %dma_wait3A = arith.constant 0 : i32
    %dma_wait3A_14 = arith.constant 0 : i32
    %dma_wait3A_15 = arith.constant 0 : i32
    %dma_wait3A_16 = arith.constant 0 : i32
    %dma_wait3A_17 = tpu.memref_slice %arg9[%dma_wait3A, %dma_wait3A_15, %dma_wait3A_16] : memref<2x128x128xf32, #tpu.memory_space<vmem>> -> memref<1x128x128xf32, #tpu.memory_space<vmem>>
    %dma_wait3A_18 = tpu.memref_squeeze %dma_wait3A_17 : memref<1x128x128xf32, #tpu.memory_space<vmem>> -> memref<128x128xf32, #tpu.memory_space<vmem>>
    %dma_wait3A_19 = arith.constant 0 : i32
    %dma_wait3A_20 = tpu.memref_slice %arg8[%dma_wait3A_14, %dma_wait3A_19] : memref<40x128xi32, #tpu.memory_space<vmem>> -> memref<1x128xi32, #tpu.memory_space<vmem>>
    %dma_wait3A_21 = tpu.memref_squeeze %dma_wait3A_20 : memref<1x128xi32, #tpu.memory_space<vmem>> -> memref<128xi32, #tpu.memory_space<vmem>>
    %dma_wait3A_22 = arith.constant 0 : i32
    %dma_wait3A_23 = arith.constant 0 : i32
    %dma_wait3A_24 = tpu.memref_slice %arg10[%dma_wait3A_22, %dma_wait3A_23] : memref<10008x128xf32, #tpu.memory_space<vmem_shared>> -> memref<10008x128xf32, #tpu.memory_space<vmem_shared>>
    tpu.wait_indirect_dma semaphore(%arg13 : memref<!tpu.dma_semaphore, #tpu.memory_space<semaphore_mem>>) src(%dma_wait3A_18 : memref<128x128xf32, #tpu.memory_space<vmem>>) dst(%dma_wait3A_24 : memref<10008x128xf32, #tpu.memory_space<vmem_shared>>)
    %dma_wait3A_25 = arith.constant 1 : i32
    %dma_wait3A_26 = arith.constant 0 : i32
    %dma_wait3A_27 = arith.constant 0 : i32
    %dma_wait3A_28 = arith.constant 0 : i32
    %dma_wait3A_29 = tpu.memref_slice %arg9[%dma_wait3A_25, %dma_wait3A_27, %dma_wait3A_28] : memref<2x128x128xf32, #tpu.memory_space<vmem>> -> memref<1x128x128xf32, #tpu.memory_space<vmem>>
    %dma_wait3A_30 = tpu.memref_squeeze %dma_wait3A_29 : memref<1x128x128xf32, #tpu.memory_space<vmem>> -> memref<128x128xf32, #tpu.memory_space<vmem>>
    %dma_wait3A_31 = arith.constant 0 : i32
    %dma_wait3A_32 = tpu.memref_slice %arg8[%dma_wait3A_26, %dma_wait3A_31] : memref<40x128xi32, #tpu.memory_space<vmem>> -> memref<1x128xi32, #tpu.memory_space<vmem>>
    %dma_wait3A_33 = tpu.memref_squeeze %dma_wait3A_32 : memref<1x128xi32, #tpu.memory_space<vmem>> -> memref<128xi32, #tpu.memory_space<vmem>>
    %dma_wait3A_34 = arith.constant 0 : i32
    %dma_wait3A_35 = arith.constant 0 : i32
    %dma_wait3A_36 = tpu.memref_slice %arg10[%dma_wait3A_34, %dma_wait3A_35] : memref<10008x128xf32, #tpu.memory_space<vmem_shared>> -> memref<10008x128xf32, #tpu.memory_space<vmem_shared>>
    tpu.wait_indirect_dma semaphore(%arg14 : memref<!tpu.dma_semaphore, #tpu.memory_space<semaphore_mem>>) src(%dma_wait3A_30 : memref<128x128xf32, #tpu.memory_space<vmem>>) dst(%dma_wait3A_36 : memref<10008x128xf32, #tpu.memory_space<vmem_shared>>)
    %barrier3A_37 = arith.constant 0 : index
    tpu.barrier barrier_id(%barrier3A_37)
    %mul3A_38 = arith.constant 624 : i32
    %mul3A_39 = arith.muli %arg1, %mul3A_38 : i32
    %mul3A_40 = arith.constant 624 : i32
    %mul3A_41 = arith.muli %arg1, %mul3A_40 : i32
    "tpu.region"() ({
      %run_scoped3A = tpu.sem_alloc : memref<!tpu.dma_semaphore, #tpu.memory_space<semaphore_mem>>
      %dma_start3A = arith.constant 0 : i32
      %dma_start3A_47 = arith.constant 0 : i32
      %dma_start3A_48 = tpu.memref_slice %arg6[%add3A_3, %dma_start3A, %dma_start3A_47] : memref<2x10000x128xf32, #tpu.memory_space<hbm>> -> memref<1x10000x128xf32, #tpu.memory_space<hbm>>
      %dma_start3A_49 = tpu.memref_squeeze %dma_start3A_48 : memref<1x10000x128xf32, #tpu.memory_space<hbm>> -> memref<10000x128xf32, #tpu.memory_space<hbm>>
      %dma_start3A_50 = arith.constant 0 : i32
      %dma_start3A_51 = tpu.memref_slice %dma_start3A_49[%mul3A_41, %dma_start3A_50] : memref<10000x128xf32, #tpu.memory_space<hbm>> -> memref<624x128xf32, #tpu.memory_space<hbm>>
      %dma_start3A_52 = arith.constant 0 : i32
      %dma_start3A_53 = tpu.memref_slice %arg10[%mul3A_39, %dma_start3A_52] : memref<10008x128xf32, #tpu.memory_space<vmem_shared>> -> memref<624x128xf32, #tpu.memory_space<vmem_shared>>
      tpu.enqueue_dma source(%dma_start3A_53 : memref<624x128xf32, #tpu.memory_space<vmem_shared>>) target(%dma_start3A_51 : memref<624x128xf32, #tpu.memory_space<hbm>>) target_semaphore(%run_scoped3A : memref<!tpu.dma_semaphore, #tpu.memory_space<semaphore_mem>>)
      %dma_wait3A_54 = arith.constant 0 : i32
      %dma_wait3A_55 = arith.constant 0 : i32
      %dma_wait3A_56 = tpu.memref_slice %arg6[%add3A_3, %dma_wait3A_54, %dma_wait3A_55] : memref<2x10000x128xf32, #tpu.memory_space<hbm>> -> memref<1x10000x128xf32, #tpu.memory_space<hbm>>
      %dma_wait3A_57 = tpu.memref_squeeze %dma_wait3A_56 : memref<1x10000x128xf32, #tpu.memory_space<hbm>> -> memref<10000x128xf32, #tpu.memory_space<hbm>>
      %dma_wait3A_58 = arith.constant 0 : i32
      %dma_wait3A_59 = tpu.memref_slice %dma_wait3A_57[%mul3A_41, %dma_wait3A_58] : memref<10000x128xf32, #tpu.memory_space<hbm>> -> memref<624x128xf32, #tpu.memory_space<hbm>>
      %dma_wait3A_60 = arith.constant 0 : i32
      %dma_wait3A_61 = tpu.memref_slice %arg10[%mul3A_39, %dma_wait3A_60] : memref<10008x128xf32, #tpu.memory_space<vmem_shared>> -> memref<624x128xf32, #tpu.memory_space<vmem_shared>>
      tpu.wait_dma2 semaphore(%run_scoped3A : memref<!tpu.dma_semaphore, #tpu.memory_space<semaphore_mem>>) src(%dma_wait3A_61 : memref<624x128xf32, #tpu.memory_space<vmem_shared>>) dst(%dma_wait3A_59 : memref<624x128xf32, #tpu.memory_space<hbm>>)
      tpu.yield
    }) : () -> ()
    %eq3A_42 = arith.constant 15 : i32
    %eq3A_43 = arith.cmpi eq, %arg1, %eq3A_42 : i32
    %convert_element_type3A_44 = arith.extui %eq3A_43 : i1 to i32
    %cond3A_45 = arith.constant 0 : i32
    %cond3A_46 = arith.cmpi ne, %convert_element_type3A_44, %cond3A_45 : i32
    scf.if %cond3A_46 {
      "tpu.region"() ({
        %run_scoped3A = tpu.sem_alloc : memref<!tpu.dma_semaphore, #tpu.memory_space<semaphore_mem>>
        %dma_start3A = arith.constant 0 : i32
        %dma_start3A_47 = arith.constant 0 : i32
        %dma_start3A_48 = tpu.memref_slice %arg6[%add3A_3, %dma_start3A, %dma_start3A_47] : memref<2x10000x128xf32, #tpu.memory_space<hbm>> -> memref<1x10000x128xf32, #tpu.memory_space<hbm>>
        %dma_start3A_49 = tpu.memref_squeeze %dma_start3A_48 : memref<1x10000x128xf32, #tpu.memory_space<hbm>> -> memref<10000x128xf32, #tpu.memory_space<hbm>>
        %dma_start3A_50 = arith.constant 9984 : i32
        %dma_start3A_51 = arith.constant 0 : i32
        %dma_start3A_52 = tpu.memref_slice %dma_start3A_49[%dma_start3A_50, %dma_start3A_51] : memref<10000x128xf32, #tpu.memory_space<hbm>> -> memref<16x128xf32, #tpu.memory_space<hbm>>
        %dma_start3A_53 = arith.constant 9984 : i32
        %dma_start3A_54 = arith.constant 0 : i32
        %dma_start3A_55 = tpu.memref_slice %arg10[%dma_start3A_53, %dma_start3A_54] : memref<10008x128xf32, #tpu.memory_space<vmem_shared>> -> memref<16x128xf32, #tpu.memory_space<vmem_shared>>
        tpu.enqueue_dma source(%dma_start3A_55 : memref<16x128xf32, #tpu.memory_space<vmem_shared>>) target(%dma_start3A_52 : memref<16x128xf32, #tpu.memory_space<hbm>>) target_semaphore(%run_scoped3A : memref<!tpu.dma_semaphore, #tpu.memory_space<semaphore_mem>>)
        %dma_wait3A_56 = arith.constant 0 : i32
        %dma_wait3A_57 = arith.constant 0 : i32
        %dma_wait3A_58 = tpu.memref_slice %arg6[%add3A_3, %dma_wait3A_56, %dma_wait3A_57] : memref<2x10000x128xf32, #tpu.memory_space<hbm>> -> memref<1x10000x128xf32, #tpu.memory_space<hbm>>
        %dma_wait3A_59 = tpu.memref_squeeze %dma_wait3A_58 : memref<1x10000x128xf32, #tpu.memory_space<hbm>> -> memref<10000x128xf32, #tpu.memory_space<hbm>>
        %dma_wait3A_60 = arith.constant 9984 : i32
        %dma_wait3A_61 = arith.constant 0 : i32
        %dma_wait3A_62 = tpu.memref_slice %dma_wait3A_59[%dma_wait3A_60, %dma_wait3A_61] : memref<10000x128xf32, #tpu.memory_space<hbm>> -> memref<16x128xf32, #tpu.memory_space<hbm>>
        %dma_wait3A_63 = arith.constant 9984 : i32
        %dma_wait3A_64 = arith.constant 0 : i32
        %dma_wait3A_65 = tpu.memref_slice %arg10[%dma_wait3A_63, %dma_wait3A_64] : memref<10008x128xf32, #tpu.memory_space<vmem_shared>> -> memref<16x128xf32, #tpu.memory_space<vmem_shared>>
        tpu.wait_dma2 semaphore(%run_scoped3A : memref<!tpu.dma_semaphore, #tpu.memory_space<semaphore_mem>>) src(%dma_wait3A_65 : memref<16x128xf32, #tpu.memory_space<vmem_shared>>) dst(%dma_wait3A_62 : memref<16x128xf32, #tpu.memory_space<hbm>>)
        tpu.yield
      }) : () -> ()
    } else {
    }
    return
  }
}

#map = affine_map<(d0, d1) -> (0, 0, 0)>
#map1 = affine_map<(d0, d1) -> (0, 0)>
module attributes {stable_mosaic.version = 14 : i64} {
  func.func @_agg_body(%arg0: i32, %arg1: i32, %arg2: memref<4x10000x128xf32, #tpu.memory_space<hbm>>, %arg3: memref<1280x128xi32, #tpu.memory_space<hbm>>, %arg4: memref<1280x128xi32, #tpu.memory_space<hbm>>, %arg5: memref<10000x128xf32, #tpu.memory_space<hbm>>, %arg6: memref<4x10000x128xf32, #tpu.memory_space<hbm>>, %arg7: memref<40x128xi32, #tpu.memory_space<vmem>>, %arg8: memref<40x128xi32, #tpu.memory_space<vmem>>, %arg9: memref<2x128x128xf32, #tpu.memory_space<vmem>>, %arg10: memref<10008x128xf32, #tpu.memory_space<vmem_shared>>, %arg11: memref<!tpu.dma_semaphore, #tpu.memory_space<semaphore_mem>>, %arg12: memref<!tpu.dma_semaphore, #tpu.memory_space<semaphore_mem>>, %arg13: memref<!tpu.dma_semaphore, #tpu.memory_space<semaphore_mem>>, %arg14: memref<!tpu.dma_semaphore, #tpu.memory_space<semaphore_mem>>) attributes {dimension_semantics = [#tpu.dimension_semantics<core_parallel>, #tpu.dimension_semantics<subcore_parallel>], iteration_bounds = array<i64: 2, 16>, scalar_prefetch = 0 : i64, scratch_operands = 8 : i64, tpu.core_type = #tpu.core_type<sc_vector_subcore>, window_params = [{transform_indices = #map}, {transform_indices = #map1}, {transform_indices = #map1}, {transform_indices = #map1}, {transform_indices = #map}]} {
    %mul3A = arith.constant 80 : i32
    %mul3A_0 = arith.muli %arg1, %mul3A : i32
    %mul3A_1 = arith.constant 2 : i32
    %mul3A_2 = arith.muli %arg0, %mul3A_1 : i32
    %add3A = arith.constant 0 : i32
    %add3A_3 = arith.addi %mul3A_2, %add3A : i32
    %mul3A_4 = arith.constant 624 : i32
    %mul3A_5 = arith.muli %arg1, %mul3A_4 : i32
    %mul3A_6 = arith.constant 624 : i32
    %mul3A_7 = arith.muli %arg1, %mul3A_6 : i32
    "tpu.region"() ({
      %run_scoped3A = tpu.sem_alloc : memref<!tpu.dma_semaphore, #tpu.memory_space<semaphore_mem>>
      %dma_start3A = arith.constant 0 : i32
      %dma_start3A_101 = tpu.memref_slice %arg10[%mul3A_7, %dma_start3A] : memref<10008x128xf32, #tpu.memory_space<vmem_shared>> -> memref<624x128xf32, #tpu.memory_space<vmem_shared>>
      %dma_start3A_102 = arith.constant 0 : i32
      %dma_start3A_103 = tpu.memref_slice %arg5[%mul3A_5, %dma_start3A_102] : memref<10000x128xf32, #tpu.memory_space<hbm>> -> memref<624x128xf32, #tpu.memory_space<hbm>>
      tpu.enqueue_dma source(%dma_start3A_103 : memref<624x128xf32, #tpu.memory_space<hbm>>) target(%dma_start3A_101 : memref<624x128xf32, #tpu.memory_space<vmem_shared>>) target_semaphore(%run_scoped3A : memref<!tpu.dma_semaphore, #tpu.memory_space<semaphore_mem>>)
      %dma_wait3A_104 = arith.constant 0 : i32
      %dma_wait3A_105 = tpu.memref_slice %arg10[%mul3A_7, %dma_wait3A_104] : memref<10008x128xf32, #tpu.memory_space<vmem_shared>> -> memref<624x128xf32, #tpu.memory_space<vmem_shared>>
      %dma_wait3A_106 = arith.constant 0 : i32
      %dma_wait3A_107 = tpu.memref_slice %arg5[%mul3A_5, %dma_wait3A_106] : memref<10000x128xf32, #tpu.memory_space<hbm>> -> memref<624x128xf32, #tpu.memory_space<hbm>>
      tpu.wait_dma2 semaphore(%run_scoped3A : memref<!tpu.dma_semaphore, #tpu.memory_space<semaphore_mem>>) src(%dma_wait3A_107 : memref<624x128xf32, #tpu.memory_space<hbm>>) dst(%dma_wait3A_105 : memref<624x128xf32, #tpu.memory_space<vmem_shared>>)
      tpu.yield
    }) : () -> ()
    %eq3A = arith.constant 15 : i32
    %eq3A_8 = arith.cmpi eq, %arg1, %eq3A : i32
    %convert_element_type3A = arith.extui %eq3A_8 : i1 to i32
    %cond3A = arith.constant 0 : i32
    %cond3A_9 = arith.cmpi ne, %convert_element_type3A, %cond3A : i32
    scf.if %cond3A_9 {
      "tpu.region"() ({
        %run_scoped3A = tpu.sem_alloc : memref<!tpu.dma_semaphore, #tpu.memory_space<semaphore_mem>>
        %dma_start3A = arith.constant 9984 : i32
        %dma_start3A_101 = arith.constant 0 : i32
        %dma_start3A_102 = tpu.memref_slice %arg10[%dma_start3A, %dma_start3A_101] : memref<10008x128xf32, #tpu.memory_space<vmem_shared>> -> memref<16x128xf32, #tpu.memory_space<vmem_shared>>
        %dma_start3A_103 = arith.constant 9984 : i32
        %dma_start3A_104 = arith.constant 0 : i32
        %dma_start3A_105 = tpu.memref_slice %arg5[%dma_start3A_103, %dma_start3A_104] : memref<10000x128xf32, #tpu.memory_space<hbm>> -> memref<16x128xf32, #tpu.memory_space<hbm>>
        tpu.enqueue_dma source(%dma_start3A_105 : memref<16x128xf32, #tpu.memory_space<hbm>>) target(%dma_start3A_102 : memref<16x128xf32, #tpu.memory_space<vmem_shared>>) target_semaphore(%run_scoped3A : memref<!tpu.dma_semaphore, #tpu.memory_space<semaphore_mem>>)
        %dma_wait3A_106 = arith.constant 9984 : i32
        %dma_wait3A_107 = arith.constant 0 : i32
        %dma_wait3A_108 = tpu.memref_slice %arg10[%dma_wait3A_106, %dma_wait3A_107] : memref<10008x128xf32, #tpu.memory_space<vmem_shared>> -> memref<16x128xf32, #tpu.memory_space<vmem_shared>>
        %dma_wait3A_109 = arith.constant 9984 : i32
        %dma_wait3A_110 = arith.constant 0 : i32
        %dma_wait3A_111 = tpu.memref_slice %arg5[%dma_wait3A_109, %dma_wait3A_110] : memref<10000x128xf32, #tpu.memory_space<hbm>> -> memref<16x128xf32, #tpu.memory_space<hbm>>
        tpu.wait_dma2 semaphore(%run_scoped3A : memref<!tpu.dma_semaphore, #tpu.memory_space<semaphore_mem>>) src(%dma_wait3A_111 : memref<16x128xf32, #tpu.memory_space<hbm>>) dst(%dma_wait3A_108 : memref<16x128xf32, #tpu.memory_space<vmem_shared>>)
        tpu.yield
      }) : () -> ()
    } else {
    }
    %barrier3A = arith.constant 0 : index
    tpu.barrier barrier_id(%barrier3A)
    %scan3A = arith.constant 0 : i32
    %scan3A_10 = arith.constant 40 : i32
    %scan3A_11 = arith.addi %scan3A, %scan3A_10 : i32
    %scan3A_12 = arith.constant 1 : i32
    scf.for %scan3A_101 = %scan3A to %scan3A_11 step %scan3A_12  : i32 {
      %mul3A_102 = arith.constant 2 : i32
      %mul3A_103 = arith.muli %scan3A_101, %mul3A_102 : i32
      %add3A_104 = arith.constant 0 : i32
      %add3A_105 = arith.addi %add3A_104, %mul3A_103 : i32
      %rem3A = arith.constant 40 : i32
      %rem3A_106 = arith.remsi %add3A_105, %rem3A : i32
      %eq3A_107 = arith.constant 0 : i32
      %eq3A_108 = arith.cmpi eq, %rem3A_106, %eq3A_107 : i32
      %convert_element_type3A_109 = arith.extui %eq3A_108 : i1 to i32
      %cond3A_110 = arith.constant 0 : i32
      %cond3A_111 = arith.cmpi ne, %convert_element_type3A_109, %cond3A_110 : i32
      scf.if %cond3A_111 {
        %gt3A = arith.constant 0 : i32
        %gt3A_182 = arith.cmpi sgt, %add3A_105, %gt3A : i32
        %convert_element_type3A_183 = arith.extui %gt3A_182 : i1 to i32
        %cond3A_184 = arith.constant 0 : i32
        %cond3A_185 = arith.cmpi ne, %convert_element_type3A_183, %cond3A_184 : i32
        scf.if %cond3A_185 {
          %dma_wait3A_219 = arith.constant 0 : i32
          %dma_wait3A_220 = arith.constant 0 : i32
          %dma_wait3A_221 = arith.constant 0 : i32
          %dma_wait3A_222 = arith.constant 0 : i32
          %dma_wait3A_223 = tpu.memref_slice %arg9[%dma_wait3A_219, %dma_wait3A_221, %dma_wait3A_222] : memref<2x128x128xf32, #tpu.memory_space<vmem>> -> memref<1x128x128xf32, #tpu.memory_space<vmem>>
          %dma_wait3A_224 = tpu.memref_squeeze %dma_wait3A_223 : memref<1x128x128xf32, #tpu.memory_space<vmem>> -> memref<128x128xf32, #tpu.memory_space<vmem>>
          %dma_wait3A_225 = arith.constant 0 : i32
          %dma_wait3A_226 = tpu.memref_slice %arg8[%dma_wait3A_220, %dma_wait3A_225] : memref<40x128xi32, #tpu.memory_space<vmem>> -> memref<1x128xi32, #tpu.memory_space<vmem>>
          %dma_wait3A_227 = tpu.memref_squeeze %dma_wait3A_226 : memref<1x128xi32, #tpu.memory_space<vmem>> -> memref<128xi32, #tpu.memory_space<vmem>>
          %dma_wait3A_228 = arith.constant 0 : i32
          %dma_wait3A_229 = arith.constant 0 : i32
          %dma_wait3A_230 = tpu.memref_slice %arg10[%dma_wait3A_228, %dma_wait3A_229] : memref<10008x128xf32, #tpu.memory_space<vmem_shared>> -> memref<10008x128xf32, #tpu.memory_space<vmem_shared>>
          tpu.wait_indirect_dma semaphore(%arg13 : memref<!tpu.dma_semaphore, #tpu.memory_space<semaphore_mem>>) src(%dma_wait3A_224 : memref<128x128xf32, #tpu.memory_space<vmem>>) dst(%dma_wait3A_230 : memref<10008x128xf32, #tpu.memory_space<vmem_shared>>)
          %dma_wait3A_231 = arith.constant 1 : i32
          %dma_wait3A_232 = arith.constant 0 : i32
          %dma_wait3A_233 = arith.constant 0 : i32
          %dma_wait3A_234 = arith.constant 0 : i32
          %dma_wait3A_235 = tpu.memref_slice %arg9[%dma_wait3A_231, %dma_wait3A_233, %dma_wait3A_234] : memref<2x128x128xf32, #tpu.memory_space<vmem>> -> memref<1x128x128xf32, #tpu.memory_space<vmem>>
          %dma_wait3A_236 = tpu.memref_squeeze %dma_wait3A_235 : memref<1x128x128xf32, #tpu.memory_space<vmem>> -> memref<128x128xf32, #tpu.memory_space<vmem>>
          %dma_wait3A_237 = arith.constant 0 : i32
          %dma_wait3A_238 = tpu.memref_slice %arg8[%dma_wait3A_232, %dma_wait3A_237] : memref<40x128xi32, #tpu.memory_space<vmem>> -> memref<1x128xi32, #tpu.memory_space<vmem>>
          %dma_wait3A_239 = tpu.memref_squeeze %dma_wait3A_238 : memref<1x128xi32, #tpu.memory_space<vmem>> -> memref<128xi32, #tpu.memory_space<vmem>>
          %dma_wait3A_240 = arith.constant 0 : i32
          %dma_wait3A_241 = arith.constant 0 : i32
          %dma_wait3A_242 = tpu.memref_slice %arg10[%dma_wait3A_240, %dma_wait3A_241] : memref<10008x128xf32, #tpu.memory_space<vmem_shared>> -> memref<10008x128xf32, #tpu.memory_space<vmem_shared>>
          tpu.wait_indirect_dma semaphore(%arg14 : memref<!tpu.dma_semaphore, #tpu.memory_space<semaphore_mem>>) src(%dma_wait3A_236 : memref<128x128xf32, #tpu.memory_space<vmem>>) dst(%dma_wait3A_242 : memref<10008x128xf32, #tpu.memory_space<vmem_shared>>)
        } else {
        }
        %add3A_186 = arith.addi %mul3A_0, %add3A_105 : i32
        %multiple_of3A = tpu.assume_multiple %add3A_186, 8 : i32
        "tpu.region"() ({
          %run_scoped3A = tpu.sem_alloc : memref<!tpu.dma_semaphore, #tpu.memory_space<semaphore_mem>>
          %dma_start3A_219 = arith.constant 0 : i32
          %dma_start3A_220 = tpu.memref_slice %arg3[%multiple_of3A, %dma_start3A_219] : memref<1280x128xi32, #tpu.memory_space<hbm>> -> memref<40x128xi32, #tpu.memory_space<hbm>>
          %dma_start3A_221 = arith.constant 0 : i32
          %dma_start3A_222 = tpu.memref_slice %arg3[%multiple_of3A, %dma_start3A_221] : memref<1280x128xi32, #tpu.memory_space<hbm>> -> memref<40x128xi32, #tpu.memory_space<hbm>>
          tpu.enqueue_dma source(%dma_start3A_222 : memref<40x128xi32, #tpu.memory_space<hbm>>) target(%arg7 : memref<40x128xi32, #tpu.memory_space<vmem>>) target_semaphore(%run_scoped3A : memref<!tpu.dma_semaphore, #tpu.memory_space<semaphore_mem>>)
          %dma_wait3A_223 = arith.constant 0 : i32
          %dma_wait3A_224 = tpu.memref_slice %arg3[%multiple_of3A, %dma_wait3A_223] : memref<1280x128xi32, #tpu.memory_space<hbm>> -> memref<40x128xi32, #tpu.memory_space<hbm>>
          %dma_wait3A_225 = arith.constant 0 : i32
          %dma_wait3A_226 = tpu.memref_slice %arg3[%multiple_of3A, %dma_wait3A_225] : memref<1280x128xi32, #tpu.memory_space<hbm>> -> memref<40x128xi32, #tpu.memory_space<hbm>>
          tpu.wait_dma2 semaphore(%run_scoped3A : memref<!tpu.dma_semaphore, #tpu.memory_space<semaphore_mem>>) src(%dma_wait3A_226 : memref<40x128xi32, #tpu.memory_space<hbm>>) dst(%arg7 : memref<40x128xi32, #tpu.memory_space<vmem>>)
          tpu.yield
        }) : () -> ()
        "tpu.region"() ({
          %run_scoped3A = tpu.sem_alloc : memref<!tpu.dma_semaphore, #tpu.memory_space<semaphore_mem>>
          %dma_start3A_219 = arith.constant 0 : i32
          %dma_start3A_220 = tpu.memref_slice %arg4[%multiple_of3A, %dma_start3A_219] : memref<1280x128xi32, #tpu.memory_space<hbm>> -> memref<40x128xi32, #tpu.memory_space<hbm>>
          %dma_start3A_221 = arith.constant 0 : i32
          %dma_start3A_222 = tpu.memref_slice %arg4[%multiple_of3A, %dma_start3A_221] : memref<1280x128xi32, #tpu.memory_space<hbm>> -> memref<40x128xi32, #tpu.memory_space<hbm>>
          tpu.enqueue_dma source(%dma_start3A_222 : memref<40x128xi32, #tpu.memory_space<hbm>>) target(%arg8 : memref<40x128xi32, #tpu.memory_space<vmem>>) target_semaphore(%run_scoped3A : memref<!tpu.dma_semaphore, #tpu.memory_space<semaphore_mem>>)
          %dma_wait3A_223 = arith.constant 0 : i32
          %dma_wait3A_224 = tpu.memref_slice %arg4[%multiple_of3A, %dma_wait3A_223] : memref<1280x128xi32, #tpu.memory_space<hbm>> -> memref<40x128xi32, #tpu.memory_space<hbm>>
          %dma_wait3A_225 = arith.constant 0 : i32
          %dma_wait3A_226 = tpu.memref_slice %arg4[%multiple_of3A, %dma_wait3A_225] : memref<1280x128xi32, #tpu.memory_space<hbm>> -> memref<40x128xi32, #tpu.memory_space<hbm>>
          tpu.wait_dma2 semaphore(%run_scoped3A : memref<!tpu.dma_semaphore, #tpu.memory_space<semaphore_mem>>) src(%dma_wait3A_226 : memref<40x128xi32, #tpu.memory_space<hbm>>) dst(%arg8 : memref<40x128xi32, #tpu.memory_space<vmem>>)
          tpu.yield
        }) : () -> ()
        %dma_start3A_187 = arith.constant 0 : i32
        %dma_start3A_188 = arith.constant 0 : i32
        %dma_start3A_189 = arith.constant 0 : i32
        %dma_start3A_190 = arith.constant 0 : i32
        %dma_start3A_191 = tpu.memref_slice %arg9[%dma_start3A_188, %dma_start3A_189, %dma_start3A_190] : memref<2x128x128xf32, #tpu.memory_space<vmem>> -> memref<1x128x128xf32, #tpu.memory_space<vmem>>
        %dma_start3A_192 = tpu.memref_squeeze %dma_start3A_191 : memref<1x128x128xf32, #tpu.memory_space<vmem>> -> memref<128x128xf32, #tpu.memory_space<vmem>>
        %dma_start3A_193 = arith.constant 0 : i32
        %dma_start3A_194 = tpu.memref_slice %arg7[%dma_start3A_187, %dma_start3A_193] : memref<40x128xi32, #tpu.memory_space<vmem>> -> memref<1x128xi32, #tpu.memory_space<vmem>>
        %dma_start3A_195 = tpu.memref_squeeze %dma_start3A_194 : memref<1x128xi32, #tpu.memory_space<vmem>> -> memref<128xi32, #tpu.memory_space<vmem>>
        %dma_start3A_196 = arith.constant 0 : i32
        %dma_start3A_197 = arith.constant 0 : i32
        %dma_start3A_198 = tpu.memref_slice %arg2[%add3A_3, %dma_start3A_196, %dma_start3A_197] : memref<4x10000x128xf32, #tpu.memory_space<hbm>> -> memref<1x10000x128xf32, #tpu.memory_space<hbm>>
        %dma_start3A_199 = tpu.memref_squeeze %dma_start3A_198 : memref<1x10000x128xf32, #tpu.memory_space<hbm>> -> memref<10000x128xf32, #tpu.memory_space<hbm>>
        %dma_start3A_200 = arith.constant 0 : i32
        %dma_start3A_201 = arith.constant 0 : i32
        %dma_start3A_202 = tpu.memref_slice %dma_start3A_199[%dma_start3A_200, %dma_start3A_201] : memref<10000x128xf32, #tpu.memory_space<hbm>> -> memref<10000x128xf32, #tpu.memory_space<hbm>>
        tpu.enqueue_indirect_dma source(%dma_start3A_202 : memref<10000x128xf32, #tpu.memory_space<hbm>>) target(%dma_start3A_192 : memref<128x128xf32, #tpu.memory_space<vmem>>) offsets(%dma_start3A_195 : memref<128xi32, #tpu.memory_space<vmem>>) semaphore(%arg11 : memref<!tpu.dma_semaphore, #tpu.memory_space<semaphore_mem>>)
        %dma_start3A_203 = arith.constant 1 : i32
        %dma_start3A_204 = arith.constant 1 : i32
        %dma_start3A_205 = arith.constant 0 : i32
        %dma_start3A_206 = arith.constant 0 : i32
        %dma_start3A_207 = tpu.memref_slice %arg9[%dma_start3A_204, %dma_start3A_205, %dma_start3A_206] : memref<2x128x128xf32, #tpu.memory_space<vmem>> -> memref<1x128x128xf32, #tpu.memory_space<vmem>>
        %dma_start3A_208 = tpu.memref_squeeze %dma_start3A_207 : memref<1x128x128xf32, #tpu.memory_space<vmem>> -> memref<128x128xf32, #tpu.memory_space<vmem>>
        %dma_start3A_209 = arith.constant 0 : i32
        %dma_start3A_210 = tpu.memref_slice %arg7[%dma_start3A_203, %dma_start3A_209] : memref<40x128xi32, #tpu.memory_space<vmem>> -> memref<1x128xi32, #tpu.memory_space<vmem>>
        %dma_start3A_211 = tpu.memref_squeeze %dma_start3A_210 : memref<1x128xi32, #tpu.memory_space<vmem>> -> memref<128xi32, #tpu.memory_space<vmem>>
        %dma_start3A_212 = arith.constant 0 : i32
        %dma_start3A_213 = arith.constant 0 : i32
        %dma_start3A_214 = tpu.memref_slice %arg2[%add3A_3, %dma_start3A_212, %dma_start3A_213] : memref<4x10000x128xf32, #tpu.memory_space<hbm>> -> memref<1x10000x128xf32, #tpu.memory_space<hbm>>
        %dma_start3A_215 = tpu.memref_squeeze %dma_start3A_214 : memref<1x10000x128xf32, #tpu.memory_space<hbm>> -> memref<10000x128xf32, #tpu.memory_space<hbm>>
        %dma_start3A_216 = arith.constant 0 : i32
        %dma_start3A_217 = arith.constant 0 : i32
        %dma_start3A_218 = tpu.memref_slice %dma_start3A_215[%dma_start3A_216, %dma_start3A_217] : memref<10000x128xf32, #tpu.memory_space<hbm>> -> memref<10000x128xf32, #tpu.memory_space<hbm>>
        tpu.enqueue_indirect_dma source(%dma_start3A_218 : memref<10000x128xf32, #tpu.memory_space<hbm>>) target(%dma_start3A_208 : memref<128x128xf32, #tpu.memory_space<vmem>>) offsets(%dma_start3A_211 : memref<128xi32, #tpu.memory_space<vmem>>) semaphore(%arg12 : memref<!tpu.dma_semaphore, #tpu.memory_space<semaphore_mem>>)
      } else {
      }
      %dma_wait3A_112 = arith.constant 0 : i32
      %dma_wait3A_113 = arith.constant 0 : i32
      %dma_wait3A_114 = arith.constant 0 : i32
      %dma_wait3A_115 = arith.constant 0 : i32
      %dma_wait3A_116 = tpu.memref_slice %arg9[%dma_wait3A_113, %dma_wait3A_114, %dma_wait3A_115] : memref<2x128x128xf32, #tpu.memory_space<vmem>> -> memref<1x128x128xf32, #tpu.memory_space<vmem>>
      %dma_wait3A_117 = tpu.memref_squeeze %dma_wait3A_116 : memref<1x128x128xf32, #tpu.memory_space<vmem>> -> memref<128x128xf32, #tpu.memory_space<vmem>>
      %dma_wait3A_118 = arith.constant 0 : i32
      %dma_wait3A_119 = tpu.memref_slice %arg7[%dma_wait3A_112, %dma_wait3A_118] : memref<40x128xi32, #tpu.memory_space<vmem>> -> memref<1x128xi32, #tpu.memory_space<vmem>>
      %dma_wait3A_120 = tpu.memref_squeeze %dma_wait3A_119 : memref<1x128xi32, #tpu.memory_space<vmem>> -> memref<128xi32, #tpu.memory_space<vmem>>
      %dma_wait3A_121 = arith.constant 0 : i32
      %dma_wait3A_122 = arith.constant 0 : i32
      %dma_wait3A_123 = tpu.memref_slice %arg2[%add3A_3, %dma_wait3A_121, %dma_wait3A_122] : memref<4x10000x128xf32, #tpu.memory_space<hbm>> -> memref<1x10000x128xf32, #tpu.memory_space<hbm>>
      %dma_wait3A_124 = tpu.memref_squeeze %dma_wait3A_123 : memref<1x10000x128xf32, #tpu.memory_space<hbm>> -> memref<10000x128xf32, #tpu.memory_space<hbm>>
      %dma_wait3A_125 = arith.constant 0 : i32
      %dma_wait3A_126 = arith.constant 0 : i32
      %dma_wait3A_127 = tpu.memref_slice %dma_wait3A_124[%dma_wait3A_125, %dma_wait3A_126] : memref<10000x128xf32, #tpu.memory_space<hbm>> -> memref<10000x128xf32, #tpu.memory_space<hbm>>
      tpu.wait_indirect_dma semaphore(%arg11 : memref<!tpu.dma_semaphore, #tpu.memory_space<semaphore_mem>>) src(%dma_wait3A_127 : memref<10000x128xf32, #tpu.memory_space<hbm>>) dst(%dma_wait3A_117 : memref<128x128xf32, #tpu.memory_space<vmem>>)
      %dma_start3A = arith.constant 0 : i32
      %dma_start3A_128 = arith.constant 0 : i32
      %dma_start3A_129 = arith.constant 0 : i32
      %dma_start3A_130 = tpu.memref_slice %arg9[%dma_start3A, %dma_start3A_128, %dma_start3A_129] : memref<2x128x128xf32, #tpu.memory_space<vmem>> -> memref<1x128x128xf32, #tpu.memory_space<vmem>>
      %dma_start3A_131 = tpu.memref_squeeze %dma_start3A_130 : memref<1x128x128xf32, #tpu.memory_space<vmem>> -> memref<128x128xf32, #tpu.memory_space<vmem>>
      %dma_start3A_132 = arith.constant 0 : i32
      %dma_start3A_133 = tpu.memref_slice %arg8[%rem3A_106, %dma_start3A_132] : memref<40x128xi32, #tpu.memory_space<vmem>> -> memref<1x128xi32, #tpu.memory_space<vmem>>
      %dma_start3A_134 = tpu.memref_squeeze %dma_start3A_133 : memref<1x128xi32, #tpu.memory_space<vmem>> -> memref<128xi32, #tpu.memory_space<vmem>>
      %dma_start3A_135 = arith.constant 0 : i32
      %dma_start3A_136 = arith.constant 0 : i32
      %dma_start3A_137 = tpu.memref_slice %arg10[%dma_start3A_135, %dma_start3A_136] : memref<10008x128xf32, #tpu.memory_space<vmem_shared>> -> memref<10008x128xf32, #tpu.memory_space<vmem_shared>>
      tpu.enqueue_indirect_dma source(%dma_start3A_131 : memref<128x128xf32, #tpu.memory_space<vmem>>) target(%dma_start3A_137 : memref<10008x128xf32, #tpu.memory_space<vmem_shared>>) offsets(%dma_start3A_134 : memref<128xi32, #tpu.memory_space<vmem>>) semaphore(%arg13 : memref<!tpu.dma_semaphore, #tpu.memory_space<semaphore_mem>>) {add = true}
      %dma_wait3A_138 = arith.constant 0 : i32
      %dma_wait3A_139 = arith.constant 1 : i32
      %dma_wait3A_140 = arith.constant 0 : i32
      %dma_wait3A_141 = arith.constant 0 : i32
      %dma_wait3A_142 = tpu.memref_slice %arg9[%dma_wait3A_139, %dma_wait3A_140, %dma_wait3A_141] : memref<2x128x128xf32, #tpu.memory_space<vmem>> -> memref<1x128x128xf32, #tpu.memory_space<vmem>>
      %dma_wait3A_143 = tpu.memref_squeeze %dma_wait3A_142 : memref<1x128x128xf32, #tpu.memory_space<vmem>> -> memref<128x128xf32, #tpu.memory_space<vmem>>
      %dma_wait3A_144 = arith.constant 0 : i32
      %dma_wait3A_145 = tpu.memref_slice %arg7[%dma_wait3A_138, %dma_wait3A_144] : memref<40x128xi32, #tpu.memory_space<vmem>> -> memref<1x128xi32, #tpu.memory_space<vmem>>
      %dma_wait3A_146 = tpu.memref_squeeze %dma_wait3A_145 : memref<1x128xi32, #tpu.memory_space<vmem>> -> memref<128xi32, #tpu.memory_space<vmem>>
      %dma_wait3A_147 = arith.constant 0 : i32
      %dma_wait3A_148 = arith.constant 0 : i32
      %dma_wait3A_149 = tpu.memref_slice %arg2[%add3A_3, %dma_wait3A_147, %dma_wait3A_148] : memref<4x10000x128xf32, #tpu.memory_space<hbm>> -> memref<1x10000x128xf32, #tpu.memory_space<hbm>>
      %dma_wait3A_150 = tpu.memref_squeeze %dma_wait3A_149 : memref<1x10000x128xf32, #tpu.memory_space<hbm>> -> memref<10000x128xf32, #tpu.memory_space<hbm>>
      %dma_wait3A_151 = arith.constant 0 : i32
      %dma_wait3A_152 = arith.constant 0 : i32
      %dma_wait3A_153 = tpu.memref_slice %dma_wait3A_150[%dma_wait3A_151, %dma_wait3A_152] : memref<10000x128xf32, #tpu.memory_space<hbm>> -> memref<10000x128xf32, #tpu.memory_space<hbm>>
      tpu.wait_indirect_dma semaphore(%arg12 : memref<!tpu.dma_semaphore, #tpu.memory_space<semaphore_mem>>) src(%dma_wait3A_153 : memref<10000x128xf32, #tpu.memory_space<hbm>>) dst(%dma_wait3A_143 : memref<128x128xf32, #tpu.memory_space<vmem>>)
      %add3A_154 = arith.constant 1 : i32
      %add3A_155 = arith.addi %rem3A_106, %add3A_154 : i32
      %dma_start3A_156 = arith.constant 1 : i32
      %dma_start3A_157 = arith.constant 0 : i32
      %dma_start3A_158 = arith.constant 0 : i32
      %dma_start3A_159 = tpu.memref_slice %arg9[%dma_start3A_156, %dma_start3A_157, %dma_start3A_158] : memref<2x128x128xf32, #tpu.memory_space<vmem>> -> memref<1x128x128xf32, #tpu.memory_space<vmem>>
      %dma_start3A_160 = tpu.memref_squeeze %dma_start3A_159 : memref<1x128x128xf32, #tpu.memory_space<vmem>> -> memref<128x128xf32, #tpu.memory_space<vmem>>
      %dma_start3A_161 = arith.constant 0 : i32
      %dma_start3A_162 = tpu.memref_slice %arg8[%add3A_155, %dma_start3A_161] : memref<40x128xi32, #tpu.memory_space<vmem>> -> memref<1x128xi32, #tpu.memory_space<vmem>>
      %dma_start3A_163 = tpu.memref_squeeze %dma_start3A_162 : memref<1x128xi32, #tpu.memory_space<vmem>> -> memref<128xi32, #tpu.memory_space<vmem>>
      %dma_start3A_164 = arith.constant 0 : i32
      %dma_start3A_165 = arith.constant 0 : i32
      %dma_start3A_166 = tpu.memref_slice %arg10[%dma_start3A_164, %dma_start3A_165] : memref<10008x128xf32, #tpu.memory_space<vmem_shared>> -> memref<10008x128xf32, #tpu.memory_space<vmem_shared>>
      tpu.enqueue_indirect_dma source(%dma_start3A_160 : memref<128x128xf32, #tpu.memory_space<vmem>>) target(%dma_start3A_166 : memref<10008x128xf32, #tpu.memory_space<vmem_shared>>) offsets(%dma_start3A_163 : memref<128xi32, #tpu.memory_space<vmem>>) semaphore(%arg14 : memref<!tpu.dma_semaphore, #tpu.memory_space<semaphore_mem>>) {add = true}
      %add3A_167 = arith.constant 1 : i32
      %add3A_168 = arith.addi %rem3A_106, %add3A_167 : i32
      %add3A_169 = arith.constant 2 : i32
      %add3A_170 = arith.addi %rem3A_106, %add3A_169 : i32
      %lt3A = arith.constant 40 : i32
      %lt3A_171 = arith.cmpi slt, %add3A_170, %lt3A : i32
      %convert_element_type3A_172 = arith.extui %lt3A_171 : i1 to i32
      %cond3A_173 = arith.constant 0 : i32
      %cond3A_174 = arith.cmpi ne, %convert_element_type3A_172, %cond3A_173 : i32
      scf.if %cond3A_174 {
        %dma_wait3A_182 = arith.constant 0 : i32
        %dma_wait3A_183 = arith.constant 0 : i32
        %dma_wait3A_184 = arith.constant 0 : i32
        %dma_wait3A_185 = arith.constant 0 : i32
        %dma_wait3A_186 = tpu.memref_slice %arg9[%dma_wait3A_182, %dma_wait3A_184, %dma_wait3A_185] : memref<2x128x128xf32, #tpu.memory_space<vmem>> -> memref<1x128x128xf32, #tpu.memory_space<vmem>>
        %dma_wait3A_187 = tpu.memref_squeeze %dma_wait3A_186 : memref<1x128x128xf32, #tpu.memory_space<vmem>> -> memref<128x128xf32, #tpu.memory_space<vmem>>
        %dma_wait3A_188 = arith.constant 0 : i32
        %dma_wait3A_189 = tpu.memref_slice %arg8[%dma_wait3A_183, %dma_wait3A_188] : memref<40x128xi32, #tpu.memory_space<vmem>> -> memref<1x128xi32, #tpu.memory_space<vmem>>
        %dma_wait3A_190 = tpu.memref_squeeze %dma_wait3A_189 : memref<1x128xi32, #tpu.memory_space<vmem>> -> memref<128xi32, #tpu.memory_space<vmem>>
        %dma_wait3A_191 = arith.constant 0 : i32
        %dma_wait3A_192 = arith.constant 0 : i32
        %dma_wait3A_193 = tpu.memref_slice %arg10[%dma_wait3A_191, %dma_wait3A_192] : memref<10008x128xf32, #tpu.memory_space<vmem_shared>> -> memref<10008x128xf32, #tpu.memory_space<vmem_shared>>
        tpu.wait_indirect_dma semaphore(%arg13 : memref<!tpu.dma_semaphore, #tpu.memory_space<semaphore_mem>>) src(%dma_wait3A_187 : memref<128x128xf32, #tpu.memory_space<vmem>>) dst(%dma_wait3A_193 : memref<10008x128xf32, #tpu.memory_space<vmem_shared>>)
        %add3A_194 = arith.constant 2 : i32
        %add3A_195 = arith.addi %rem3A_106, %add3A_194 : i32
        %dma_start3A_196 = arith.constant 0 : i32
        %dma_start3A_197 = arith.constant 0 : i32
        %dma_start3A_198 = arith.constant 0 : i32
        %dma_start3A_199 = tpu.memref_slice %arg9[%dma_start3A_196, %dma_start3A_197, %dma_start3A_198] : memref<2x128x128xf32, #tpu.memory_space<vmem>> -> memref<1x128x128xf32, #tpu.memory_space<vmem>>
        %dma_start3A_200 = tpu.memref_squeeze %dma_start3A_199 : memref<1x128x128xf32, #tpu.memory_space<vmem>> -> memref<128x128xf32, #tpu.memory_space<vmem>>
        %dma_start3A_201 = arith.constant 0 : i32
        %dma_start3A_202 = tpu.memref_slice %arg7[%add3A_195, %dma_start3A_201] : memref<40x128xi32, #tpu.memory_space<vmem>> -> memref<1x128xi32, #tpu.memory_space<vmem>>
        %dma_start3A_203 = tpu.memref_squeeze %dma_start3A_202 : memref<1x128xi32, #tpu.memory_space<vmem>> -> memref<128xi32, #tpu.memory_space<vmem>>
        %dma_start3A_204 = arith.constant 0 : i32
        %dma_start3A_205 = arith.constant 0 : i32
        %dma_start3A_206 = tpu.memref_slice %arg2[%add3A_3, %dma_start3A_204, %dma_start3A_205] : memref<4x10000x128xf32, #tpu.memory_space<hbm>> -> memref<1x10000x128xf32, #tpu.memory_space<hbm>>
        %dma_start3A_207 = tpu.memref_squeeze %dma_start3A_206 : memref<1x10000x128xf32, #tpu.memory_space<hbm>> -> memref<10000x128xf32, #tpu.memory_space<hbm>>
        %dma_start3A_208 = arith.constant 0 : i32
        %dma_start3A_209 = arith.constant 0 : i32
        %dma_start3A_210 = tpu.memref_slice %dma_start3A_207[%dma_start3A_208, %dma_start3A_209] : memref<10000x128xf32, #tpu.memory_space<hbm>> -> memref<10000x128xf32, #tpu.memory_space<hbm>>
        tpu.enqueue_indirect_dma source(%dma_start3A_210 : memref<10000x128xf32, #tpu.memory_space<hbm>>) target(%dma_start3A_200 : memref<128x128xf32, #tpu.memory_space<vmem>>) offsets(%dma_start3A_203 : memref<128xi32, #tpu.memory_space<vmem>>) semaphore(%arg11 : memref<!tpu.dma_semaphore, #tpu.memory_space<semaphore_mem>>)
      } else {
      }
      %add3A_175 = arith.constant 3 : i32
      %add3A_176 = arith.addi %rem3A_106, %add3A_175 : i32
      %lt3A_177 = arith.constant 40 : i32
      %lt3A_178 = arith.cmpi slt, %add3A_176, %lt3A_177 : i32
      %convert_element_type3A_179 = arith.extui %lt3A_178 : i1 to i32
      %cond3A_180 = arith.constant 0 : i32
      %cond3A_181 = arith.cmpi ne, %convert_element_type3A_179, %cond3A_180 : i32
      scf.if %cond3A_181 {
        %dma_wait3A_182 = arith.constant 1 : i32
        %dma_wait3A_183 = arith.constant 0 : i32
        %dma_wait3A_184 = arith.constant 0 : i32
        %dma_wait3A_185 = arith.constant 0 : i32
        %dma_wait3A_186 = tpu.memref_slice %arg9[%dma_wait3A_182, %dma_wait3A_184, %dma_wait3A_185] : memref<2x128x128xf32, #tpu.memory_space<vmem>> -> memref<1x128x128xf32, #tpu.memory_space<vmem>>
        %dma_wait3A_187 = tpu.memref_squeeze %dma_wait3A_186 : memref<1x128x128xf32, #tpu.memory_space<vmem>> -> memref<128x128xf32, #tpu.memory_space<vmem>>
        %dma_wait3A_188 = arith.constant 0 : i32
        %dma_wait3A_189 = tpu.memref_slice %arg8[%dma_wait3A_183, %dma_wait3A_188] : memref<40x128xi32, #tpu.memory_space<vmem>> -> memref<1x128xi32, #tpu.memory_space<vmem>>
        %dma_wait3A_190 = tpu.memref_squeeze %dma_wait3A_189 : memref<1x128xi32, #tpu.memory_space<vmem>> -> memref<128xi32, #tpu.memory_space<vmem>>
        %dma_wait3A_191 = arith.constant 0 : i32
        %dma_wait3A_192 = arith.constant 0 : i32
        %dma_wait3A_193 = tpu.memref_slice %arg10[%dma_wait3A_191, %dma_wait3A_192] : memref<10008x128xf32, #tpu.memory_space<vmem_shared>> -> memref<10008x128xf32, #tpu.memory_space<vmem_shared>>
        tpu.wait_indirect_dma semaphore(%arg14 : memref<!tpu.dma_semaphore, #tpu.memory_space<semaphore_mem>>) src(%dma_wait3A_187 : memref<128x128xf32, #tpu.memory_space<vmem>>) dst(%dma_wait3A_193 : memref<10008x128xf32, #tpu.memory_space<vmem_shared>>)
        %add3A_194 = arith.constant 3 : i32
        %add3A_195 = arith.addi %rem3A_106, %add3A_194 : i32
        %dma_start3A_196 = arith.constant 1 : i32
        %dma_start3A_197 = arith.constant 0 : i32
        %dma_start3A_198 = arith.constant 0 : i32
        %dma_start3A_199 = tpu.memref_slice %arg9[%dma_start3A_196, %dma_start3A_197, %dma_start3A_198] : memref<2x128x128xf32, #tpu.memory_space<vmem>> -> memref<1x128x128xf32, #tpu.memory_space<vmem>>
        %dma_start3A_200 = tpu.memref_squeeze %dma_start3A_199 : memref<1x128x128xf32, #tpu.memory_space<vmem>> -> memref<128x128xf32, #tpu.memory_space<vmem>>
        %dma_start3A_201 = arith.constant 0 : i32
        %dma_start3A_202 = tpu.memref_slice %arg7[%add3A_195, %dma_start3A_201] : memref<40x128xi32, #tpu.memory_space<vmem>> -> memref<1x128xi32, #tpu.memory_space<vmem>>
        %dma_start3A_203 = tpu.memref_squeeze %dma_start3A_202 : memref<1x128xi32, #tpu.memory_space<vmem>> -> memref<128xi32, #tpu.memory_space<vmem>>
        %dma_start3A_204 = arith.constant 0 : i32
        %dma_start3A_205 = arith.constant 0 : i32
        %dma_start3A_206 = tpu.memref_slice %arg2[%add3A_3, %dma_start3A_204, %dma_start3A_205] : memref<4x10000x128xf32, #tpu.memory_space<hbm>> -> memref<1x10000x128xf32, #tpu.memory_space<hbm>>
        %dma_start3A_207 = tpu.memref_squeeze %dma_start3A_206 : memref<1x10000x128xf32, #tpu.memory_space<hbm>> -> memref<10000x128xf32, #tpu.memory_space<hbm>>
        %dma_start3A_208 = arith.constant 0 : i32
        %dma_start3A_209 = arith.constant 0 : i32
        %dma_start3A_210 = tpu.memref_slice %dma_start3A_207[%dma_start3A_208, %dma_start3A_209] : memref<10000x128xf32, #tpu.memory_space<hbm>> -> memref<10000x128xf32, #tpu.memory_space<hbm>>
        tpu.enqueue_indirect_dma source(%dma_start3A_210 : memref<10000x128xf32, #tpu.memory_space<hbm>>) target(%dma_start3A_200 : memref<128x128xf32, #tpu.memory_space<vmem>>) offsets(%dma_start3A_203 : memref<128xi32, #tpu.memory_space<vmem>>) semaphore(%arg12 : memref<!tpu.dma_semaphore, #tpu.memory_space<semaphore_mem>>)
      } else {
      }
    }
    %scan3A_13 = arith.constant 40 : i32
    %dma_wait3A = arith.constant 0 : i32
    %dma_wait3A_14 = arith.constant 0 : i32
    %dma_wait3A_15 = arith.constant 0 : i32
    %dma_wait3A_16 = arith.constant 0 : i32
    %dma_wait3A_17 = tpu.memref_slice %arg9[%dma_wait3A, %dma_wait3A_15, %dma_wait3A_16] : memref<2x128x128xf32, #tpu.memory_space<vmem>> -> memref<1x128x128xf32, #tpu.memory_space<vmem>>
    %dma_wait3A_18 = tpu.memref_squeeze %dma_wait3A_17 : memref<1x128x128xf32, #tpu.memory_space<vmem>> -> memref<128x128xf32, #tpu.memory_space<vmem>>
    %dma_wait3A_19 = arith.constant 0 : i32
    %dma_wait3A_20 = tpu.memref_slice %arg8[%dma_wait3A_14, %dma_wait3A_19] : memref<40x128xi32, #tpu.memory_space<vmem>> -> memref<1x128xi32, #tpu.memory_space<vmem>>
    %dma_wait3A_21 = tpu.memref_squeeze %dma_wait3A_20 : memref<1x128xi32, #tpu.memory_space<vmem>> -> memref<128xi32, #tpu.memory_space<vmem>>
    %dma_wait3A_22 = arith.constant 0 : i32
    %dma_wait3A_23 = arith.constant 0 : i32
    %dma_wait3A_24 = tpu.memref_slice %arg10[%dma_wait3A_22, %dma_wait3A_23] : memref<10008x128xf32, #tpu.memory_space<vmem_shared>> -> memref<10008x128xf32, #tpu.memory_space<vmem_shared>>
    tpu.wait_indirect_dma semaphore(%arg13 : memref<!tpu.dma_semaphore, #tpu.memory_space<semaphore_mem>>) src(%dma_wait3A_18 : memref<128x128xf32, #tpu.memory_space<vmem>>) dst(%dma_wait3A_24 : memref<10008x128xf32, #tpu.memory_space<vmem_shared>>)
    %dma_wait3A_25 = arith.constant 1 : i32
    %dma_wait3A_26 = arith.constant 0 : i32
    %dma_wait3A_27 = arith.constant 0 : i32
    %dma_wait3A_28 = arith.constant 0 : i32
    %dma_wait3A_29 = tpu.memref_slice %arg9[%dma_wait3A_25, %dma_wait3A_27, %dma_wait3A_28] : memref<2x128x128xf32, #tpu.memory_space<vmem>> -> memref<1x128x128xf32, #tpu.memory_space<vmem>>
    %dma_wait3A_30 = tpu.memref_squeeze %dma_wait3A_29 : memref<1x128x128xf32, #tpu.memory_space<vmem>> -> memref<128x128xf32, #tpu.memory_space<vmem>>
    %dma_wait3A_31 = arith.constant 0 : i32
    %dma_wait3A_32 = tpu.memref_slice %arg8[%dma_wait3A_26, %dma_wait3A_31] : memref<40x128xi32, #tpu.memory_space<vmem>> -> memref<1x128xi32, #tpu.memory_space<vmem>>
    %dma_wait3A_33 = tpu.memref_squeeze %dma_wait3A_32 : memref<1x128xi32, #tpu.memory_space<vmem>> -> memref<128xi32, #tpu.memory_space<vmem>>
    %dma_wait3A_34 = arith.constant 0 : i32
    %dma_wait3A_35 = arith.constant 0 : i32
    %dma_wait3A_36 = tpu.memref_slice %arg10[%dma_wait3A_34, %dma_wait3A_35] : memref<10008x128xf32, #tpu.memory_space<vmem_shared>> -> memref<10008x128xf32, #tpu.memory_space<vmem_shared>>
    tpu.wait_indirect_dma semaphore(%arg14 : memref<!tpu.dma_semaphore, #tpu.memory_space<semaphore_mem>>) src(%dma_wait3A_30 : memref<128x128xf32, #tpu.memory_space<vmem>>) dst(%dma_wait3A_36 : memref<10008x128xf32, #tpu.memory_space<vmem_shared>>)
    %barrier3A_37 = arith.constant 0 : index
    tpu.barrier barrier_id(%barrier3A_37)
    %mul3A_38 = arith.constant 624 : i32
    %mul3A_39 = arith.muli %arg1, %mul3A_38 : i32
    %mul3A_40 = arith.constant 624 : i32
    %mul3A_41 = arith.muli %arg1, %mul3A_40 : i32
    "tpu.region"() ({
      %run_scoped3A = tpu.sem_alloc : memref<!tpu.dma_semaphore, #tpu.memory_space<semaphore_mem>>
      %dma_start3A = arith.constant 0 : i32
      %dma_start3A_101 = arith.constant 0 : i32
      %dma_start3A_102 = tpu.memref_slice %arg6[%add3A_3, %dma_start3A, %dma_start3A_101] : memref<4x10000x128xf32, #tpu.memory_space<hbm>> -> memref<1x10000x128xf32, #tpu.memory_space<hbm>>
      %dma_start3A_103 = tpu.memref_squeeze %dma_start3A_102 : memref<1x10000x128xf32, #tpu.memory_space<hbm>> -> memref<10000x128xf32, #tpu.memory_space<hbm>>
      %dma_start3A_104 = arith.constant 0 : i32
      %dma_start3A_105 = tpu.memref_slice %dma_start3A_103[%mul3A_41, %dma_start3A_104] : memref<10000x128xf32, #tpu.memory_space<hbm>> -> memref<624x128xf32, #tpu.memory_space<hbm>>
      %dma_start3A_106 = arith.constant 0 : i32
      %dma_start3A_107 = tpu.memref_slice %arg10[%mul3A_39, %dma_start3A_106] : memref<10008x128xf32, #tpu.memory_space<vmem_shared>> -> memref<624x128xf32, #tpu.memory_space<vmem_shared>>
      tpu.enqueue_dma source(%dma_start3A_107 : memref<624x128xf32, #tpu.memory_space<vmem_shared>>) target(%dma_start3A_105 : memref<624x128xf32, #tpu.memory_space<hbm>>) target_semaphore(%run_scoped3A : memref<!tpu.dma_semaphore, #tpu.memory_space<semaphore_mem>>)
      %dma_wait3A_108 = arith.constant 0 : i32
      %dma_wait3A_109 = arith.constant 0 : i32
      %dma_wait3A_110 = tpu.memref_slice %arg6[%add3A_3, %dma_wait3A_108, %dma_wait3A_109] : memref<4x10000x128xf32, #tpu.memory_space<hbm>> -> memref<1x10000x128xf32, #tpu.memory_space<hbm>>
      %dma_wait3A_111 = tpu.memref_squeeze %dma_wait3A_110 : memref<1x10000x128xf32, #tpu.memory_space<hbm>> -> memref<10000x128xf32, #tpu.memory_space<hbm>>
      %dma_wait3A_112 = arith.constant 0 : i32
      %dma_wait3A_113 = tpu.memref_slice %dma_wait3A_111[%mul3A_41, %dma_wait3A_112] : memref<10000x128xf32, #tpu.memory_space<hbm>> -> memref<624x128xf32, #tpu.memory_space<hbm>>
      %dma_wait3A_114 = arith.constant 0 : i32
      %dma_wait3A_115 = tpu.memref_slice %arg10[%mul3A_39, %dma_wait3A_114] : memref<10008x128xf32, #tpu.memory_space<vmem_shared>> -> memref<624x128xf32, #tpu.memory_space<vmem_shared>>
      tpu.wait_dma2 semaphore(%run_scoped3A : memref<!tpu.dma_semaphore, #tpu.memory_space<semaphore_mem>>) src(%dma_wait3A_115 : memref<624x128xf32, #tpu.memory_space<vmem_shared>>) dst(%dma_wait3A_113 : memref<624x128xf32, #tpu.memory_space<hbm>>)
      tpu.yield
    }) : () -> ()
    %eq3A_42 = arith.constant 15 : i32
    %eq3A_43 = arith.cmpi eq, %arg1, %eq3A_42 : i32
    %convert_element_type3A_44 = arith.extui %eq3A_43 : i1 to i32
    %cond3A_45 = arith.constant 0 : i32
    %cond3A_46 = arith.cmpi ne, %convert_element_type3A_44, %cond3A_45 : i32
    scf.if %cond3A_46 {
      "tpu.region"() ({
        %run_scoped3A = tpu.sem_alloc : memref<!tpu.dma_semaphore, #tpu.memory_space<semaphore_mem>>
        %dma_start3A = arith.constant 0 : i32
        %dma_start3A_101 = arith.constant 0 : i32
        %dma_start3A_102 = tpu.memref_slice %arg6[%add3A_3, %dma_start3A, %dma_start3A_101] : memref<4x10000x128xf32, #tpu.memory_space<hbm>> -> memref<1x10000x128xf32, #tpu.memory_space<hbm>>
        %dma_start3A_103 = tpu.memref_squeeze %dma_start3A_102 : memref<1x10000x128xf32, #tpu.memory_space<hbm>> -> memref<10000x128xf32, #tpu.memory_space<hbm>>
        %dma_start3A_104 = arith.constant 9984 : i32
        %dma_start3A_105 = arith.constant 0 : i32
        %dma_start3A_106 = tpu.memref_slice %dma_start3A_103[%dma_start3A_104, %dma_start3A_105] : memref<10000x128xf32, #tpu.memory_space<hbm>> -> memref<16x128xf32, #tpu.memory_space<hbm>>
        %dma_start3A_107 = arith.constant 9984 : i32
        %dma_start3A_108 = arith.constant 0 : i32
        %dma_start3A_109 = tpu.memref_slice %arg10[%dma_start3A_107, %dma_start3A_108] : memref<10008x128xf32, #tpu.memory_space<vmem_shared>> -> memref<16x128xf32, #tpu.memory_space<vmem_shared>>
        tpu.enqueue_dma source(%dma_start3A_109 : memref<16x128xf32, #tpu.memory_space<vmem_shared>>) target(%dma_start3A_106 : memref<16x128xf32, #tpu.memory_space<hbm>>) target_semaphore(%run_scoped3A : memref<!tpu.dma_semaphore, #tpu.memory_space<semaphore_mem>>)
        %dma_wait3A_110 = arith.constant 0 : i32
        %dma_wait3A_111 = arith.constant 0 : i32
        %dma_wait3A_112 = tpu.memref_slice %arg6[%add3A_3, %dma_wait3A_110, %dma_wait3A_111] : memref<4x10000x128xf32, #tpu.memory_space<hbm>> -> memref<1x10000x128xf32, #tpu.memory_space<hbm>>
        %dma_wait3A_113 = tpu.memref_squeeze %dma_wait3A_112 : memref<1x10000x128xf32, #tpu.memory_space<hbm>> -> memref<10000x128xf32, #tpu.memory_space<hbm>>
        %dma_wait3A_114 = arith.constant 9984 : i32
        %dma_wait3A_115 = arith.constant 0 : i32
        %dma_wait3A_116 = tpu.memref_slice %dma_wait3A_113[%dma_wait3A_114, %dma_wait3A_115] : memref<10000x128xf32, #tpu.memory_space<hbm>> -> memref<16x128xf32, #tpu.memory_space<hbm>>
        %dma_wait3A_117 = arith.constant 9984 : i32
        %dma_wait3A_118 = arith.constant 0 : i32
        %dma_wait3A_119 = tpu.memref_slice %arg10[%dma_wait3A_117, %dma_wait3A_118] : memref<10008x128xf32, #tpu.memory_space<vmem_shared>> -> memref<16x128xf32, #tpu.memory_space<vmem_shared>>
        tpu.wait_dma2 semaphore(%run_scoped3A : memref<!tpu.dma_semaphore, #tpu.memory_space<semaphore_mem>>) src(%dma_wait3A_119 : memref<16x128xf32, #tpu.memory_space<vmem_shared>>) dst(%dma_wait3A_116 : memref<16x128xf32, #tpu.memory_space<hbm>>)
        tpu.yield
      }) : () -> ()
    } else {
    }
    %barrier3A_47 = arith.constant 0 : index
    tpu.barrier barrier_id(%barrier3A_47)
    %mul3A_48 = arith.constant 2 : i32
    %mul3A_49 = arith.muli %arg0, %mul3A_48 : i32
    %add3A_50 = arith.constant 1 : i32
    %add3A_51 = arith.addi %mul3A_49, %add3A_50 : i32
    %mul3A_52 = arith.constant 624 : i32
    %mul3A_53 = arith.muli %arg1, %mul3A_52 : i32
    %mul3A_54 = arith.constant 624 : i32
    %mul3A_55 = arith.muli %arg1, %mul3A_54 : i32
    "tpu.region"() ({
      %run_scoped3A = tpu.sem_alloc : memref<!tpu.dma_semaphore, #tpu.memory_space<semaphore_mem>>
      %dma_start3A = arith.constant 0 : i32
      %dma_start3A_101 = tpu.memref_slice %arg10[%mul3A_55, %dma_start3A] : memref<10008x128xf32, #tpu.memory_space<vmem_shared>> -> memref<624x128xf32, #tpu.memory_space<vmem_shared>>
      %dma_start3A_102 = arith.constant 0 : i32
      %dma_start3A_103 = tpu.memref_slice %arg5[%mul3A_53, %dma_start3A_102] : memref<10000x128xf32, #tpu.memory_space<hbm>> -> memref<624x128xf32, #tpu.memory_space<hbm>>
      tpu.enqueue_dma source(%dma_start3A_103 : memref<624x128xf32, #tpu.memory_space<hbm>>) target(%dma_start3A_101 : memref<624x128xf32, #tpu.memory_space<vmem_shared>>) target_semaphore(%run_scoped3A : memref<!tpu.dma_semaphore, #tpu.memory_space<semaphore_mem>>)
      %dma_wait3A_104 = arith.constant 0 : i32
      %dma_wait3A_105 = tpu.memref_slice %arg10[%mul3A_55, %dma_wait3A_104] : memref<10008x128xf32, #tpu.memory_space<vmem_shared>> -> memref<624x128xf32, #tpu.memory_space<vmem_shared>>
      %dma_wait3A_106 = arith.constant 0 : i32
      %dma_wait3A_107 = tpu.memref_slice %arg5[%mul3A_53, %dma_wait3A_106] : memref<10000x128xf32, #tpu.memory_space<hbm>> -> memref<624x128xf32, #tpu.memory_space<hbm>>
      tpu.wait_dma2 semaphore(%run_scoped3A : memref<!tpu.dma_semaphore, #tpu.memory_space<semaphore_mem>>) src(%dma_wait3A_107 : memref<624x128xf32, #tpu.memory_space<hbm>>) dst(%dma_wait3A_105 : memref<624x128xf32, #tpu.memory_space<vmem_shared>>)
      tpu.yield
    }) : () -> ()
    %eq3A_56 = arith.constant 15 : i32
    %eq3A_57 = arith.cmpi eq, %arg1, %eq3A_56 : i32
    %convert_element_type3A_58 = arith.extui %eq3A_57 : i1 to i32
    %cond3A_59 = arith.constant 0 : i32
    %cond3A_60 = arith.cmpi ne, %convert_element_type3A_58, %cond3A_59 : i32
    scf.if %cond3A_60 {
      "tpu.region"() ({
        %run_scoped3A = tpu.sem_alloc : memref<!tpu.dma_semaphore, #tpu.memory_space<semaphore_mem>>
        %dma_start3A = arith.constant 9984 : i32
        %dma_start3A_101 = arith.constant 0 : i32
        %dma_start3A_102 = tpu.memref_slice %arg10[%dma_start3A, %dma_start3A_101] : memref<10008x128xf32, #tpu.memory_space<vmem_shared>> -> memref<16x128xf32, #tpu.memory_space<vmem_shared>>
        %dma_start3A_103 = arith.constant 9984 : i32
        %dma_start3A_104 = arith.constant 0 : i32
        %dma_start3A_105 = tpu.memref_slice %arg5[%dma_start3A_103, %dma_start3A_104] : memref<10000x128xf32, #tpu.memory_space<hbm>> -> memref<16x128xf32, #tpu.memory_space<hbm>>
        tpu.enqueue_dma source(%dma_start3A_105 : memref<16x128xf32, #tpu.memory_space<hbm>>) target(%dma_start3A_102 : memref<16x128xf32, #tpu.memory_space<vmem_shared>>) target_semaphore(%run_scoped3A : memref<!tpu.dma_semaphore, #tpu.memory_space<semaphore_mem>>)
        %dma_wait3A_106 = arith.constant 9984 : i32
        %dma_wait3A_107 = arith.constant 0 : i32
        %dma_wait3A_108 = tpu.memref_slice %arg10[%dma_wait3A_106, %dma_wait3A_107] : memref<10008x128xf32, #tpu.memory_space<vmem_shared>> -> memref<16x128xf32, #tpu.memory_space<vmem_shared>>
        %dma_wait3A_109 = arith.constant 9984 : i32
        %dma_wait3A_110 = arith.constant 0 : i32
        %dma_wait3A_111 = tpu.memref_slice %arg5[%dma_wait3A_109, %dma_wait3A_110] : memref<10000x128xf32, #tpu.memory_space<hbm>> -> memref<16x128xf32, #tpu.memory_space<hbm>>
        tpu.wait_dma2 semaphore(%run_scoped3A : memref<!tpu.dma_semaphore, #tpu.memory_space<semaphore_mem>>) src(%dma_wait3A_111 : memref<16x128xf32, #tpu.memory_space<hbm>>) dst(%dma_wait3A_108 : memref<16x128xf32, #tpu.memory_space<vmem_shared>>)
        tpu.yield
      }) : () -> ()
    } else {
    }
    %barrier3A_61 = arith.constant 0 : index
    tpu.barrier barrier_id(%barrier3A_61)
    %scan3A_62 = arith.constant 0 : i32
    %scan3A_63 = arith.constant 40 : i32
    %scan3A_64 = arith.addi %scan3A_62, %scan3A_63 : i32
    %scan3A_65 = arith.constant 1 : i32
    scf.for %scan3A_101 = %scan3A_62 to %scan3A_64 step %scan3A_65  : i32 {
      %mul3A_102 = arith.constant 2 : i32
      %mul3A_103 = arith.muli %scan3A_101, %mul3A_102 : i32
      %add3A_104 = arith.constant 0 : i32
      %add3A_105 = arith.addi %add3A_104, %mul3A_103 : i32
      %rem3A = arith.constant 40 : i32
      %rem3A_106 = arith.remsi %add3A_105, %rem3A : i32
      %eq3A_107 = arith.constant 0 : i32
      %eq3A_108 = arith.cmpi eq, %rem3A_106, %eq3A_107 : i32
      %convert_element_type3A_109 = arith.extui %eq3A_108 : i1 to i32
      %cond3A_110 = arith.constant 0 : i32
      %cond3A_111 = arith.cmpi ne, %convert_element_type3A_109, %cond3A_110 : i32
      scf.if %cond3A_111 {
        %gt3A = arith.constant 0 : i32
        %gt3A_182 = arith.cmpi sgt, %add3A_105, %gt3A : i32
        %convert_element_type3A_183 = arith.extui %gt3A_182 : i1 to i32
        %cond3A_184 = arith.constant 0 : i32
        %cond3A_185 = arith.cmpi ne, %convert_element_type3A_183, %cond3A_184 : i32
        scf.if %cond3A_185 {
          %dma_wait3A_219 = arith.constant 0 : i32
          %dma_wait3A_220 = arith.constant 0 : i32
          %dma_wait3A_221 = arith.constant 0 : i32
          %dma_wait3A_222 = arith.constant 0 : i32
          %dma_wait3A_223 = tpu.memref_slice %arg9[%dma_wait3A_219, %dma_wait3A_221, %dma_wait3A_222] : memref<2x128x128xf32, #tpu.memory_space<vmem>> -> memref<1x128x128xf32, #tpu.memory_space<vmem>>
          %dma_wait3A_224 = tpu.memref_squeeze %dma_wait3A_223 : memref<1x128x128xf32, #tpu.memory_space<vmem>> -> memref<128x128xf32, #tpu.memory_space<vmem>>
          %dma_wait3A_225 = arith.constant 0 : i32
          %dma_wait3A_226 = tpu.memref_slice %arg8[%dma_wait3A_220, %dma_wait3A_225] : memref<40x128xi32, #tpu.memory_space<vmem>> -> memref<1x128xi32, #tpu.memory_space<vmem>>
          %dma_wait3A_227 = tpu.memref_squeeze %dma_wait3A_226 : memref<1x128xi32, #tpu.memory_space<vmem>> -> memref<128xi32, #tpu.memory_space<vmem>>
          %dma_wait3A_228 = arith.constant 0 : i32
          %dma_wait3A_229 = arith.constant 0 : i32
          %dma_wait3A_230 = tpu.memref_slice %arg10[%dma_wait3A_228, %dma_wait3A_229] : memref<10008x128xf32, #tpu.memory_space<vmem_shared>> -> memref<10008x128xf32, #tpu.memory_space<vmem_shared>>
          tpu.wait_indirect_dma semaphore(%arg13 : memref<!tpu.dma_semaphore, #tpu.memory_space<semaphore_mem>>) src(%dma_wait3A_224 : memref<128x128xf32, #tpu.memory_space<vmem>>) dst(%dma_wait3A_230 : memref<10008x128xf32, #tpu.memory_space<vmem_shared>>)
          %dma_wait3A_231 = arith.constant 1 : i32
          %dma_wait3A_232 = arith.constant 0 : i32
          %dma_wait3A_233 = arith.constant 0 : i32
          %dma_wait3A_234 = arith.constant 0 : i32
          %dma_wait3A_235 = tpu.memref_slice %arg9[%dma_wait3A_231, %dma_wait3A_233, %dma_wait3A_234] : memref<2x128x128xf32, #tpu.memory_space<vmem>> -> memref<1x128x128xf32, #tpu.memory_space<vmem>>
          %dma_wait3A_236 = tpu.memref_squeeze %dma_wait3A_235 : memref<1x128x128xf32, #tpu.memory_space<vmem>> -> memref<128x128xf32, #tpu.memory_space<vmem>>
          %dma_wait3A_237 = arith.constant 0 : i32
          %dma_wait3A_238 = tpu.memref_slice %arg8[%dma_wait3A_232, %dma_wait3A_237] : memref<40x128xi32, #tpu.memory_space<vmem>> -> memref<1x128xi32, #tpu.memory_space<vmem>>
          %dma_wait3A_239 = tpu.memref_squeeze %dma_wait3A_238 : memref<1x128xi32, #tpu.memory_space<vmem>> -> memref<128xi32, #tpu.memory_space<vmem>>
          %dma_wait3A_240 = arith.constant 0 : i32
          %dma_wait3A_241 = arith.constant 0 : i32
          %dma_wait3A_242 = tpu.memref_slice %arg10[%dma_wait3A_240, %dma_wait3A_241] : memref<10008x128xf32, #tpu.memory_space<vmem_shared>> -> memref<10008x128xf32, #tpu.memory_space<vmem_shared>>
          tpu.wait_indirect_dma semaphore(%arg14 : memref<!tpu.dma_semaphore, #tpu.memory_space<semaphore_mem>>) src(%dma_wait3A_236 : memref<128x128xf32, #tpu.memory_space<vmem>>) dst(%dma_wait3A_242 : memref<10008x128xf32, #tpu.memory_space<vmem_shared>>)
        } else {
        }
        %add3A_186 = arith.addi %mul3A_0, %add3A_105 : i32
        %multiple_of3A = tpu.assume_multiple %add3A_186, 8 : i32
        "tpu.region"() ({
          %run_scoped3A = tpu.sem_alloc : memref<!tpu.dma_semaphore, #tpu.memory_space<semaphore_mem>>
          %dma_start3A_219 = arith.constant 0 : i32
          %dma_start3A_220 = tpu.memref_slice %arg3[%multiple_of3A, %dma_start3A_219] : memref<1280x128xi32, #tpu.memory_space<hbm>> -> memref<40x128xi32, #tpu.memory_space<hbm>>
          %dma_start3A_221 = arith.constant 0 : i32
          %dma_start3A_222 = tpu.memref_slice %arg3[%multiple_of3A, %dma_start3A_221] : memref<1280x128xi32, #tpu.memory_space<hbm>> -> memref<40x128xi32, #tpu.memory_space<hbm>>
          tpu.enqueue_dma source(%dma_start3A_222 : memref<40x128xi32, #tpu.memory_space<hbm>>) target(%arg7 : memref<40x128xi32, #tpu.memory_space<vmem>>) target_semaphore(%run_scoped3A : memref<!tpu.dma_semaphore, #tpu.memory_space<semaphore_mem>>)
          %dma_wait3A_223 = arith.constant 0 : i32
          %dma_wait3A_224 = tpu.memref_slice %arg3[%multiple_of3A, %dma_wait3A_223] : memref<1280x128xi32, #tpu.memory_space<hbm>> -> memref<40x128xi32, #tpu.memory_space<hbm>>
          %dma_wait3A_225 = arith.constant 0 : i32
          %dma_wait3A_226 = tpu.memref_slice %arg3[%multiple_of3A, %dma_wait3A_225] : memref<1280x128xi32, #tpu.memory_space<hbm>> -> memref<40x128xi32, #tpu.memory_space<hbm>>
          tpu.wait_dma2 semaphore(%run_scoped3A : memref<!tpu.dma_semaphore, #tpu.memory_space<semaphore_mem>>) src(%dma_wait3A_226 : memref<40x128xi32, #tpu.memory_space<hbm>>) dst(%arg7 : memref<40x128xi32, #tpu.memory_space<vmem>>)
          tpu.yield
        }) : () -> ()
        "tpu.region"() ({
          %run_scoped3A = tpu.sem_alloc : memref<!tpu.dma_semaphore, #tpu.memory_space<semaphore_mem>>
          %dma_start3A_219 = arith.constant 0 : i32
          %dma_start3A_220 = tpu.memref_slice %arg4[%multiple_of3A, %dma_start3A_219] : memref<1280x128xi32, #tpu.memory_space<hbm>> -> memref<40x128xi32, #tpu.memory_space<hbm>>
          %dma_start3A_221 = arith.constant 0 : i32
          %dma_start3A_222 = tpu.memref_slice %arg4[%multiple_of3A, %dma_start3A_221] : memref<1280x128xi32, #tpu.memory_space<hbm>> -> memref<40x128xi32, #tpu.memory_space<hbm>>
          tpu.enqueue_dma source(%dma_start3A_222 : memref<40x128xi32, #tpu.memory_space<hbm>>) target(%arg8 : memref<40x128xi32, #tpu.memory_space<vmem>>) target_semaphore(%run_scoped3A : memref<!tpu.dma_semaphore, #tpu.memory_space<semaphore_mem>>)
          %dma_wait3A_223 = arith.constant 0 : i32
          %dma_wait3A_224 = tpu.memref_slice %arg4[%multiple_of3A, %dma_wait3A_223] : memref<1280x128xi32, #tpu.memory_space<hbm>> -> memref<40x128xi32, #tpu.memory_space<hbm>>
          %dma_wait3A_225 = arith.constant 0 : i32
          %dma_wait3A_226 = tpu.memref_slice %arg4[%multiple_of3A, %dma_wait3A_225] : memref<1280x128xi32, #tpu.memory_space<hbm>> -> memref<40x128xi32, #tpu.memory_space<hbm>>
          tpu.wait_dma2 semaphore(%run_scoped3A : memref<!tpu.dma_semaphore, #tpu.memory_space<semaphore_mem>>) src(%dma_wait3A_226 : memref<40x128xi32, #tpu.memory_space<hbm>>) dst(%arg8 : memref<40x128xi32, #tpu.memory_space<vmem>>)
          tpu.yield
        }) : () -> ()
        %dma_start3A_187 = arith.constant 0 : i32
        %dma_start3A_188 = arith.constant 0 : i32
        %dma_start3A_189 = arith.constant 0 : i32
        %dma_start3A_190 = arith.constant 0 : i32
        %dma_start3A_191 = tpu.memref_slice %arg9[%dma_start3A_188, %dma_start3A_189, %dma_start3A_190] : memref<2x128x128xf32, #tpu.memory_space<vmem>> -> memref<1x128x128xf32, #tpu.memory_space<vmem>>
        %dma_start3A_192 = tpu.memref_squeeze %dma_start3A_191 : memref<1x128x128xf32, #tpu.memory_space<vmem>> -> memref<128x128xf32, #tpu.memory_space<vmem>>
        %dma_start3A_193 = arith.constant 0 : i32
        %dma_start3A_194 = tpu.memref_slice %arg7[%dma_start3A_187, %dma_start3A_193] : memref<40x128xi32, #tpu.memory_space<vmem>> -> memref<1x128xi32, #tpu.memory_space<vmem>>
        %dma_start3A_195 = tpu.memref_squeeze %dma_start3A_194 : memref<1x128xi32, #tpu.memory_space<vmem>> -> memref<128xi32, #tpu.memory_space<vmem>>
        %dma_start3A_196 = arith.constant 0 : i32
        %dma_start3A_197 = arith.constant 0 : i32
        %dma_start3A_198 = tpu.memref_slice %arg2[%add3A_51, %dma_start3A_196, %dma_start3A_197] : memref<4x10000x128xf32, #tpu.memory_space<hbm>> -> memref<1x10000x128xf32, #tpu.memory_space<hbm>>
        %dma_start3A_199 = tpu.memref_squeeze %dma_start3A_198 : memref<1x10000x128xf32, #tpu.memory_space<hbm>> -> memref<10000x128xf32, #tpu.memory_space<hbm>>
        %dma_start3A_200 = arith.constant 0 : i32
        %dma_start3A_201 = arith.constant 0 : i32
        %dma_start3A_202 = tpu.memref_slice %dma_start3A_199[%dma_start3A_200, %dma_start3A_201] : memref<10000x128xf32, #tpu.memory_space<hbm>> -> memref<10000x128xf32, #tpu.memory_space<hbm>>
        tpu.enqueue_indirect_dma source(%dma_start3A_202 : memref<10000x128xf32, #tpu.memory_space<hbm>>) target(%dma_start3A_192 : memref<128x128xf32, #tpu.memory_space<vmem>>) offsets(%dma_start3A_195 : memref<128xi32, #tpu.memory_space<vmem>>) semaphore(%arg11 : memref<!tpu.dma_semaphore, #tpu.memory_space<semaphore_mem>>)
        %dma_start3A_203 = arith.constant 1 : i32
        %dma_start3A_204 = arith.constant 1 : i32
        %dma_start3A_205 = arith.constant 0 : i32
        %dma_start3A_206 = arith.constant 0 : i32
        %dma_start3A_207 = tpu.memref_slice %arg9[%dma_start3A_204, %dma_start3A_205, %dma_start3A_206] : memref<2x128x128xf32, #tpu.memory_space<vmem>> -> memref<1x128x128xf32, #tpu.memory_space<vmem>>
        %dma_start3A_208 = tpu.memref_squeeze %dma_start3A_207 : memref<1x128x128xf32, #tpu.memory_space<vmem>> -> memref<128x128xf32, #tpu.memory_space<vmem>>
        %dma_start3A_209 = arith.constant 0 : i32
        %dma_start3A_210 = tpu.memref_slice %arg7[%dma_start3A_203, %dma_start3A_209] : memref<40x128xi32, #tpu.memory_space<vmem>> -> memref<1x128xi32, #tpu.memory_space<vmem>>
        %dma_start3A_211 = tpu.memref_squeeze %dma_start3A_210 : memref<1x128xi32, #tpu.memory_space<vmem>> -> memref<128xi32, #tpu.memory_space<vmem>>
        %dma_start3A_212 = arith.constant 0 : i32
        %dma_start3A_213 = arith.constant 0 : i32
        %dma_start3A_214 = tpu.memref_slice %arg2[%add3A_51, %dma_start3A_212, %dma_start3A_213] : memref<4x10000x128xf32, #tpu.memory_space<hbm>> -> memref<1x10000x128xf32, #tpu.memory_space<hbm>>
        %dma_start3A_215 = tpu.memref_squeeze %dma_start3A_214 : memref<1x10000x128xf32, #tpu.memory_space<hbm>> -> memref<10000x128xf32, #tpu.memory_space<hbm>>
        %dma_start3A_216 = arith.constant 0 : i32
        %dma_start3A_217 = arith.constant 0 : i32
        %dma_start3A_218 = tpu.memref_slice %dma_start3A_215[%dma_start3A_216, %dma_start3A_217] : memref<10000x128xf32, #tpu.memory_space<hbm>> -> memref<10000x128xf32, #tpu.memory_space<hbm>>
        tpu.enqueue_indirect_dma source(%dma_start3A_218 : memref<10000x128xf32, #tpu.memory_space<hbm>>) target(%dma_start3A_208 : memref<128x128xf32, #tpu.memory_space<vmem>>) offsets(%dma_start3A_211 : memref<128xi32, #tpu.memory_space<vmem>>) semaphore(%arg12 : memref<!tpu.dma_semaphore, #tpu.memory_space<semaphore_mem>>)
      } else {
      }
      %dma_wait3A_112 = arith.constant 0 : i32
      %dma_wait3A_113 = arith.constant 0 : i32
      %dma_wait3A_114 = arith.constant 0 : i32
      %dma_wait3A_115 = arith.constant 0 : i32
      %dma_wait3A_116 = tpu.memref_slice %arg9[%dma_wait3A_113, %dma_wait3A_114, %dma_wait3A_115] : memref<2x128x128xf32, #tpu.memory_space<vmem>> -> memref<1x128x128xf32, #tpu.memory_space<vmem>>
      %dma_wait3A_117 = tpu.memref_squeeze %dma_wait3A_116 : memref<1x128x128xf32, #tpu.memory_space<vmem>> -> memref<128x128xf32, #tpu.memory_space<vmem>>
      %dma_wait3A_118 = arith.constant 0 : i32
      %dma_wait3A_119 = tpu.memref_slice %arg7[%dma_wait3A_112, %dma_wait3A_118] : memref<40x128xi32, #tpu.memory_space<vmem>> -> memref<1x128xi32, #tpu.memory_space<vmem>>
      %dma_wait3A_120 = tpu.memref_squeeze %dma_wait3A_119 : memref<1x128xi32, #tpu.memory_space<vmem>> -> memref<128xi32, #tpu.memory_space<vmem>>
      %dma_wait3A_121 = arith.constant 0 : i32
      %dma_wait3A_122 = arith.constant 0 : i32
      %dma_wait3A_123 = tpu.memref_slice %arg2[%add3A_51, %dma_wait3A_121, %dma_wait3A_122] : memref<4x10000x128xf32, #tpu.memory_space<hbm>> -> memref<1x10000x128xf32, #tpu.memory_space<hbm>>
      %dma_wait3A_124 = tpu.memref_squeeze %dma_wait3A_123 : memref<1x10000x128xf32, #tpu.memory_space<hbm>> -> memref<10000x128xf32, #tpu.memory_space<hbm>>
      %dma_wait3A_125 = arith.constant 0 : i32
      %dma_wait3A_126 = arith.constant 0 : i32
      %dma_wait3A_127 = tpu.memref_slice %dma_wait3A_124[%dma_wait3A_125, %dma_wait3A_126] : memref<10000x128xf32, #tpu.memory_space<hbm>> -> memref<10000x128xf32, #tpu.memory_space<hbm>>
      tpu.wait_indirect_dma semaphore(%arg11 : memref<!tpu.dma_semaphore, #tpu.memory_space<semaphore_mem>>) src(%dma_wait3A_127 : memref<10000x128xf32, #tpu.memory_space<hbm>>) dst(%dma_wait3A_117 : memref<128x128xf32, #tpu.memory_space<vmem>>)
      %dma_start3A = arith.constant 0 : i32
      %dma_start3A_128 = arith.constant 0 : i32
      %dma_start3A_129 = arith.constant 0 : i32
      %dma_start3A_130 = tpu.memref_slice %arg9[%dma_start3A, %dma_start3A_128, %dma_start3A_129] : memref<2x128x128xf32, #tpu.memory_space<vmem>> -> memref<1x128x128xf32, #tpu.memory_space<vmem>>
      %dma_start3A_131 = tpu.memref_squeeze %dma_start3A_130 : memref<1x128x128xf32, #tpu.memory_space<vmem>> -> memref<128x128xf32, #tpu.memory_space<vmem>>
      %dma_start3A_132 = arith.constant 0 : i32
      %dma_start3A_133 = tpu.memref_slice %arg8[%rem3A_106, %dma_start3A_132] : memref<40x128xi32, #tpu.memory_space<vmem>> -> memref<1x128xi32, #tpu.memory_space<vmem>>
      %dma_start3A_134 = tpu.memref_squeeze %dma_start3A_133 : memref<1x128xi32, #tpu.memory_space<vmem>> -> memref<128xi32, #tpu.memory_space<vmem>>
      %dma_start3A_135 = arith.constant 0 : i32
      %dma_start3A_136 = arith.constant 0 : i32
      %dma_start3A_137 = tpu.memref_slice %arg10[%dma_start3A_135, %dma_start3A_136] : memref<10008x128xf32, #tpu.memory_space<vmem_shared>> -> memref<10008x128xf32, #tpu.memory_space<vmem_shared>>
      tpu.enqueue_indirect_dma source(%dma_start3A_131 : memref<128x128xf32, #tpu.memory_space<vmem>>) target(%dma_start3A_137 : memref<10008x128xf32, #tpu.memory_space<vmem_shared>>) offsets(%dma_start3A_134 : memref<128xi32, #tpu.memory_space<vmem>>) semaphore(%arg13 : memref<!tpu.dma_semaphore, #tpu.memory_space<semaphore_mem>>) {add = true}
      %dma_wait3A_138 = arith.constant 0 : i32
      %dma_wait3A_139 = arith.constant 1 : i32
      %dma_wait3A_140 = arith.constant 0 : i32
      %dma_wait3A_141 = arith.constant 0 : i32
      %dma_wait3A_142 = tpu.memref_slice %arg9[%dma_wait3A_139, %dma_wait3A_140, %dma_wait3A_141] : memref<2x128x128xf32, #tpu.memory_space<vmem>> -> memref<1x128x128xf32, #tpu.memory_space<vmem>>
      %dma_wait3A_143 = tpu.memref_squeeze %dma_wait3A_142 : memref<1x128x128xf32, #tpu.memory_space<vmem>> -> memref<128x128xf32, #tpu.memory_space<vmem>>
      %dma_wait3A_144 = arith.constant 0 : i32
      %dma_wait3A_145 = tpu.memref_slice %arg7[%dma_wait3A_138, %dma_wait3A_144] : memref<40x128xi32, #tpu.memory_space<vmem>> -> memref<1x128xi32, #tpu.memory_space<vmem>>
      %dma_wait3A_146 = tpu.memref_squeeze %dma_wait3A_145 : memref<1x128xi32, #tpu.memory_space<vmem>> -> memref<128xi32, #tpu.memory_space<vmem>>
      %dma_wait3A_147 = arith.constant 0 : i32
      %dma_wait3A_148 = arith.constant 0 : i32
      %dma_wait3A_149 = tpu.memref_slice %arg2[%add3A_51, %dma_wait3A_147, %dma_wait3A_148] : memref<4x10000x128xf32, #tpu.memory_space<hbm>> -> memref<1x10000x128xf32, #tpu.memory_space<hbm>>
      %dma_wait3A_150 = tpu.memref_squeeze %dma_wait3A_149 : memref<1x10000x128xf32, #tpu.memory_space<hbm>> -> memref<10000x128xf32, #tpu.memory_space<hbm>>
      %dma_wait3A_151 = arith.constant 0 : i32
      %dma_wait3A_152 = arith.constant 0 : i32
      %dma_wait3A_153 = tpu.memref_slice %dma_wait3A_150[%dma_wait3A_151, %dma_wait3A_152] : memref<10000x128xf32, #tpu.memory_space<hbm>> -> memref<10000x128xf32, #tpu.memory_space<hbm>>
      tpu.wait_indirect_dma semaphore(%arg12 : memref<!tpu.dma_semaphore, #tpu.memory_space<semaphore_mem>>) src(%dma_wait3A_153 : memref<10000x128xf32, #tpu.memory_space<hbm>>) dst(%dma_wait3A_143 : memref<128x128xf32, #tpu.memory_space<vmem>>)
      %add3A_154 = arith.constant 1 : i32
      %add3A_155 = arith.addi %rem3A_106, %add3A_154 : i32
      %dma_start3A_156 = arith.constant 1 : i32
      %dma_start3A_157 = arith.constant 0 : i32
      %dma_start3A_158 = arith.constant 0 : i32
      %dma_start3A_159 = tpu.memref_slice %arg9[%dma_start3A_156, %dma_start3A_157, %dma_start3A_158] : memref<2x128x128xf32, #tpu.memory_space<vmem>> -> memref<1x128x128xf32, #tpu.memory_space<vmem>>
      %dma_start3A_160 = tpu.memref_squeeze %dma_start3A_159 : memref<1x128x128xf32, #tpu.memory_space<vmem>> -> memref<128x128xf32, #tpu.memory_space<vmem>>
      %dma_start3A_161 = arith.constant 0 : i32
      %dma_start3A_162 = tpu.memref_slice %arg8[%add3A_155, %dma_start3A_161] : memref<40x128xi32, #tpu.memory_space<vmem>> -> memref<1x128xi32, #tpu.memory_space<vmem>>
      %dma_start3A_163 = tpu.memref_squeeze %dma_start3A_162 : memref<1x128xi32, #tpu.memory_space<vmem>> -> memref<128xi32, #tpu.memory_space<vmem>>
      %dma_start3A_164 = arith.constant 0 : i32
      %dma_start3A_165 = arith.constant 0 : i32
      %dma_start3A_166 = tpu.memref_slice %arg10[%dma_start3A_164, %dma_start3A_165] : memref<10008x128xf32, #tpu.memory_space<vmem_shared>> -> memref<10008x128xf32, #tpu.memory_space<vmem_shared>>
      tpu.enqueue_indirect_dma source(%dma_start3A_160 : memref<128x128xf32, #tpu.memory_space<vmem>>) target(%dma_start3A_166 : memref<10008x128xf32, #tpu.memory_space<vmem_shared>>) offsets(%dma_start3A_163 : memref<128xi32, #tpu.memory_space<vmem>>) semaphore(%arg14 : memref<!tpu.dma_semaphore, #tpu.memory_space<semaphore_mem>>) {add = true}
      %add3A_167 = arith.constant 1 : i32
      %add3A_168 = arith.addi %rem3A_106, %add3A_167 : i32
      %add3A_169 = arith.constant 2 : i32
      %add3A_170 = arith.addi %rem3A_106, %add3A_169 : i32
      %lt3A = arith.constant 40 : i32
      %lt3A_171 = arith.cmpi slt, %add3A_170, %lt3A : i32
      %convert_element_type3A_172 = arith.extui %lt3A_171 : i1 to i32
      %cond3A_173 = arith.constant 0 : i32
      %cond3A_174 = arith.cmpi ne, %convert_element_type3A_172, %cond3A_173 : i32
      scf.if %cond3A_174 {
        %dma_wait3A_182 = arith.constant 0 : i32
        %dma_wait3A_183 = arith.constant 0 : i32
        %dma_wait3A_184 = arith.constant 0 : i32
        %dma_wait3A_185 = arith.constant 0 : i32
        %dma_wait3A_186 = tpu.memref_slice %arg9[%dma_wait3A_182, %dma_wait3A_184, %dma_wait3A_185] : memref<2x128x128xf32, #tpu.memory_space<vmem>> -> memref<1x128x128xf32, #tpu.memory_space<vmem>>
        %dma_wait3A_187 = tpu.memref_squeeze %dma_wait3A_186 : memref<1x128x128xf32, #tpu.memory_space<vmem>> -> memref<128x128xf32, #tpu.memory_space<vmem>>
        %dma_wait3A_188 = arith.constant 0 : i32
        %dma_wait3A_189 = tpu.memref_slice %arg8[%dma_wait3A_183, %dma_wait3A_188] : memref<40x128xi32, #tpu.memory_space<vmem>> -> memref<1x128xi32, #tpu.memory_space<vmem>>
        %dma_wait3A_190 = tpu.memref_squeeze %dma_wait3A_189 : memref<1x128xi32, #tpu.memory_space<vmem>> -> memref<128xi32, #tpu.memory_space<vmem>>
        %dma_wait3A_191 = arith.constant 0 : i32
        %dma_wait3A_192 = arith.constant 0 : i32
        %dma_wait3A_193 = tpu.memref_slice %arg10[%dma_wait3A_191, %dma_wait3A_192] : memref<10008x128xf32, #tpu.memory_space<vmem_shared>> -> memref<10008x128xf32, #tpu.memory_space<vmem_shared>>
        tpu.wait_indirect_dma semaphore(%arg13 : memref<!tpu.dma_semaphore, #tpu.memory_space<semaphore_mem>>) src(%dma_wait3A_187 : memref<128x128xf32, #tpu.memory_space<vmem>>) dst(%dma_wait3A_193 : memref<10008x128xf32, #tpu.memory_space<vmem_shared>>)
        %add3A_194 = arith.constant 2 : i32
        %add3A_195 = arith.addi %rem3A_106, %add3A_194 : i32
        %dma_start3A_196 = arith.constant 0 : i32
        %dma_start3A_197 = arith.constant 0 : i32
        %dma_start3A_198 = arith.constant 0 : i32
        %dma_start3A_199 = tpu.memref_slice %arg9[%dma_start3A_196, %dma_start3A_197, %dma_start3A_198] : memref<2x128x128xf32, #tpu.memory_space<vmem>> -> memref<1x128x128xf32, #tpu.memory_space<vmem>>
        %dma_start3A_200 = tpu.memref_squeeze %dma_start3A_199 : memref<1x128x128xf32, #tpu.memory_space<vmem>> -> memref<128x128xf32, #tpu.memory_space<vmem>>
        %dma_start3A_201 = arith.constant 0 : i32
        %dma_start3A_202 = tpu.memref_slice %arg7[%add3A_195, %dma_start3A_201] : memref<40x128xi32, #tpu.memory_space<vmem>> -> memref<1x128xi32, #tpu.memory_space<vmem>>
        %dma_start3A_203 = tpu.memref_squeeze %dma_start3A_202 : memref<1x128xi32, #tpu.memory_space<vmem>> -> memref<128xi32, #tpu.memory_space<vmem>>
        %dma_start3A_204 = arith.constant 0 : i32
        %dma_start3A_205 = arith.constant 0 : i32
        %dma_start3A_206 = tpu.memref_slice %arg2[%add3A_51, %dma_start3A_204, %dma_start3A_205] : memref<4x10000x128xf32, #tpu.memory_space<hbm>> -> memref<1x10000x128xf32, #tpu.memory_space<hbm>>
        %dma_start3A_207 = tpu.memref_squeeze %dma_start3A_206 : memref<1x10000x128xf32, #tpu.memory_space<hbm>> -> memref<10000x128xf32, #tpu.memory_space<hbm>>
        %dma_start3A_208 = arith.constant 0 : i32
        %dma_start3A_209 = arith.constant 0 : i32
        %dma_start3A_210 = tpu.memref_slice %dma_start3A_207[%dma_start3A_208, %dma_start3A_209] : memref<10000x128xf32, #tpu.memory_space<hbm>> -> memref<10000x128xf32, #tpu.memory_space<hbm>>
        tpu.enqueue_indirect_dma source(%dma_start3A_210 : memref<10000x128xf32, #tpu.memory_space<hbm>>) target(%dma_start3A_200 : memref<128x128xf32, #tpu.memory_space<vmem>>) offsets(%dma_start3A_203 : memref<128xi32, #tpu.memory_space<vmem>>) semaphore(%arg11 : memref<!tpu.dma_semaphore, #tpu.memory_space<semaphore_mem>>)
      } else {
      }
      %add3A_175 = arith.constant 3 : i32
      %add3A_176 = arith.addi %rem3A_106, %add3A_175 : i32
      %lt3A_177 = arith.constant 40 : i32
      %lt3A_178 = arith.cmpi slt, %add3A_176, %lt3A_177 : i32
      %convert_element_type3A_179 = arith.extui %lt3A_178 : i1 to i32
      %cond3A_180 = arith.constant 0 : i32
      %cond3A_181 = arith.cmpi ne, %convert_element_type3A_179, %cond3A_180 : i32
      scf.if %cond3A_181 {
        %dma_wait3A_182 = arith.constant 1 : i32
        %dma_wait3A_183 = arith.constant 0 : i32
        %dma_wait3A_184 = arith.constant 0 : i32
        %dma_wait3A_185 = arith.constant 0 : i32
        %dma_wait3A_186 = tpu.memref_slice %arg9[%dma_wait3A_182, %dma_wait3A_184, %dma_wait3A_185] : memref<2x128x128xf32, #tpu.memory_space<vmem>> -> memref<1x128x128xf32, #tpu.memory_space<vmem>>
        %dma_wait3A_187 = tpu.memref_squeeze %dma_wait3A_186 : memref<1x128x128xf32, #tpu.memory_space<vmem>> -> memref<128x128xf32, #tpu.memory_space<vmem>>
        %dma_wait3A_188 = arith.constant 0 : i32
        %dma_wait3A_189 = tpu.memref_slice %arg8[%dma_wait3A_183, %dma_wait3A_188] : memref<40x128xi32, #tpu.memory_space<vmem>> -> memref<1x128xi32, #tpu.memory_space<vmem>>
        %dma_wait3A_190 = tpu.memref_squeeze %dma_wait3A_189 : memref<1x128xi32, #tpu.memory_space<vmem>> -> memref<128xi32, #tpu.memory_space<vmem>>
        %dma_wait3A_191 = arith.constant 0 : i32
        %dma_wait3A_192 = arith.constant 0 : i32
        %dma_wait3A_193 = tpu.memref_slice %arg10[%dma_wait3A_191, %dma_wait3A_192] : memref<10008x128xf32, #tpu.memory_space<vmem_shared>> -> memref<10008x128xf32, #tpu.memory_space<vmem_shared>>
        tpu.wait_indirect_dma semaphore(%arg14 : memref<!tpu.dma_semaphore, #tpu.memory_space<semaphore_mem>>) src(%dma_wait3A_187 : memref<128x128xf32, #tpu.memory_space<vmem>>) dst(%dma_wait3A_193 : memref<10008x128xf32, #tpu.memory_space<vmem_shared>>)
        %add3A_194 = arith.constant 3 : i32
        %add3A_195 = arith.addi %rem3A_106, %add3A_194 : i32
        %dma_start3A_196 = arith.constant 1 : i32
        %dma_start3A_197 = arith.constant 0 : i32
        %dma_start3A_198 = arith.constant 0 : i32
        %dma_start3A_199 = tpu.memref_slice %arg9[%dma_start3A_196, %dma_start3A_197, %dma_start3A_198] : memref<2x128x128xf32, #tpu.memory_space<vmem>> -> memref<1x128x128xf32, #tpu.memory_space<vmem>>
        %dma_start3A_200 = tpu.memref_squeeze %dma_start3A_199 : memref<1x128x128xf32, #tpu.memory_space<vmem>> -> memref<128x128xf32, #tpu.memory_space<vmem>>
        %dma_start3A_201 = arith.constant 0 : i32
        %dma_start3A_202 = tpu.memref_slice %arg7[%add3A_195, %dma_start3A_201] : memref<40x128xi32, #tpu.memory_space<vmem>> -> memref<1x128xi32, #tpu.memory_space<vmem>>
        %dma_start3A_203 = tpu.memref_squeeze %dma_start3A_202 : memref<1x128xi32, #tpu.memory_space<vmem>> -> memref<128xi32, #tpu.memory_space<vmem>>
        %dma_start3A_204 = arith.constant 0 : i32
        %dma_start3A_205 = arith.constant 0 : i32
        %dma_start3A_206 = tpu.memref_slice %arg2[%add3A_51, %dma_start3A_204, %dma_start3A_205] : memref<4x10000x128xf32, #tpu.memory_space<hbm>> -> memref<1x10000x128xf32, #tpu.memory_space<hbm>>
        %dma_start3A_207 = tpu.memref_squeeze %dma_start3A_206 : memref<1x10000x128xf32, #tpu.memory_space<hbm>> -> memref<10000x128xf32, #tpu.memory_space<hbm>>
        %dma_start3A_208 = arith.constant 0 : i32
        %dma_start3A_209 = arith.constant 0 : i32
        %dma_start3A_210 = tpu.memref_slice %dma_start3A_207[%dma_start3A_208, %dma_start3A_209] : memref<10000x128xf32, #tpu.memory_space<hbm>> -> memref<10000x128xf32, #tpu.memory_space<hbm>>
        tpu.enqueue_indirect_dma source(%dma_start3A_210 : memref<10000x128xf32, #tpu.memory_space<hbm>>) target(%dma_start3A_200 : memref<128x128xf32, #tpu.memory_space<vmem>>) offsets(%dma_start3A_203 : memref<128xi32, #tpu.memory_space<vmem>>) semaphore(%arg12 : memref<!tpu.dma_semaphore, #tpu.memory_space<semaphore_mem>>)
      } else {
      }
    }
    %scan3A_66 = arith.constant 40 : i32
    %dma_wait3A_67 = arith.constant 0 : i32
    %dma_wait3A_68 = arith.constant 0 : i32
    %dma_wait3A_69 = arith.constant 0 : i32
    %dma_wait3A_70 = arith.constant 0 : i32
    %dma_wait3A_71 = tpu.memref_slice %arg9[%dma_wait3A_67, %dma_wait3A_69, %dma_wait3A_70] : memref<2x128x128xf32, #tpu.memory_space<vmem>> -> memref<1x128x128xf32, #tpu.memory_space<vmem>>
    %dma_wait3A_72 = tpu.memref_squeeze %dma_wait3A_71 : memref<1x128x128xf32, #tpu.memory_space<vmem>> -> memref<128x128xf32, #tpu.memory_space<vmem>>
    %dma_wait3A_73 = arith.constant 0 : i32
    %dma_wait3A_74 = tpu.memref_slice %arg8[%dma_wait3A_68, %dma_wait3A_73] : memref<40x128xi32, #tpu.memory_space<vmem>> -> memref<1x128xi32, #tpu.memory_space<vmem>>
    %dma_wait3A_75 = tpu.memref_squeeze %dma_wait3A_74 : memref<1x128xi32, #tpu.memory_space<vmem>> -> memref<128xi32, #tpu.memory_space<vmem>>
    %dma_wait3A_76 = arith.constant 0 : i32
    %dma_wait3A_77 = arith.constant 0 : i32
    %dma_wait3A_78 = tpu.memref_slice %arg10[%dma_wait3A_76, %dma_wait3A_77] : memref<10008x128xf32, #tpu.memory_space<vmem_shared>> -> memref<10008x128xf32, #tpu.memory_space<vmem_shared>>
    tpu.wait_indirect_dma semaphore(%arg13 : memref<!tpu.dma_semaphore, #tpu.memory_space<semaphore_mem>>) src(%dma_wait3A_72 : memref<128x128xf32, #tpu.memory_space<vmem>>) dst(%dma_wait3A_78 : memref<10008x128xf32, #tpu.memory_space<vmem_shared>>)
    %dma_wait3A_79 = arith.constant 1 : i32
    %dma_wait3A_80 = arith.constant 0 : i32
    %dma_wait3A_81 = arith.constant 0 : i32
    %dma_wait3A_82 = arith.constant 0 : i32
    %dma_wait3A_83 = tpu.memref_slice %arg9[%dma_wait3A_79, %dma_wait3A_81, %dma_wait3A_82] : memref<2x128x128xf32, #tpu.memory_space<vmem>> -> memref<1x128x128xf32, #tpu.memory_space<vmem>>
    %dma_wait3A_84 = tpu.memref_squeeze %dma_wait3A_83 : memref<1x128x128xf32, #tpu.memory_space<vmem>> -> memref<128x128xf32, #tpu.memory_space<vmem>>
    %dma_wait3A_85 = arith.constant 0 : i32
    %dma_wait3A_86 = tpu.memref_slice %arg8[%dma_wait3A_80, %dma_wait3A_85] : memref<40x128xi32, #tpu.memory_space<vmem>> -> memref<1x128xi32, #tpu.memory_space<vmem>>
    %dma_wait3A_87 = tpu.memref_squeeze %dma_wait3A_86 : memref<1x128xi32, #tpu.memory_space<vmem>> -> memref<128xi32, #tpu.memory_space<vmem>>
    %dma_wait3A_88 = arith.constant 0 : i32
    %dma_wait3A_89 = arith.constant 0 : i32
    %dma_wait3A_90 = tpu.memref_slice %arg10[%dma_wait3A_88, %dma_wait3A_89] : memref<10008x128xf32, #tpu.memory_space<vmem_shared>> -> memref<10008x128xf32, #tpu.memory_space<vmem_shared>>
    tpu.wait_indirect_dma semaphore(%arg14 : memref<!tpu.dma_semaphore, #tpu.memory_space<semaphore_mem>>) src(%dma_wait3A_84 : memref<128x128xf32, #tpu.memory_space<vmem>>) dst(%dma_wait3A_90 : memref<10008x128xf32, #tpu.memory_space<vmem_shared>>)
    %barrier3A_91 = arith.constant 0 : index
    tpu.barrier barrier_id(%barrier3A_91)
    %mul3A_92 = arith.constant 624 : i32
    %mul3A_93 = arith.muli %arg1, %mul3A_92 : i32
    %mul3A_94 = arith.constant 624 : i32
    %mul3A_95 = arith.muli %arg1, %mul3A_94 : i32
    "tpu.region"() ({
      %run_scoped3A = tpu.sem_alloc : memref<!tpu.dma_semaphore, #tpu.memory_space<semaphore_mem>>
      %dma_start3A = arith.constant 0 : i32
      %dma_start3A_101 = arith.constant 0 : i32
      %dma_start3A_102 = tpu.memref_slice %arg6[%add3A_51, %dma_start3A, %dma_start3A_101] : memref<4x10000x128xf32, #tpu.memory_space<hbm>> -> memref<1x10000x128xf32, #tpu.memory_space<hbm>>
      %dma_start3A_103 = tpu.memref_squeeze %dma_start3A_102 : memref<1x10000x128xf32, #tpu.memory_space<hbm>> -> memref<10000x128xf32, #tpu.memory_space<hbm>>
      %dma_start3A_104 = arith.constant 0 : i32
      %dma_start3A_105 = tpu.memref_slice %dma_start3A_103[%mul3A_95, %dma_start3A_104] : memref<10000x128xf32, #tpu.memory_space<hbm>> -> memref<624x128xf32, #tpu.memory_space<hbm>>
      %dma_start3A_106 = arith.constant 0 : i32
      %dma_start3A_107 = tpu.memref_slice %arg10[%mul3A_93, %dma_start3A_106] : memref<10008x128xf32, #tpu.memory_space<vmem_shared>> -> memref<624x128xf32, #tpu.memory_space<vmem_shared>>
      tpu.enqueue_dma source(%dma_start3A_107 : memref<624x128xf32, #tpu.memory_space<vmem_shared>>) target(%dma_start3A_105 : memref<624x128xf32, #tpu.memory_space<hbm>>) target_semaphore(%run_scoped3A : memref<!tpu.dma_semaphore, #tpu.memory_space<semaphore_mem>>)
      %dma_wait3A_108 = arith.constant 0 : i32
      %dma_wait3A_109 = arith.constant 0 : i32
      %dma_wait3A_110 = tpu.memref_slice %arg6[%add3A_51, %dma_wait3A_108, %dma_wait3A_109] : memref<4x10000x128xf32, #tpu.memory_space<hbm>> -> memref<1x10000x128xf32, #tpu.memory_space<hbm>>
      %dma_wait3A_111 = tpu.memref_squeeze %dma_wait3A_110 : memref<1x10000x128xf32, #tpu.memory_space<hbm>> -> memref<10000x128xf32, #tpu.memory_space<hbm>>
      %dma_wait3A_112 = arith.constant 0 : i32
      %dma_wait3A_113 = tpu.memref_slice %dma_wait3A_111[%mul3A_95, %dma_wait3A_112] : memref<10000x128xf32, #tpu.memory_space<hbm>> -> memref<624x128xf32, #tpu.memory_space<hbm>>
      %dma_wait3A_114 = arith.constant 0 : i32
      %dma_wait3A_115 = tpu.memref_slice %arg10[%mul3A_93, %dma_wait3A_114] : memref<10008x128xf32, #tpu.memory_space<vmem_shared>> -> memref<624x128xf32, #tpu.memory_space<vmem_shared>>
      tpu.wait_dma2 semaphore(%run_scoped3A : memref<!tpu.dma_semaphore, #tpu.memory_space<semaphore_mem>>) src(%dma_wait3A_115 : memref<624x128xf32, #tpu.memory_space<vmem_shared>>) dst(%dma_wait3A_113 : memref<624x128xf32, #tpu.memory_space<hbm>>)
      tpu.yield
    }) : () -> ()
    %eq3A_96 = arith.constant 15 : i32
    %eq3A_97 = arith.cmpi eq, %arg1, %eq3A_96 : i32
    %convert_element_type3A_98 = arith.extui %eq3A_97 : i1 to i32
    %cond3A_99 = arith.constant 0 : i32
    %cond3A_100 = arith.cmpi ne, %convert_element_type3A_98, %cond3A_99 : i32
    scf.if %cond3A_100 {
      "tpu.region"() ({
        %run_scoped3A = tpu.sem_alloc : memref<!tpu.dma_semaphore, #tpu.memory_space<semaphore_mem>>
        %dma_start3A = arith.constant 0 : i32
        %dma_start3A_101 = arith.constant 0 : i32
        %dma_start3A_102 = tpu.memref_slice %arg6[%add3A_51, %dma_start3A, %dma_start3A_101] : memref<4x10000x128xf32, #tpu.memory_space<hbm>> -> memref<1x10000x128xf32, #tpu.memory_space<hbm>>
        %dma_start3A_103 = tpu.memref_squeeze %dma_start3A_102 : memref<1x10000x128xf32, #tpu.memory_space<hbm>> -> memref<10000x128xf32, #tpu.memory_space<hbm>>
        %dma_start3A_104 = arith.constant 9984 : i32
        %dma_start3A_105 = arith.constant 0 : i32
        %dma_start3A_106 = tpu.memref_slice %dma_start3A_103[%dma_start3A_104, %dma_start3A_105] : memref<10000x128xf32, #tpu.memory_space<hbm>> -> memref<16x128xf32, #tpu.memory_space<hbm>>
        %dma_start3A_107 = arith.constant 9984 : i32
        %dma_start3A_108 = arith.constant 0 : i32
        %dma_start3A_109 = tpu.memref_slice %arg10[%dma_start3A_107, %dma_start3A_108] : memref<10008x128xf32, #tpu.memory_space<vmem_shared>> -> memref<16x128xf32, #tpu.memory_space<vmem_shared>>
        tpu.enqueue_dma source(%dma_start3A_109 : memref<16x128xf32, #tpu.memory_space<vmem_shared>>) target(%dma_start3A_106 : memref<16x128xf32, #tpu.memory_space<hbm>>) target_semaphore(%run_scoped3A : memref<!tpu.dma_semaphore, #tpu.memory_space<semaphore_mem>>)
        %dma_wait3A_110 = arith.constant 0 : i32
        %dma_wait3A_111 = arith.constant 0 : i32
        %dma_wait3A_112 = tpu.memref_slice %arg6[%add3A_51, %dma_wait3A_110, %dma_wait3A_111] : memref<4x10000x128xf32, #tpu.memory_space<hbm>> -> memref<1x10000x128xf32, #tpu.memory_space<hbm>>
        %dma_wait3A_113 = tpu.memref_squeeze %dma_wait3A_112 : memref<1x10000x128xf32, #tpu.memory_space<hbm>> -> memref<10000x128xf32, #tpu.memory_space<hbm>>
        %dma_wait3A_114 = arith.constant 9984 : i32
        %dma_wait3A_115 = arith.constant 0 : i32
        %dma_wait3A_116 = tpu.memref_slice %dma_wait3A_113[%dma_wait3A_114, %dma_wait3A_115] : memref<10000x128xf32, #tpu.memory_space<hbm>> -> memref<16x128xf32, #tpu.memory_space<hbm>>
        %dma_wait3A_117 = arith.constant 9984 : i32
        %dma_wait3A_118 = arith.constant 0 : i32
        %dma_wait3A_119 = tpu.memref_slice %arg10[%dma_wait3A_117, %dma_wait3A_118] : memref<10008x128xf32, #tpu.memory_space<vmem_shared>> -> memref<16x128xf32, #tpu.memory_space<vmem_shared>>
        tpu.wait_dma2 semaphore(%run_scoped3A : memref<!tpu.dma_semaphore, #tpu.memory_space<semaphore_mem>>) src(%dma_wait3A_119 : memref<16x128xf32, #tpu.memory_space<vmem_shared>>) dst(%dma_wait3A_116 : memref<16x128xf32, #tpu.memory_space<hbm>>)
        tpu.yield
      }) : () -> ()
    } else {
    }
    return
  }
}

module attributes {stable_mosaic.version = 14 : i64} {
  func.func @_mm_body(%arg0: i32, %arg1: memref<1000x256xf32, #tpu.memory_space<vmem>>, %arg2: memref<256x512xf32, #tpu.memory_space<vmem>>, %arg3: memref<1000x512xf32, #tpu.memory_space<vmem>>) attributes {dimension_semantics = [#tpu.dimension_semantics<arbitrary>], iteration_bounds = array<i64: 10>, scalar_prefetch = 0 : i64, scratch_operands = 0 : i64, tpu.core_type = #tpu.core_type<tc>, window_params = [{transform_indices = @transform_0, window_bounds = array<i64: 1000, 256>}, {pipeline_mode = #tpu.pipeline_mode<synchronous>, transform_indices = @transform_1, window_bounds = array<i64: 256, 512>}, {transform_indices = @transform_2, window_bounds = array<i64: 1000, 512>}]} {
    %get3A = arith.constant 0 : index
    %get3A_0 = arith.constant 0 : index
    %get3A_1 = vector.load %arg1[%get3A, %get3A_0] : memref<1000x256xf32, #tpu.memory_space<vmem>>, vector<1000x256xf32>
    %get3A_2 = arith.constant 0 : index
    %get3A_3 = arith.constant 0 : index
    %get3A_4 = vector.load %arg2[%get3A_2, %get3A_3] : memref<256x512xf32, #tpu.memory_space<vmem>>, vector<256x512xf32>
    %dot_general3A = arith.constant dense<0.000000e+00> : vector<1000x512xf32>
    %dot_general3A_5 = tpu.matmul %get3A_1, %get3A_4, %dot_general3A {dimension_numbers = #tpu.dot_dimension_numbers<[1], [0], [0], [1], [0, 0, 1, 1], [], []>, transpose_lhs_hint = false} : vector<1000x256xf32>, vector<256x512xf32>, vector<1000x512xf32> -> vector<1000x512xf32>
    %swap3A = arith.constant 0 : index
    %swap3A_6 = arith.constant 0 : index
    %swap3A_7 = vector.load %arg3[%swap3A, %swap3A_6] : memref<1000x512xf32, #tpu.memory_space<vmem>>, vector<1000x512xf32>
    tpu.vector_store %arg3[%swap3A, %swap3A_6], %dot_general3A_5 {strides = array<i32>} : memref<1000x512xf32, #tpu.memory_space<vmem>>, vector<1000x512xf32>,
    return
  }
  func.func @transform_0(%arg0: i32) -> (i32, i32) {
    %c0_i32 = arith.constant 0 : i32
    %c0_i32_0 = arith.constant 0 : i32
    return %arg0, %c0_i32 : i32, i32
  }
  func.func @transform_1(%arg0: i32) -> (i32, i32) {
    %c0_i32 = arith.constant 0 : i32
    %c0_i32_0 = arith.constant 0 : i32
    %c0_i32_1 = arith.constant 0 : i32
    return %c0_i32, %c0_i32_0 : i32, i32
  }
  func.func @transform_2(%arg0: i32) -> (i32, i32) {
    %c0_i32 = arith.constant 0 : i32
    %c0_i32_0 = arith.constant 0 : i32
    return %arg0, %c0_i32 : i32, i32
  }
}

module attributes {stable_mosaic.version = 14 : i64} {
  func.func @_tc1_body(%arg0: i32, %arg1: memref<2x1000x128xf32, #tpu.memory_space<vmem>>, %arg2: memref<1x1x1000xf32, #tpu.memory_space<vmem>>, %arg3: memref<1000x512xf32, #tpu.memory_space<vmem>>, %arg4: memref<256x512xf32, #tpu.memory_space<vmem>>, %arg5: memref<1x512xf32, #tpu.memory_space<vmem>>, %arg6: memref<4x1000x128xf32, #tpu.memory_space<vmem>>) attributes {dimension_semantics = [#tpu.dimension_semantics<arbitrary>], iteration_bounds = array<i64: 10>, scalar_prefetch = 0 : i64, scratch_operands = 0 : i64, tpu.core_type = #tpu.core_type<tc>, window_params = [{transform_indices = @transform_0, window_bounds = array<i64: 2, 1000, 128>}, {transform_indices = @transform_1, window_bounds = array<i64: 1, 1, 1000>}, {transform_indices = @transform_2, window_bounds = array<i64: 1000, 512>}, {pipeline_mode = #tpu.pipeline_mode<synchronous>, transform_indices = @transform_3, window_bounds = array<i64: 256, 512>}, {pipeline_mode = #tpu.pipeline_mode<synchronous>, transform_indices = @transform_4, window_bounds = array<i64: 1, 512>}, {transform_indices = @transform_5, window_bounds = array<i64: 4, 1000, 128>}]} {
    %get3A = arith.constant 0 : index
    %get3A_0 = arith.constant 0 : index
    %get3A_1 = arith.constant 0 : index
    %get3A_2 = vector.load %arg1[%get3A, %get3A_0, %get3A_1] : memref<2x1000x128xf32, #tpu.memory_space<vmem>>, vector<1x1000x128xf32>
    %get3A_3 = vector.shape_cast %get3A_2 : vector<1x1000x128xf32> to vector<1000x128xf32>
    %get3A_4 = arith.constant 1 : index
    %get3A_5 = arith.constant 0 : index
    %get3A_6 = arith.constant 0 : index
    %get3A_7 = vector.load %arg1[%get3A_4, %get3A_5, %get3A_6] : memref<2x1000x128xf32, #tpu.memory_space<vmem>>, vector<1x1000x128xf32>
    %get3A_8 = vector.shape_cast %get3A_7 : vector<1x1000x128xf32> to vector<1000x128xf32>
    %concatenate3A = tpu.concatenate %get3A_3, %get3A_8 in 1 : vector<1000x128xf32>, vector<1000x128xf32> -> vector<1000x256xf32>
    %get3A_9 = arith.constant 0 : index
    %get3A_10 = arith.constant 0 : index
    %get3A_11 = arith.constant 0 : index
    %get3A_12 = vector.load %arg2[%get3A_9, %get3A_10, %get3A_11] : memref<1x1x1000xf32, #tpu.memory_space<vmem>>, vector<1x1x1000xf32>
    %get3A_13 = vector.shape_cast %get3A_12 : vector<1x1x1000xf32> to vector<1000xf32>
    %max3A = arith.constant 1.000000e+00 : f32
    %max3A_14 = vector.broadcast %max3A : f32 to vector<1000xf32>
    %max3A_15 = arith.maximumf %get3A_13, %max3A_14 : vector<1000xf32>
    %div3A = arith.constant 1.000000e+00 : f32
    %div3A_16 = vector.broadcast %div3A : f32 to vector<1000xf32>
    %div3A_17 = arith.divf %div3A_16, %max3A_15 : vector<1000xf32>
    %broadcast_in_dim3A = vector.shape_cast %div3A_17 : vector<1000xf32> to vector<1000x1xf32>
    %mul3A = vector.broadcast %broadcast_in_dim3A : vector<1000x1xf32> to vector<1000x256xf32>
    %mul3A_18 = arith.mulf %concatenate3A, %mul3A : vector<1000x256xf32>
    %get3A_19 = arith.constant 0 : index
    %get3A_20 = arith.constant 0 : index
    %get3A_21 = vector.load %arg4[%get3A_19, %get3A_20] : memref<256x512xf32, #tpu.memory_space<vmem>>, vector<256x512xf32>
    %dot_general3A = arith.constant dense<0.000000e+00> : vector<1000x512xf32>
    %dot_general3A_22 = tpu.matmul %mul3A_18, %get3A_21, %dot_general3A {dimension_numbers = #tpu.dot_dimension_numbers<[1], [0], [0], [1], [0, 0, 1, 1], [], []>, transpose_lhs_hint = false} : vector<1000x256xf32>, vector<256x512xf32>, vector<1000x512xf32> -> vector<1000x512xf32>
    %get3A_23 = arith.constant 0 : index
    %get3A_24 = arith.constant 0 : index
    %get3A_25 = vector.load %arg5[%get3A_23, %get3A_24] : memref<1x512xf32, #tpu.memory_space<vmem>>, vector<1x512xf32>
    %add3A = vector.broadcast %get3A_25 : vector<1x512xf32> to vector<1000x512xf32>
    %add3A_26 = arith.addf %dot_general3A_22, %add3A : vector<1000x512xf32>
    %get3A_27 = arith.constant 0 : index
    %get3A_28 = arith.constant 0 : index
    %get3A_29 = vector.load %arg3[%get3A_27, %get3A_28] : memref<1000x512xf32, #tpu.memory_space<vmem>>, vector<1000x512xf32>
    %add3A_30 = arith.addf %add3A_26, %get3A_29 : vector<1000x512xf32>
    %max3A_31 = arith.constant 0.000000e+00 : f32
    %max3A_32 = vector.broadcast %max3A_31 : f32 to vector<1000x512xf32>
    %max3A_33 = arith.maximumf %add3A_30, %max3A_32 : vector<1000x512xf32>
    %slice3A = vector.extract_strided_slice %max3A_33 {offsets = [0, 0], sizes = [1000, 128], strides = [1, 1]} : vector<1000x512xf32> to vector<1000x128xf32>
    %swap3A = arith.constant 0 : index
    %swap3A_34 = arith.constant 0 : index
    %swap3A_35 = arith.constant 0 : index
    %swap3A_36 = vector.load %arg6[%swap3A, %swap3A_34, %swap3A_35] : memref<4x1000x128xf32, #tpu.memory_space<vmem>>, vector<1x1000x128xf32>
    %swap3A_37 = vector.shape_cast %swap3A_36 : vector<1x1000x128xf32> to vector<1000x128xf32>
    %swap3A_38 = vector.shape_cast %slice3A : vector<1000x128xf32> to vector<1x1000x128xf32>
    tpu.vector_store %arg6[%swap3A, %swap3A_34, %swap3A_35], %swap3A_38 {strides = array<i32>} : memref<4x1000x128xf32, #tpu.memory_space<vmem>>, vector<1x1000x128xf32>,
    %slice3A_39 = vector.extract_strided_slice %max3A_33 {offsets = [0, 128], sizes = [1000, 128], strides = [1, 1]} : vector<1000x512xf32> to vector<1000x128xf32>
    %swap3A_40 = arith.constant 1 : index
    %swap3A_41 = arith.constant 0 : index
    %swap3A_42 = arith.constant 0 : index
    %swap3A_43 = vector.load %arg6[%swap3A_40, %swap3A_41, %swap3A_42] : memref<4x1000x128xf32, #tpu.memory_space<vmem>>, vector<1x1000x128xf32>
    %swap3A_44 = vector.shape_cast %swap3A_43 : vector<1x1000x128xf32> to vector<1000x128xf32>
    %swap3A_45 = vector.shape_cast %slice3A_39 : vector<1000x128xf32> to vector<1x1000x128xf32>
    tpu.vector_store %arg6[%swap3A_40, %swap3A_41, %swap3A_42], %swap3A_45 {strides = array<i32>} : memref<4x1000x128xf32, #tpu.memory_space<vmem>>, vector<1x1000x128xf32>,
    %slice3A_46 = vector.extract_strided_slice %max3A_33 {offsets = [0, 256], sizes = [1000, 128], strides = [1, 1]} : vector<1000x512xf32> to vector<1000x128xf32>
    %swap3A_47 = arith.constant 2 : index
    %swap3A_48 = arith.constant 0 : index
    %swap3A_49 = arith.constant 0 : index
    %swap3A_50 = vector.load %arg6[%swap3A_47, %swap3A_48, %swap3A_49] : memref<4x1000x128xf32, #tpu.memory_space<vmem>>, vector<1x1000x128xf32>
    %swap3A_51 = vector.shape_cast %swap3A_50 : vector<1x1000x128xf32> to vector<1000x128xf32>
    %swap3A_52 = vector.shape_cast %slice3A_46 : vector<1000x128xf32> to vector<1x1000x128xf32>
    tpu.vector_store %arg6[%swap3A_47, %swap3A_48, %swap3A_49], %swap3A_52 {strides = array<i32>} : memref<4x1000x128xf32, #tpu.memory_space<vmem>>, vector<1x1000x128xf32>,
    %slice3A_53 = vector.extract_strided_slice %max3A_33 {offsets = [0, 384], sizes = [1000, 128], strides = [1, 1]} : vector<1000x512xf32> to vector<1000x128xf32>
    %swap3A_54 = arith.constant 3 : index
    %swap3A_55 = arith.constant 0 : index
    %swap3A_56 = arith.constant 0 : index
    %swap3A_57 = vector.load %arg6[%swap3A_54, %swap3A_55, %swap3A_56] : memref<4x1000x128xf32, #tpu.memory_space<vmem>>, vector<1x1000x128xf32>
    %swap3A_58 = vector.shape_cast %swap3A_57 : vector<1x1000x128xf32> to vector<1000x128xf32>
    %swap3A_59 = vector.shape_cast %slice3A_53 : vector<1000x128xf32> to vector<1x1000x128xf32>
    tpu.vector_store %arg6[%swap3A_54, %swap3A_55, %swap3A_56], %swap3A_59 {strides = array<i32>} : memref<4x1000x128xf32, #tpu.memory_space<vmem>>, vector<1x1000x128xf32>,
    return
  }
  func.func @transform_0(%arg0: i32) -> (i32, i32, i32) {
    %c0_i32 = arith.constant 0 : i32
    %c0_i32_0 = arith.constant 0 : i32
    %c0_i32_1 = arith.constant 0 : i32
    return %c0_i32, %arg0, %c0_i32_0 : i32, i32, i32
  }
  func.func @transform_1(%arg0: i32) -> (i32, i32, i32) {
    %c0_i32 = arith.constant 0 : i32
    %c0_i32_0 = arith.constant 0 : i32
    %c0_i32_1 = arith.constant 0 : i32
    return %arg0, %c0_i32, %c0_i32_0 : i32, i32, i32
  }
  func.func @transform_2(%arg0: i32) -> (i32, i32) {
    %c0_i32 = arith.constant 0 : i32
    %c0_i32_0 = arith.constant 0 : i32
    return %arg0, %c0_i32 : i32, i32
  }
  func.func @transform_3(%arg0: i32) -> (i32, i32) {
    %c0_i32 = arith.constant 0 : i32
    %c0_i32_0 = arith.constant 0 : i32
    %c0_i32_1 = arith.constant 0 : i32
    return %c0_i32, %c0_i32_0 : i32, i32
  }
  func.func @transform_4(%arg0: i32) -> (i32, i32) {
    %c0_i32 = arith.constant 0 : i32
    %c0_i32_0 = arith.constant 0 : i32
    %c0_i32_1 = arith.constant 0 : i32
    return %c0_i32, %c0_i32_0 : i32, i32
  }
  func.func @transform_5(%arg0: i32) -> (i32, i32, i32) {
    %c0_i32 = arith.constant 0 : i32
    %c0_i32_0 = arith.constant 0 : i32
    %c0_i32_1 = arith.constant 0 : i32
    return %c0_i32, %arg0, %c0_i32_0 : i32, i32, i32
  }
}

module attributes {stable_mosaic.version = 14 : i64} {
  func.func @_mm_body(%arg0: i32, %arg1: memref<4x1000x128xf32, #tpu.memory_space<vmem>>, %arg2: memref<512x512xf32, #tpu.memory_space<vmem>>, %arg3: memref<1000x512xf32, #tpu.memory_space<vmem>>) attributes {dimension_semantics = [#tpu.dimension_semantics<arbitrary>], iteration_bounds = array<i64: 10>, scalar_prefetch = 0 : i64, scratch_operands = 0 : i64, tpu.core_type = #tpu.core_type<tc>, window_params = [{transform_indices = @transform_0, window_bounds = array<i64: 4, 1000, 128>}, {pipeline_mode = #tpu.pipeline_mode<synchronous>, transform_indices = @transform_1, window_bounds = array<i64: 512, 512>}, {transform_indices = @transform_2, window_bounds = array<i64: 1000, 512>}]} {
    %get3A = arith.constant 0 : index
    %get3A_0 = arith.constant 0 : index
    %get3A_1 = arith.constant 0 : index
    %get3A_2 = vector.load %arg1[%get3A, %get3A_0, %get3A_1] : memref<4x1000x128xf32, #tpu.memory_space<vmem>>, vector<1x1000x128xf32>
    %get3A_3 = vector.shape_cast %get3A_2 : vector<1x1000x128xf32> to vector<1000x128xf32>
    %get3A_4 = arith.constant 1 : index
    %get3A_5 = arith.constant 0 : index
    %get3A_6 = arith.constant 0 : index
    %get3A_7 = vector.load %arg1[%get3A_4, %get3A_5, %get3A_6] : memref<4x1000x128xf32, #tpu.memory_space<vmem>>, vector<1x1000x128xf32>
    %get3A_8 = vector.shape_cast %get3A_7 : vector<1x1000x128xf32> to vector<1000x128xf32>
    %get3A_9 = arith.constant 2 : index
    %get3A_10 = arith.constant 0 : index
    %get3A_11 = arith.constant 0 : index
    %get3A_12 = vector.load %arg1[%get3A_9, %get3A_10, %get3A_11] : memref<4x1000x128xf32, #tpu.memory_space<vmem>>, vector<1x1000x128xf32>
    %get3A_13 = vector.shape_cast %get3A_12 : vector<1x1000x128xf32> to vector<1000x128xf32>
    %get3A_14 = arith.constant 3 : index
    %get3A_15 = arith.constant 0 : index
    %get3A_16 = arith.constant 0 : index
    %get3A_17 = vector.load %arg1[%get3A_14, %get3A_15, %get3A_16] : memref<4x1000x128xf32, #tpu.memory_space<vmem>>, vector<1x1000x128xf32>
    %get3A_18 = vector.shape_cast %get3A_17 : vector<1x1000x128xf32> to vector<1000x128xf32>
    %concatenate3A = tpu.concatenate %get3A_3, %get3A_8, %get3A_13, %get3A_18 in 1 : vector<1000x128xf32>, vector<1000x128xf32>, vector<1000x128xf32>, vector<1000x128xf32> -> vector<1000x512xf32>
    %get3A_19 = arith.constant 0 : index
    %get3A_20 = arith.constant 0 : index
    %get3A_21 = vector.load %arg2[%get3A_19, %get3A_20] : memref<512x512xf32, #tpu.memory_space<vmem>>, vector<512x512xf32>
    %dot_general3A = arith.constant dense<0.000000e+00> : vector<1000x512xf32>
    %dot_general3A_22 = tpu.matmul %concatenate3A, %get3A_21, %dot_general3A {dimension_numbers = #tpu.dot_dimension_numbers<[1], [0], [0], [1], [0, 0, 1, 1], [], []>, transpose_lhs_hint = false} : vector<1000x512xf32>, vector<512x512xf32>, vector<1000x512xf32> -> vector<1000x512xf32>
    %swap3A = arith.constant 0 : index
    %swap3A_23 = arith.constant 0 : index
    %swap3A_24 = vector.load %arg3[%swap3A, %swap3A_23] : memref<1000x512xf32, #tpu.memory_space<vmem>>, vector<1000x512xf32>
    tpu.vector_store %arg3[%swap3A, %swap3A_23], %dot_general3A_22 {strides = array<i32>} : memref<1000x512xf32, #tpu.memory_space<vmem>>, vector<1000x512xf32>,
    return
  }
  func.func @transform_0(%arg0: i32) -> (i32, i32, i32) {
    %c0_i32 = arith.constant 0 : i32
    %c0_i32_0 = arith.constant 0 : i32
    %c0_i32_1 = arith.constant 0 : i32
    return %c0_i32, %arg0, %c0_i32_0 : i32, i32, i32
  }
  func.func @transform_1(%arg0: i32) -> (i32, i32) {
    %c0_i32 = arith.constant 0 : i32
    %c0_i32_0 = arith.constant 0 : i32
    %c0_i32_1 = arith.constant 0 : i32
    return %c0_i32, %c0_i32_0 : i32, i32
  }
  func.func @transform_2(%arg0: i32) -> (i32, i32) {
    %c0_i32 = arith.constant 0 : i32
    %c0_i32_0 = arith.constant 0 : i32
    return %arg0, %c0_i32 : i32, i32
  }
}

module attributes {stable_mosaic.version = 14 : i64} {
  func.func @_tc2_body(%arg0: i32, %arg1: memref<4x1000x128xf32, #tpu.memory_space<vmem>>, %arg2: memref<1x1x1000xf32, #tpu.memory_space<vmem>>, %arg3: memref<1000x512xf32, #tpu.memory_space<vmem>>, %arg4: memref<512x512xf32, #tpu.memory_space<vmem>>, %arg5: memref<1x512xf32, #tpu.memory_space<vmem>>, %arg6: memref<512x256xf32, #tpu.memory_space<vmem>>, %arg7: memref<1000x512xf32, #tpu.memory_space<vmem>>, %arg8: memref<2x1000x128xf32, #tpu.memory_space<vmem>>) attributes {dimension_semantics = [#tpu.dimension_semantics<arbitrary>], iteration_bounds = array<i64: 10>, scalar_prefetch = 0 : i64, scratch_operands = 0 : i64, tpu.core_type = #tpu.core_type<tc>, window_params = [{transform_indices = @transform_0, window_bounds = array<i64: 4, 1000, 128>}, {transform_indices = @transform_1, window_bounds = array<i64: 1, 1, 1000>}, {transform_indices = @transform_2, window_bounds = array<i64: 1000, 512>}, {pipeline_mode = #tpu.pipeline_mode<synchronous>, transform_indices = @transform_3, window_bounds = array<i64: 512, 512>}, {pipeline_mode = #tpu.pipeline_mode<synchronous>, transform_indices = @transform_4, window_bounds = array<i64: 1, 512>}, {pipeline_mode = #tpu.pipeline_mode<synchronous>, transform_indices = @transform_5, window_bounds = array<i64: 512, 256>}, {transform_indices = @transform_6, window_bounds = array<i64: 1000, 512>}, {transform_indices = @transform_7, window_bounds = array<i64: 2, 1000, 128>}]} {
    %get3A = arith.constant 0 : index
    %get3A_0 = arith.constant 0 : index
    %get3A_1 = arith.constant 0 : index
    %get3A_2 = vector.load %arg1[%get3A, %get3A_0, %get3A_1] : memref<4x1000x128xf32, #tpu.memory_space<vmem>>, vector<1x1000x128xf32>
    %get3A_3 = vector.shape_cast %get3A_2 : vector<1x1000x128xf32> to vector<1000x128xf32>
    %get3A_4 = arith.constant 1 : index
    %get3A_5 = arith.constant 0 : index
    %get3A_6 = arith.constant 0 : index
    %get3A_7 = vector.load %arg1[%get3A_4, %get3A_5, %get3A_6] : memref<4x1000x128xf32, #tpu.memory_space<vmem>>, vector<1x1000x128xf32>
    %get3A_8 = vector.shape_cast %get3A_7 : vector<1x1000x128xf32> to vector<1000x128xf32>
    %get3A_9 = arith.constant 2 : index
    %get3A_10 = arith.constant 0 : index
    %get3A_11 = arith.constant 0 : index
    %get3A_12 = vector.load %arg1[%get3A_9, %get3A_10, %get3A_11] : memref<4x1000x128xf32, #tpu.memory_space<vmem>>, vector<1x1000x128xf32>
    %get3A_13 = vector.shape_cast %get3A_12 : vector<1x1000x128xf32> to vector<1000x128xf32>
    %get3A_14 = arith.constant 3 : index
    %get3A_15 = arith.constant 0 : index
    %get3A_16 = arith.constant 0 : index
    %get3A_17 = vector.load %arg1[%get3A_14, %get3A_15, %get3A_16] : memref<4x1000x128xf32, #tpu.memory_space<vmem>>, vector<1x1000x128xf32>
    %get3A_18 = vector.shape_cast %get3A_17 : vector<1x1000x128xf32> to vector<1000x128xf32>
    %concatenate3A = tpu.concatenate %get3A_3, %get3A_8, %get3A_13, %get3A_18 in 1 : vector<1000x128xf32>, vector<1000x128xf32>, vector<1000x128xf32>, vector<1000x128xf32> -> vector<1000x512xf32>
    %get3A_19 = arith.constant 0 : index
    %get3A_20 = arith.constant 0 : index
    %get3A_21 = arith.constant 0 : index
    %get3A_22 = vector.load %arg2[%get3A_19, %get3A_20, %get3A_21] : memref<1x1x1000xf32, #tpu.memory_space<vmem>>, vector<1x1x1000xf32>
    %get3A_23 = vector.shape_cast %get3A_22 : vector<1x1x1000xf32> to vector<1000xf32>
    %max3A = arith.constant 1.000000e+00 : f32
    %max3A_24 = vector.broadcast %max3A : f32 to vector<1000xf32>
    %max3A_25 = arith.maximumf %get3A_23, %max3A_24 : vector<1000xf32>
    %div3A = arith.constant 1.000000e+00 : f32
    %div3A_26 = vector.broadcast %div3A : f32 to vector<1000xf32>
    %div3A_27 = arith.divf %div3A_26, %max3A_25 : vector<1000xf32>
    %broadcast_in_dim3A = vector.shape_cast %div3A_27 : vector<1000xf32> to vector<1000x1xf32>
    %mul3A = vector.broadcast %broadcast_in_dim3A : vector<1000x1xf32> to vector<1000x512xf32>
    %mul3A_28 = arith.mulf %concatenate3A, %mul3A : vector<1000x512xf32>
    %get3A_29 = arith.constant 0 : index
    %get3A_30 = arith.constant 0 : index
    %get3A_31 = vector.load %arg4[%get3A_29, %get3A_30] : memref<512x512xf32, #tpu.memory_space<vmem>>, vector<512x512xf32>
    %dot_general3A = arith.constant dense<0.000000e+00> : vector<1000x512xf32>
    %dot_general3A_32 = tpu.matmul %mul3A_28, %get3A_31, %dot_general3A {dimension_numbers = #tpu.dot_dimension_numbers<[1], [0], [0], [1], [0, 0, 1, 1], [], []>, transpose_lhs_hint = false} : vector<1000x512xf32>, vector<512x512xf32>, vector<1000x512xf32> -> vector<1000x512xf32>
    %get3A_33 = arith.constant 0 : index
    %get3A_34 = arith.constant 0 : index
    %get3A_35 = vector.load %arg5[%get3A_33, %get3A_34] : memref<1x512xf32, #tpu.memory_space<vmem>>, vector<1x512xf32>
    %add3A = vector.broadcast %get3A_35 : vector<1x512xf32> to vector<1000x512xf32>
    %add3A_36 = arith.addf %dot_general3A_32, %add3A : vector<1000x512xf32>
    %get3A_37 = arith.constant 0 : index
    %get3A_38 = arith.constant 0 : index
    %get3A_39 = vector.load %arg3[%get3A_37, %get3A_38] : memref<1000x512xf32, #tpu.memory_space<vmem>>, vector<1000x512xf32>
    %add3A_40 = arith.addf %add3A_36, %get3A_39 : vector<1000x512xf32>
    %max3A_41 = arith.constant 0.000000e+00 : f32
    %max3A_42 = vector.broadcast %max3A_41 : f32 to vector<1000x512xf32>
    %max3A_43 = arith.maximumf %add3A_40, %max3A_42 : vector<1000x512xf32>
    %swap3A = arith.constant 0 : index
    %swap3A_44 = arith.constant 0 : index
    %swap3A_45 = vector.load %arg7[%swap3A, %swap3A_44] : memref<1000x512xf32, #tpu.memory_space<vmem>>, vector<1000x512xf32>
    tpu.vector_store %arg7[%swap3A, %swap3A_44], %max3A_43 {strides = array<i32>} : memref<1000x512xf32, #tpu.memory_space<vmem>>, vector<1000x512xf32>,
    %get3A_46 = arith.constant 0 : index
    %get3A_47 = arith.constant 0 : index
    %get3A_48 = vector.load %arg6[%get3A_46, %get3A_47] : memref<512x256xf32, #tpu.memory_space<vmem>>, vector<512x256xf32>
    %dot_general3A_49 = arith.constant dense<0.000000e+00> : vector<1000x256xf32>
    %dot_general3A_50 = tpu.matmul %max3A_43, %get3A_48, %dot_general3A_49 {dimension_numbers = #tpu.dot_dimension_numbers<[1], [0], [0], [1], [0, 0, 1, 1], [], []>, transpose_lhs_hint = false} : vector<1000x512xf32>, vector<512x256xf32>, vector<1000x256xf32> -> vector<1000x256xf32>
    %slice3A = vector.extract_strided_slice %dot_general3A_50 {offsets = [0, 0], sizes = [1000, 128], strides = [1, 1]} : vector<1000x256xf32> to vector<1000x128xf32>
    %swap3A_51 = arith.constant 0 : index
    %swap3A_52 = arith.constant 0 : index
    %swap3A_53 = arith.constant 0 : index
    %swap3A_54 = vector.load %arg8[%swap3A_51, %swap3A_52, %swap3A_53] : memref<2x1000x128xf32, #tpu.memory_space<vmem>>, vector<1x1000x128xf32>
    %swap3A_55 = vector.shape_cast %swap3A_54 : vector<1x1000x128xf32> to vector<1000x128xf32>
    %swap3A_56 = vector.shape_cast %slice3A : vector<1000x128xf32> to vector<1x1000x128xf32>
    tpu.vector_store %arg8[%swap3A_51, %swap3A_52, %swap3A_53], %swap3A_56 {strides = array<i32>} : memref<2x1000x128xf32, #tpu.memory_space<vmem>>, vector<1x1000x128xf32>,
    %slice3A_57 = vector.extract_strided_slice %dot_general3A_50 {offsets = [0, 128], sizes = [1000, 128], strides = [1, 1]} : vector<1000x256xf32> to vector<1000x128xf32>
    %swap3A_58 = arith.constant 1 : index
    %swap3A_59 = arith.constant 0 : index
    %swap3A_60 = arith.constant 0 : index
    %swap3A_61 = vector.load %arg8[%swap3A_58, %swap3A_59, %swap3A_60] : memref<2x1000x128xf32, #tpu.memory_space<vmem>>, vector<1x1000x128xf32>
    %swap3A_62 = vector.shape_cast %swap3A_61 : vector<1x1000x128xf32> to vector<1000x128xf32>
    %swap3A_63 = vector.shape_cast %slice3A_57 : vector<1000x128xf32> to vector<1x1000x128xf32>
    tpu.vector_store %arg8[%swap3A_58, %swap3A_59, %swap3A_60], %swap3A_63 {strides = array<i32>} : memref<2x1000x128xf32, #tpu.memory_space<vmem>>, vector<1x1000x128xf32>,
    return
  }
  func.func @transform_0(%arg0: i32) -> (i32, i32, i32) {
    %c0_i32 = arith.constant 0 : i32
    %c0_i32_0 = arith.constant 0 : i32
    %c0_i32_1 = arith.constant 0 : i32
    return %c0_i32, %arg0, %c0_i32_0 : i32, i32, i32
  }
  func.func @transform_1(%arg0: i32) -> (i32, i32, i32) {
    %c0_i32 = arith.constant 0 : i32
    %c0_i32_0 = arith.constant 0 : i32
    %c0_i32_1 = arith.constant 0 : i32
    return %arg0, %c0_i32, %c0_i32_0 : i32, i32, i32
  }
  func.func @transform_2(%arg0: i32) -> (i32, i32) {
    %c0_i32 = arith.constant 0 : i32
    %c0_i32_0 = arith.constant 0 : i32
    return %arg0, %c0_i32 : i32, i32
  }
  func.func @transform_3(%arg0: i32) -> (i32, i32) {
    %c0_i32 = arith.constant 0 : i32
    %c0_i32_0 = arith.constant 0 : i32
    %c0_i32_1 = arith.constant 0 : i32
    return %c0_i32, %c0_i32_0 : i32, i32
  }
  func.func @transform_4(%arg0: i32) -> (i32, i32) {
    %c0_i32 = arith.constant 0 : i32
    %c0_i32_0 = arith.constant 0 : i32
    %c0_i32_1 = arith.constant 0 : i32
    return %c0_i32, %c0_i32_0 : i32, i32
  }
  func.func @transform_5(%arg0: i32) -> (i32, i32) {
    %c0_i32 = arith.constant 0 : i32
    %c0_i32_0 = arith.constant 0 : i32
    %c0_i32_1 = arith.constant 0 : i32
    return %c0_i32, %c0_i32_0 : i32, i32
  }
  func.func @transform_6(%arg0: i32) -> (i32, i32) {
    %c0_i32 = arith.constant 0 : i32
    %c0_i32_0 = arith.constant 0 : i32
    return %arg0, %c0_i32 : i32, i32
  }
  func.func @transform_7(%arg0: i32) -> (i32, i32, i32) {
    %c0_i32 = arith.constant 0 : i32
    %c0_i32_0 = arith.constant 0 : i32
    %c0_i32_1 = arith.constant 0 : i32
    return %c0_i32, %arg0, %c0_i32_0 : i32, i32, i32
  }
}

module attributes {stable_mosaic.version = 14 : i64} {
  func.func @_mm_body(%arg0: i32, %arg1: memref<1000x512xf32, #tpu.memory_space<vmem>>, %arg2: memref<512x256xf32, #tpu.memory_space<vmem>>, %arg3: memref<1000x256xf32, #tpu.memory_space<vmem>>) attributes {dimension_semantics = [#tpu.dimension_semantics<arbitrary>], iteration_bounds = array<i64: 10>, scalar_prefetch = 0 : i64, scratch_operands = 0 : i64, tpu.core_type = #tpu.core_type<tc>, window_params = [{transform_indices = @transform_0, window_bounds = array<i64: 1000, 512>}, {pipeline_mode = #tpu.pipeline_mode<synchronous>, transform_indices = @transform_1, window_bounds = array<i64: 512, 256>}, {transform_indices = @transform_2, window_bounds = array<i64: 1000, 256>}]} {
    %get3A = arith.constant 0 : index
    %get3A_0 = arith.constant 0 : index
    %get3A_1 = vector.load %arg1[%get3A, %get3A_0] : memref<1000x512xf32, #tpu.memory_space<vmem>>, vector<1000x512xf32>
    %get3A_2 = arith.constant 0 : index
    %get3A_3 = arith.constant 0 : index
    %get3A_4 = vector.load %arg2[%get3A_2, %get3A_3] : memref<512x256xf32, #tpu.memory_space<vmem>>, vector<512x256xf32>
    %dot_general3A = arith.constant dense<0.000000e+00> : vector<1000x256xf32>
    %dot_general3A_5 = tpu.matmul %get3A_1, %get3A_4, %dot_general3A {dimension_numbers = #tpu.dot_dimension_numbers<[1], [0], [0], [1], [0, 0, 1, 1], [], []>, transpose_lhs_hint = false} : vector<1000x512xf32>, vector<512x256xf32>, vector<1000x256xf32> -> vector<1000x256xf32>
    %swap3A = arith.constant 0 : index
    %swap3A_6 = arith.constant 0 : index
    %swap3A_7 = vector.load %arg3[%swap3A, %swap3A_6] : memref<1000x256xf32, #tpu.memory_space<vmem>>, vector<1000x256xf32>
    tpu.vector_store %arg3[%swap3A, %swap3A_6], %dot_general3A_5 {strides = array<i32>} : memref<1000x256xf32, #tpu.memory_space<vmem>>, vector<1000x256xf32>,
    return
  }
  func.func @transform_0(%arg0: i32) -> (i32, i32) {
    %c0_i32 = arith.constant 0 : i32
    %c0_i32_0 = arith.constant 0 : i32
    return %arg0, %c0_i32 : i32, i32
  }
  func.func @transform_1(%arg0: i32) -> (i32, i32) {
    %c0_i32 = arith.constant 0 : i32
    %c0_i32_0 = arith.constant 0 : i32
    %c0_i32_1 = arith.constant 0 : i32
    return %c0_i32, %c0_i32_0 : i32, i32
  }
  func.func @transform_2(%arg0: i32) -> (i32, i32) {
    %c0_i32 = arith.constant 0 : i32
    %c0_i32_0 = arith.constant 0 : i32
    return %arg0, %c0_i32 : i32, i32
  }
}

module attributes {stable_mosaic.version = 14 : i64} {
  func.func @_tc3_body(%arg0: i32, %arg1: memref<2x1000x128xf32, #tpu.memory_space<vmem>>, %arg2: memref<1x1x1000xf32, #tpu.memory_space<vmem>>, %arg3: memref<1000x256xf32, #tpu.memory_space<vmem>>, %arg4: memref<1x256xf32, #tpu.memory_space<vmem>>, %arg5: memref<1x1x1000xi32, #tpu.memory_space<vmem>>, %arg6: memref<64x256xf32, #tpu.memory_space<vmem>>, %arg7: memref<64x256xf32, #tpu.memory_space<vmem>>, %arg8: memref<64x128xf32, #tpu.memory_space<vmem>>) attributes {dimension_semantics = [#tpu.dimension_semantics<arbitrary>], iteration_bounds = array<i64: 10>, scalar_prefetch = 0 : i64, scratch_operands = 2 : i64, tpu.core_type = #tpu.core_type<tc>, window_params = [{transform_indices = @transform_0, window_bounds = array<i64: 2, 1000, 128>}, {transform_indices = @transform_1, window_bounds = array<i64: 1, 1, 1000>}, {transform_indices = @transform_2, window_bounds = array<i64: 1000, 256>}, {pipeline_mode = #tpu.pipeline_mode<synchronous>, transform_indices = @transform_3, window_bounds = array<i64: 1, 256>}, {transform_indices = @transform_4, window_bounds = array<i64: 1, 1, 1000>}, {pipeline_mode = #tpu.pipeline_mode<synchronous>, transform_indices = @transform_5, window_bounds = array<i64: 64, 256>}]} {
    %eq3A = arith.constant 0 : i32
    %eq3A_0 = arith.cmpi eq, %arg0, %eq3A : i32
    %convert_element_type3A = arith.extui %eq3A_0 : i1 to i32
    %cond3A = arith.constant 0 : i32
    %cond3A_1 = arith.cmpi ne, %convert_element_type3A, %cond3A : i32
    scf.if %cond3A_1 {
      %broadcast_in_dim3A_62 = arith.constant 0.000000e+00 : f32
      %broadcast_in_dim3A_63 = vector.broadcast %broadcast_in_dim3A_62 : f32 to vector<64x256xf32>
      %swap3A_64 = arith.constant 0 : index
      %swap3A_65 = arith.constant 0 : index
      %swap3A_66 = vector.load %arg7[%swap3A_64, %swap3A_65] : memref<64x256xf32, #tpu.memory_space<vmem>>, vector<64x256xf32>
      tpu.vector_store %arg7[%swap3A_64, %swap3A_65], %broadcast_in_dim3A_63 {strides = array<i32>} : memref<64x256xf32, #tpu.memory_space<vmem>>, vector<64x256xf32>,
      %broadcast_in_dim3A_67 = arith.constant 0.000000e+00 : f32
      %broadcast_in_dim3A_68 = vector.broadcast %broadcast_in_dim3A_67 : f32 to vector<64x128xf32>
      %swap3A_69 = arith.constant 0 : index
      %swap3A_70 = arith.constant 0 : index
      %swap3A_71 = vector.load %arg8[%swap3A_69, %swap3A_70] : memref<64x128xf32, #tpu.memory_space<vmem>>, vector<64x128xf32>
      tpu.vector_store %arg8[%swap3A_69, %swap3A_70], %broadcast_in_dim3A_68 {strides = array<i32>} : memref<64x128xf32, #tpu.memory_space<vmem>>, vector<64x128xf32>,
    } else {
    }
    %get3A = arith.constant 0 : index
    %get3A_2 = arith.constant 0 : index
    %get3A_3 = arith.constant 0 : index
    %get3A_4 = vector.load %arg1[%get3A, %get3A_2, %get3A_3] : memref<2x1000x128xf32, #tpu.memory_space<vmem>>, vector<1x1000x128xf32>
    %get3A_5 = vector.shape_cast %get3A_4 : vector<1x1000x128xf32> to vector<1000x128xf32>
    %get3A_6 = arith.constant 1 : index
    %get3A_7 = arith.constant 0 : index
    %get3A_8 = arith.constant 0 : index
    %get3A_9 = vector.load %arg1[%get3A_6, %get3A_7, %get3A_8] : memref<2x1000x128xf32, #tpu.memory_space<vmem>>, vector<1x1000x128xf32>
    %get3A_10 = vector.shape_cast %get3A_9 : vector<1x1000x128xf32> to vector<1000x128xf32>
    %concatenate3A = tpu.concatenate %get3A_5, %get3A_10 in 1 : vector<1000x128xf32>, vector<1000x128xf32> -> vector<1000x256xf32>
    %get3A_11 = arith.constant 0 : index
    %get3A_12 = arith.constant 0 : index
    %get3A_13 = arith.constant 0 : index
    %get3A_14 = vector.load %arg2[%get3A_11, %get3A_12, %get3A_13] : memref<1x1x1000xf32, #tpu.memory_space<vmem>>, vector<1x1x1000xf32>
    %get3A_15 = vector.shape_cast %get3A_14 : vector<1x1x1000xf32> to vector<1000xf32>
    %max3A = arith.constant 1.000000e+00 : f32
    %max3A_16 = vector.broadcast %max3A : f32 to vector<1000xf32>
    %max3A_17 = arith.maximumf %get3A_15, %max3A_16 : vector<1000xf32>
    %div3A = arith.constant 1.000000e+00 : f32
    %div3A_18 = vector.broadcast %div3A : f32 to vector<1000xf32>
    %div3A_19 = arith.divf %div3A_18, %max3A_17 : vector<1000xf32>
    %broadcast_in_dim3A = vector.shape_cast %div3A_19 : vector<1000xf32> to vector<1000x1xf32>
    %mul3A = vector.broadcast %broadcast_in_dim3A : vector<1000x1xf32> to vector<1000x256xf32>
    %mul3A_20 = arith.mulf %concatenate3A, %mul3A : vector<1000x256xf32>
    %get3A_21 = arith.constant 0 : index
    %get3A_22 = arith.constant 0 : index
    %get3A_23 = vector.load %arg4[%get3A_21, %get3A_22] : memref<1x256xf32, #tpu.memory_space<vmem>>, vector<1x256xf32>
    %add3A = vector.broadcast %get3A_23 : vector<1x256xf32> to vector<1000x256xf32>
    %add3A_24 = arith.addf %mul3A_20, %add3A : vector<1000x256xf32>
    %get3A_25 = arith.constant 0 : index
    %get3A_26 = arith.constant 0 : index
    %get3A_27 = vector.load %arg3[%get3A_25, %get3A_26] : memref<1000x256xf32, #tpu.memory_space<vmem>>, vector<1000x256xf32>
    %add3A_28 = arith.addf %add3A_24, %get3A_27 : vector<1000x256xf32>
    %get3A_29 = arith.constant 0 : index
    %get3A_30 = arith.constant 0 : index
    %get3A_31 = arith.constant 0 : index
    %get3A_32 = vector.load %arg5[%get3A_29, %get3A_30, %get3A_31] : memref<1x1x1000xi32, #tpu.memory_space<vmem>>, vector<1x1x1000xi32>
    %get3A_33 = vector.shape_cast %get3A_32 : vector<1x1x1000xi32> to vector<1000xi32>
    %broadcast_in_dim3A_34 = vector.shape_cast %get3A_33 : vector<1000xi32> to vector<1x1000xi32>
    %iota3A = tpu.iota {dimensions = array<i32: 0>} : vector<64x1000xi32>
    %eq3A_35 = vector.broadcast %broadcast_in_dim3A_34 : vector<1x1000xi32> to vector<64x1000xi32>
    %eq3A_36 = arith.cmpi eq, %eq3A_35, %iota3A : vector<64x1000xi32>
    %convert_element_type3A_37 = arith.extui %eq3A_36 : vector<64x1000xi1> to vector<64x1000xi32>
    %convert_element_type3A_38 = arith.sitofp %convert_element_type3A_37 : vector<64x1000xi32> to vector<64x1000xf32>
    %get3A_39 = arith.constant 0 : index
    %get3A_40 = arith.constant 0 : index
    %get3A_41 = vector.load %arg7[%get3A_39, %get3A_40] : memref<64x256xf32, #tpu.memory_space<vmem>>, vector<64x256xf32>
    %dot_general3A = arith.constant dense<0.000000e+00> : vector<64x256xf32>
    %dot_general3A_42 = tpu.matmul %convert_element_type3A_38, %add3A_28, %dot_general3A {dimension_numbers = #tpu.dot_dimension_numbers<[1], [0], [0], [1], [0, 0, 1, 1], [], []>, transpose_lhs_hint = false} : vector<64x1000xf32>, vector<1000x256xf32>, vector<64x256xf32> -> vector<64x256xf32>
    %add3A_43 = arith.addf %get3A_41, %dot_general3A_42 : vector<64x256xf32>
    %swap3A = arith.constant 0 : index
    %swap3A_44 = arith.constant 0 : index
    %swap3A_45 = vector.load %arg7[%swap3A, %swap3A_44] : memref<64x256xf32, #tpu.memory_space<vmem>>, vector<64x256xf32>
    tpu.vector_store %arg7[%swap3A, %swap3A_44], %add3A_43 {strides = array<i32>} : memref<64x256xf32, #tpu.memory_space<vmem>>, vector<64x256xf32>,
    %get3A_46 = arith.constant 0 : index
    %get3A_47 = arith.constant 0 : index
    %get3A_48 = vector.load %arg8[%get3A_46, %get3A_47] : memref<64x128xf32, #tpu.memory_space<vmem>>, vector<64x128xf32>
    %broadcast_in_dim3A_49 = arith.constant 1.000000e+00 : f32
    %broadcast_in_dim3A_50 = vector.broadcast %broadcast_in_dim3A_49 : f32 to vector<1000x128xf32>
    %dot_general3A_51 = arith.constant dense<0.000000e+00> : vector<64x128xf32>
    %dot_general3A_52 = tpu.matmul %convert_element_type3A_38, %broadcast_in_dim3A_50, %dot_general3A_51 {dimension_numbers = #tpu.dot_dimension_numbers<[1], [0], [0], [1], [0, 0, 1, 1], [], []>, transpose_lhs_hint = false} : vector<64x1000xf32>, vector<1000x128xf32>, vector<64x128xf32> -> vector<64x128xf32>
    %add3A_53 = arith.addf %get3A_48, %dot_general3A_52 : vector<64x128xf32>
    %swap3A_54 = arith.constant 0 : index
    %swap3A_55 = arith.constant 0 : index
    %swap3A_56 = vector.load %arg8[%swap3A_54, %swap3A_55] : memref<64x128xf32, #tpu.memory_space<vmem>>, vector<64x128xf32>
    tpu.vector_store %arg8[%swap3A_54, %swap3A_55], %add3A_53 {strides = array<i32>} : memref<64x128xf32, #tpu.memory_space<vmem>>, vector<64x128xf32>,
    %eq3A_57 = arith.constant 9 : i32
    %eq3A_58 = arith.cmpi eq, %arg0, %eq3A_57 : i32
    %convert_element_type3A_59 = arith.extui %eq3A_58 : i1 to i32
    %cond3A_60 = arith.constant 0 : i32
    %cond3A_61 = arith.cmpi ne, %convert_element_type3A_59, %cond3A_60 : i32
    scf.if %cond3A_61 {
      %get3A_62 = arith.constant 0 : index
      %get3A_63 = arith.constant 0 : index
      %get3A_64 = vector.load %arg7[%get3A_62, %get3A_63] : memref<64x256xf32, #tpu.memory_space<vmem>>, vector<64x256xf32>
      %get3A_65 = arith.constant 0 : index
      %get3A_66 = arith.constant 0 : index
      %get3A_67 = vector.load %arg8[%get3A_65, %get3A_66] : memref<64x128xf32, #tpu.memory_space<vmem>>, vector<64x1xf32>
      %max3A_68 = arith.constant 1.000000e+00 : f32
      %max3A_69 = vector.broadcast %max3A_68 : f32 to vector<64x1xf32>
      %max3A_70 = arith.maximumf %get3A_67, %max3A_69 : vector<64x1xf32>
      %div3A_71 = vector.broadcast %max3A_70 : vector<64x1xf32> to vector<64x256xf32>
      %div3A_72 = arith.divf %get3A_64, %div3A_71 : vector<64x256xf32>
      %swap3A_73 = arith.constant 0 : index
      %swap3A_74 = arith.constant 0 : index
      %swap3A_75 = vector.load %arg6[%swap3A_73, %swap3A_74] : memref<64x256xf32, #tpu.memory_space<vmem>>, vector<64x256xf32>
      tpu.vector_store %arg6[%swap3A_73, %swap3A_74], %div3A_72 {strides = array<i32>} : memref<64x256xf32, #tpu.memory_space<vmem>>, vector<64x256xf32>,
    } else {
    }
    return
  }
  func.func @transform_0(%arg0: i32) -> (i32, i32, i32) {
    %c0_i32 = arith.constant 0 : i32
    %c0_i32_0 = arith.constant 0 : i32
    %c0_i32_1 = arith.constant 0 : i32
    return %c0_i32, %arg0, %c0_i32_0 : i32, i32, i32
  }
  func.func @transform_1(%arg0: i32) -> (i32, i32, i32) {
    %c0_i32 = arith.constant 0 : i32
    %c0_i32_0 = arith.constant 0 : i32
    %c0_i32_1 = arith.constant 0 : i32
    return %arg0, %c0_i32, %c0_i32_0 : i32, i32, i32
  }
  func.func @transform_2(%arg0: i32) -> (i32, i32) {
    %c0_i32 = arith.constant 0 : i32
    %c0_i32_0 = arith.constant 0 : i32
    return %arg0, %c0_i32 : i32, i32
  }
  func.func @transform_3(%arg0: i32) -> (i32, i32) {
    %c0_i32 = arith.constant 0 : i32
    %c0_i32_0 = arith.constant 0 : i32
    %c0_i32_1 = arith.constant 0 : i32
    return %c0_i32, %c0_i32_0 : i32, i32
  }
  func.func @transform_4(%arg0: i32) -> (i32, i32, i32) {
    %c0_i32 = arith.constant 0 : i32
    %c0_i32_0 = arith.constant 0 : i32
    %c0_i32_1 = arith.constant 0 : i32
    return %arg0, %c0_i32, %c0_i32_0 : i32, i32, i32
  }
  func.func @transform_5(%arg0: i32) -> (i32, i32) {
    %c0_i32 = arith.constant 0 : i32
    %c0_i32_0 = arith.constant 0 : i32
    %c0_i32_1 = arith.constant 0 : i32
    return %c0_i32, %c0_i32_0 : i32, i32
  }
}

</mosaic_0001>

<sc_bundles>
// kernel: kernel.11.cloned.1.call-start
scs
__scs_entry_jumppad:
0x0: {  	(pc) =	sbr.rel $0x88, $3  }
0x1: {  	(tag) =	ssettag $0x0;
	lr =	simm.s32 $0x1  }
0x2: {  	[smem:$0x3F95] =	sst lr;
	_ =	strace $0xD0000000  }
0x3: {  	_ = 	snop  }
0x4: {  	_ = 	snop  }
0x5: {  	_ = 	snop  }
0x6: {  	_ = 	snop  }
0x7: {  	_ = 	snop  }
__scs_overlays_trampoline_lowered:
0x8: {  	[smem:$0x3FA4] =	sst s0  }
0x9: {  	[smem:$0x3FA5] =	sst s1  }
0xa: {  	[smem:$0x3FA6] =	sst s2  }
0xb: {  	[smem:$0x3FA7] =	sst s3  }
0xc: {  	[smem:$0x3FA8] =	sst s4  }
0xd: {  	[smem:$0x3FA9] =	sst s5  }
0xe: {  	[smem:$0x3FAA] =	sst s6  }
0xf: {  	[smem:$0x3FAB] =	sst s7  }
0x10: {  	[smem:$0x3FAC] =	sst s8  }
0x11: {  	[smem:$0x3FAD] =	sst s9;
	s0 =	simm.s32 @!p0 $0x0  }
0x12: {  	s1 =	sld [smem:$0x3F93];
	s0 =	simm.s32 @p0 $0x1  }
0x13: {  	[smem:$0x3FAE] =	sst s0;
	s0 =	simm.s32 @!p1 $0x0  }
0x14: {  	s2 =	sld [smem:$0x3F92];
	s0 =	simm.s32 @p1 $0x1  }
0x15: {  	[smem:$0x3FAF] =	sst s0;
	s0 =	simm.s32 @!p2 $0x0  }
0x16: {  	s3 =	sld [smem:$0x3FDB];
	s0 =	simm.s32 @p2 $0x1  }
0x17: {  	s4 =	simm.s32 $0x1BF5;
	[smem:$0x3FB1] =	sst s0  }
0x18: {  	s0 =	sld [smem:$0x3F94];
	_ =	swait.ge [sflag:s4], $0x0  }
0x19: {  	s7 =	sld [smem:$0x3F95]  }
0x1a: {  	s8 =	sadd.s32 $0xFFFFE003, lr  }
0x1b: {  	s9 =	sadd.s32 $0xFFFFFEF7, lr;
	s5 =	simm.s32 $0xFFFFFFFF;
	p2 =	slt.u32 s8, $0xFFFFF086  }
0x1c: {  	p1 =	slt.u32 s9, $0xF7A;
	s5 =	simm.s32 @!p2 $0x0  }
0x1d: {  	s5 =	simm.s32 @p1 $0x1;
	p0 =	seq.s32 s7, s2  }
0x1e: {  	s7 =	smul.u32 @!p0 $0xF7A, s2;
	p2 =	seq.s32 @!p0 s5, $0x0  }
0x1f: {  	s9 =	smul.u32 $0xF7A, s1;
	s8 =	simm.s32 @!p0 $0x1BF5;
	p2 =	por !p2, p0  }
0x20: {  	[sflag:s8] =	ssyncset.s32 @!p0 $0xFFFFF086;
	s6 =	sadd.s32 @!p0 s3, s7;
	s7 =	simm.s32 @!p0 $0x108  }
0x21: {  	s3 =	sadd.s32 s3, s9;
	s6 =	sadd.s32 @!p0 $0x88, s6;
	s7 =	simm.s32 @p2 $0x1082  }
0x22: {  	[simem:s7], [sflag:s8] =	dma.local @!p0 [hbm:s6], $0xF7A  }
0x23: {  	s9 =	sor.u32 $0xD0000000, s2;
	s6 =	simm.s32 $0x108;
	_ =	swait.ge @!p0 [sflag:s8], $0x0  }
0x24: {  	s3 =	sadd.s32 $0x88, s3;
	s6 =	simm.s32 @!p1 $0x1082;
	[sflag:s4] =	ssyncset.s32 $0xFFFFF086  }
0x25: {  	[simem:s6], [sflag:s4] =	dma.local [hbm:s3], $0xF7A  }
0x26: {  	[smem:$0x3F95] =	sst s1;
	(tag) =	ssettag s2;
	_ =	strace s9  }
0x27: {  	s1 =	sld [smem:$0x3FA5]  }
0x28: {  	s2 =	sld [smem:$0x3FA6]  }
0x29: {  	s4 =	sld [smem:$0x3FA8]  }
0x2a: {  	p0 =	seq.s32 s5, $0x0;
	s5 =	sld [smem:$0x3FA9]  }
0x2b: {  	s6 =	sld [smem:$0x3FAA]  }
0x2c: {  	s7 =	sld [smem:$0x3FAB]  }
0x2d: {  	s3 =	simm.s32 $0x108;
	s8 =	sld [smem:$0x3FAC]  }
0x2e: {  	s3 =	simm.s32 @!p0 $0x1082;
	s9 =	sld [smem:$0x3FAD]  }
0x2f: {  	lr =	sadd.s32 s0, s3;
	s0 =	sld [smem:$0x3FA4]  }
0x30: {  	s3 =	sld [smem:$0x3FA7]  }
0x31: {  	[smem:$0x3FB0] =	sst s10  }
0x32: {  	s10 =	sld [smem:$0x3FAE];
	_ =	sdelay $0x3  }
0x33: {  	p0 =	seq.s32 s10, $0x1;
	s10 =	sld [smem:$0x3FB0];
	_ =	sdelay $0x3  }
0x34: {  	[smem:$0x3FB0] =	sst s10  }
0x35: {  	s10 =	sld [smem:$0x3FAF];
	_ =	sdelay $0x3  }
0x36: {  	p1 =	seq.s32 s10, $0x1;
	s10 =	sld [smem:$0x3FB0];
	_ =	sdelay $0x3  }
0x37: {  	[smem:$0x3FB0] =	sst s10  }
0x38: {  	s10 =	sld [smem:$0x3FB1]  }
0x39: {  	_ = 	snop;
	(pc) =	sbr.ind lr, $3  }
0x3a: {  	_ = 	snop  }
0x3b: {  	_ = 	snop  }
0x3c: {  	p2 =	seq.s32 s10, $0x1;
	s10 =	sld [smem:$0x3FB0]  }
0x3d: {  	_ =	shalt  }
0x3e: {  	_ =	shalt  }
0x3f: {  	_ =	shalt  }
0x40: {  	_ =	shalt  }
0x41: {  	_ =	shalt  }
0x42: {  	_ =	shalt  }
0x43: {  	_ =	shalt  }
0x44: {  	_ =	shalt  }
0x45: {  	_ =	shalt  }
0x46: {  	_ =	shalt  }
0x47: {  	_ =	shalt  }
0x48: {  	_ =	shalt  }
0x49: {  	_ =	shalt  }
0x4a: {  	_ =	shalt  }
0x4b: {  	_ =	shalt  }
0x4c: {  	_ =	shalt  }
0x4d: {  	_ =	shalt  }
0x4e: {  	_ =	shalt  }
0x4f: {  	_ =	shalt  }
0x50: {  	_ =	shalt  }
0x51: {  	_ =	shalt  }
0x52: {  	_ =	shalt  }
0x53: {  	_ =	shalt  }
0x54: {  	_ =	shalt  }
0x55: {  	_ =	shalt  }
0x56: {  	_ =	shalt  }
0x57: {  	_ =	shalt  }
0x58: {  	_ =	shalt  }
0x59: {  	_ =	shalt  }
0x5a: {  	_ =	shalt  }
0x5b: {  	_ =	shalt  }
0x5c: {  	_ =	shalt  }
0x5d: {  	_ =	shalt  }
0x5e: {  	_ =	shalt  }
0x5f: {  	_ =	shalt  }
0x60: {  	_ =	shalt  }
0x61: {  	_ =	shalt  }
0x62: {  	_ =	shalt  }
0x63: {  	_ =	shalt  }
0x64: {  	_ =	shalt  }
0x65: {  	_ =	shalt  }
0x66: {  	_ =	shalt  }
0x67: {  	_ =	shalt  }
0x68: {  	_ =	shalt  }
0x69: {  	_ =	shalt  }
0x6a: {  	_ =	shalt  }
0x6b: {  	_ =	shalt  }
0x6c: {  	_ =	shalt  }
0x6d: {  	_ =	shalt  }
0x6e: {  	_ =	shalt  }
0x6f: {  	_ =	shalt  }
0x70: {  	_ =	shalt  }
0x71: {  	_ =	shalt  }
0x72: {  	_ =	shalt  }
0x73: {  	_ =	shalt  }
0x74: {  	_ =	shalt  }
0x75: {  	_ =	shalt  }
0x76: {  	_ =	shalt  }
0x77: {  	_ =	shalt  }
0x78: {  	_ =	shalt  }
0x79: {  	_ =	shalt  }
0x7a: {  	_ =	shalt  }
0x7b: {  	_ =	shalt  }
0x7c: {  	_ =	shalt  }
0x7d: {  	_ =	shalt  }
0x7e: {  	_ =	shalt  }
0x7f: {  	_ =	shalt  }
0x80: {  	_ =	shalt  }
0x81: {  	_ =	shalt  }
0x82: {  	_ =	shalt  }
0x83: {  	_ =	shalt  }
0x84: {  	_ =	shalt  }
0x85: {  	_ =	shalt  }
0x86: {  	_ =	shalt  }
0x87: {  	_ =	shalt  }
.Lfunc_end0:
.L_simem_size_0:
called_computation_lowered:
.L_overlay_start_0:
0x88: {  	s2 =	sld [smem:$0x3FD9]  }
0x89: {  	s3 =	sld [smem:$0x3FFE];
	_ =	sdelay $0x1  }
0x8a: {  	s1 =	srdreg.scid  }
0x8b: {  	s0 =	sand.u32 $0x1, s1  }
0x8c: {  	s17 =	sshll.u32 s0, $0xA;
	s2 =	sadd.s32 s3, s2  }
0x8d: {  	s2 =	sadd.s32 s2, s17  }
0x8e: {  	[smem:$0x3FBC] =	sst s2  }
0x8f: {  	_ = 	snop  }
0x90: {  	s2 =	sld [smem:$0x3FD0];
	(tm) =	ssettm $0x1  }
0x91: {  	s18 =	sld [smem:$0x3FFB];
	_ =	sdelay $0x3  }
0x92: {  	_ =	strace s18  }
0x93: {  	s3 =	sld [smem:$0x3FFC];
	_ =	sdelay $0x3  }
0x94: {  	_ =	strace s3  }
0x95: {  	s3 =	sld [smem:$0x3FFD];
	_ =	sdelay $0x3  }
0x96: {  	_ =	strace s3  }
0x97: {  	_ =	strace $0x8FFFFFFF  }
0x98: {  	s19 =	sld [smem:$0x3FDB];
	_ =	sdelay $0x1  }
0x99: {  	s4 =	simm.s32 $_scs_section_size  }
0x9a: {  	s5 =	simm.s32 $_size__tile_overlayer_lowered;
	s6 =	simm.s32 $_tile_overlayer_lowered  }
0x9b: {  	s22 =	simm.s32 $0x1BFF;
	s21 =	sshll.u32 s6, $0x1;
	s3 =	sadd.s32 s4, s19  }
0x9c: {  	s7 =	simm.s32 $0x0;
	s20 =	sshll.u32 s5, $0x1;
	s5 =	sadd.s32 s21, s3  }
0x9d: {  	[timem:s7], [sflag:s22] =	dma.local [hbm:s5], s20  }
0x9e: {  	_ =	swait.ge [sflag:s22], s20  }
0x9f: {  	s4 =	ssub.s32 $0x0, s20;
	[sflag:s22] =	ssyncset.done $0x0  }
0xa0: {  	[sflag:s22] =	ssyncadd.s32 s4;
	_ =	sdelay $0x1  }
0xa1: {  	s23 =	simm.s32 $0x1B8B  }
0xa2: {  	_ =	swait.ge [sflag:s23], $0x1  }
0xa3: {  	[sflag:s23] =	ssyncset.done $0x0  }
0xa4: {  	s25 =	simm.s32 $0x1B8E;
	s24 =	sld [smem:$0x3FFE];
	[sflag:s23] =	ssyncadd.s32 $0xFFFFFFFF  }
0xa5: {  	s26 =	simm.s32 $execute0_lowered;
	[smem:$0x3FD2] =	sst s25  }
0xa6: {  	s5 =	sshll.u32 s26, $0x1;
	_ =	strace $0x80000046;
	[dreg:$0x1] =	wrdreg $0xFFFFFFFF  }
0xa7: {  	s28 =	simm.s32 $_size_execute0_lowered;
	s3 =	sadd.s32 s3, s5;
	[dreg:$0x0] =	wrdreg $0x0  }
0xa8: {  	s5 =	sshll.u32 s28, $0x1;
	[dreg:$0x2] =	wrdreg s3  }
0xa9: {  	[dreg:$0x3] =	wrdreg s5  }
0xaa: {  	[dreg:$0x4] =	wrdreg $0xC0  }
0xab: {  	_ =	task [dreg:s7], $0x5FFFF  }
0xac: {  	[dreg:$0x1] =	wrdreg $0xFFFFFFFF  }
0xad: {  	[dreg:$0x0] =	wrdreg $0x60  }
0xae: {  	[dreg:$0x2] =	wrdreg s24  }
0xaf: {  	[dreg:$0x3] =	wrdreg s2  }
0xb0: {  	[dreg:$0x4] =	wrdreg $0xB0800  }
0xb1: {  	[dreg:$0x5] =	wrdreg $0x1E9400  }
0xb2: {  	[dreg:$0x6] =	wrdreg $0x9  }
0xb3: {  	_ =	task.clear_ibuf [dreg:s7], $0x7FFFF;
	_ =	strace $0x90000046  }
0xb4: {  	s29 =	simm.s32 $0x9;
	_ =	strace $0x80000048  }
0xb5: {  	_ =	swait.ge [sflag:s29], $0x1  }
0xb6: {  	[sflag:s29] =	ssyncadd.s32 $0xFFFFFFFF  }
0xb7: {  	_ =	strace $0x90000048  }
0xb8: {  	_ =	sfence  }
0xb9: {  	s30 =	sld [smem:$0x0];
	_ =	sdelay $0x2  }
0xba: {  	s31 =	sshll.u32 s1, $0xD;
	s1 =	sshrl.u32 s1, $0x2  }
0xbb: {  	s3 =	sand.u32 $0x4000, s31;
	s1 =	sadd.s32 s1, s30  }
0xbc: {  	s0 =	sor.u32 s3, s0;
	s1 =	sshll.u32 s1, $0x11  }
0xbd: {  	s0 =	sor.u32 s1, s0  }
0xbe: {  	s0 =	sadd.s32 $0x8F2B, s0  }
0xbf: {  	[sflag:s0] =	ssyncadd.remote.s32 $0x1  }
0xc0: {  	_ =	sfence.sel $0xFFFF  }
0xc1: {  	[dreg:$0x0] =	wrdreg $0xFFFFFFFF;
	(pc) =	sbr.abs _section_cstart, $3  }
0xc2: {  	[dreg:$0x1] =	wrdreg $0xFFFFFFFF  }
0xc3: {  	_ =	task.clear_ibuf [dreg:s7], $0x2FFFF;
	_ =	strace $0x9FFFFFFF  }
0xc4: {  	(tm) =	ssettm $0x7FFFFFFF  }
0xc5: {  	_ =	shalt  }
tec
execute0_lowered:
.L_overlay_start_1:
0x0: {  	(tag) =	ssettag $0x1  }
0x1: {  	s0 =	rddreg [dreg:$0x0]  }
0x2: {  	s4 =	rddreg [dreg:$0x1]  }
0x3: {  	s1 =	rddreg [dreg:$0x2]  }
0x4: {  	s2 =	rddreg [dreg:$0x3];
	s3 =	simm.s32 $0x0  }
0x5: {  	s14 =	stileid.u32;
	s6 =	srdreg.scid;
	s17 =	simm.s32 $0x5  }
0x6: {  	s30 =	simm.s32 $0x80;
	s31 =	simm.s32 $0x2800;
	s7 =	smul.u32 $0x2700, s14  }
0x7: {  	[smem:$0x7FF] =	sst s3;
	s5 =	sadd.s32 $0x56600, s0;
	s21 =	smul.u32 $0x7D0, s14  }
0x8: {  	s19 =	sadd.s32 $0x51600, s0;
	s20 =	sand.u32 $0x1, s6;
	s12 =	smul.u32 $0x4E000, s14  }
0x9: {  	p0 =	slt.u32 s14, $0x5;
	_ =	strace $0x80000047;
	[dreg:$0x5] =	wrdreg s5  }
0xa: {  	s24 =	sshll.u32 s14, $0x6;
	s29 =	smul.u32 $0x500, s14;
	[dreg:$0x6] =	wrdreg s19  }
0xb: {  	p2 =	sne.s32 s14, $0xF;
	s8 =	smul.u32 $0x27100, s20;
	[dreg:$0x8] =	wrdreg s30  }
0xc: {  	s9 =	ssub.s32 $0x2, s20;
	p1 =	seq.s32 s20, $0x0;
	[dreg:$0x7] =	wrdreg s31  }
0xd: {  	s19 =	simm.s32 $0x1;
	[dreg:$0x9] =	wrdreg s7;
	s7 =	sadd.s32 s7, s0  }
0xe: {  	s10 =	sshrl.u32 s21, $0x3;
	s11 =	sshrl.u32 s9, $0x1;
	s22 =	sshrl.u32 s12, $0x2  }
0xf: {  	s12 =	simm.s32 @!p1 $0x0;
	p0 =	por !p1, !p0;
	s6 =	sadd.s32 s21, s2  }
0x10: {  	[dreg:$0x10] =	wrdreg s29;
	s8 =	sadd.s32 s8, s0;
	s13 =	sadd.s32 s10, s0  }
0x11: {  	s9 =	ssub.s32 s9, s11;
	s12 =	simm.s32 @p1 $0x1;
	[dreg:$0x11] =	wrdreg s6  }
0x12: {  	s23 =	sadd.s32 s22, s1;
	s7 =	sadd.s32 $0x5B600, s7;
	[smem:$0x7FB] =	sst s12  }
0x13: {  	p0 =	por !p0, !p0;
	s4 =	sadd.s32 s4, s10;
	[dreg:$0xa] =	wrdreg s7  }
0x14: {  	s0 =	sadd.s32 $0x82600, s0;
	s7 =	sor.u32 $0x1C05, s24;
	[dreg:$0xb] =	wrdreg s4  }
0x15: {  	[dreg:$0xc] =	wrdreg s0;
	s25 =	sadd.s32 $0x82E00, s8;
	p0 =	por !p0, !p2  }
0x16: {  	s26 =	sadd.s32 $0x82800, s13;
	[dreg:$0xd] =	wrdreg s25;
	s0 =	simm.s32 @!p0 $0x0  }
0x17: {  	s4 =	sadd.s32 $0x138000, s1;
	[dreg:$0xe] =	wrdreg s26;
	s0 =	simm.s32 @p0 $0x1  }
0x18: {  	s28 =	smax.u32 s9, $0x1;
	[smem:$0x7FC] =	sst s0;
	s0 =	simm.s32 @!p2 $0x0  }
0x19: {  	s11 =	sadd.s32 $0x3400, s8;
	[dreg:$0xf] =	wrdreg s28;
	s0 =	simm.s32 @p2 $0x1  }
0x1a: {  	v0 =	vimm.f32 $1.000000000e+00;
	s9 =	sshrl.u32 s23, $0x3;
	s10 =	sshrl.u32 @!p2 s4, $0x3;
	[smem:$0x7FD] =	sst s0  }
.LBB2_1:
0x1b: {  	[tilespmem:$0xA800] =	vst v0  }
0x1c: {  	[tilespmem:$0xA810] =	vst v0  }
0x1d: {  	[tilespmem:$0xA820] =	vst v0  }
0x1e: {  	[tilespmem:$0xA830] =	vst v0  }
0x1f: {  	[tilespmem:$0xA840] =	vst v0  }
0x20: {  	[tilespmem:$0xA850] =	vst v0  }
0x21: {  	[tilespmem:$0xA860] =	vst v0  }
0x22: {  	[tilespmem:$0xA870] =	vst v0;
	s0 =	rddreg [dreg:$0xa]  }
0x23: {  	[spmem:s9], [sflag:s7] =	dma.local [hbm:s0], $0x2700  }
0x24: {  	_ =	swait.ge [sflag:s17], $0x2700  }
0x25: {  	s23 =	sld [smem:$0x7FC];
	_ =	sdelay $0x2  }
0x26: {  	[sflag:s17] =	ssyncset.done $0x0;
	s5 =	rddreg [dreg:$0xb];
	p5 =	seq.s32 s23, $0x1  }
0x27: {  	[sflag:s17] =	ssyncadd.s32 $0xFFFFD900;
	s0 =	simm.s32 @!p5 $0x0;
	s4 =	simm.s32 @!p5 $0xA880  }
0x28: {  	[tilespmem:s4], [sflag:$0x5] =	stream.linear.gather @!p5 [hbm4b:s5+s0], $0x7D0, $0x38;
	[tilespmem:$0x1EBB8] =	vst v63  }
0x29: {  	s0 =	simm.s32 @!p5 $0x5  }
0x2a: {  	_ =	swait.ge @!p5 [sflag:s0], $0x7D0  }
0x2b: {  	[sflag:s0] =	ssyncset.done @!p5 $0x0  }
0x2c: {  	[sflag:s0] =	ssyncadd.s32 @!p5 $0xFFFFF830  }
0x2d: {  	[spmem:s6] =	stream.linear.scatter @!p5 [tilespmem:s4], [sflag:$0x5], $0x7D0, $0x38;
	[tilespmem:$0x1EBB8] =	vst v63  }
0x2e: {  	_ =	swait.ge @!p5 [sflag:s0], $0x7D0  }
0x2f: {  	[sflag:s0] =	ssyncset.done @!p5 $0x0  }
0x30: {  	[sflag:s0] =	ssyncadd.s32 @!p5 $0xFFFFF830;
	s0 =	rddreg [dreg:$0xc]  }
0x31: {  	[spmem:s10], [sflag:s7] =	dma.local @!p2 [hbm:s0], $0x100  }
0x32: {  	p0 =	por $0x1, $0x1;
	s4 =	simm.s32 $0x0;
	s0 =	simm.s32 $0xFFFFFFD8  }
0x33: {  	s5 =	simm.s32 @!p2 $0x5;
	s0 =	smov.u32 @p0 s4  }
0x34: {  	_ =	swait.ge @!p2 [sflag:s5], $0x100;
	p0 =	sne.s32 s0, $0x0  }
0x35: {  	[sflag:s5] =	ssyncset.done @!p2 $0x0;
	p1 =	por @!p0 $0x1, $0x1  }
0x36: {  	[sflag:s5] =	ssyncadd.s32 @!p2 $0xFFFFFF00;
	p1 =	por p1, p0  }
0x37: {  	[bflag:$0x0] =	sbarrier.arrive $0xFFFF;
	s4 =	simm.s32 @!p1 $0x3  }
0x38: {  	_ =	swait.ge @!p1 [sflag:s4], $0x4000  }
0x39: {  	[sflag:s4] =	ssyncset.done @!p1 $0x0  }
0x3a: {  	[sflag:s4] =	ssyncadd.s32 @!p1 $0xFFFFC000;
	s4 =	simm.s32 @!p1 $0x4  }
0x3b: {  	_ =	swait.ge @!p1 [sflag:s4], $0x4000  }
0x3c: {  	[sflag:s4] =	ssyncset.done @!p1 $0x0;
	s12 =	rddreg [dreg:$0x10]  }
0x3d: {  	s5 =	rddreg [dreg:$0x5];
	[sflag:s4] =	ssyncadd.s32 @!p1 $0xFFFFC000;
	s4 =	sand.u32 @!p0 $0xFF80, s12  }
0x3e: {  	s6 =	simm.s32 @!p0 $0x0;
	s8 =	simm.s32 @!p0 $0x5;
	s5 =	sadd.s32 @!p0 s5, s4  }
0x3f: {  	[tilespmem:s6], [sflag:$0x5] =	stream.linear.gather @!p0 [hbm4b:s5+s6], $0x1400, $0x38;
	[tilespmem:$0x1EBB8] =	vst v63  }
0x40: {  	_ =	swait.ge @!p0 [sflag:s8], $0x1400  }
0x41: {  	s5 =	rddreg [dreg:$0x6];
	[sflag:s8] =	ssyncset.done @!p0 $0x0  }
0x42: {  	[sflag:s8] =	ssyncadd.s32 @!p0 $0xFFFFEC00;
	s4 =	sadd.s32 @!p0 s5, s4;
	s5 =	simm.s32 @!p0 $0x1400  }
0x43: {  	[tilespmem:s5], [sflag:$0x5] =	stream.linear.gather @!p0 [hbm4b:s4+s6], $0x1400, $0x38;
	[tilespmem:$0x1EBB8] =	vst v63  }
0x44: {  	_ =	swait.ge @!p0 [sflag:s8], $0x1400  }
0x45: {  	[sflag:s8] =	ssyncset.done @!p0 $0x0  }
0x46: {  	s4 =	simm.s32 @!p0 $0x80;
	s5 =	simm.s32 @!p0 $0x2800;
	[sflag:s8] =	ssyncadd.s32 @!p0 $0xFFFFEC00  }
0x47: {  	[tilespmem:s5], [sflag:$0x1] =	stream.indirect.gather @!p0 [hbm4b:s11+s4], $0x80, s6, s4, $0xb8;
	[tilespmem:$0x1EBB8] =	vst v63  }
0x48: {  	s5 =	simm.s32 @!p0 $0x6800  }
0x49: {  	[tilespmem:s5], [sflag:$0x2] =	stream.indirect.gather @!p0 [hbm4b:s11+s4], $0x80, s4, s4, $0xb8;
	[tilespmem:$0x1EBB8] =	vst v63  }
0x4a: {  	_ =	swait.ge [sflag:s19], $0x4000  }
0x4b: {  	s18 =	smov.u32 s9;
	s5 =	sshll.u32 s0, $0x9;
	s24 =	sld [smem:$0x7FB]  }
0x4c: {  	s8 =	sshrl.u32 s5, $0x2;
	s25 =	rddreg [dreg:$0x7];
	[sflag:s19] =	ssyncset.done $0x0  }
0x4d: {  	s26 =	rddreg [dreg:$0x8];
	s9 =	sadd.s32 $0x1400, s8;
	[sflag:s19] =	ssyncadd.s32 $0xFFFFC000  }
0x4e: {  	[spmem:s1] =	stream.indirect.scatter.add.f32 [tilespmem:s25], [sflag:$0x3], $0x80, s9, s26, $0xb8;
	[tilespmem:$0x1EBB8] =	vst v63  }
0x4f: {  	p1 =	seq.s32 s24, $0x1  }
0x50: {  	p0 =	por @!p5 $0x1, $0x1;
	p4 =	por p1, p1  }
0x51: {  	p4 =	por @!p5 p0, p0  }
0x52: {  	p4 =	por @!p2 p1, p1  }
0x53: {  	s16 =	smov.u32 s10;
	s22 =	simm.s32 @!p4 $0x2  }
0x54: {  	p3 =	por @p2 $0x0, $0x0;
	s21 =	simm.s32 $0xFFFFFFDA;
	_ =	swait.ge @!p4 [sflag:s22], $0x4000  }
0x55: {  	s14 =	simm.s32 $0x2;
	s23 =	simm.s32 @!p4 $0x6800;
	[sflag:s22] =	ssyncset.done @!p4 $0x0  }
0x56: {  	s4 =	sadd.s32 @!p4 $0x1480, s8;
	s24 =	simm.s32 @!p4 $0x80;
	[sflag:s22] =	ssyncadd.s32 @!p4 $0xFFFFC000  }
0x57: {  	[spmem:s1] =	stream.indirect.scatter.add.f32 @!p4 [tilespmem:s23], [sflag:$0x4], $0x80, s4, s24, $0xb8;
	[tilespmem:$0x1EBB8] =	vst v63  }
0x58: {  	s25 =	simm.s32 @p4 $0x80;
	s26 =	simm.s32 @p4 $0xA800;
	s28 =	simm.s32 @p4 $0x5  }
0x59: {  	[spmem:s2] =	stream.indirect.scatter.add.f32 @p4 [tilespmem:s26], [sflag:$0x5], $0x1, s9, s25, $0xb8;
	[tilespmem:$0x1EBB8] =	vst v63  }
0x5a: {  	s13 =	simm.s32 $0xFFFFFFDA;
	s30 =	sadd.s32 $0x20, s12;
	_ =	swait.ge @p4 [sflag:s28], $0x80  }
0x5b: {  	p3 =	por @!p5 p0, p0;
	p0 =	sgt.u32 s0, $0x25;
	[sflag:s28] =	ssyncset.done @p4 $0x0  }
0x5c: {  	p1 =	por @!p2 $0x0, $0x0;
	s31 =	simm.s32 @p4 $0x2;
	[sflag:s28] =	ssyncadd.s32 @p4 $0xFFFFFF80  }
0x5d: {  	s6 =	sshrl.u32 @!p0 s5, $0x2;
	s0 =	simm.s32 @!p0 $0x80;
	_ =	swait.ge @p4 [sflag:s31], $0x4000  }
0x5e: {  	s10 =	simm.s32 @!p0 $0x2800;
	p5 =	por p0, p0;
	[sflag:s31] =	ssyncset.done @p4 $0x0  }
0x5f: {  	s5 =	simm.s32 @p4 $0x6800;
	s9 =	sadd.s32 @p4 $0x1480, s8;
	[sflag:s31] =	ssyncadd.s32 @p4 $0xFFFFC000  }
0x60: {  	[spmem:s1] =	stream.indirect.scatter.add.f32 @p4 [tilespmem:s5], [sflag:$0x4], $0x80, s9, s25, $0xb8;
	[tilespmem:$0x1EBB8] =	vst v63  }
0x61: {  	p3 =	por @!p2 p1, p1;
	s12 =	simm.s32 @!p5 $0x4;
	s4 =	sadd.s32 @!p0 $0x100, s6  }
0x62: {  	[spmem:s2] =	stream.indirect.scatter.add.f32 @p4 [tilespmem:s26], [sflag:$0x5], $0x1, s9, s25, $0xb8;
	[tilespmem:$0x1EBB8] =	vst v63  }
0x63: {  	s6 =	sadd.s32 @!p0 $0x180, s6;
	p0 =	por $0x1, $0x1;
	_ =	swait.ge @p4 [sflag:s28], $0x80  }
0x64: {  	s15 =	simm.s32 @!p5 $0x3;
	s13 =	smov.u32 @p0 s14;
	[sflag:s28] =	ssyncset.done @p4 $0x0  }
0x65: {  	s8 =	simm.s32 $0x2;
	p6 =	sne.s32 s13, $0x0;
	[sflag:s28] =	ssyncadd.s32 @p4 $0xFFFFFF80  }
0x66: {  	s20 =	sshll.u32 s13, $0x9;
	p1 =	por @!p6 $0x0, $0x0;
	_ =	swait.ge @!p5 [sflag:s15], $0x4000  }
0x67: {  	s29 =	sshrl.u32 s20, $0x2;
	s9 =	simm.s32 @!p5 $0x6800;
	[sflag:s15] =	ssyncset.done @!p5 $0x0  }
.LBB2_2:
0x68: {  	[sflag:s15] =	ssyncadd.s32 @!p5 $0xFFFFC000  }
0x69: {  	[tilespmem:s10], [sflag:$0x1] =	stream.indirect.gather @!p5 [hbm4b:s11+s0], $0x80, s4, s0, $0xb8;
	[tilespmem:$0x1EBB8] =	vst v63  }
0x6a: {  	_ =	swait.ge @!p5 [sflag:s12], $0x4000  }
0x6b: {  	p2 =	por p1, p6;
	[sflag:s12] =	ssyncset.done @!p5 $0x0  }
0x6c: {  	p1 =	sgt.u32 s13, $0x25;
	s13 =	simm.s32 @!p2 $0x3;
	[sflag:s12] =	ssyncadd.s32 @!p5 $0xFFFFC000  }
0x6d: {  	[tilespmem:s9], [sflag:$0x2] =	stream.indirect.gather @!p5 [hbm4b:s11+s0], $0x80, s6, s0, $0xb8;
	[tilespmem:$0x1EBB8] =	vst v63  }
0x6e: {  	_ =	swait.ge @!p2 [sflag:s13], $0x4000  }
0x6f: {  	[sflag:s13] =	ssyncset.done @!p2 $0x0  }
0x70: {  	s15 =	sshrl.u32 @!p1 s20, $0x2;
	s9 =	simm.s32 @!p2 $0x4;
	[sflag:s13] =	ssyncadd.s32 @!p2 $0xFFFFC000  }
0x71: {  	s4 =	sadd.s32 @!p1 $0x100, s15;
	s15 =	sadd.s32 @!p1 $0x180, s15;
	_ =	swait.ge @!p2 [sflag:s9], $0x4000  }
0x72: {  	s6 =	smov.u32 s15;
	[sflag:s9] =	ssyncset.done @!p2 $0x0  }
0x73: {  	s12 =	rddreg [dreg:$0x5];
	[sflag:s9] =	ssyncadd.s32 @!p2 $0xFFFFC000;
	s9 =	sand.u32 @!p6 $0xFF80, s30  }
0x74: {  	s15 =	simm.s32 @!p6 $0x5;
	s13 =	simm.s32 @!p6 $0x0;
	s12 =	sadd.s32 @!p6 s12, s9  }
0x75: {  	[tilespmem:s13], [sflag:$0x5] =	stream.linear.gather @!p6 [hbm4b:s12+s13], $0x1400, $0x38;
	[tilespmem:$0x1EBB8] =	vst v63  }
0x76: {  	_ =	swait.ge @!p6 [sflag:s15], $0x1400  }
0x77: {  	[sflag:s15] =	ssyncset.done @!p6 $0x0;
	s12 =	rddreg [dreg:$0x6]  }
0x78: {  	[sflag:s15] =	ssyncadd.s32 @!p6 $0xFFFFEC00;
	s9 =	sadd.s32 @!p6 s12, s9;
	s12 =	simm.s32 @!p6 $0x1400  }
0x79: {  	[tilespmem:s12], [sflag:$0x5] =	stream.linear.gather @!p6 [hbm4b:s9+s13], $0x1400, $0x38;
	[tilespmem:$0x1EBB8] =	vst v63  }
0x7a: {  	_ =	swait.ge @!p6 [sflag:s15], $0x1400  }
0x7b: {  	[sflag:s15] =	ssyncset.done @!p6 $0x0  }
0x7c: {  	s9 =	simm.s32 @!p6 $0x80;
	s12 =	simm.s32 @!p6 $0x2800;
	[sflag:s15] =	ssyncadd.s32 @!p6 $0xFFFFEC00  }
0x7d: {  	[tilespmem:s12], [sflag:$0x1] =	stream.indirect.gather @!p6 [hbm4b:s11+s9], $0x80, s13, s9, $0xb8;
	[tilespmem:$0x1EBB8] =	vst v63  }
0x7e: {  	s12 =	simm.s32 @!p6 $0x6800  }
0x7f: {  	[tilespmem:s12], [sflag:$0x2] =	stream.indirect.gather @!p6 [hbm4b:s11+s9], $0x80, s9, s9, $0xb8;
	[tilespmem:$0x1EBB8] =	vst v63  }
0x80: {  	s20 =	simm.s32 @!p1 $0x80;
	_ =	swait.ge [sflag:s19], $0x4000  }
0x81: {  	s0 =	smov.u32 s20;
	s15 =	rddreg [dreg:$0x7];
	[sflag:s19] =	ssyncset.done $0x0  }
0x82: {  	s13 =	sadd.s32 $0x1400, s29;
	s20 =	rddreg [dreg:$0x8];
	[sflag:s19] =	ssyncadd.s32 $0xFFFFC000  }
0x83: {  	[spmem:s1] =	stream.indirect.scatter.add.f32 [tilespmem:s15], [sflag:$0x3], $0x80, s13, s20, $0xb8;
	[tilespmem:$0x1EBB8] =	vst v63  }
0x84: {  	_ =	swait.ge @!p4 [sflag:s22], $0x4000  }
0x85: {  	[sflag:s22] =	ssyncset.done @!p4 $0x0  }
0x86: {  	s9 =	sadd.s32 @!p4 $0x1480, s29;
	[sflag:s22] =	ssyncadd.s32 @!p4 $0xFFFFC000  }
0x87: {  	[spmem:s1] =	stream.indirect.scatter.add.f32 @!p4 [tilespmem:s23], [sflag:$0x4], $0x80, s9, s24, $0xb8;
	[tilespmem:$0x1EBB8] =	vst v63  }
0x88: {  	_ = 	snop  }
0x89: {  	[spmem:s2] =	stream.indirect.scatter.add.f32 @p4 [tilespmem:s26], [sflag:$0x5], $0x1, s13, s25, $0xb8;
	[tilespmem:$0x1EBB8] =	vst v63  }
0x8a: {  	_ =	swait.ge @p4 [sflag:s28], $0x80  }
0x8b: {  	[sflag:s28] =	ssyncset.done @p4 $0x0  }
0x8c: {  	s14 =	smov.u32 s8;
	[sflag:s28] =	ssyncadd.s32 @p4 $0xFFFFFF80  }
0x8d: {  	s8 =	sadd.s32 $0x1, s8;
	s21 =	sadd.s32 $0x2, s21;
	_ =	swait.ge @p4 [sflag:s31], $0x4000  }
0x8e: {  	s10 =	simm.s32 @!p1 $0x2800;
	p0 =	sne.s32 s8, $0x28;
	[sflag:s31] =	ssyncset.done @p4 $0x0  }
0x8f: {  	p5 =	por p1, p1;
	s9 =	sadd.s32 @p4 $0x1480, s29;
	[sflag:s31] =	ssyncadd.s32 @p4 $0xFFFFC000  }
0x90: {  	[spmem:s1] =	stream.indirect.scatter.add.f32 @p4 [tilespmem:s5], [sflag:$0x4], $0x80, s9, s25, $0xb8;
	[tilespmem:$0x1EBB8] =	vst v63  }
0x91: {  	p1 =	slt.u32 s14, $0x14;
	s30 =	sadd.s32 $0x20, s30;
	s15 =	sadd.s32 $0x28, s21  }
0x92: {  	[spmem:s2] =	stream.indirect.scatter.add.f32 @p4 [tilespmem:s26], [sflag:$0x5], $0x1, s9, s25, $0xb8;
	[tilespmem:$0x1EBB8] =	vst v63  }
.Ltmp0:
0x93: {  	s13 =	smov.u32 s21;
	_ =	swait.ge @p4 [sflag:s28], $0x80;
	(pc) =	sbr.rel @p0 .LBB2_2-.Ltmp0, $4  }
0x94: {  	s12 =	simm.s32 @!p5 $0x4;
	s13 =	smov.u32 @p1 s15;
	[sflag:s28] =	ssyncset.done @p4 $0x0  }
0x95: {  	s15 =	simm.s32 @!p5 $0x3;
	p6 =	sne.s32 s13, $0x0;
	[sflag:s28] =	ssyncadd.s32 @p4 $0xFFFFFF80  }
0x96: {  	s20 =	sshll.u32 s13, $0x9;
	p1 =	seq.s32 @!p6 s14, $0x0;
	_ =	swait.ge @!p5 [sflag:s15], $0x4000  }
0x97: {  	s29 =	sshrl.u32 s20, $0x2;
	s9 =	simm.s32 @!p5 $0x6800;
	[sflag:s15] =	ssyncset.done @!p5 $0x0  }
0x98: {  	[sflag:s15] =	ssyncadd.s32 @!p5 $0xFFFFC000  }
0x99: {  	[tilespmem:s10], [sflag:$0x1] =	stream.indirect.gather @!p5 [hbm4b:s11+s0], $0x80, s4, s0, $0xb8;
	[tilespmem:$0x1EBB8] =	vst v63  }
0x9a: {  	_ =	swait.ge @!p5 [sflag:s12], $0x4000  }
0x9b: {  	[sflag:s12] =	ssyncset.done @!p5 $0x0  }
0x9c: {  	p0 =	por p1, p6;
	[sflag:s12] =	ssyncadd.s32 @!p5 $0xFFFFC000  }
0x9d: {  	[tilespmem:s9], [sflag:$0x2] =	stream.indirect.gather @!p5 [hbm4b:s11+s0], $0x80, s6, s0, $0xb8;
	[tilespmem:$0x1EBB8] =	vst v63  }
0x9e: {  	s0 =	simm.s32 @!p0 $0x3  }
0x9f: {  	_ =	swait.ge @!p0 [sflag:s0], $0x4000  }
0xa0: {  	[sflag:s0] =	ssyncset.done @!p0 $0x0  }
0xa1: {  	[sflag:s0] =	ssyncadd.s32 @!p0 $0xFFFFC000;
	s0 =	simm.s32 @!p0 $0x4  }
0xa2: {  	_ =	swait.ge @!p0 [sflag:s0], $0x4000  }
0xa3: {  	[sflag:s0] =	ssyncset.done @!p0 $0x0  }
0xa4: {  	s4 =	rddreg [dreg:$0x5];
	[sflag:s0] =	ssyncadd.s32 @!p0 $0xFFFFC000;
	s0 =	sand.u32 @!p6 $0xFF80, s30  }
0xa5: {  	s5 =	simm.s32 @!p6 $0x0;
	s6 =	simm.s32 @!p6 $0x5;
	s4 =	sadd.s32 @!p6 s4, s0  }
0xa6: {  	[tilespmem:s5], [sflag:$0x5] =	stream.linear.gather @!p6 [hbm4b:s4+s5], $0x1400, $0x38;
	[tilespmem:$0x1EBB8] =	vst v63  }
0xa7: {  	_ =	swait.ge @!p6 [sflag:s6], $0x1400  }
0xa8: {  	s4 =	rddreg [dreg:$0x6];
	[sflag:s6] =	ssyncset.done @!p6 $0x0  }
0xa9: {  	[sflag:s6] =	ssyncadd.s32 @!p6 $0xFFFFEC00;
	s0 =	sadd.s32 @!p6 s4, s0;
	s4 =	simm.s32 @!p6 $0x1400  }
0xaa: {  	[tilespmem:s4], [sflag:$0x5] =	stream.linear.gather @!p6 [hbm4b:s0+s5], $0x1400, $0x38;
	[tilespmem:$0x1EBB8] =	vst v63  }
0xab: {  	_ =	swait.ge @!p6 [sflag:s6], $0x1400  }
0xac: {  	[sflag:s6] =	ssyncset.done @!p6 $0x0  }
0xad: {  	s0 =	simm.s32 @!p6 $0x80;
	s4 =	simm.s32 @!p6 $0x2800;
	[sflag:s6] =	ssyncadd.s32 @!p6 $0xFFFFEC00  }
0xae: {  	[tilespmem:s4], [sflag:$0x1] =	stream.indirect.gather @!p6 [hbm4b:s11+s0], $0x80, s5, s0, $0xb8;
	[tilespmem:$0x1EBB8] =	vst v63  }
0xaf: {  	s4 =	simm.s32 @!p6 $0x6800  }
0xb0: {  	[tilespmem:s4], [sflag:$0x2] =	stream.indirect.gather @!p6 [hbm4b:s11+s0], $0x80, s0, s0, $0xb8;
	[tilespmem:$0x1EBB8] =	vst v63  }
0xb1: {  	_ =	swait.ge [sflag:s19], $0x4000  }
0xb2: {  	s6 =	simm.s32 @!p4 $0x2;
	s24 =	rddreg [dreg:$0x7];
	[sflag:s19] =	ssyncset.done $0x0  }
0xb3: {  	s5 =	sadd.s32 $0x1400, s29;
	s25 =	rddreg [dreg:$0x8];
	[sflag:s19] =	ssyncadd.s32 $0xFFFFC000  }
0xb4: {  	[spmem:s1] =	stream.indirect.scatter.add.f32 [tilespmem:s24], [sflag:$0x3], $0x80, s5, s25, $0xb8;
	[tilespmem:$0x1EBB8] =	vst v63  }
0xb5: {  	_ =	swait.ge @!p4 [sflag:s6], $0x4000  }
0xb6: {  	s0 =	simm.s32 @!p4 $0x6800;
	[sflag:s6] =	ssyncset.done @!p4 $0x0  }
0xb7: {  	s4 =	sadd.s32 @!p4 $0x1480, s29;
	[sflag:s6] =	ssyncadd.s32 @!p4 $0xFFFFC000;
	s6 =	simm.s32 @!p4 $0x80  }
0xb8: {  	[spmem:s1] =	stream.indirect.scatter.add.f32 @!p4 [tilespmem:s0], [sflag:$0x4], $0x80, s4, s6, $0xb8;
	[tilespmem:$0x1EBB8] =	vst v63  }
0xb9: {  	s0 =	simm.s32 @p4 $0x80;
	s4 =	simm.s32 @p4 $0xA800;
	s6 =	simm.s32 @p4 $0x5  }
0xba: {  	[spmem:s2] =	stream.indirect.scatter.add.f32 @p4 [tilespmem:s4], [sflag:$0x5], $0x1, s5, s0, $0xb8;
	[tilespmem:$0x1EBB8] =	vst v63  }
0xbb: {  	_ =	swait.ge @p4 [sflag:s6], $0x80  }
0xbc: {  	[sflag:s6] =	ssyncset.done @p4 $0x0  }
0xbd: {  	s5 =	simm.s32 @p4 $0x2;
	[sflag:s6] =	ssyncadd.s32 @p4 $0xFFFFFF80  }
0xbe: {  	_ =	swait.ge @p4 [sflag:s5], $0x4000  }
0xbf: {  	[sflag:s5] =	ssyncset.done @p4 $0x0  }
0xc0: {  	s8 =	simm.s32 @p4 $0x6800;
	[sflag:s5] =	ssyncadd.s32 @p4 $0xFFFFC000;
	s5 =	sadd.s32 @p4 $0x1480, s29  }
0xc1: {  	[spmem:s1] =	stream.indirect.scatter.add.f32 @p4 [tilespmem:s8], [sflag:$0x4], $0x80, s5, s0, $0xb8;
	[tilespmem:$0x1EBB8] =	vst v63  }
0xc2: {  	_ = 	snop  }
0xc3: {  	[spmem:s2] =	stream.indirect.scatter.add.f32 @p4 [tilespmem:s4], [sflag:$0x5], $0x1, s5, s0, $0xb8;
	[tilespmem:$0x1EBB8] =	vst v63  }
0xc4: {  	p1 =	sgt.u32 s13, $0x25;
	_ =	swait.ge @p4 [sflag:s6], $0x80  }
0xc5: {  	p0 =	por p1, p1;
	[sflag:s6] =	ssyncset.done @p4 $0x0  }
0xc6: {  	s0 =	simm.s32 @!p0 $0x3;
	[sflag:s6] =	ssyncadd.s32 @p4 $0xFFFFFF80  }
0xc7: {  	s4 =	sshrl.u32 @!p1 s20, $0x2;
	_ =	swait.ge @!p0 [sflag:s0], $0x4000  }
0xc8: {  	s5 =	sadd.s32 @!p1 $0x100, s4;
	[sflag:s0] =	ssyncset.done @!p0 $0x0  }
0xc9: {  	s6 =	simm.s32 @!p1 $0x80;
	[sflag:s0] =	ssyncadd.s32 @!p0 $0xFFFFC000;
	s0 =	simm.s32 @!p1 $0x2800  }
0xca: {  	[tilespmem:s0], [sflag:$0x1] =	stream.indirect.gather @!p0 [hbm4b:s11+s6], $0x80, s5, s6, $0xb8;
	[tilespmem:$0x1EBB8] =	vst v63  }
0xcb: {  	s0 =	simm.s32 @!p0 $0x4  }
0xcc: {  	_ =	swait.ge @!p0 [sflag:s0], $0x4000  }
0xcd: {  	s26 =	simm.s32 $0x3;
	[sflag:s0] =	ssyncset.done @!p0 $0x0  }
0xce: {  	s4 =	sadd.s32 @!p1 $0x180, s4;
	[sflag:s0] =	ssyncadd.s32 @!p0 $0xFFFFC000;
	s0 =	simm.s32 @!p0 $0x6800  }
0xcf: {  	[tilespmem:s0], [sflag:$0x2] =	stream.indirect.gather @!p0 [hbm4b:s11+s6], $0x80, s4, s6, $0xb8;
	[tilespmem:$0x1EBB8] =	vst v63  }
0xd0: {  	_ =	swait.ge [sflag:s26], $0x4000  }
0xd1: {  	[sflag:s26] =	ssyncset.done $0x0  }
0xd2: {  	s28 =	simm.s32 $0x4;
	[sflag:s26] =	ssyncadd.s32 $0xFFFFC000  }
0xd3: {  	_ =	swait.ge [sflag:s28], $0x4000  }
0xd4: {  	[sflag:s28] =	ssyncset.done $0x0  }
0xd5: {  	[sflag:s28] =	ssyncadd.s32 $0xFFFFC000  }
0xd6: {  	[bflag:$0x0] =	sbarrier.arrive $0xFFFF  }
0xd7: {  	s29 =	rddreg [dreg:$0x9]  }
0xd8: {  	s4 =	rddreg [dreg:$0xd]  }
0xd9: {  	s0 =	sadd.s32 s29, s4  }
0xda: {  	[hbm:s0], [sflag:s7] =	dma.local [spmem:s18], $0x2700  }
0xdb: {  	_ =	swait.ge [sflag:s17], $0x2700  }
0xdc: {  	s30 =	sld [smem:$0x7FD];
	_ =	sdelay $0x2  }
0xdd: {  	[sflag:s17] =	ssyncset.done $0x0;
	p2 =	seq.s32 s30, $0x1  }
0xde: {  	[sflag:s17] =	ssyncadd.s32 $0xFFFFD900;
	s0 =	sadd.s32 @!p2 $0x27000, s4  }
0xdf: {  	[hbm:s0], [sflag:s7] =	dma.local @!p2 [spmem:s16], $0x100  }
0xe0: {  	s0 =	simm.s32 @!p2 $0x5  }
0xe1: {  	_ =	swait.ge @!p2 [sflag:s0], $0x100  }
0xe2: {  	s4 =	simm.s32 @p3 $0x5;
	[sflag:s0] =	ssyncset.done @!p2 $0x0  }
0xe3: {  	s6 =	rddreg [dreg:$0x11];
	[sflag:s0] =	ssyncadd.s32 @!p2 $0xFFFFFF00;
	s0 =	simm.s32 @p3 $0xA880  }
0xe4: {  	[tilespmem:s0], [sflag:$0x5] =	stream.linear.gather @p3 [spmem:s6], $0x7D0, $0x38;
	[tilespmem:$0x1EBB8] =	vst v63  }
0xe5: {  	_ =	swait.ge @p3 [sflag:s4], $0x7D0  }
0xe6: {  	[sflag:s4] =	ssyncset.done @p3 $0x0  }
0xe7: {  	s5 =	simm.s32 @p3 $0x0;
	s8 =	rddreg [dreg:$0xe];
	[sflag:s4] =	ssyncadd.s32 @p3 $0xFFFFF830  }
0xe8: {  	[hbm4b:s8+s5] =	stream.linear.scatter @p3 [tilespmem:s0], [sflag:$0x5], $0x7D0, $0x38;
	[tilespmem:$0x1EBB8] =	vst v63  }
0xe9: {  	_ =	swait.ge @p3 [sflag:s4], $0x7D0  }
0xea: {  	s3 =	sadd.s32 $0x1, s3;
	s31 =	rddreg [dreg:$0xf]  }
0xeb: {  	p0 =	sne.s32 s3, s31  }
.Ltmp1:
0xec: {  	_ = 	snop;
	(pc) =	sbr.rel @p0 .LBB2_1-.Ltmp1, $3  }
0xed: {  	_ =	sdelay $0x1  }
0xee: {  	[sflag:s4] =	ssyncset.done @p3 $0x0  }
0xef: {  	s10 =	smov.u32 s16;
	s9 =	smov.u32 s18;
	[sflag:s4] =	ssyncadd.s32 @p3 $0xFFFFF830  }
0xf0: {  	_ =	sfence.sel $0x180000  }
0xf1: {  	[bflag:$0x0] =	sbarrier.arrive $0xFFFF  }
0xf2: {  	_ =	strace $0x90000047  }
0xf3: {  	s0 =	stileid.u32;
	[bflag:$0x2] =	sbarrier.arrive $0xFFFF  }
0xf4: {  	p0 =	sne.s32 s0, $0x0;
	s0 =	rddreg [dreg:$0x4]  }
0xf5: {  	s0 =	sadd.s32 @!p0 $0x100000, s0  }
0xf6: {  	[sflag:s0] =	ssyncadd.tile.s32 @!p0 $0x1;
	_ =	shalt  }
.Lfunc_end2:
_tile_overlayer_lowered:
.L_overlay_start_2:
0xf7: {  	(tag) =	ssettag $0x2  }
0xf8: {  	s0 =	rddreg [dreg:$0x0];
	s2 =	stileid.u32  }
0xf9: {  	s1 =	rddreg [dreg:$0x1];
	p0 =	sne.s32 s2, $0x0  }
0xfa: {  	s3 =	rddreg [dreg:$0x2];
	[bflag:$0x3] =	sbarrier.arrive $0xFFFF;
	s2 =	simm.s32 @!p0 $0x1C05  }
0xfb: {  	[timem:s3], [sflag:s2] =	dma.local @!p0 [hbm:s0], s1  }
0xfc: {  	s0 =	simm.s32 @!p0 $0x5  }
0xfd: {  	_ =	swait.ge @!p0 [sflag:s0], s1  }
0xfe: {  	s1 =	ssub.s32 @!p0 $0x0, s1;
	[sflag:s0] =	ssyncset.done @!p0 $0x0  }
0xff: {  	[sflag:s0] =	ssyncadd.s32 @!p0 s1  }
0x100: {  	[bflag:$0x3] =	sbarrier.arrive $0xFFFF  }
0x101: {  	_ =	shalt  }

// kernel: kernel.14.cloned.1.call-start
scs
__scs_entry_jumppad:
0x0: {  	(pc) =	sbr.rel $0x88, $3  }
0x1: {  	(tag) =	ssettag $0x0;
	lr =	simm.s32 $0x1  }
0x2: {  	[smem:$0x3F95] =	sst lr;
	_ =	strace $0xD0000000  }
0x3: {  	_ = 	snop  }
0x4: {  	_ = 	snop  }
0x5: {  	_ = 	snop  }
0x6: {  	_ = 	snop  }
0x7: {  	_ = 	snop  }
__scs_overlays_trampoline_lowered:
0x8: {  	[smem:$0x3FA4] =	sst s0  }
0x9: {  	[smem:$0x3FA5] =	sst s1  }
0xa: {  	[smem:$0x3FA6] =	sst s2  }
0xb: {  	[smem:$0x3FA7] =	sst s3  }
0xc: {  	[smem:$0x3FA8] =	sst s4  }
0xd: {  	[smem:$0x3FA9] =	sst s5  }
0xe: {  	[smem:$0x3FAA] =	sst s6  }
0xf: {  	[smem:$0x3FAB] =	sst s7  }
0x10: {  	[smem:$0x3FAC] =	sst s8  }
0x11: {  	[smem:$0x3FAD] =	sst s9;
	s0 =	simm.s32 @!p0 $0x0  }
0x12: {  	s1 =	sld [smem:$0x3F93];
	s0 =	simm.s32 @p0 $0x1  }
0x13: {  	[smem:$0x3FAE] =	sst s0;
	s0 =	simm.s32 @!p1 $0x0  }
0x14: {  	s2 =	sld [smem:$0x3F92];
	s0 =	simm.s32 @p1 $0x1  }
0x15: {  	[smem:$0x3FAF] =	sst s0;
	s0 =	simm.s32 @!p2 $0x0  }
0x16: {  	s3 =	sld [smem:$0x3FDB];
	s0 =	simm.s32 @p2 $0x1  }
0x17: {  	s4 =	simm.s32 $0x1BF5;
	[smem:$0x3FB1] =	sst s0  }
0x18: {  	s0 =	sld [smem:$0x3F94];
	_ =	swait.ge [sflag:s4], $0x0  }
0x19: {  	s7 =	sld [smem:$0x3F95]  }
0x1a: {  	s8 =	sadd.s32 $0xFFFFE003, lr  }
0x1b: {  	s9 =	sadd.s32 $0xFFFFFEF7, lr;
	s5 =	simm.s32 $0xFFFFFFFF;
	p2 =	slt.u32 s8, $0xFFFFF086  }
0x1c: {  	p1 =	slt.u32 s9, $0xF7A;
	s5 =	simm.s32 @!p2 $0x0  }
0x1d: {  	s5 =	simm.s32 @p1 $0x1;
	p0 =	seq.s32 s7, s2  }
0x1e: {  	s7 =	smul.u32 @!p0 $0xF7A, s2;
	p2 =	seq.s32 @!p0 s5, $0x0  }
0x1f: {  	s9 =	smul.u32 $0xF7A, s1;
	s8 =	simm.s32 @!p0 $0x1BF5;
	p2 =	por !p2, p0  }
0x20: {  	[sflag:s8] =	ssyncset.s32 @!p0 $0xFFFFF086;
	s6 =	sadd.s32 @!p0 s3, s7;
	s7 =	simm.s32 @!p0 $0x108  }
0x21: {  	s3 =	sadd.s32 s3, s9;
	s6 =	sadd.s32 @!p0 $0x88, s6;
	s7 =	simm.s32 @p2 $0x1082  }
0x22: {  	[simem:s7], [sflag:s8] =	dma.local @!p0 [hbm:s6], $0xF7A  }
0x23: {  	s9 =	sor.u32 $0xD0000000, s2;
	s6 =	simm.s32 $0x108;
	_ =	swait.ge @!p0 [sflag:s8], $0x0  }
0x24: {  	s3 =	sadd.s32 $0x88, s3;
	s6 =	simm.s32 @!p1 $0x1082;
	[sflag:s4] =	ssyncset.s32 $0xFFFFF086  }
0x25: {  	[simem:s6], [sflag:s4] =	dma.local [hbm:s3], $0xF7A  }
0x26: {  	[smem:$0x3F95] =	sst s1;
	(tag) =	ssettag s2;
	_ =	strace s9  }
0x27: {  	s1 =	sld [smem:$0x3FA5]  }
0x28: {  	s2 =	sld [smem:$0x3FA6]  }
0x29: {  	s4 =	sld [smem:$0x3FA8]  }
0x2a: {  	p0 =	seq.s32 s5, $0x0;
	s5 =	sld [smem:$0x3FA9]  }
0x2b: {  	s6 =	sld [smem:$0x3FAA]  }
0x2c: {  	s7 =	sld [smem:$0x3FAB]  }
0x2d: {  	s3 =	simm.s32 $0x108;
	s8 =	sld [smem:$0x3FAC]  }
0x2e: {  	s3 =	simm.s32 @!p0 $0x1082;
	s9 =	sld [smem:$0x3FAD]  }
0x2f: {  	lr =	sadd.s32 s0, s3;
	s0 =	sld [smem:$0x3FA4]  }
0x30: {  	s3 =	sld [smem:$0x3FA7]  }
0x31: {  	[smem:$0x3FB0] =	sst s10  }
0x32: {  	s10 =	sld [smem:$0x3FAE];
	_ =	sdelay $0x3  }
0x33: {  	p0 =	seq.s32 s10, $0x1;
	s10 =	sld [smem:$0x3FB0];
	_ =	sdelay $0x3  }
0x34: {  	[smem:$0x3FB0] =	sst s10  }
0x35: {  	s10 =	sld [smem:$0x3FAF];
	_ =	sdelay $0x3  }
0x36: {  	p1 =	seq.s32 s10, $0x1;
	s10 =	sld [smem:$0x3FB0];
	_ =	sdelay $0x3  }
0x37: {  	[smem:$0x3FB0] =	sst s10  }
0x38: {  	s10 =	sld [smem:$0x3FB1]  }
0x39: {  	_ = 	snop;
	(pc) =	sbr.ind lr, $3  }
0x3a: {  	_ = 	snop  }
0x3b: {  	_ = 	snop  }
0x3c: {  	p2 =	seq.s32 s10, $0x1;
	s10 =	sld [smem:$0x3FB0]  }
0x3d: {  	_ =	shalt  }
0x3e: {  	_ =	shalt  }
0x3f: {  	_ =	shalt  }
0x40: {  	_ =	shalt  }
0x41: {  	_ =	shalt  }
0x42: {  	_ =	shalt  }
0x43: {  	_ =	shalt  }
0x44: {  	_ =	shalt  }
0x45: {  	_ =	shalt  }
0x46: {  	_ =	shalt  }
0x47: {  	_ =	shalt  }
0x48: {  	_ =	shalt  }
0x49: {  	_ =	shalt  }
0x4a: {  	_ =	shalt  }
0x4b: {  	_ =	shalt  }
0x4c: {  	_ =	shalt  }
0x4d: {  	_ =	shalt  }
0x4e: {  	_ =	shalt  }
0x4f: {  	_ =	shalt  }
0x50: {  	_ =	shalt  }
0x51: {  	_ =	shalt  }
0x52: {  	_ =	shalt  }
0x53: {  	_ =	shalt  }
0x54: {  	_ =	shalt  }
0x55: {  	_ =	shalt  }
0x56: {  	_ =	shalt  }
0x57: {  	_ =	shalt  }
0x58: {  	_ =	shalt  }
0x59: {  	_ =	shalt  }
0x5a: {  	_ =	shalt  }
0x5b: {  	_ =	shalt  }
0x5c: {  	_ =	shalt  }
0x5d: {  	_ =	shalt  }
0x5e: {  	_ =	shalt  }
0x5f: {  	_ =	shalt  }
0x60: {  	_ =	shalt  }
0x61: {  	_ =	shalt  }
0x62: {  	_ =	shalt  }
0x63: {  	_ =	shalt  }
0x64: {  	_ =	shalt  }
0x65: {  	_ =	shalt  }
0x66: {  	_ =	shalt  }
0x67: {  	_ =	shalt  }
0x68: {  	_ =	shalt  }
0x69: {  	_ =	shalt  }
0x6a: {  	_ =	shalt  }
0x6b: {  	_ =	shalt  }
0x6c: {  	_ =	shalt  }
0x6d: {  	_ =	shalt  }
0x6e: {  	_ =	shalt  }
0x6f: {  	_ =	shalt  }
0x70: {  	_ =	shalt  }
0x71: {  	_ =	shalt  }
0x72: {  	_ =	shalt  }
0x73: {  	_ =	shalt  }
0x74: {  	_ =	shalt  }
0x75: {  	_ =	shalt  }
0x76: {  	_ =	shalt  }
0x77: {  	_ =	shalt  }
0x78: {  	_ =	shalt  }
0x79: {  	_ =	shalt  }
0x7a: {  	_ =	shalt  }
0x7b: {  	_ =	shalt  }
0x7c: {  	_ =	shalt  }
0x7d: {  	_ =	shalt  }
0x7e: {  	_ =	shalt  }
0x7f: {  	_ =	shalt  }
0x80: {  	_ =	shalt  }
0x81: {  	_ =	shalt  }
0x82: {  	_ =	shalt  }
0x83: {  	_ =	shalt  }
0x84: {  	_ =	shalt  }
0x85: {  	_ =	shalt  }
0x86: {  	_ =	shalt  }
0x87: {  	_ =	shalt  }
.Lfunc_end0:
.L_simem_size_0:
called_computation.1_lowered:
.L_overlay_start_0:
0x88: {  	s2 =	sld [smem:$0x3FD9]  }
0x89: {  	s3 =	sld [smem:$0x3FFE];
	_ =	sdelay $0x1  }
0x8a: {  	s1 =	srdreg.scid  }
0x8b: {  	s0 =	sand.u32 $0x1, s1  }
0x8c: {  	s16 =	sshll.u32 s0, $0xA;
	s2 =	sadd.s32 s3, s2  }
0x8d: {  	s2 =	sadd.s32 s2, s16  }
0x8e: {  	[smem:$0x3FBC] =	sst s2  }
0x8f: {  	_ = 	snop  }
0x90: {  	(tm) =	ssettm $0x1  }
0x91: {  	s17 =	sld [smem:$0x3FFB];
	_ =	sdelay $0x3  }
0x92: {  	_ =	strace s17  }
0x93: {  	s2 =	sld [smem:$0x3FFC];
	_ =	sdelay $0x3  }
0x94: {  	_ =	strace s2  }
0x95: {  	s2 =	sld [smem:$0x3FFD];
	_ =	sdelay $0x3  }
0x96: {  	_ =	strace s2  }
0x97: {  	_ =	strace $0x8FFFFFFF  }
0x98: {  	s18 =	sld [smem:$0x3FDB];
	_ =	sdelay $0x1  }
0x99: {  	s19 =	simm.s32 $_scs_section_size  }
0x9a: {  	s4 =	simm.s32 $_size__tile_overlayer_lowered;
	s5 =	simm.s32 $_tile_overlayer_lowered  }
0x9b: {  	s22 =	simm.s32 $0x1BFF;
	s21 =	sshll.u32 s5, $0x1;
	s2 =	sadd.s32 s19, s18  }
0x9c: {  	s6 =	simm.s32 $0x0;
	s20 =	sshll.u32 s4, $0x1;
	s4 =	sadd.s32 s21, s2  }
0x9d: {  	[timem:s6], [sflag:s22] =	dma.local [hbm:s4], s20  }
0x9e: {  	_ =	swait.ge [sflag:s22], s20  }
0x9f: {  	s3 =	ssub.s32 $0x0, s20;
	[sflag:s22] =	ssyncset.done $0x0  }
0xa0: {  	[sflag:s22] =	ssyncadd.s32 s3;
	_ =	sdelay $0x1  }
0xa1: {  	s23 =	simm.s32 $0x1B8B  }
0xa2: {  	_ =	swait.ge [sflag:s23], $0x1  }
0xa3: {  	[sflag:s23] =	ssyncset.done $0x0  }
0xa4: {  	s25 =	simm.s32 $0x1B8E;
	s24 =	sld [smem:$0x3FFE];
	[sflag:s23] =	ssyncadd.s32 $0xFFFFFFFF  }
0xa5: {  	s26 =	simm.s32 $execute0_lowered;
	[smem:$0x3FD2] =	sst s25  }
0xa6: {  	s4 =	sshll.u32 s26, $0x1;
	_ =	strace $0x80000049;
	[dreg:$0x1] =	wrdreg $0xFFFFFFFF  }
0xa7: {  	s28 =	simm.s32 $_size_execute0_lowered;
	s2 =	sadd.s32 s2, s4;
	[dreg:$0x0] =	wrdreg $0x0  }
0xa8: {  	s4 =	sshll.u32 s28, $0x1;
	[dreg:$0x2] =	wrdreg s2  }
0xa9: {  	[dreg:$0x3] =	wrdreg s4  }
0xaa: {  	[dreg:$0x4] =	wrdreg $0xC0  }
0xab: {  	_ =	task [dreg:s6], $0x5FFFF  }
0xac: {  	[dreg:$0x1] =	wrdreg $0xFFFFFFFF  }
0xad: {  	[dreg:$0x0] =	wrdreg $0x60  }
0xae: {  	[dreg:$0x2] =	wrdreg s24  }
0xaf: {  	[dreg:$0x3] =	wrdreg $0xA8000  }
0xb0: {  	[dreg:$0x4] =	wrdreg $0x9  }
0xb1: {  	_ =	task.clear_ibuf [dreg:s6], $0x5FFFF;
	_ =	strace $0x90000049  }
0xb2: {  	s29 =	simm.s32 $0x9;
	_ =	strace $0x8000004B  }
0xb3: {  	_ =	swait.ge [sflag:s29], $0x1  }
0xb4: {  	[sflag:s29] =	ssyncadd.s32 $0xFFFFFFFF  }
0xb5: {  	_ =	strace $0x9000004B  }
0xb6: {  	_ =	sfence  }
0xb7: {  	s30 =	sld [smem:$0x0];
	_ =	sdelay $0x2  }
0xb8: {  	s31 =	sshll.u32 s1, $0xD;
	s1 =	sshrl.u32 s1, $0x2  }
0xb9: {  	s3 =	sand.u32 $0x4000, s31;
	s1 =	sadd.s32 s1, s30  }
0xba: {  	s0 =	sor.u32 s3, s0;
	s1 =	sshll.u32 s1, $0x11  }
0xbb: {  	s0 =	sor.u32 s1, s0  }
0xbc: {  	s0 =	sadd.s32 $0x8F2B, s0  }
0xbd: {  	[sflag:s0] =	ssyncadd.remote.s32 $0x1  }
0xbe: {  	_ =	sfence.sel $0xFFFF  }
0xbf: {  	[dreg:$0x0] =	wrdreg $0xFFFFFFFF;
	(pc) =	sbr.abs _section_cstart, $3  }
0xc0: {  	[dreg:$0x1] =	wrdreg $0xFFFFFFFF  }
0xc1: {  	_ =	task.clear_ibuf [dreg:s6], $0x2FFFF;
	_ =	strace $0x9FFFFFFF  }
0xc2: {  	(tm) =	ssettm $0x7FFFFFFF  }
0xc3: {  	_ =	shalt  }
tec
execute0_lowered:
.L_overlay_start_1:
0x0: {  	(tag) =	ssettag $0x1  }
0x1: {  	s0 =	rddreg [dreg:$0x0]  }
0x2: {  	s1 =	rddreg [dreg:$0x1];
	s2 =	simm.s32 $0x0  }
0x3: {  	s3 =	stileid.u32;
	s23 =	srdreg.scid;
	s20 =	simm.s32 $0x5  }
0x4: {  	s29 =	simm.s32 $0x3;
	s31 =	simm.s32 $0x4;
	s15 =	simm.s32 $0x0  }
0x5: {  	[smem:$0x7FF] =	sst s2;
	s4 =	sadd.s32 $0x16D400, s0;
	s9 =	smul.u32 $0x2700, s3  }
0x6: {  	s2 =	sand.u32 $0x1, s23;
	s5 =	sadd.s32 $0x56600, s0;
	s8 =	smul.u32 $0x4E000, s3  }
0x7: {  	s6 =	sadd.s32 $0x51600, s0;
	s12 =	sadd.s32 $0x82800, s0;
	s24 =	sshll.u32 s3, $0x6  }
0x8: {  	s14 =	smul.u32 $0x500, s3;
	p0 =	sne.s32 s3, $0xF;
	s23 =	simm.s32 $0x80  }
0x9: {  	_ =	strace $0x8000004A;
	s7 =	ssub.s32 $0x2, s2;
	s2 =	smul.u32 $0x4E200, s2  }
0xa: {  	[dreg:$0x3] =	wrdreg s9;
	s9 =	sadd.s32 s9, s0;
	s10 =	sshrl.u32 s7, $0x1  }
0xb: {  	s8 =	sshrl.u32 s8, $0x2;
	s0 =	sadd.s32 $0x82600, s0;
	s28 =	sadd.s32 s5, s14  }
0xc: {  	s30 =	sadd.s32 s6, s14;
	s18 =	sor.u32 $0x20, s14;
	[dreg:$0x6] =	wrdreg s0  }
0xd: {  	s7 =	ssub.s32 s7, s10;
	s8 =	sadd.s32 s8, s1;
	[dreg:$0xa] =	wrdreg s28  }
0xe: {  	s9 =	sadd.s32 $0x5B600, s9;
	s25 =	sadd.s32 $0x27100, s2;
	[dreg:$0xb] =	wrdreg s30  }
0xf: {  	s11 =	sadd.s32 s4, s2;
	s2 =	sadd.s32 s12, s2;
	[dreg:$0x5] =	wrdreg s9  }
0x10: {  	s10 =	sadd.s32 $0x138000, s1;
	s9 =	sor.u32 $0x1C05, s24;
	[dreg:$0x7] =	wrdreg s2  }
0x11: {  	s13 =	sadd.s32 s4, s25;
	s0 =	sadd.s32 s12, s25;
	s26 =	smax.u32 s7, $0x1  }
0x12: {  	[dreg:$0x4] =	wrdreg s8;
	s19 =	sshrl.u32 s8, $0x3;
	s21 =	sshrl.u32 @!p0 s10, $0x3  }
0x13: {  	s24 =	simm.s32 $0x2800;
	s25 =	simm.s32 $0x6800;
	[dreg:$0x8] =	wrdreg s0  }
0x14: {  	s2 =	simm.s32 $0x1;
	[dreg:$0x9] =	wrdreg s26;
	s26 =	simm.s32 $0x2  }
.LBB2_1:
0x15: {  	s0 =	rddreg [dreg:$0x5]  }
0x16: {  	[spmem:s19], [sflag:s9] =	dma.local [hbm:s0], $0x2700  }
0x17: {  	_ =	swait.ge [sflag:s20], $0x2700  }
0x18: {  	[sflag:s20] =	ssyncset.done $0x0  }
0x19: {  	s0 =	rddreg [dreg:$0x6];
	[sflag:s20] =	ssyncadd.s32 $0xFFFFD900  }
0x1a: {  	[spmem:s21], [sflag:s9] =	dma.local @!p0 [hbm:s0], $0x100  }
0x1b: {  	s0 =	simm.s32 @!p0 $0x5  }
0x1c: {  	_ =	swait.ge @!p0 [sflag:s0], $0x100  }
0x1d: {  	[sflag:s0] =	ssyncset.done @!p0 $0x0  }
0x1e: {  	[sflag:s0] =	ssyncadd.s32 @!p0 $0xFFFFFF00  }
0x1f: {  	[bflag:$0x0] =	sbarrier.arrive $0xFFFF  }
0x20: {  	s7 =	simm.s32 $0x0;
	s3 =	rddreg [dreg:$0xa]  }
0x21: {  	[tilespmem:s7], [sflag:$0x5] =	stream.linear.gather [hbm4b:s3+s7], $0x1400, $0x38;
	[tilespmem:$0x1E0C0] =	vst v63  }
0x22: {  	_ =	swait.ge [sflag:s20], $0x1400  }
0x23: {  	[sflag:s20] =	ssyncset.done $0x0  }
0x24: {  	s4 =	simm.s32 $0x1400;
	s8 =	rddreg [dreg:$0xb];
	[sflag:s20] =	ssyncadd.s32 $0xFFFFEC00  }
0x25: {  	[tilespmem:s4], [sflag:$0x5] =	stream.linear.gather [hbm4b:s8+s7], $0x1400, $0x38;
	[tilespmem:$0x1E0C0] =	vst v63  }
0x26: {  	_ =	swait.ge [sflag:s20], $0x1400  }
0x27: {  	[sflag:s20] =	ssyncset.done $0x0  }
0x28: {  	[sflag:s20] =	ssyncadd.s32 $0xFFFFEC00  }
0x29: {  	[tilespmem:s24], [sflag:$0x1] =	stream.indirect.gather [hbm4b:s11+s23], $0x80, s7, s23, $0xb8;
	[tilespmem:$0x1E0C0] =	vst v63  }
0x2a: {  	_ = 	snop  }
0x2b: {  	[tilespmem:s25], [sflag:$0x2] =	stream.indirect.gather [hbm4b:s11+s23], $0x80, s23, s23, $0xb8;
	[tilespmem:$0x1E0C0] =	vst v63  }
0x2c: {  	_ =	swait.ge [sflag:s2], $0x4000  }
0x2d: {  	[sflag:s2] =	ssyncset.done $0x0  }
0x2e: {  	[sflag:s2] =	ssyncadd.s32 $0xFFFFC000  }
0x2f: {  	[spmem:s1] =	stream.indirect.scatter.add.f32 [tilespmem:s24], [sflag:$0x3], $0x80, s4, s23, $0xb8;
	[tilespmem:$0x1E0C0] =	vst v63  }
0x30: {  	_ =	swait.ge [sflag:s26], $0x4000  }
0x31: {  	[sflag:s26] =	ssyncset.done $0x0  }
0x32: {  	s10 =	simm.s32 $0x1480;
	[sflag:s26] =	ssyncadd.s32 $0xFFFFC000  }
0x33: {  	[spmem:s1] =	stream.indirect.scatter.add.f32 [tilespmem:s25], [sflag:$0x4], $0x80, s10, s23, $0xb8;
	[tilespmem:$0x1E0C0] =	vst v63  }
0x34: {  	_ =	swait.ge [sflag:s29], $0x4000  }
0x35: {  	s12 =	simm.s32 $0x100;
	p1 =	por $0x1, $0x1;
	[sflag:s29] =	ssyncset.done $0x0  }
0x36: {  	s0 =	simm.s32 $0xFFFFFFDA;
	s4 =	simm.s32 $0x2;
	[sflag:s29] =	ssyncadd.s32 $0xFFFFC000  }
0x37: {  	[tilespmem:s24], [sflag:$0x1] =	stream.indirect.gather [hbm4b:s11+s23], $0x80, s12, s23, $0xb8;
	[tilespmem:$0x1E0C0] =	vst v63  }
0x38: {  	s0 =	smov.u32 @p1 s4;
	_ =	swait.ge [sflag:s31], $0x4000  }
0x39: {  	p1 =	sne.s32 s0, $0x0;
	[sflag:s31] =	ssyncset.done $0x0  }
0x3a: {  	s14 =	simm.s32 $0x180;
	s4 =	simm.s32 @!p1 $0x3;
	[sflag:s31] =	ssyncadd.s32 $0xFFFFC000  }
0x3b: {  	[tilespmem:s25], [sflag:$0x2] =	stream.indirect.gather [hbm4b:s11+s23], $0x80, s14, s23, $0xb8;
	[tilespmem:$0x1E0C0] =	vst v63  }
0x3c: {  	_ =	swait.ge @!p1 [sflag:s4], $0x4000  }
0x3d: {  	[sflag:s4] =	ssyncset.done @!p1 $0x0  }
0x3e: {  	s7 =	simm.s32 @!p1 $0x4;
	[sflag:s4] =	ssyncadd.s32 @!p1 $0xFFFFC000  }
0x3f: {  	_ =	swait.ge @!p1 [sflag:s7], $0x4000  }
0x40: {  	s12 =	simm.s32 @!p1 $0x0;
	s4 =	sand.u32 @!p1 $0xFF80, s18;
	[sflag:s7] =	ssyncset.done @!p1 $0x0  }
0x41: {  	s14 =	simm.s32 @!p1 $0x5;
	s10 =	sadd.s32 @!p1 s5, s4;
	[sflag:s7] =	ssyncadd.s32 @!p1 $0xFFFFC000  }
0x42: {  	[tilespmem:s12], [sflag:$0x5] =	stream.linear.gather @!p1 [hbm4b:s10+s12], $0x1400, $0x38;
	[tilespmem:$0x1E0C0] =	vst v63  }
0x43: {  	_ =	swait.ge @!p1 [sflag:s14], $0x1400  }
0x44: {  	[sflag:s14] =	ssyncset.done @!p1 $0x0  }
0x45: {  	s4 =	sadd.s32 @!p1 s6, s4;
	s7 =	simm.s32 @!p1 $0x1400;
	[sflag:s14] =	ssyncadd.s32 @!p1 $0xFFFFEC00  }
0x46: {  	[tilespmem:s7], [sflag:$0x5] =	stream.linear.gather @!p1 [hbm4b:s4+s12], $0x1400, $0x38;
	[tilespmem:$0x1E0C0] =	vst v63  }
0x47: {  	_ =	swait.ge @!p1 [sflag:s14], $0x1400  }
0x48: {  	[sflag:s14] =	ssyncset.done @!p1 $0x0  }
0x49: {  	s4 =	simm.s32 @!p1 $0x80;
	s7 =	simm.s32 @!p1 $0x2800;
	[sflag:s14] =	ssyncadd.s32 @!p1 $0xFFFFEC00  }
0x4a: {  	[tilespmem:s7], [sflag:$0x1] =	stream.indirect.gather @!p1 [hbm4b:s11+s4], $0x80, s12, s4, $0xb8;
	[tilespmem:$0x1E0C0] =	vst v63  }
0x4b: {  	s7 =	simm.s32 @!p1 $0x6800  }
0x4c: {  	[tilespmem:s7], [sflag:$0x2] =	stream.indirect.gather @!p1 [hbm4b:s11+s4], $0x80, s4, s4, $0xb8;
	[tilespmem:$0x1E0C0] =	vst v63  }
0x4d: {  	s4 =	sshll.u32 s0, $0x9;
	_ =	swait.ge [sflag:s2], $0x4000  }
0x4e: {  	s30 =	simm.s32 $0x3;
	s16 =	sshrl.u32 s4, $0x2;
	[sflag:s2] =	ssyncset.done $0x0  }
0x4f: {  	s28 =	simm.s32 $0xFFFFFFDC;
	s17 =	sadd.s32 $0x1400, s16;
	[sflag:s2] =	ssyncadd.s32 $0xFFFFC000  }
0x50: {  	[spmem:s1] =	stream.indirect.scatter.add.f32 [tilespmem:s24], [sflag:$0x3], $0x80, s17, s23, $0xb8;
	[tilespmem:$0x1E0C0] =	vst v63  }
0x51: {  	p2 =	sgt.u32 s0, $0x25;
	s10 =	simm.s32 $0x4;
	_ =	swait.ge [sflag:s26], $0x4000  }
0x52: {  	s12 =	simm.s32 @!p2 $0x80;
	s7 =	simm.s32 @!p2 $0x3;
	[sflag:s26] =	ssyncset.done $0x0  }
0x53: {  	p1 =	por $0x1, $0x1;
	s22 =	sadd.s32 $0x1480, s16;
	[sflag:s26] =	ssyncadd.s32 $0xFFFFC000  }
0x54: {  	[spmem:s1] =	stream.indirect.scatter.add.f32 [tilespmem:s25], [sflag:$0x4], $0x80, s22, s23, $0xb8;
	[tilespmem:$0x1E0C0] =	vst v63  }
0x55: {  	s0 =	simm.s32 @!p2 $0x2800;
	s14 =	sshrl.u32 @!p2 s4, $0x2;
	_ =	swait.ge @!p2 [sflag:s7], $0x4000  }
0x56: {  	s28 =	smov.u32 @p1 s10;
	s4 =	sadd.s32 @!p2 $0x100, s14;
	[sflag:s7] =	ssyncset.done @!p2 $0x0  }
0x57: {  	s14 =	sadd.s32 @!p2 $0x180, s14;
	s16 =	simm.s32 @!p2 $0x6800;
	[sflag:s7] =	ssyncadd.s32 @!p2 $0xFFFFC000  }
0x58: {  	[tilespmem:s0], [sflag:$0x1] =	stream.indirect.gather @!p2 [hbm4b:s11+s12], $0x80, s4, s12, $0xb8;
	[tilespmem:$0x1E0C0] =	vst v63  }
0x59: {  	s17 =	simm.s32 @!p2 $0x4;
	s4 =	simm.s32 $0xFFFFFFDC;
	s0 =	sadd.s32 $0x20, s18  }
.LBB2_2:
0x5a: {  	p3 =	sne.s32 s28, $0x0  }
0x5b: {  	s10 =	sshll.u32 s28, $0x9;
	_ =	swait.ge @!p2 [sflag:s17], $0x4000;
	s7 =	smov.u32 s30  }
0x5c: {  	s22 =	simm.s32 @!p3 $0x3;
	s3 =	sand.u32 @!p3 $0xFF80, s0;
	[sflag:s17] =	ssyncset.done @!p2 $0x0  }
0x5d: {  	s8 =	sadd.s32 @!p3 s5, s3;
	s3 =	sadd.s32 @!p3 s6, s3;
	[sflag:s17] =	ssyncadd.s32 @!p2 $0xFFFFC000  }
0x5e: {  	[tilespmem:s16], [sflag:$0x2] =	stream.indirect.gather @!p2 [hbm4b:s11+s12], $0x80, s14, s12, $0xb8;
	[tilespmem:$0x1E0C0] =	vst v63  }
0x5f: {  	s30 =	sadd.s32 $0x1, s30;
	s12 =	sshrl.u32 s10, $0x2;
	_ =	swait.ge @!p3 [sflag:s22], $0x4000  }
0x60: {  	p1 =	sne.s32 s30, $0x28;
	s14 =	simm.s32 @!p3 $0x4;
	[sflag:s22] =	ssyncset.done @!p3 $0x0  }
0x61: {  	[sflag:s22] =	ssyncadd.s32 @!p3 $0xFFFFC000  }
0x62: {  	s16 =	simm.s32 @!p3 $0x0;
	_ =	swait.ge @!p3 [sflag:s14], $0x4000  }
0x63: {  	s17 =	simm.s32 @!p3 $0x5;
	[sflag:s14] =	ssyncset.done @!p3 $0x0  }
0x64: {  	[sflag:s14] =	ssyncadd.s32 @!p3 $0xFFFFC000  }
0x65: {  	[tilespmem:s16], [sflag:$0x5] =	stream.linear.gather @!p3 [hbm4b:s8+s16], $0x1400, $0x38;
	[tilespmem:$0x1E0C0] =	vst v63  }
0x66: {  	_ =	swait.ge @!p3 [sflag:s17], $0x1400  }
0x67: {  	s8 =	simm.s32 @!p3 $0x1400;
	[sflag:s17] =	ssyncset.done @!p3 $0x0  }
0x68: {  	[sflag:s17] =	ssyncadd.s32 @!p3 $0xFFFFEC00  }
0x69: {  	[tilespmem:s8], [sflag:$0x5] =	stream.linear.gather @!p3 [hbm4b:s3+s16], $0x1400, $0x38;
	[tilespmem:$0x1E0C0] =	vst v63  }
0x6a: {  	s3 =	simm.s32 @!p3 $0x80;
	s8 =	simm.s32 @!p3 $0x2800;
	_ =	swait.ge @!p3 [sflag:s17], $0x1400  }
0x6b: {  	[sflag:s17] =	ssyncset.done @!p3 $0x0  }
0x6c: {  	s14 =	simm.s32 @!p3 $0x6800;
	[sflag:s17] =	ssyncadd.s32 @!p3 $0xFFFFEC00  }
0x6d: {  	[tilespmem:s8], [sflag:$0x1] =	stream.indirect.gather @!p3 [hbm4b:s11+s3], $0x80, s16, s3, $0xb8;
	[tilespmem:$0x1E0C0] =	vst v63  }
0x6e: {  	_ = 	snop  }
0x6f: {  	[tilespmem:s14], [sflag:$0x2] =	stream.indirect.gather @!p3 [hbm4b:s11+s3], $0x80, s3, s3, $0xb8;
	[tilespmem:$0x1E0C0] =	vst v63  }
0x70: {  	_ =	swait.ge [sflag:s2], $0x4000  }
0x71: {  	[sflag:s2] =	ssyncset.done $0x0  }
0x72: {  	s3 =	sadd.s32 $0x1400, s12;
	[sflag:s2] =	ssyncadd.s32 $0xFFFFC000  }
0x73: {  	[spmem:s1] =	stream.indirect.scatter.add.f32 [tilespmem:s24], [sflag:$0x3], $0x80, s3, s23, $0xb8;
	[tilespmem:$0x1E0C0] =	vst v63  }
0x74: {  	s4 =	sadd.s32 $0x2, s4;
	s0 =	sadd.s32 $0x20, s0;
	_ =	swait.ge [sflag:s26], $0x4000  }
0x75: {  	p3 =	slt.u32 s7, $0x14;
	s3 =	sadd.s32 $0x28, s4;
	[sflag:s26] =	ssyncset.done $0x0  }
0x76: {  	p2 =	sgt.u32 s28, $0x25;
	s7 =	sadd.s32 $0x1480, s12;
	[sflag:s26] =	ssyncadd.s32 $0xFFFFC000  }
0x77: {  	s10 =	sshrl.u32 @!p2 s10, $0x2;
	s22 =	simm.s32 @!p2 $0x2800;
	s8 =	simm.s32 @!p2 $0x3  }
0x78: {  	[spmem:s1] =	stream.indirect.scatter.add.f32 [tilespmem:s25], [sflag:$0x4], $0x80, s7, s23, $0xb8;
	[tilespmem:$0x1E0C0] =	vst v63  }
.Ltmp0:
0x79: {  	s28 =	smov.u32 s4;
	(pc) =	sbr.rel @p1 .LBB2_2-.Ltmp0, $4  }
0x7a: {  	s28 =	smov.u32 @p3 s3;
	s3 =	sadd.s32 @!p2 $0x100, s10;
	_ =	swait.ge @!p2 [sflag:s8], $0x4000  }
0x7b: {  	s12 =	simm.s32 @!p2 $0x80;
	s14 =	sadd.s32 @!p2 $0x180, s10;
	[sflag:s8] =	ssyncset.done @!p2 $0x0  }
0x7c: {  	s17 =	simm.s32 @!p2 $0x4;
	s16 =	simm.s32 @!p2 $0x6800;
	[sflag:s8] =	ssyncadd.s32 @!p2 $0xFFFFC000  }
0x7d: {  	[tilespmem:s22], [sflag:$0x1] =	stream.indirect.gather @!p2 [hbm4b:s11+s12], $0x80, s3, s12, $0xb8;
	[tilespmem:$0x1E0C0] =	vst v63  }
0x7e: {  	_ =	swait.ge @!p2 [sflag:s17], $0x4000  }
0x7f: {  	p1 =	sne.s32 s28, $0x0;
	[sflag:s17] =	ssyncset.done @!p2 $0x0  }
0x80: {  	s3 =	simm.s32 @!p1 $0x3;
	[sflag:s17] =	ssyncadd.s32 @!p2 $0xFFFFC000  }
0x81: {  	[tilespmem:s16], [sflag:$0x2] =	stream.indirect.gather @!p2 [hbm4b:s11+s12], $0x80, s14, s12, $0xb8;
	[tilespmem:$0x1E0C0] =	vst v63  }
0x82: {  	_ =	swait.ge @!p1 [sflag:s3], $0x4000  }
0x83: {  	[sflag:s3] =	ssyncset.done @!p1 $0x0  }
0x84: {  	s4 =	simm.s32 @!p1 $0x4;
	[sflag:s3] =	ssyncadd.s32 @!p1 $0xFFFFC000  }
0x85: {  	_ =	swait.ge @!p1 [sflag:s4], $0x4000  }
0x86: {  	s0 =	sand.u32 @!p1 $0xFF80, s0;
	s7 =	simm.s32 @!p1 $0x0;
	[sflag:s4] =	ssyncset.done @!p1 $0x0  }
0x87: {  	s8 =	simm.s32 @!p1 $0x5;
	s3 =	sadd.s32 @!p1 s5, s0;
	[sflag:s4] =	ssyncadd.s32 @!p1 $0xFFFFC000  }
0x88: {  	[tilespmem:s7], [sflag:$0x5] =	stream.linear.gather @!p1 [hbm4b:s3+s7], $0x1400, $0x38;
	[tilespmem:$0x1E0C0] =	vst v63  }
0x89: {  	_ =	swait.ge @!p1 [sflag:s8], $0x1400  }
0x8a: {  	[sflag:s8] =	ssyncset.done @!p1 $0x0  }
0x8b: {  	s0 =	sadd.s32 @!p1 s6, s0;
	s3 =	simm.s32 @!p1 $0x1400;
	[sflag:s8] =	ssyncadd.s32 @!p1 $0xFFFFEC00  }
0x8c: {  	[tilespmem:s3], [sflag:$0x5] =	stream.linear.gather @!p1 [hbm4b:s0+s7], $0x1400, $0x38;
	[tilespmem:$0x1E0C0] =	vst v63  }
0x8d: {  	_ =	swait.ge @!p1 [sflag:s8], $0x1400  }
0x8e: {  	[sflag:s8] =	ssyncset.done @!p1 $0x0  }
0x8f: {  	s0 =	simm.s32 @!p1 $0x80;
	s3 =	simm.s32 @!p1 $0x2800;
	[sflag:s8] =	ssyncadd.s32 @!p1 $0xFFFFEC00  }
0x90: {  	[tilespmem:s3], [sflag:$0x1] =	stream.indirect.gather @!p1 [hbm4b:s11+s0], $0x80, s7, s0, $0xb8;
	[tilespmem:$0x1E0C0] =	vst v63  }
0x91: {  	s3 =	simm.s32 @!p1 $0x6800  }
0x92: {  	[tilespmem:s3], [sflag:$0x2] =	stream.indirect.gather @!p1 [hbm4b:s11+s0], $0x80, s0, s0, $0xb8;
	[tilespmem:$0x1E0C0] =	vst v63  }
0x93: {  	s0 =	sshll.u32 s28, $0x9;
	_ =	swait.ge [sflag:s2], $0x4000  }
0x94: {  	s12 =	sshrl.u32 s0, $0x2;
	[sflag:s2] =	ssyncset.done $0x0  }
0x95: {  	s14 =	sadd.s32 $0x1400, s12;
	[sflag:s2] =	ssyncadd.s32 $0xFFFFC000  }
0x96: {  	[spmem:s1] =	stream.indirect.scatter.add.f32 [tilespmem:s24], [sflag:$0x3], $0x80, s14, s23, $0xb8;
	[tilespmem:$0x1E0C0] =	vst v63  }
0x97: {  	_ =	swait.ge [sflag:s26], $0x4000  }
0x98: {  	p1 =	sgt.u32 s28, $0x25;
	[sflag:s26] =	ssyncset.done $0x0  }
0x99: {  	s4 =	simm.s32 @!p1 $0x3;
	s3 =	sadd.s32 $0x1480, s12;
	[sflag:s26] =	ssyncadd.s32 $0xFFFFC000  }
0x9a: {  	[spmem:s1] =	stream.indirect.scatter.add.f32 [tilespmem:s25], [sflag:$0x4], $0x80, s3, s23, $0xb8;
	[tilespmem:$0x1E0C0] =	vst v63  }
0x9b: {  	s0 =	sshrl.u32 @!p1 s0, $0x2;
	_ =	swait.ge @!p1 [sflag:s4], $0x4000  }
0x9c: {  	s8 =	simm.s32 @!p1 $0x80;
	s7 =	sadd.s32 @!p1 $0x100, s0;
	[sflag:s4] =	ssyncset.done @!p1 $0x0  }
0x9d: {  	s3 =	simm.s32 @!p1 $0x2800;
	[sflag:s4] =	ssyncadd.s32 @!p1 $0xFFFFC000;
	s4 =	simm.s32 @!p1 $0x4  }
0x9e: {  	[tilespmem:s3], [sflag:$0x1] =	stream.indirect.gather @!p1 [hbm4b:s11+s8], $0x80, s7, s8, $0xb8;
	[tilespmem:$0x1E0C0] =	vst v63  }
0x9f: {  	_ =	swait.ge @!p1 [sflag:s4], $0x4000  }
0xa0: {  	[sflag:s4] =	ssyncset.done @!p1 $0x0  }
0xa1: {  	s0 =	sadd.s32 @!p1 $0x180, s0;
	s3 =	simm.s32 @!p1 $0x6800;
	[sflag:s4] =	ssyncadd.s32 @!p1 $0xFFFFC000  }
0xa2: {  	[tilespmem:s3], [sflag:$0x2] =	stream.indirect.gather @!p1 [hbm4b:s11+s8], $0x80, s0, s8, $0xb8;
	[tilespmem:$0x1E0C0] =	vst v63  }
0xa3: {  	_ =	swait.ge [sflag:s29], $0x4000  }
0xa4: {  	[sflag:s29] =	ssyncset.done $0x0  }
0xa5: {  	[sflag:s29] =	ssyncadd.s32 $0xFFFFC000  }
0xa6: {  	_ =	swait.ge [sflag:s31], $0x4000  }
0xa7: {  	[sflag:s31] =	ssyncset.done $0x0  }
0xa8: {  	[sflag:s31] =	ssyncadd.s32 $0xFFFFC000  }
0xa9: {  	[bflag:$0x0] =	sbarrier.arrive $0xFFFF  }
0xaa: {  	s16 =	rddreg [dreg:$0x3]  }
0xab: {  	s7 =	rddreg [dreg:$0x7]  }
0xac: {  	s0 =	sadd.s32 s16, s7  }
0xad: {  	[hbm:s0], [sflag:s9] =	dma.local [spmem:s19], $0x2700  }
0xae: {  	_ =	swait.ge [sflag:s20], $0x2700  }
0xaf: {  	[sflag:s20] =	ssyncset.done $0x0  }
0xb0: {  	[sflag:s20] =	ssyncadd.s32 $0xFFFFD900  }
0xb1: {  	[bflag:$0x0] =	sbarrier.arrive @p0 $0xFFFF  }
0xb2: {  	s3 =	rddreg [dreg:$0x4]  }
0xb3: {  	s4 =	rddreg [dreg:$0x5];
	s0 =	sshrl.u32 @p0 s3, $0x3  }
0xb4: {  	[spmem:s0], [sflag:s9] =	dma.local @p0 [hbm:s4], $0x2700  }
0xb5: {  	s0 =	simm.s32 @p0 $0x5  }
0xb6: {  	_ =	swait.ge @p0 [sflag:s0], $0x2700  }
0xb7: {  	[sflag:s0] =	ssyncset.done @p0 $0x0  }
0xb8: {  	[sflag:s0] =	ssyncadd.s32 @p0 $0xFFFFD900;
	s0 =	sadd.s32 @!p0 $0x27000, s7  }
0xb9: {  	[hbm:s0], [sflag:s9] =	dma.local @!p0 [spmem:s21], $0x100  }
0xba: {  	s0 =	simm.s32 @!p0 $0x5  }
0xbb: {  	_ =	swait.ge @!p0 [sflag:s0], $0x100  }
0xbc: {  	[sflag:s0] =	ssyncset.done @!p0 $0x0  }
0xbd: {  	[sflag:s0] =	ssyncadd.s32 @!p0 $0xFFFFFF00  }
0xbe: {  	s3 =	sshrl.u32 @!p0 s3, $0x3;
	[bflag:$0x0] =	sbarrier.arrive @!p0 $0xFFFF  }
0xbf: {  	[spmem:s3], [sflag:s9] =	dma.local @!p0 [hbm:s4], $0x2700  }
0xc0: {  	_ =	swait.ge @!p0 [sflag:s0], $0x2700  }
0xc1: {  	[sflag:s0] =	ssyncset.done @!p0 $0x0  }
0xc2: {  	s3 =	rddreg [dreg:$0x6];
	[sflag:s0] =	ssyncadd.s32 @!p0 $0xFFFFD900  }
0xc3: {  	[spmem:s21], [sflag:s9] =	dma.local @!p0 [hbm:s3], $0x100  }
0xc4: {  	_ =	swait.ge @!p0 [sflag:s0], $0x100  }
0xc5: {  	[sflag:s0] =	ssyncset.done @!p0 $0x0  }
0xc6: {  	[sflag:s0] =	ssyncadd.s32 @!p0 $0xFFFFFF00  }
0xc7: {  	[bflag:$0x0] =	sbarrier.arrive $0xFFFF  }
0xc8: {  	s17 =	simm.s32 $0x0;
	s22 =	rddreg [dreg:$0xa]  }
0xc9: {  	[tilespmem:s17], [sflag:$0x5] =	stream.linear.gather [hbm4b:s22+s17], $0x1400, $0x38;
	[tilespmem:$0x1E0C0] =	vst v63  }
0xca: {  	_ =	swait.ge [sflag:s20], $0x1400  }
0xcb: {  	[sflag:s20] =	ssyncset.done $0x0  }
0xcc: {  	s7 =	simm.s32 $0x1400;
	s4 =	rddreg [dreg:$0xb];
	[sflag:s20] =	ssyncadd.s32 $0xFFFFEC00  }
0xcd: {  	[tilespmem:s7], [sflag:$0x5] =	stream.linear.gather [hbm4b:s4+s17], $0x1400, $0x38;
	[tilespmem:$0x1E0C0] =	vst v63  }
0xce: {  	_ =	swait.ge [sflag:s20], $0x1400  }
0xcf: {  	[sflag:s20] =	ssyncset.done $0x0  }
0xd0: {  	[sflag:s20] =	ssyncadd.s32 $0xFFFFEC00  }
0xd1: {  	[tilespmem:s24], [sflag:$0x1] =	stream.indirect.gather [hbm4b:s13+s23], $0x80, s17, s23, $0xb8;
	[tilespmem:$0x1E0C0] =	vst v63  }
0xd2: {  	s8 =	simm.s32 $0x1  }
0xd3: {  	[tilespmem:s25], [sflag:$0x2] =	stream.indirect.gather [hbm4b:s13+s23], $0x80, s23, s23, $0xb8;
	[tilespmem:$0x1E0C0] =	vst v63  }
0xd4: {  	_ =	swait.ge [sflag:s8], $0x4000  }
0xd5: {  	[sflag:s8] =	ssyncset.done $0x0  }
0xd6: {  	[sflag:s8] =	ssyncadd.s32 $0xFFFFC000  }
0xd7: {  	[spmem:s1] =	stream.indirect.scatter.add.f32 [tilespmem:s24], [sflag:$0x3], $0x80, s7, s23, $0xb8;
	[tilespmem:$0x1E0C0] =	vst v63  }
0xd8: {  	_ =	swait.ge [sflag:s26], $0x4000  }
0xd9: {  	[sflag:s26] =	ssyncset.done $0x0  }
0xda: {  	s10 =	simm.s32 $0x1480;
	[sflag:s26] =	ssyncadd.s32 $0xFFFFC000  }
0xdb: {  	[spmem:s1] =	stream.indirect.scatter.add.f32 [tilespmem:s25], [sflag:$0x4], $0x80, s10, s23, $0xb8;
	[tilespmem:$0x1E0C0] =	vst v63  }
0xdc: {  	_ =	swait.ge [sflag:s29], $0x4000  }
0xdd: {  	s12 =	simm.s32 $0x100;
	p1 =	por $0x1, $0x1;
	[sflag:s29] =	ssyncset.done $0x0  }
0xde: {  	s3 =	simm.s32 $0x2;
	s0 =	simm.s32 $0xFFFFFFDA;
	[sflag:s29] =	ssyncadd.s32 $0xFFFFC000  }
0xdf: {  	[tilespmem:s24], [sflag:$0x1] =	stream.indirect.gather [hbm4b:s13+s23], $0x80, s12, s23, $0xb8;
	[tilespmem:$0x1E0C0] =	vst v63  }
0xe0: {  	s0 =	smov.u32 @p1 s3;
	_ =	swait.ge [sflag:s31], $0x4000  }
0xe1: {  	p1 =	sne.s32 s0, $0x0;
	[sflag:s31] =	ssyncset.done $0x0  }
0xe2: {  	s14 =	simm.s32 $0x180;
	s3 =	simm.s32 @!p1 $0x3;
	[sflag:s31] =	ssyncadd.s32 $0xFFFFC000  }
0xe3: {  	[tilespmem:s25], [sflag:$0x2] =	stream.indirect.gather [hbm4b:s13+s23], $0x80, s14, s23, $0xb8;
	[tilespmem:$0x1E0C0] =	vst v63  }
0xe4: {  	_ =	swait.ge @!p1 [sflag:s3], $0x4000  }
0xe5: {  	[sflag:s3] =	ssyncset.done @!p1 $0x0  }
0xe6: {  	s4 =	simm.s32 @!p1 $0x4;
	[sflag:s3] =	ssyncadd.s32 @!p1 $0xFFFFC000  }
0xe7: {  	_ =	swait.ge @!p1 [sflag:s4], $0x4000  }
0xe8: {  	s8 =	simm.s32 @!p1 $0x0;
	s3 =	sand.u32 @!p1 $0xFF80, s18;
	[sflag:s4] =	ssyncset.done @!p1 $0x0  }
0xe9: {  	s10 =	simm.s32 @!p1 $0x5;
	s7 =	sadd.s32 @!p1 s5, s3;
	[sflag:s4] =	ssyncadd.s32 @!p1 $0xFFFFC000  }
0xea: {  	[tilespmem:s8], [sflag:$0x5] =	stream.linear.gather @!p1 [hbm4b:s7+s8], $0x1400, $0x38;
	[tilespmem:$0x1E0C0] =	vst v63  }
0xeb: {  	_ =	swait.ge @!p1 [sflag:s10], $0x1400  }
0xec: {  	[sflag:s10] =	ssyncset.done @!p1 $0x0  }
0xed: {  	s3 =	sadd.s32 @!p1 s6, s3;
	s4 =	simm.s32 @!p1 $0x1400;
	[sflag:s10] =	ssyncadd.s32 @!p1 $0xFFFFEC00  }
0xee: {  	[tilespmem:s4], [sflag:$0x5] =	stream.linear.gather @!p1 [hbm4b:s3+s8], $0x1400, $0x38;
	[tilespmem:$0x1E0C0] =	vst v63  }
0xef: {  	_ =	swait.ge @!p1 [sflag:s10], $0x1400  }
0xf0: {  	[sflag:s10] =	ssyncset.done @!p1 $0x0  }
0xf1: {  	s3 =	simm.s32 @!p1 $0x80;
	s4 =	simm.s32 @!p1 $0x2800;
	[sflag:s10] =	ssyncadd.s32 @!p1 $0xFFFFEC00  }
0xf2: {  	[tilespmem:s4], [sflag:$0x1] =	stream.indirect.gather @!p1 [hbm4b:s13+s3], $0x80, s8, s3, $0xb8;
	[tilespmem:$0x1E0C0] =	vst v63  }
0xf3: {  	s4 =	simm.s32 @!p1 $0x6800  }
0xf4: {  	[tilespmem:s4], [sflag:$0x2] =	stream.indirect.gather @!p1 [hbm4b:s13+s3], $0x80, s3, s3, $0xb8;
	[tilespmem:$0x1E0C0] =	vst v63  }
0xf5: {  	s3 =	sshll.u32 s0, $0x9;
	_ =	swait.ge [sflag:s2], $0x4000  }
0xf6: {  	s30 =	simm.s32 $0x3;
	s16 =	sshrl.u32 s3, $0x2;
	[sflag:s2] =	ssyncset.done $0x0  }
0xf7: {  	p2 =	sgt.u32 s0, $0x25;
	s17 =	sadd.s32 $0x1400, s16;
	[sflag:s2] =	ssyncadd.s32 $0xFFFFC000  }
0xf8: {  	[spmem:s1] =	stream.indirect.scatter.add.f32 [tilespmem:s24], [sflag:$0x3], $0x80, s17, s23, $0xb8;
	[tilespmem:$0x1E0C0] =	vst v63  }
0xf9: {  	s28 =	simm.s32 $0xFFFFFFDC;
	s12 =	simm.s32 @!p2 $0x80;
	_ =	swait.ge [sflag:s26], $0x4000  }
0xfa: {  	s7 =	simm.s32 $0x4;
	s4 =	simm.s32 @!p2 $0x3;
	[sflag:s26] =	ssyncset.done $0x0  }
0xfb: {  	p1 =	por $0x1, $0x1;
	s22 =	sadd.s32 $0x1480, s16;
	[sflag:s26] =	ssyncadd.s32 $0xFFFFC000  }
0xfc: {  	[spmem:s1] =	stream.indirect.scatter.add.f32 [tilespmem:s25], [sflag:$0x4], $0x80, s22, s23, $0xb8;
	[tilespmem:$0x1E0C0] =	vst v63  }
0xfd: {  	s0 =	simm.s32 @!p2 $0x2800;
	s3 =	sshrl.u32 @!p2 s3, $0x2;
	_ =	swait.ge @!p2 [sflag:s4], $0x4000  }
0xfe: {  	s28 =	smov.u32 @p1 s7;
	s8 =	sadd.s32 @!p2 $0x100, s3;
	[sflag:s4] =	ssyncset.done @!p2 $0x0  }
0xff: {  	s14 =	sadd.s32 @!p2 $0x180, s3;
	s16 =	simm.s32 @!p2 $0x6800;
	[sflag:s4] =	ssyncadd.s32 @!p2 $0xFFFFC000  }
0x100: {  	[tilespmem:s0], [sflag:$0x1] =	stream.indirect.gather @!p2 [hbm4b:s13+s12], $0x80, s8, s12, $0xb8;
	[tilespmem:$0x1E0C0] =	vst v63  }
0x101: {  	s17 =	simm.s32 @!p2 $0x4;
	s4 =	simm.s32 $0xFFFFFFDC;
	s0 =	sadd.s32 $0x20, s18  }
.LBB2_4:
0x102: {  	p3 =	sne.s32 s28, $0x0  }
0x103: {  	s10 =	sshll.u32 s28, $0x9;
	_ =	swait.ge @!p2 [sflag:s17], $0x4000;
	s7 =	smov.u32 s30  }
0x104: {  	s3 =	simm.s32 @!p3 $0x3;
	s8 =	sand.u32 @!p3 $0xFF80, s0;
	[sflag:s17] =	ssyncset.done @!p2 $0x0  }
0x105: {  	s22 =	sadd.s32 @!p3 s5, s8;
	s8 =	sadd.s32 @!p3 s6, s8;
	[sflag:s17] =	ssyncadd.s32 @!p2 $0xFFFFC000  }
0x106: {  	[tilespmem:s16], [sflag:$0x2] =	stream.indirect.gather @!p2 [hbm4b:s13+s12], $0x80, s14, s12, $0xb8;
	[tilespmem:$0x1E0C0] =	vst v63  }
0x107: {  	s30 =	sadd.s32 $0x1, s30;
	s12 =	sshrl.u32 s10, $0x2;
	_ =	swait.ge @!p3 [sflag:s3], $0x4000  }
0x108: {  	p1 =	sne.s32 s30, $0x28;
	s14 =	simm.s32 @!p3 $0x4;
	[sflag:s3] =	ssyncset.done @!p3 $0x0  }
0x109: {  	[sflag:s3] =	ssyncadd.s32 @!p3 $0xFFFFC000  }
0x10a: {  	s3 =	simm.s32 @!p3 $0x0;
	_ =	swait.ge @!p3 [sflag:s14], $0x4000  }
0x10b: {  	s16 =	simm.s32 @!p3 $0x5;
	[sflag:s14] =	ssyncset.done @!p3 $0x0  }
0x10c: {  	[sflag:s14] =	ssyncadd.s32 @!p3 $0xFFFFC000  }
0x10d: {  	[tilespmem:s3], [sflag:$0x5] =	stream.linear.gather @!p3 [hbm4b:s22+s3], $0x1400, $0x38;
	[tilespmem:$0x1E0C0] =	vst v63  }
0x10e: {  	_ =	swait.ge @!p3 [sflag:s16], $0x1400  }
0x10f: {  	s14 =	simm.s32 @!p3 $0x1400;
	[sflag:s16] =	ssyncset.done @!p3 $0x0  }
0x110: {  	[sflag:s16] =	ssyncadd.s32 @!p3 $0xFFFFEC00  }
0x111: {  	[tilespmem:s14], [sflag:$0x5] =	stream.linear.gather @!p3 [hbm4b:s8+s3], $0x1400, $0x38;
	[tilespmem:$0x1E0C0] =	vst v63  }
0x112: {  	s8 =	simm.s32 @!p3 $0x80;
	s14 =	simm.s32 @!p3 $0x2800;
	_ =	swait.ge @!p3 [sflag:s16], $0x1400  }
0x113: {  	[sflag:s16] =	ssyncset.done @!p3 $0x0  }
0x114: {  	[sflag:s16] =	ssyncadd.s32 @!p3 $0xFFFFEC00;
	s16 =	simm.s32 @!p3 $0x6800  }
0x115: {  	[tilespmem:s14], [sflag:$0x1] =	stream.indirect.gather @!p3 [hbm4b:s13+s8], $0x80, s3, s8, $0xb8;
	[tilespmem:$0x1E0C0] =	vst v63  }
0x116: {  	_ = 	snop  }
0x117: {  	[tilespmem:s16], [sflag:$0x2] =	stream.indirect.gather @!p3 [hbm4b:s13+s8], $0x80, s8, s8, $0xb8;
	[tilespmem:$0x1E0C0] =	vst v63  }
0x118: {  	_ =	swait.ge [sflag:s2], $0x4000  }
0x119: {  	[sflag:s2] =	ssyncset.done $0x0  }
0x11a: {  	s3 =	sadd.s32 $0x1400, s12;
	[sflag:s2] =	ssyncadd.s32 $0xFFFFC000  }
0x11b: {  	[spmem:s1] =	stream.indirect.scatter.add.f32 [tilespmem:s24], [sflag:$0x3], $0x80, s3, s23, $0xb8;
	[tilespmem:$0x1E0C0] =	vst v63  }
0x11c: {  	s4 =	sadd.s32 $0x2, s4;
	s0 =	sadd.s32 $0x20, s0;
	_ =	swait.ge [sflag:s26], $0x4000  }
0x11d: {  	p3 =	slt.u32 s7, $0x14;
	s3 =	sadd.s32 $0x28, s4;
	[sflag:s26] =	ssyncset.done $0x0  }
0x11e: {  	p2 =	sgt.u32 s28, $0x25;
	s7 =	sadd.s32 $0x1480, s12;
	[sflag:s26] =	ssyncadd.s32 $0xFFFFC000  }
0x11f: {  	s10 =	sshrl.u32 @!p2 s10, $0x2;
	s22 =	simm.s32 @!p2 $0x2800;
	s8 =	simm.s32 @!p2 $0x3  }
0x120: {  	[spmem:s1] =	stream.indirect.scatter.add.f32 [tilespmem:s25], [sflag:$0x4], $0x80, s7, s23, $0xb8;
	[tilespmem:$0x1E0C0] =	vst v63  }
.Ltmp1:
0x121: {  	s28 =	smov.u32 s4;
	(pc) =	sbr.rel @p1 .LBB2_4-.Ltmp1, $4  }
0x122: {  	s28 =	smov.u32 @p3 s3;
	s3 =	sadd.s32 @!p2 $0x100, s10;
	_ =	swait.ge @!p2 [sflag:s8], $0x4000  }
0x123: {  	s14 =	sadd.s32 @!p2 $0x180, s10;
	s12 =	simm.s32 @!p2 $0x80;
	[sflag:s8] =	ssyncset.done @!p2 $0x0  }
0x124: {  	s17 =	simm.s32 @!p2 $0x4;
	s16 =	simm.s32 @!p2 $0x6800;
	[sflag:s8] =	ssyncadd.s32 @!p2 $0xFFFFC000  }
0x125: {  	[tilespmem:s22], [sflag:$0x1] =	stream.indirect.gather @!p2 [hbm4b:s13+s12], $0x80, s3, s12, $0xb8;
	[tilespmem:$0x1E0C0] =	vst v63  }
0x126: {  	_ =	swait.ge @!p2 [sflag:s17], $0x4000  }
0x127: {  	p1 =	sne.s32 s28, $0x0;
	[sflag:s17] =	ssyncset.done @!p2 $0x0  }
0x128: {  	s3 =	simm.s32 @!p1 $0x3;
	[sflag:s17] =	ssyncadd.s32 @!p2 $0xFFFFC000  }
0x129: {  	[tilespmem:s16], [sflag:$0x2] =	stream.indirect.gather @!p2 [hbm4b:s13+s12], $0x80, s14, s12, $0xb8;
	[tilespmem:$0x1E0C0] =	vst v63  }
0x12a: {  	_ =	swait.ge @!p1 [sflag:s3], $0x4000  }
0x12b: {  	[sflag:s3] =	ssyncset.done @!p1 $0x0  }
0x12c: {  	s4 =	simm.s32 @!p1 $0x4;
	[sflag:s3] =	ssyncadd.s32 @!p1 $0xFFFFC000  }
0x12d: {  	_ =	swait.ge @!p1 [sflag:s4], $0x4000  }
0x12e: {  	s0 =	sand.u32 @!p1 $0xFF80, s0;
	s7 =	simm.s32 @!p1 $0x0;
	[sflag:s4] =	ssyncset.done @!p1 $0x0  }
0x12f: {  	s3 =	sadd.s32 @!p1 s5, s0;
	[sflag:s4] =	ssyncadd.s32 @!p1 $0xFFFFC000;
	s4 =	simm.s32 @!p1 $0x5  }
0x130: {  	[tilespmem:s7], [sflag:$0x5] =	stream.linear.gather @!p1 [hbm4b:s3+s7], $0x1400, $0x38;
	[tilespmem:$0x1E0C0] =	vst v63  }
0x131: {  	_ =	swait.ge @!p1 [sflag:s4], $0x1400  }
0x132: {  	[sflag:s4] =	ssyncset.done @!p1 $0x0  }
0x133: {  	s0 =	sadd.s32 @!p1 s6, s0;
	s3 =	simm.s32 @!p1 $0x1400;
	[sflag:s4] =	ssyncadd.s32 @!p1 $0xFFFFEC00  }
0x134: {  	[tilespmem:s3], [sflag:$0x5] =	stream.linear.gather @!p1 [hbm4b:s0+s7], $0x1400, $0x38;
	[tilespmem:$0x1E0C0] =	vst v63  }
0x135: {  	_ =	swait.ge @!p1 [sflag:s4], $0x1400  }
0x136: {  	[sflag:s4] =	ssyncset.done @!p1 $0x0  }
0x137: {  	s0 =	simm.s32 @!p1 $0x80;
	s3 =	simm.s32 @!p1 $0x2800;
	[sflag:s4] =	ssyncadd.s32 @!p1 $0xFFFFEC00  }
0x138: {  	[tilespmem:s3], [sflag:$0x1] =	stream.indirect.gather @!p1 [hbm4b:s13+s0], $0x80, s7, s0, $0xb8;
	[tilespmem:$0x1E0C0] =	vst v63  }
0x139: {  	s3 =	simm.s32 @!p1 $0x6800  }
0x13a: {  	[tilespmem:s3], [sflag:$0x2] =	stream.indirect.gather @!p1 [hbm4b:s13+s0], $0x80, s0, s0, $0xb8;
	[tilespmem:$0x1E0C0] =	vst v63  }
0x13b: {  	s0 =	sshll.u32 s28, $0x9;
	_ =	swait.ge [sflag:s2], $0x4000  }
0x13c: {  	s17 =	sshrl.u32 s0, $0x2;
	[sflag:s2] =	ssyncset.done $0x0  }
0x13d: {  	s22 =	sadd.s32 $0x1400, s17;
	[sflag:s2] =	ssyncadd.s32 $0xFFFFC000  }
0x13e: {  	[spmem:s1] =	stream.indirect.scatter.add.f32 [tilespmem:s24], [sflag:$0x3], $0x80, s22, s23, $0xb8;
	[tilespmem:$0x1E0C0] =	vst v63  }
0x13f: {  	_ =	swait.ge [sflag:s26], $0x4000  }
0x140: {  	p1 =	sgt.u32 s28, $0x25;
	[sflag:s26] =	ssyncset.done $0x0  }
0x141: {  	s4 =	simm.s32 @!p1 $0x3;
	s3 =	sadd.s32 $0x1480, s17;
	[sflag:s26] =	ssyncadd.s32 $0xFFFFC000  }
0x142: {  	[spmem:s1] =	stream.indirect.scatter.add.f32 [tilespmem:s25], [sflag:$0x4], $0x80, s3, s23, $0xb8;
	[tilespmem:$0x1E0C0] =	vst v63  }
0x143: {  	s0 =	sshrl.u32 @!p1 s0, $0x2;
	_ =	swait.ge @!p1 [sflag:s4], $0x4000  }
0x144: {  	s7 =	sadd.s32 @!p1 $0x100, s0;
	[sflag:s4] =	ssyncset.done @!p1 $0x0  }
0x145: {  	s3 =	simm.s32 @!p1 $0x2800;
	[sflag:s4] =	ssyncadd.s32 @!p1 $0xFFFFC000;
	s4 =	simm.s32 @!p1 $0x80  }
0x146: {  	[tilespmem:s3], [sflag:$0x1] =	stream.indirect.gather @!p1 [hbm4b:s13+s4], $0x80, s7, s4, $0xb8;
	[tilespmem:$0x1E0C0] =	vst v63  }
0x147: {  	s3 =	simm.s32 @!p1 $0x4  }
0x148: {  	_ =	swait.ge @!p1 [sflag:s3], $0x4000  }
0x149: {  	[sflag:s3] =	ssyncset.done @!p1 $0x0  }
0x14a: {  	s0 =	sadd.s32 @!p1 $0x180, s0;
	[sflag:s3] =	ssyncadd.s32 @!p1 $0xFFFFC000;
	s3 =	simm.s32 @!p1 $0x6800  }
0x14b: {  	[tilespmem:s3], [sflag:$0x2] =	stream.indirect.gather @!p1 [hbm4b:s13+s4], $0x80, s0, s4, $0xb8;
	[tilespmem:$0x1E0C0] =	vst v63  }
0x14c: {  	_ =	swait.ge [sflag:s29], $0x4000  }
0x14d: {  	[sflag:s29] =	ssyncset.done $0x0  }
0x14e: {  	[sflag:s29] =	ssyncadd.s32 $0xFFFFC000  }
0x14f: {  	_ =	swait.ge [sflag:s31], $0x4000  }
0x150: {  	[sflag:s31] =	ssyncset.done $0x0  }
0x151: {  	[sflag:s31] =	ssyncadd.s32 $0xFFFFC000  }
0x152: {  	[bflag:$0x0] =	sbarrier.arrive $0xFFFF  }
0x153: {  	s28 =	rddreg [dreg:$0x3]  }
0x154: {  	s3 =	rddreg [dreg:$0x8]  }
0x155: {  	s0 =	sadd.s32 s28, s3  }
0x156: {  	[hbm:s0], [sflag:s9] =	dma.local [spmem:s19], $0x2700  }
0x157: {  	_ =	swait.ge [sflag:s20], $0x2700  }
0x158: {  	[sflag:s20] =	ssyncset.done $0x0  }
0x159: {  	s0 =	sadd.s32 @!p0 $0x27000, s3;
	[sflag:s20] =	ssyncadd.s32 $0xFFFFD900  }
0x15a: {  	[hbm:s0], [sflag:s9] =	dma.local @!p0 [spmem:s21], $0x100  }
0x15b: {  	s0 =	simm.s32 @!p0 $0x5  }
0x15c: {  	_ =	swait.ge @!p0 [sflag:s0], $0x100  }
0x15d: {  	s15 =	sadd.s32 $0x1, s15;
	s30 =	rddreg [dreg:$0x9]  }
0x15e: {  	p1 =	sne.s32 s15, s30  }
.Ltmp2:
0x15f: {  	_ = 	snop;
	(pc) =	sbr.rel @p1 .LBB2_1-.Ltmp2, $3  }
0x160: {  	_ =	sdelay $0x1  }
0x161: {  	[sflag:s0] =	ssyncset.done @!p0 $0x0  }
0x162: {  	[sflag:s0] =	ssyncadd.s32 @!p0 $0xFFFFFF00  }
0x163: {  	_ =	sfence.sel $0x180000  }
0x164: {  	[bflag:$0x0] =	sbarrier.arrive $0xFFFF  }
0x165: {  	_ =	strace $0x9000004A  }
0x166: {  	s0 =	stileid.u32;
	[bflag:$0x2] =	sbarrier.arrive $0xFFFF  }
0x167: {  	p0 =	sne.s32 s0, $0x0;
	s0 =	rddreg [dreg:$0x2]  }
0x168: {  	s0 =	sadd.s32 @!p0 $0x100000, s0  }
0x169: {  	[sflag:s0] =	ssyncadd.tile.s32 @!p0 $0x1;
	_ =	shalt  }
.Lfunc_end2:
_tile_overlayer_lowered:
.L_overlay_start_2:
0x16a: {  	(tag) =	ssettag $0x2  }
0x16b: {  	s0 =	rddreg [dreg:$0x0];
	s2 =	stileid.u32  }
0x16c: {  	s1 =	rddreg [dreg:$0x1];
	p0 =	sne.s32 s2, $0x0  }
0x16d: {  	s3 =	rddreg [dreg:$0x2];
	[bflag:$0x3] =	sbarrier.arrive $0xFFFF;
	s2 =	simm.s32 @!p0 $0x1C05  }
0x16e: {  	[timem:s3], [sflag:s2] =	dma.local @!p0 [hbm:s0], s1  }
0x16f: {  	s0 =	simm.s32 @!p0 $0x5  }
0x170: {  	_ =	swait.ge @!p0 [sflag:s0], s1  }
0x171: {  	s1 =	ssub.s32 @!p0 $0x0, s1;
	[sflag:s0] =	ssyncset.done @!p0 $0x0  }
0x172: {  	[sflag:s0] =	ssyncadd.s32 @!p0 s1  }
0x173: {  	[bflag:$0x3] =	sbarrier.arrive $0xFFFF  }
0x174: {  	_ =	shalt  }

// kernel: kernel.17.cloned.1.call-start
scs
__scs_entry_jumppad:
0x0: {  	(pc) =	sbr.rel $0x88, $3  }
0x1: {  	(tag) =	ssettag $0x0;
	lr =	simm.s32 $0x1  }
0x2: {  	[smem:$0x3F95] =	sst lr;
	_ =	strace $0xD0000000  }
0x3: {  	_ = 	snop  }
0x4: {  	_ = 	snop  }
0x5: {  	_ = 	snop  }
0x6: {  	_ = 	snop  }
0x7: {  	_ = 	snop  }
__scs_overlays_trampoline_lowered:
0x8: {  	[smem:$0x3FA4] =	sst s0  }
0x9: {  	[smem:$0x3FA5] =	sst s1  }
0xa: {  	[smem:$0x3FA6] =	sst s2  }
0xb: {  	[smem:$0x3FA7] =	sst s3  }
0xc: {  	[smem:$0x3FA8] =	sst s4  }
0xd: {  	[smem:$0x3FA9] =	sst s5  }
0xe: {  	[smem:$0x3FAA] =	sst s6  }
0xf: {  	[smem:$0x3FAB] =	sst s7  }
0x10: {  	[smem:$0x3FAC] =	sst s8  }
0x11: {  	[smem:$0x3FAD] =	sst s9;
	s0 =	simm.s32 @!p0 $0x0  }
0x12: {  	s1 =	sld [smem:$0x3F93];
	s0 =	simm.s32 @p0 $0x1  }
0x13: {  	[smem:$0x3FAE] =	sst s0;
	s0 =	simm.s32 @!p1 $0x0  }
0x14: {  	s2 =	sld [smem:$0x3F92];
	s0 =	simm.s32 @p1 $0x1  }
0x15: {  	[smem:$0x3FAF] =	sst s0;
	s0 =	simm.s32 @!p2 $0x0  }
0x16: {  	s3 =	sld [smem:$0x3FDB];
	s0 =	simm.s32 @p2 $0x1  }
0x17: {  	s4 =	simm.s32 $0x1BF5;
	[smem:$0x3FB1] =	sst s0  }
0x18: {  	s0 =	sld [smem:$0x3F94];
	_ =	swait.ge [sflag:s4], $0x0  }
0x19: {  	s7 =	sld [smem:$0x3F95]  }
0x1a: {  	s8 =	sadd.s32 $0xFFFFE003, lr  }
0x1b: {  	s9 =	sadd.s32 $0xFFFFFEF7, lr;
	s5 =	simm.s32 $0xFFFFFFFF;
	p2 =	slt.u32 s8, $0xFFFFF086  }
0x1c: {  	p1 =	slt.u32 s9, $0xF7A;
	s5 =	simm.s32 @!p2 $0x0  }
0x1d: {  	s5 =	simm.s32 @p1 $0x1;
	p0 =	seq.s32 s7, s2  }
0x1e: {  	s7 =	smul.u32 @!p0 $0xF7A, s2;
	p2 =	seq.s32 @!p0 s5, $0x0  }
0x1f: {  	s9 =	smul.u32 $0xF7A, s1;
	s8 =	simm.s32 @!p0 $0x1BF5;
	p2 =	por !p2, p0  }
0x20: {  	[sflag:s8] =	ssyncset.s32 @!p0 $0xFFFFF086;
	s6 =	sadd.s32 @!p0 s3, s7;
	s7 =	simm.s32 @!p0 $0x108  }
0x21: {  	s3 =	sadd.s32 s3, s9;
	s6 =	sadd.s32 @!p0 $0x88, s6;
	s7 =	simm.s32 @p2 $0x1082  }
0x22: {  	[simem:s7], [sflag:s8] =	dma.local @!p0 [hbm:s6], $0xF7A  }
0x23: {  	s9 =	sor.u32 $0xD0000000, s2;
	s6 =	simm.s32 $0x108;
	_ =	swait.ge @!p0 [sflag:s8], $0x0  }
0x24: {  	s3 =	sadd.s32 $0x88, s3;
	s6 =	simm.s32 @!p1 $0x1082;
	[sflag:s4] =	ssyncset.s32 $0xFFFFF086  }
0x25: {  	[simem:s6], [sflag:s4] =	dma.local [hbm:s3], $0xF7A  }
0x26: {  	[smem:$0x3F95] =	sst s1;
	(tag) =	ssettag s2;
	_ =	strace s9  }
0x27: {  	s1 =	sld [smem:$0x3FA5]  }
0x28: {  	s2 =	sld [smem:$0x3FA6]  }
0x29: {  	s4 =	sld [smem:$0x3FA8]  }
0x2a: {  	p0 =	seq.s32 s5, $0x0;
	s5 =	sld [smem:$0x3FA9]  }
0x2b: {  	s6 =	sld [smem:$0x3FAA]  }
0x2c: {  	s7 =	sld [smem:$0x3FAB]  }
0x2d: {  	s3 =	simm.s32 $0x108;
	s8 =	sld [smem:$0x3FAC]  }
0x2e: {  	s3 =	simm.s32 @!p0 $0x1082;
	s9 =	sld [smem:$0x3FAD]  }
0x2f: {  	lr =	sadd.s32 s0, s3;
	s0 =	sld [smem:$0x3FA4]  }
0x30: {  	s3 =	sld [smem:$0x3FA7]  }
0x31: {  	[smem:$0x3FB0] =	sst s10  }
0x32: {  	s10 =	sld [smem:$0x3FAE];
	_ =	sdelay $0x3  }
0x33: {  	p0 =	seq.s32 s10, $0x1;
	s10 =	sld [smem:$0x3FB0];
	_ =	sdelay $0x3  }
0x34: {  	[smem:$0x3FB0] =	sst s10  }
0x35: {  	s10 =	sld [smem:$0x3FAF];
	_ =	sdelay $0x3  }
0x36: {  	p1 =	seq.s32 s10, $0x1;
	s10 =	sld [smem:$0x3FB0];
	_ =	sdelay $0x3  }
0x37: {  	[smem:$0x3FB0] =	sst s10  }
0x38: {  	s10 =	sld [smem:$0x3FB1]  }
0x39: {  	_ = 	snop;
	(pc) =	sbr.ind lr, $3  }
0x3a: {  	_ = 	snop  }
0x3b: {  	_ = 	snop  }
0x3c: {  	p2 =	seq.s32 s10, $0x1;
	s10 =	sld [smem:$0x3FB0]  }
0x3d: {  	_ =	shalt  }
0x3e: {  	_ =	shalt  }
0x3f: {  	_ =	shalt  }
0x40: {  	_ =	shalt  }
0x41: {  	_ =	shalt  }
0x42: {  	_ =	shalt  }
0x43: {  	_ =	shalt  }
0x44: {  	_ =	shalt  }
0x45: {  	_ =	shalt  }
0x46: {  	_ =	shalt  }
0x47: {  	_ =	shalt  }
0x48: {  	_ =	shalt  }
0x49: {  	_ =	shalt  }
0x4a: {  	_ =	shalt  }
0x4b: {  	_ =	shalt  }
0x4c: {  	_ =	shalt  }
0x4d: {  	_ =	shalt  }
0x4e: {  	_ =	shalt  }
0x4f: {  	_ =	shalt  }
0x50: {  	_ =	shalt  }
0x51: {  	_ =	shalt  }
0x52: {  	_ =	shalt  }
0x53: {  	_ =	shalt  }
0x54: {  	_ =	shalt  }
0x55: {  	_ =	shalt  }
0x56: {  	_ =	shalt  }
0x57: {  	_ =	shalt  }
0x58: {  	_ =	shalt  }
0x59: {  	_ =	shalt  }
0x5a: {  	_ =	shalt  }
0x5b: {  	_ =	shalt  }
0x5c: {  	_ =	shalt  }
0x5d: {  	_ =	shalt  }
0x5e: {  	_ =	shalt  }
0x5f: {  	_ =	shalt  }
0x60: {  	_ =	shalt  }
0x61: {  	_ =	shalt  }
0x62: {  	_ =	shalt  }
0x63: {  	_ =	shalt  }
0x64: {  	_ =	shalt  }
0x65: {  	_ =	shalt  }
0x66: {  	_ =	shalt  }
0x67: {  	_ =	shalt  }
0x68: {  	_ =	shalt  }
0x69: {  	_ =	shalt  }
0x6a: {  	_ =	shalt  }
0x6b: {  	_ =	shalt  }
0x6c: {  	_ =	shalt  }
0x6d: {  	_ =	shalt  }
0x6e: {  	_ =	shalt  }
0x6f: {  	_ =	shalt  }
0x70: {  	_ =	shalt  }
0x71: {  	_ =	shalt  }
0x72: {  	_ =	shalt  }
0x73: {  	_ =	shalt  }
0x74: {  	_ =	shalt  }
0x75: {  	_ =	shalt  }
0x76: {  	_ =	shalt  }
0x77: {  	_ =	shalt  }
0x78: {  	_ =	shalt  }
0x79: {  	_ =	shalt  }
0x7a: {  	_ =	shalt  }
0x7b: {  	_ =	shalt  }
0x7c: {  	_ =	shalt  }
0x7d: {  	_ =	shalt  }
0x7e: {  	_ =	shalt  }
0x7f: {  	_ =	shalt  }
0x80: {  	_ =	shalt  }
0x81: {  	_ =	shalt  }
0x82: {  	_ =	shalt  }
0x83: {  	_ =	shalt  }
0x84: {  	_ =	shalt  }
0x85: {  	_ =	shalt  }
0x86: {  	_ =	shalt  }
0x87: {  	_ =	shalt  }
.Lfunc_end0:
.L_simem_size_0:
called_computation.2_lowered:
.L_overlay_start_0:
0x88: {  	s2 =	sld [smem:$0x3FD9]  }
0x89: {  	s3 =	sld [smem:$0x3FFE];
	_ =	sdelay $0x1  }
0x8a: {  	s1 =	srdreg.scid  }
0x8b: {  	s0 =	sand.u32 $0x1, s1  }
0x8c: {  	s16 =	sshll.u32 s0, $0xA;
	s2 =	sadd.s32 s3, s2  }
0x8d: {  	s2 =	sadd.s32 s2, s16  }
0x8e: {  	[smem:$0x3FBC] =	sst s2  }
0x8f: {  	_ = 	snop  }
0x90: {  	(tm) =	ssettm $0x1  }
0x91: {  	s17 =	sld [smem:$0x3FFB];
	_ =	sdelay $0x3  }
0x92: {  	_ =	strace s17  }
0x93: {  	s2 =	sld [smem:$0x3FFC];
	_ =	sdelay $0x3  }
0x94: {  	_ =	strace s2  }
0x95: {  	s2 =	sld [smem:$0x3FFD];
	_ =	sdelay $0x3  }
0x96: {  	_ =	strace s2  }
0x97: {  	_ =	strace $0x8FFFFFFF  }
0x98: {  	s18 =	sld [smem:$0x3FDB];
	_ =	sdelay $0x1  }
0x99: {  	s19 =	simm.s32 $_scs_section_size  }
0x9a: {  	s4 =	simm.s32 $_size__tile_overlayer_lowered;
	s5 =	simm.s32 $_tile_overlayer_lowered  }
0x9b: {  	s22 =	simm.s32 $0x1BFF;
	s21 =	sshll.u32 s5, $0x1;
	s2 =	sadd.s32 s19, s18  }
0x9c: {  	s6 =	simm.s32 $0x0;
	s20 =	sshll.u32 s4, $0x1;
	s4 =	sadd.s32 s21, s2  }
0x9d: {  	[timem:s6], [sflag:s22] =	dma.local [hbm:s4], s20  }
0x9e: {  	_ =	swait.ge [sflag:s22], s20  }
0x9f: {  	s3 =	ssub.s32 $0x0, s20;
	[sflag:s22] =	ssyncset.done $0x0  }
0xa0: {  	[sflag:s22] =	ssyncadd.s32 s3;
	_ =	sdelay $0x1  }
0xa1: {  	s23 =	simm.s32 $0x1B8B  }
0xa2: {  	_ =	swait.ge [sflag:s23], $0x1  }
0xa3: {  	[sflag:s23] =	ssyncset.done $0x0  }
0xa4: {  	s25 =	simm.s32 $0x1B8E;
	s24 =	sld [smem:$0x3FFE];
	[sflag:s23] =	ssyncadd.s32 $0xFFFFFFFF  }
0xa5: {  	s26 =	simm.s32 $execute0_lowered;
	[smem:$0x3FD2] =	sst s25  }
0xa6: {  	s4 =	sshll.u32 s26, $0x1;
	_ =	strace $0x8000004C;
	[dreg:$0x1] =	wrdreg $0xFFFFFFFF  }
0xa7: {  	s28 =	simm.s32 $_size_execute0_lowered;
	s2 =	sadd.s32 s2, s4;
	[dreg:$0x0] =	wrdreg $0x0  }
0xa8: {  	s4 =	sshll.u32 s28, $0x1;
	[dreg:$0x2] =	wrdreg s2  }
0xa9: {  	[dreg:$0x3] =	wrdreg s4  }
0xaa: {  	[dreg:$0x4] =	wrdreg $0xC0  }
0xab: {  	_ =	task [dreg:s6], $0x5FFFF  }
0xac: {  	[dreg:$0x1] =	wrdreg $0xFFFFFFFF  }
0xad: {  	[dreg:$0x0] =	wrdreg $0x60  }
0xae: {  	[dreg:$0x2] =	wrdreg s24  }
0xaf: {  	[dreg:$0x3] =	wrdreg $0xA8000  }
0xb0: {  	[dreg:$0x4] =	wrdreg $0x9  }
0xb1: {  	_ =	task.clear_ibuf [dreg:s6], $0x5FFFF;
	_ =	strace $0x9000004C  }
0xb2: {  	s29 =	simm.s32 $0x9;
	_ =	strace $0x8000004E  }
0xb3: {  	_ =	swait.ge [sflag:s29], $0x1  }
0xb4: {  	[sflag:s29] =	ssyncadd.s32 $0xFFFFFFFF  }
0xb5: {  	_ =	strace $0x9000004E  }
0xb6: {  	_ =	sfence  }
0xb7: {  	s30 =	sld [smem:$0x0];
	_ =	sdelay $0x2  }
0xb8: {  	s31 =	sshll.u32 s1, $0xD;
	s1 =	sshrl.u32 s1, $0x2  }
0xb9: {  	s3 =	sand.u32 $0x4000, s31;
	s1 =	sadd.s32 s1, s30  }
0xba: {  	s0 =	sor.u32 s3, s0;
	s1 =	sshll.u32 s1, $0x11  }
0xbb: {  	s0 =	sor.u32 s1, s0  }
0xbc: {  	s0 =	sadd.s32 $0x8F2B, s0  }
0xbd: {  	[sflag:s0] =	ssyncadd.remote.s32 $0x1  }
0xbe: {  	_ =	sfence.sel $0xFFFF  }
0xbf: {  	[dreg:$0x0] =	wrdreg $0xFFFFFFFF;
	(pc) =	sbr.abs _section_cstart, $3  }
0xc0: {  	[dreg:$0x1] =	wrdreg $0xFFFFFFFF  }
0xc1: {  	_ =	task.clear_ibuf [dreg:s6], $0x2FFFF;
	_ =	strace $0x9FFFFFFF  }
0xc2: {  	(tm) =	ssettm $0x7FFFFFFF  }
0xc3: {  	_ =	shalt  }
tec
execute0_lowered:
.L_overlay_start_1:
0x0: {  	(tag) =	ssettag $0x1  }
0x1: {  	s0 =	rddreg [dreg:$0x0]  }
0x2: {  	s2 =	rddreg [dreg:$0x1]  }
0x3: {  	s3 =	stileid.u32;
	s1 =	srdreg.scid;
	s4 =	simm.s32 $0x0  }
0x4: {  	s17 =	simm.s32 $0x5;
	s20 =	simm.s32 $0x80;
	s21 =	simm.s32 $0x2800  }
0x5: {  	s28 =	simm.s32 $0x4;
	s30 =	simm.s32 $0x1;
	s31 =	simm.s32 $0x0  }
0x6: {  	s8 =	smul.u32 $0x2700, s3;
	s1 =	sand.u32 $0x1, s1;
	[smem:$0x7FF] =	sst s4  }
0x7: {  	s5 =	sadd.s32 $0x56600, s0;
	s7 =	smul.u32 $0x4E000, s3;
	s6 =	sadd.s32 $0x51600, s0  }
0x8: {  	s23 =	sshll.u32 s3, $0x6;
	s24 =	smul.u32 $0x500, s3;
	s12 =	sadd.s32 $0x138000, s2  }
0x9: {  	p0 =	sne.s32 s3, $0xF;
	s22 =	smul.u32 $0x27100, s1;
	_ =	strace $0x8000004D  }
0xa: {  	s1 =	ssub.s32 $0x2, s1;
	s18 =	sshrl.u32 @!p0 s12, $0x3;
	[dreg:$0x3] =	wrdreg s8  }
0xb: {  	s8 =	sadd.s32 s8, s0;
	s9 =	sshrl.u32 s1, $0x1;
	s7 =	sshrl.u32 s7, $0x2  }
0xc: {  	s26 =	sadd.s32 s5, s24;
	s29 =	sadd.s32 s6, s24;
	s15 =	sor.u32 $0x20, s24  }
0xd: {  	s4 =	sadd.s32 s22, s0;
	s1 =	ssub.s32 s1, s9;
	[dreg:$0x7] =	wrdreg s26  }
0xe: {  	s7 =	sadd.s32 s7, s2;
	s8 =	sadd.s32 $0x5B600, s8;
	[dreg:$0x8] =	wrdreg s29  }
0xf: {  	s0 =	sadd.s32 $0x82600, s0;
	s22 =	simm.s32 $0x6800;
	[dreg:$0x4] =	wrdreg s8  }
0x10: {  	s8 =	sor.u32 $0x1C05, s23;
	[dreg:$0x5] =	wrdreg s0;
	s10 =	sadd.s32 $0x3400, s4  }
0x11: {  	s11 =	sadd.s32 $0x82800, s4;
	s25 =	smax.u32 s1, $0x1;
	s16 =	sshrl.u32 s7, $0x3  }
0x12: {  	s23 =	simm.s32 $0x2;
	[dreg:$0x6] =	wrdreg s25;
	s25 =	simm.s32 $0x3  }
.LBB2_1:
0x13: {  	s0 =	rddreg [dreg:$0x4]  }
0x14: {  	[spmem:s16], [sflag:s8] =	dma.local [hbm:s0], $0x2700  }
0x15: {  	_ =	swait.ge [sflag:s17], $0x2700  }
0x16: {  	[sflag:s17] =	ssyncset.done $0x0  }
0x17: {  	s0 =	rddreg [dreg:$0x5];
	[sflag:s17] =	ssyncadd.s32 $0xFFFFD900  }
0x18: {  	[spmem:s18], [sflag:s8] =	dma.local @!p0 [hbm:s0], $0x100  }
0x19: {  	s0 =	simm.s32 @!p0 $0x5  }
0x1a: {  	_ =	swait.ge @!p0 [sflag:s0], $0x100  }
0x1b: {  	[sflag:s0] =	ssyncset.done @!p0 $0x0  }
0x1c: {  	[sflag:s0] =	ssyncadd.s32 @!p0 $0xFFFFFF00  }
0x1d: {  	[bflag:$0x0] =	sbarrier.arrive $0xFFFF  }
0x1e: {  	s9 =	simm.s32 $0x0;
	s1 =	rddreg [dreg:$0x7]  }
0x1f: {  	[tilespmem:s9], [sflag:$0x5] =	stream.linear.gather [hbm4b:s1+s9], $0x1400, $0x38;
	[tilespmem:$0x1E0C0] =	vst v63  }
0x20: {  	_ =	swait.ge [sflag:s17], $0x1400  }
0x21: {  	[sflag:s17] =	ssyncset.done $0x0  }
0x22: {  	s3 =	simm.s32 $0x1400;
	s12 =	rddreg [dreg:$0x8];
	[sflag:s17] =	ssyncadd.s32 $0xFFFFEC00  }
0x23: {  	[tilespmem:s3], [sflag:$0x5] =	stream.linear.gather [hbm4b:s12+s9], $0x1400, $0x38;
	[tilespmem:$0x1E0C0] =	vst v63  }
0x24: {  	_ =	swait.ge [sflag:s17], $0x1400  }
0x25: {  	[sflag:s17] =	ssyncset.done $0x0  }
0x26: {  	[sflag:s17] =	ssyncadd.s32 $0xFFFFEC00  }
0x27: {  	[tilespmem:s21], [sflag:$0x1] =	stream.indirect.gather [hbm4b:s10+s20], $0x80, s9, s20, $0xb8;
	[tilespmem:$0x1E0C0] =	vst v63  }
0x28: {  	_ = 	snop  }
0x29: {  	[tilespmem:s22], [sflag:$0x2] =	stream.indirect.gather [hbm4b:s10+s20], $0x80, s20, s20, $0xb8;
	[tilespmem:$0x1E0C0] =	vst v63  }
0x2a: {  	_ =	swait.ge [sflag:s30], $0x4000  }
0x2b: {  	[sflag:s30] =	ssyncset.done $0x0  }
0x2c: {  	[sflag:s30] =	ssyncadd.s32 $0xFFFFC000  }
0x2d: {  	[spmem:s2] =	stream.indirect.scatter.add.f32 [tilespmem:s21], [sflag:$0x3], $0x80, s3, s20, $0xb8;
	[tilespmem:$0x1E0C0] =	vst v63  }
0x2e: {  	_ =	swait.ge [sflag:s23], $0x4000  }
0x2f: {  	[sflag:s23] =	ssyncset.done $0x0  }
0x30: {  	s13 =	simm.s32 $0x1480;
	[sflag:s23] =	ssyncadd.s32 $0xFFFFC000  }
0x31: {  	[spmem:s2] =	stream.indirect.scatter.add.f32 [tilespmem:s22], [sflag:$0x4], $0x80, s13, s20, $0xb8;
	[tilespmem:$0x1E0C0] =	vst v63  }
0x32: {  	_ =	swait.ge [sflag:s25], $0x4000  }
0x33: {  	s14 =	simm.s32 $0x100;
	p1 =	por $0x1, $0x1;
	[sflag:s25] =	ssyncset.done $0x0  }
0x34: {  	s0 =	simm.s32 $0xFFFFFFDA;
	s1 =	simm.s32 $0x2;
	[sflag:s25] =	ssyncadd.s32 $0xFFFFC000  }
0x35: {  	[tilespmem:s21], [sflag:$0x1] =	stream.indirect.gather [hbm4b:s10+s20], $0x80, s14, s20, $0xb8;
	[tilespmem:$0x1E0C0] =	vst v63  }
0x36: {  	s0 =	smov.u32 @p1 s1;
	_ =	swait.ge [sflag:s28], $0x4000  }
0x37: {  	p1 =	sne.s32 s0, $0x0;
	[sflag:s28] =	ssyncset.done $0x0  }
0x38: {  	s19 =	simm.s32 $0x180;
	s1 =	simm.s32 @!p1 $0x3;
	[sflag:s28] =	ssyncadd.s32 $0xFFFFC000  }
0x39: {  	[tilespmem:s22], [sflag:$0x2] =	stream.indirect.gather [hbm4b:s10+s20], $0x80, s19, s20, $0xb8;
	[tilespmem:$0x1E0C0] =	vst v63  }
0x3a: {  	_ =	swait.ge @!p1 [sflag:s1], $0x4000  }
0x3b: {  	[sflag:s1] =	ssyncset.done @!p1 $0x0  }
0x3c: {  	s4 =	simm.s32 @!p1 $0x4;
	[sflag:s1] =	ssyncadd.s32 @!p1 $0xFFFFC000  }
0x3d: {  	_ =	swait.ge @!p1 [sflag:s4], $0x4000  }
0x3e: {  	s12 =	simm.s32 @!p1 $0x5;
	s1 =	sand.u32 @!p1 $0xFF80, s15;
	[sflag:s4] =	ssyncset.done @!p1 $0x0  }
0x3f: {  	s9 =	simm.s32 @!p1 $0x0;
	s7 =	sadd.s32 @!p1 s5, s1;
	[sflag:s4] =	ssyncadd.s32 @!p1 $0xFFFFC000  }
0x40: {  	[tilespmem:s9], [sflag:$0x5] =	stream.linear.gather @!p1 [hbm4b:s7+s9], $0x1400, $0x38;
	[tilespmem:$0x1E0C0] =	vst v63  }
0x41: {  	_ =	swait.ge @!p1 [sflag:s12], $0x1400  }
0x42: {  	[sflag:s12] =	ssyncset.done @!p1 $0x0  }
0x43: {  	s1 =	sadd.s32 @!p1 s6, s1;
	s4 =	simm.s32 @!p1 $0x1400;
	[sflag:s12] =	ssyncadd.s32 @!p1 $0xFFFFEC00  }
0x44: {  	[tilespmem:s4], [sflag:$0x5] =	stream.linear.gather @!p1 [hbm4b:s1+s9], $0x1400, $0x38;
	[tilespmem:$0x1E0C0] =	vst v63  }
0x45: {  	_ =	swait.ge @!p1 [sflag:s12], $0x1400  }
0x46: {  	[sflag:s12] =	ssyncset.done @!p1 $0x0  }
0x47: {  	s1 =	simm.s32 @!p1 $0x80;
	s4 =	simm.s32 @!p1 $0x2800;
	[sflag:s12] =	ssyncadd.s32 @!p1 $0xFFFFEC00  }
0x48: {  	[tilespmem:s4], [sflag:$0x1] =	stream.indirect.gather @!p1 [hbm4b:s10+s1], $0x80, s9, s1, $0xb8;
	[tilespmem:$0x1E0C0] =	vst v63  }
0x49: {  	s4 =	simm.s32 @!p1 $0x6800  }
0x4a: {  	[tilespmem:s4], [sflag:$0x2] =	stream.indirect.gather @!p1 [hbm4b:s10+s1], $0x80, s1, s1, $0xb8;
	[tilespmem:$0x1E0C0] =	vst v63  }
0x4b: {  	s4 =	sshll.u32 s0, $0x9;
	_ =	swait.ge [sflag:s30], $0x4000  }
0x4c: {  	p2 =	sgt.u32 s0, $0x25;
	s24 =	sshrl.u32 s4, $0x2;
	[sflag:s30] =	ssyncset.done $0x0  }
0x4d: {  	s13 =	simm.s32 @!p2 $0x2800;
	s26 =	sadd.s32 $0x1400, s24;
	[sflag:s30] =	ssyncadd.s32 $0xFFFFC000  }
0x4e: {  	[spmem:s2] =	stream.indirect.scatter.add.f32 [tilespmem:s21], [sflag:$0x3], $0x80, s26, s20, $0xb8;
	[tilespmem:$0x1E0C0] =	vst v63  }
0x4f: {  	s7 =	simm.s32 @!p2 $0x80;
	s12 =	simm.s32 @!p2 $0x3;
	_ =	swait.ge [sflag:s23], $0x4000  }
0x50: {  	s9 =	simm.s32 $0x4;
	s1 =	simm.s32 $0x3;
	[sflag:s23] =	ssyncset.done $0x0  }
0x51: {  	p1 =	por $0x1, $0x1;
	s29 =	sadd.s32 $0x1480, s24;
	[sflag:s23] =	ssyncadd.s32 $0xFFFFC000  }
0x52: {  	[spmem:s2] =	stream.indirect.scatter.add.f32 [tilespmem:s22], [sflag:$0x4], $0x80, s29, s20, $0xb8;
	[tilespmem:$0x1E0C0] =	vst v63  }
0x53: {  	s0 =	simm.s32 $0xFFFFFFDC;
	s4 =	sshrl.u32 @!p2 s4, $0x2;
	_ =	swait.ge @!p2 [sflag:s12], $0x4000  }
0x54: {  	s0 =	smov.u32 @p1 s9;
	s24 =	sadd.s32 @!p2 $0x100, s4;
	[sflag:s12] =	ssyncset.done @!p2 $0x0  }
0x55: {  	s9 =	sadd.s32 @!p2 $0x180, s4;
	s26 =	simm.s32 $0xFFFFFFDC;
	[sflag:s12] =	ssyncadd.s32 @!p2 $0xFFFFC000  }
0x56: {  	[tilespmem:s13], [sflag:$0x1] =	stream.indirect.gather @!p2 [hbm4b:s10+s7], $0x80, s24, s7, $0xb8;
	[tilespmem:$0x1E0C0] =	vst v63  }
0x57: {  	s12 =	simm.s32 @!p2 $0x6800;
	s24 =	sadd.s32 $0x20, s15;
	s13 =	simm.s32 @!p2 $0x4  }
.LBB2_2:
0x58: {  	p3 =	sne.s32 s0, $0x0  }
0x59: {  	s29 =	sshll.u32 s0, $0x9;
	_ =	swait.ge @!p2 [sflag:s13], $0x4000;
	s4 =	smov.u32 s1  }
0x5a: {  	s14 =	simm.s32 @!p3 $0x3;
	s19 =	sand.u32 @!p3 $0xFF80, s24;
	[sflag:s13] =	ssyncset.done @!p2 $0x0  }
0x5b: {  	s3 =	sadd.s32 @!p3 s5, s19;
	s19 =	sadd.s32 @!p3 s6, s19;
	[sflag:s13] =	ssyncadd.s32 @!p2 $0xFFFFC000  }
0x5c: {  	[tilespmem:s12], [sflag:$0x2] =	stream.indirect.gather @!p2 [hbm4b:s10+s7], $0x80, s9, s7, $0xb8;
	[tilespmem:$0x1E0C0] =	vst v63  }
0x5d: {  	s1 =	sadd.s32 $0x1, s1;
	s7 =	sshrl.u32 s29, $0x2;
	_ =	swait.ge @!p3 [sflag:s14], $0x4000  }
0x5e: {  	p1 =	sne.s32 s1, $0x28;
	s9 =	simm.s32 @!p3 $0x4;
	[sflag:s14] =	ssyncset.done @!p3 $0x0  }
0x5f: {  	[sflag:s14] =	ssyncadd.s32 @!p3 $0xFFFFC000  }
0x60: {  	s12 =	simm.s32 @!p3 $0x0;
	_ =	swait.ge @!p3 [sflag:s9], $0x4000  }
0x61: {  	s13 =	simm.s32 @!p3 $0x5;
	[sflag:s9] =	ssyncset.done @!p3 $0x0  }
0x62: {  	[sflag:s9] =	ssyncadd.s32 @!p3 $0xFFFFC000  }
0x63: {  	[tilespmem:s12], [sflag:$0x5] =	stream.linear.gather @!p3 [hbm4b:s3+s12], $0x1400, $0x38;
	[tilespmem:$0x1E0C0] =	vst v63  }
0x64: {  	_ =	swait.ge @!p3 [sflag:s13], $0x1400  }
0x65: {  	s3 =	simm.s32 @!p3 $0x1400;
	[sflag:s13] =	ssyncset.done @!p3 $0x0  }
0x66: {  	[sflag:s13] =	ssyncadd.s32 @!p3 $0xFFFFEC00  }
0x67: {  	[tilespmem:s3], [sflag:$0x5] =	stream.linear.gather @!p3 [hbm4b:s19+s12], $0x1400, $0x38;
	[tilespmem:$0x1E0C0] =	vst v63  }
0x68: {  	s9 =	simm.s32 @!p3 $0x2800;
	s3 =	simm.s32 @!p3 $0x80;
	_ =	swait.ge @!p3 [sflag:s13], $0x1400  }
0x69: {  	[sflag:s13] =	ssyncset.done @!p3 $0x0  }
0x6a: {  	[sflag:s13] =	ssyncadd.s32 @!p3 $0xFFFFEC00;
	s13 =	simm.s32 @!p3 $0x6800  }
0x6b: {  	[tilespmem:s9], [sflag:$0x1] =	stream.indirect.gather @!p3 [hbm4b:s10+s3], $0x80, s12, s3, $0xb8;
	[tilespmem:$0x1E0C0] =	vst v63  }
0x6c: {  	_ = 	snop  }
0x6d: {  	[tilespmem:s13], [sflag:$0x2] =	stream.indirect.gather @!p3 [hbm4b:s10+s3], $0x80, s3, s3, $0xb8;
	[tilespmem:$0x1E0C0] =	vst v63  }
0x6e: {  	_ =	swait.ge [sflag:s30], $0x4000  }
0x6f: {  	[sflag:s30] =	ssyncset.done $0x0  }
0x70: {  	s3 =	sadd.s32 $0x1400, s7;
	[sflag:s30] =	ssyncadd.s32 $0xFFFFC000  }
0x71: {  	[spmem:s2] =	stream.indirect.scatter.add.f32 [tilespmem:s21], [sflag:$0x3], $0x80, s3, s20, $0xb8;
	[tilespmem:$0x1E0C0] =	vst v63  }
0x72: {  	s26 =	sadd.s32 $0x2, s26;
	s24 =	sadd.s32 $0x20, s24;
	_ =	swait.ge [sflag:s23], $0x4000  }
0x73: {  	p3 =	slt.u32 s4, $0x14;
	s3 =	sadd.s32 $0x28, s26;
	[sflag:s23] =	ssyncset.done $0x0  }
0x74: {  	p2 =	sgt.u32 s0, $0x25;
	s4 =	sadd.s32 $0x1480, s7;
	[sflag:s23] =	ssyncadd.s32 $0xFFFFC000  }
0x75: {  	s14 =	simm.s32 @!p2 $0x2800;
	s12 =	simm.s32 @!p2 $0x3;
	s9 =	sshrl.u32 @!p2 s29, $0x2  }
0x76: {  	[spmem:s2] =	stream.indirect.scatter.add.f32 [tilespmem:s22], [sflag:$0x4], $0x80, s4, s20, $0xb8;
	[tilespmem:$0x1E0C0] =	vst v63  }
.Ltmp0:
0x77: {  	s0 =	smov.u32 s26;
	(pc) =	sbr.rel @p1 .LBB2_2-.Ltmp0, $4  }
0x78: {  	s0 =	smov.u32 @p3 s3;
	s3 =	sadd.s32 @!p2 $0x100, s9;
	_ =	swait.ge @!p2 [sflag:s12], $0x4000  }
0x79: {  	s7 =	simm.s32 @!p2 $0x80;
	s9 =	sadd.s32 @!p2 $0x180, s9;
	[sflag:s12] =	ssyncset.done @!p2 $0x0  }
0x7a: {  	s13 =	simm.s32 @!p2 $0x4;
	[sflag:s12] =	ssyncadd.s32 @!p2 $0xFFFFC000;
	s12 =	simm.s32 @!p2 $0x6800  }
0x7b: {  	[tilespmem:s14], [sflag:$0x1] =	stream.indirect.gather @!p2 [hbm4b:s10+s7], $0x80, s3, s7, $0xb8;
	[tilespmem:$0x1E0C0] =	vst v63  }
0x7c: {  	_ =	swait.ge @!p2 [sflag:s13], $0x4000  }
0x7d: {  	p1 =	sne.s32 s0, $0x0;
	[sflag:s13] =	ssyncset.done @!p2 $0x0  }
0x7e: {  	s1 =	simm.s32 @!p1 $0x3;
	[sflag:s13] =	ssyncadd.s32 @!p2 $0xFFFFC000  }
0x7f: {  	[tilespmem:s12], [sflag:$0x2] =	stream.indirect.gather @!p2 [hbm4b:s10+s7], $0x80, s9, s7, $0xb8;
	[tilespmem:$0x1E0C0] =	vst v63  }
0x80: {  	_ =	swait.ge @!p1 [sflag:s1], $0x4000  }
0x81: {  	[sflag:s1] =	ssyncset.done @!p1 $0x0  }
0x82: {  	s3 =	simm.s32 @!p1 $0x4;
	[sflag:s1] =	ssyncadd.s32 @!p1 $0xFFFFC000  }
0x83: {  	_ =	swait.ge @!p1 [sflag:s3], $0x4000  }
0x84: {  	s7 =	simm.s32 @!p1 $0x0;
	s1 =	sand.u32 @!p1 $0xFF80, s24;
	[sflag:s3] =	ssyncset.done @!p1 $0x0  }
0x85: {  	s4 =	sadd.s32 @!p1 s5, s1;
	[sflag:s3] =	ssyncadd.s32 @!p1 $0xFFFFC000;
	s3 =	simm.s32 @!p1 $0x5  }
0x86: {  	[tilespmem:s7], [sflag:$0x5] =	stream.linear.gather @!p1 [hbm4b:s4+s7], $0x1400, $0x38;
	[tilespmem:$0x1E0C0] =	vst v63  }
0x87: {  	_ =	swait.ge @!p1 [sflag:s3], $0x1400  }
0x88: {  	[sflag:s3] =	ssyncset.done @!p1 $0x0  }
0x89: {  	s1 =	sadd.s32 @!p1 s6, s1;
	s4 =	simm.s32 @!p1 $0x1400;
	[sflag:s3] =	ssyncadd.s32 @!p1 $0xFFFFEC00  }
0x8a: {  	[tilespmem:s4], [sflag:$0x5] =	stream.linear.gather @!p1 [hbm4b:s1+s7], $0x1400, $0x38;
	[tilespmem:$0x1E0C0] =	vst v63  }
0x8b: {  	_ =	swait.ge @!p1 [sflag:s3], $0x1400  }
0x8c: {  	[sflag:s3] =	ssyncset.done @!p1 $0x0  }
0x8d: {  	s1 =	simm.s32 @!p1 $0x80;
	[sflag:s3] =	ssyncadd.s32 @!p1 $0xFFFFEC00;
	s3 =	simm.s32 @!p1 $0x2800  }
0x8e: {  	[tilespmem:s3], [sflag:$0x1] =	stream.indirect.gather @!p1 [hbm4b:s10+s1], $0x80, s7, s1, $0xb8;
	[tilespmem:$0x1E0C0] =	vst v63  }
0x8f: {  	s3 =	simm.s32 @!p1 $0x6800  }
0x90: {  	[tilespmem:s3], [sflag:$0x2] =	stream.indirect.gather @!p1 [hbm4b:s10+s1], $0x80, s1, s1, $0xb8;
	[tilespmem:$0x1E0C0] =	vst v63  }
0x91: {  	s1 =	sshll.u32 s0, $0x9;
	_ =	swait.ge [sflag:s30], $0x4000  }
0x92: {  	s14 =	sshrl.u32 s1, $0x2;
	[sflag:s30] =	ssyncset.done $0x0  }
0x93: {  	s19 =	sadd.s32 $0x1400, s14;
	[sflag:s30] =	ssyncadd.s32 $0xFFFFC000  }
0x94: {  	[spmem:s2] =	stream.indirect.scatter.add.f32 [tilespmem:s21], [sflag:$0x3], $0x80, s19, s20, $0xb8;
	[tilespmem:$0x1E0C0] =	vst v63  }
0x95: {  	_ =	swait.ge [sflag:s23], $0x4000  }
0x96: {  	p1 =	sgt.u32 s0, $0x25;
	[sflag:s23] =	ssyncset.done $0x0  }
0x97: {  	s3 =	simm.s32 @!p1 $0x3;
	s24 =	sadd.s32 $0x1480, s14;
	[sflag:s23] =	ssyncadd.s32 $0xFFFFC000  }
0x98: {  	[spmem:s2] =	stream.indirect.scatter.add.f32 [tilespmem:s22], [sflag:$0x4], $0x80, s24, s20, $0xb8;
	[tilespmem:$0x1E0C0] =	vst v63  }
0x99: {  	_ =	swait.ge @!p1 [sflag:s3], $0x4000  }
0x9a: {  	s0 =	sshrl.u32 @!p1 s1, $0x2;
	s1 =	simm.s32 @!p1 $0x2800;
	[sflag:s3] =	ssyncset.done @!p1 $0x0  }
0x9b: {  	s4 =	sadd.s32 @!p1 $0x100, s0;
	[sflag:s3] =	ssyncadd.s32 @!p1 $0xFFFFC000;
	s3 =	simm.s32 @!p1 $0x80  }
0x9c: {  	[tilespmem:s1], [sflag:$0x1] =	stream.indirect.gather @!p1 [hbm4b:s10+s3], $0x80, s4, s3, $0xb8;
	[tilespmem:$0x1E0C0] =	vst v63  }
0x9d: {  	s1 =	simm.s32 @!p1 $0x4  }
0x9e: {  	_ =	swait.ge @!p1 [sflag:s1], $0x4000  }
0x9f: {  	[sflag:s1] =	ssyncset.done @!p1 $0x0  }
0xa0: {  	s0 =	sadd.s32 @!p1 $0x180, s0;
	[sflag:s1] =	ssyncadd.s32 @!p1 $0xFFFFC000;
	s1 =	simm.s32 @!p1 $0x6800  }
0xa1: {  	[tilespmem:s1], [sflag:$0x2] =	stream.indirect.gather @!p1 [hbm4b:s10+s3], $0x80, s0, s3, $0xb8;
	[tilespmem:$0x1E0C0] =	vst v63  }
0xa2: {  	_ =	swait.ge [sflag:s25], $0x4000  }
0xa3: {  	[sflag:s25] =	ssyncset.done $0x0  }
0xa4: {  	[sflag:s25] =	ssyncadd.s32 $0xFFFFC000  }
0xa5: {  	_ =	swait.ge [sflag:s28], $0x4000  }
0xa6: {  	[sflag:s28] =	ssyncset.done $0x0  }
0xa7: {  	[sflag:s28] =	ssyncadd.s32 $0xFFFFC000  }
0xa8: {  	[bflag:$0x0] =	sbarrier.arrive $0xFFFF  }
0xa9: {  	s26 =	rddreg [dreg:$0x3]  }
0xaa: {  	s0 =	sadd.s32 s26, s11  }
0xab: {  	[hbm:s0], [sflag:s8] =	dma.local [spmem:s16], $0x2700  }
0xac: {  	_ =	swait.ge [sflag:s17], $0x2700  }
0xad: {  	[sflag:s17] =	ssyncset.done $0x0  }
0xae: {  	s0 =	sadd.s32 @!p0 $0x27000, s11;
	[sflag:s17] =	ssyncadd.s32 $0xFFFFD900  }
0xaf: {  	[hbm:s0], [sflag:s8] =	dma.local @!p0 [spmem:s18], $0x100  }
0xb0: {  	s0 =	simm.s32 @!p0 $0x5  }
0xb1: {  	_ =	swait.ge @!p0 [sflag:s0], $0x100  }
0xb2: {  	s31 =	sadd.s32 $0x1, s31;
	s29 =	rddreg [dreg:$0x6]  }
0xb3: {  	p1 =	sne.s32 s31, s29  }
.Ltmp1:
0xb4: {  	_ = 	snop;
	(pc) =	sbr.rel @p1 .LBB2_1-.Ltmp1, $3  }
0xb5: {  	_ =	sdelay $0x1  }
0xb6: {  	[sflag:s0] =	ssyncset.done @!p0 $0x0  }
0xb7: {  	[sflag:s0] =	ssyncadd.s32 @!p0 $0xFFFFFF00  }
0xb8: {  	_ =	sfence.sel $0x180000  }
0xb9: {  	[bflag:$0x0] =	sbarrier.arrive $0xFFFF  }
0xba: {  	_ =	strace $0x9000004D  }
0xbb: {  	s0 =	stileid.u32;
	[bflag:$0x2] =	sbarrier.arrive $0xFFFF  }
0xbc: {  	p0 =	sne.s32 s0, $0x0;
	s0 =	rddreg [dreg:$0x2]  }
0xbd: {  	s0 =	sadd.s32 @!p0 $0x100000, s0  }
0xbe: {  	[sflag:s0] =	ssyncadd.tile.s32 @!p0 $0x1;
	_ =	shalt  }
.Lfunc_end2:
_tile_overlayer_lowered:
.L_overlay_start_2:
0xbf: {  	(tag) =	ssettag $0x2  }
0xc0: {  	s0 =	rddreg [dreg:$0x0];
	s2 =	stileid.u32  }
0xc1: {  	s1 =	rddreg [dreg:$0x1];
	p0 =	sne.s32 s2, $0x0  }
0xc2: {  	s3 =	rddreg [dreg:$0x2];
	[bflag:$0x3] =	sbarrier.arrive $0xFFFF;
	s2 =	simm.s32 @!p0 $0x1C05  }
0xc3: {  	[timem:s3], [sflag:s2] =	dma.local @!p0 [hbm:s0], s1  }
0xc4: {  	s0 =	simm.s32 @!p0 $0x5  }
0xc5: {  	_ =	swait.ge @!p0 [sflag:s0], s1  }
0xc6: {  	s1 =	ssub.s32 @!p0 $0x0, s1;
	[sflag:s0] =	ssyncset.done @!p0 $0x0  }
0xc7: {  	[sflag:s0] =	ssyncadd.s32 @!p0 s1  }
0xc8: {  	[bflag:$0x3] =	sbarrier.arrive $0xFFFF  }
0xc9: {  	_ =	shalt  }

</sc_bundles>
